<compile_context>
chip_gen: v7x
topology: tpu7x:2x2x1
jax: 0.10.2.dev20260603
libtpu: 0.0.44.dev20260713+nightly
codegen_flags: <defaults>
</compile_context>

<pallas_src>
import functools

import jax
import jax.numpy as jnp
from jax import lax
from jax.experimental import pallas as pl
from jax.experimental.pallas import tpu as pltpu
from jax.experimental.pallas import tpu_sc as plsc

B = 16384
BAG = 100
E = 64
VOCAB = 1000000
H1, H2 = 512, 256

NC, NS, L = 2, 16, 16
NW = NC * NS
BPW = B // NW
CH = 8
NR = BPW // CH
NCOL = E // L


def _rne_bf16_bits(f):
    i = plsc.bitcast(f, jnp.int32)
    rnd = jnp.int32(0x7FFF) + lax.bitwise_and(
        lax.shift_right_arithmetic(i, 16), jnp.int32(1))
    return lax.shift_right_arithmetic(i + rnd, 16)


def _pack_pair(a, b):
    lo = lax.bitwise_and(_rne_bf16_bits(a), jnp.int32(0xFFFF))
    hi = lax.shift_left(_rne_bf16_bits(b), 16)
    return lax.bitwise_or(hi, lo)


def _unpack_pair(w):
    lo = plsc.bitcast(lax.shift_left(w, 16), jnp.float32)
    hi = plsc.bitcast(lax.bitwise_and(w, jnp.int32(-65536)), jnp.float32)
    return lo, hi


def _pool_sc(x, table):
    mesh = plsc.VectorSubcoreMesh(
        core_axis_name="c", subcore_axis_name="s",
        num_cores=NC, num_subcores=NS)

    @functools.partial(
        pl.kernel,
        out_type=jax.ShapeDtypeStruct((B, E), jnp.float32),
        mesh=mesh,
        compiler_params=pltpu.CompilerParams(
            use_tc_tiling_on_sc=False, needs_layout_passes=False),
        scratch_types=[
            pltpu.VMEM((CH, BAG), jnp.int32),
            pltpu.VMEM((CH, BAG), jnp.int32),
            pltpu.VMEM((CH * BAG, E // 2), jnp.int32),
            pltpu.VMEM((CH * BAG, E // 2), jnp.int32),
            pltpu.VMEM((CH, E), jnp.float32),
            pltpu.VMEM((CH, E), jnp.float32),
            pltpu.SemaphoreType.DMA,
            pltpu.SemaphoreType.DMA,
            pltpu.SemaphoreType.DMA,
            pltpu.SemaphoreType.DMA,
            pltpu.SemaphoreType.DMA,
            pltpu.SemaphoreType.DMA,
        ],
    )
    def pool(x_hbm, table_hbm, out_hbm, ixa, ixb, rwa, rwb, oba, obb,
             isa, isb, gsa, gsb, osa, osb):
        wid = lax.axis_index("s") * NC + lax.axis_index("c")
        base = wid * BPW
        idxs = [ixa, ixb]
        rows = [rwa, rwb]
        obufs = [oba, obb]
        ism = [isa, isb]
        gsm = [gsa, gsb]
        osm = [osa, osb]

        def fire_idx(r, d):
            pltpu.async_copy(x_hbm.at[pl.ds(base + r * CH, CH)], idxs[d],
                             ism[d])

        def wait_idx(r, d):
            pltpu.make_async_copy(x_hbm.at[pl.ds(base + r * CH, CH)],
                                  idxs[d], ism[d]).wait()

        def fire_gathers(d):
            for j in range(CH):
                pltpu.async_copy(
                    table_hbm.at[idxs[d].at[j]],
                    rows[d].at[pl.ds(j * BAG, BAG)], gsm[d])

        def wait_gathers(d):
            pltpu.make_async_copy(
                table_hbm.at[pl.ds(0, CH * BAG)], rows[d], gsm[d]).wait()

        def accumulate(r, d):
            for j in range(CH):
                def acc_body(rr, accs, j=j):
                    rowa = j * BAG + 2 * rr
                    out = list(accs)
                    for u in range(2):
                        for h in range(NCOL // 2):
                            w = rows[d][rowa + u, pl.ds(L * h, L)]
                            lo, hi = _unpack_pair(w)
                            k = 4 * u + 2 * h
                            out[k] = out[k] + lo
                            out[k + 1] = out[k + 1] + hi
                    return tuple(out)

                accs = lax.fori_loop(
                    0, BAG // 2, acc_body,
                    tuple(jnp.zeros((L,), jnp.float32) for _ in range(8)))
                for c in range(NCOL):
                    obufs[d][j, pl.ds(c * L, L)] = accs[c] + accs[c + 4]
            pltpu.async_copy(obufs[d],
                             out_hbm.at[pl.ds(base + r * CH, CH)], osm[d])

        def wait_out(d):
            pltpu.make_async_copy(out_hbm.at[pl.ds(0, CH)], obufs[d],
                                  osm[d]).wait()

        fire_idx(0, 0)
        wait_idx(0, 0)
        fire_gathers(0)
        fire_idx(1, 1)

        def outer(t, carry):
            for d in range(2):
                r = 2 * t + d

                @pl.when(r + 1 < NR)
                def _pre(r=r, d=d):
                    wait_idx(r + 1, d ^ 1)
                    fire_gathers(d ^ 1)

                wait_gathers(d)

                @pl.when(r + 2 < NR)
                def _nx(r=r, d=d):
                    fire_idx(r + 2, d)

                @pl.when(r >= 2)
                def _wo(d=d):
                    wait_out(d)

                accumulate(r, d)
            return carry

        lax.fori_loop(0, NR // 2, outer, 0)
        wait_out(0)
        wait_out(1)

    return pool(x, table)


CB = 256
NB = (VOCAB + CB - 1) // CB
NB_FULL = VOCAB // CB
TAIL = VOCAB - NB_FULL * CB
TPW = (NB + NW - 1) // NW


def _detile_sc(tableT):
    mesh = plsc.VectorSubcoreMesh(
        core_axis_name="c", subcore_axis_name="s",
        num_cores=NC, num_subcores=NS)

    TAIL_WID = NB_FULL % NW
    CBP = CB + 1

    @functools.partial(
        pl.kernel,
        out_type=jax.ShapeDtypeStruct((VOCAB * E // 2,), jnp.int32),
        mesh=mesh,
        compiler_params=pltpu.CompilerParams(
            use_tc_tiling_on_sc=True, needs_layout_passes=False),
        scratch_types=[
            pltpu.VMEM((E, CBP), jnp.float32),
            pltpu.VMEM((E, CBP), jnp.float32),
            pltpu.VMEM((CB * E // 2,), jnp.int32),
            pltpu.VMEM((CB * E // 2,), jnp.int32),
            pltpu.VMEM((E, TAIL), jnp.float32),
            pltpu.SemaphoreType.DMA,
            pltpu.SemaphoreType.DMA,
            pltpu.SemaphoreType.DMA,
            pltpu.SemaphoreType.DMA,
        ],
    )
    def detile(t_hbm, out_hbm, t8a, t8b, oba, obb, t8t, gsa, gsb, osa, osb):
        wid = lax.axis_index("s") * NC + lax.axis_index("c")
        iota = lax.iota(jnp.int32, L)
        jidx = [iota + 16 * c for c in range(NCOL)]
        t8 = [t8a, t8b]
        obufs = [oba, obb]
        gs = [gsa, gsb]
        osm = [osa, osb]
        n_t = (NB_FULL - wid + NW - 1) // NW

        def fire_in(t, d):
            b = wid + NW * t
            pltpu.async_copy(
                t_hbm.at[pl.ds(0, E), pl.ds(b * CB, CB)],
                t8[d].at[pl.ds(0, E), pl.ds(0, CB)], gs[d])

        def wait_in(t, d):
            b = wid + NW * t
            pltpu.make_async_copy(
                t_hbm.at[pl.ds(0, E), pl.ds(b * CB, CB)],
                t8[d].at[pl.ds(0, E), pl.ds(0, CB)], gs[d]).wait()

        def transpose(d):
            @plsc.parallel_loop(0, CB, unroll=8)
            def row_body(r):
                lidx = jnp.full((L,), r, jnp.int32)
                v = [plsc.load_gather(t8[d], [jidx[c], lidx])
                     for c in range(NCOL)]
                for h in range(NCOL // 2):
                    w = _pack_pair(v[2 * h], v[2 * h + 1])
                    obufs[d][pl.ds(r * (E // 2) + L * h, L)] = w

        def fire_out(t, d):
            b = wid + NW * t
            pltpu.async_copy(
                obufs[d],
                out_hbm.at[pl.ds(b * CB * (E // 2), CB * (E // 2))], osm[d])

        def wait_out(d):
            pltpu.make_async_copy(out_hbm.at[pl.ds(0, CB * (E // 2))],
                                  obufs[d], osm[d]).wait()

        @pl.when(n_t > 0)
        def _prologue():
            fire_in(0, 0)

        def outer(tt, carry):
            for d in range(2):
                t = 2 * tt + d

                @pl.when(t < n_t)
                def _(t=t, d=d):
                    wait_in(t, d)

                    @pl.when(t + 1 < n_t)
                    def _f():
                        fire_in(t + 1, d ^ 1)

                    transpose(d)

                    @pl.when(t >= 2)
                    def _w():
                        wait_out(d)

                    fire_out(t, d)

            return carry

        lax.fori_loop(0, (TPW + 1) // 2, outer, 0)

        @pl.when(n_t >= 1)
        def _ep0():
            wait_out(0)

        @pl.when(n_t >= 2)
        def _ep1():
            wait_out(1)

        @pl.when(wid == TAIL_WID)
        def _tail():
            col0 = NB_FULL * CB
            pltpu.sync_copy(t_hbm.at[pl.ds(0, E), pl.ds(col0, TAIL)], t8t)

            @plsc.parallel_loop(0, TAIL, unroll=4)
            def trow(r):
                lidx = jnp.full((L,), r, jnp.int32)
                v = [plsc.load_gather(t8t, [jidx[c], lidx])
                     for c in range(NCOL)]
                for h in range(NCOL // 2):
                    w = _pack_pair(v[2 * h], v[2 * h + 1])
                    oba[pl.ds(r * (E // 2) + L * h, L)] = w
            pltpu.sync_copy(oba.at[pl.ds(0, TAIL * (E // 2))],
                            out_hbm.at[pl.ds(col0 * (E // 2), TAIL * (E // 2))])

    return detile(tableT)


BM = 1024


def _mlp_body(x_ref, w1_ref, b1_ref, w2_ref, b2_ref, w3t_ref, b3_ref, o_ref):
    xr = jnp.maximum(x_ref[...], 0.0) * (1.0 / BAG)
    h1 = jnp.dot(xr, w1_ref[...], preferred_element_type=jnp.float32)
    h1 = jnp.maximum(h1 + b1_ref[...], 0.0)
    h2 = jnp.dot(h1, w2_ref[...], preferred_element_type=jnp.float32)
    h2 = jnp.maximum(h2 + b2_ref[...], 0.0)
    o_ref[...] = jnp.sum(h2 * w3t_ref[...], axis=1) + b3_ref[0]


def _mlp_tc(pooled, W1, b1, W2, b2, W3, b3):
    grid = (B // BM,)
    return pl.pallas_call(
        _mlp_body,
        grid=grid,
        in_specs=[
            pl.BlockSpec((BM, E), lambda i: (i, 0)),
            pl.BlockSpec((E, H1), lambda i: (0, 0)),
            pl.BlockSpec((1, H1), lambda i: (0, 0)),
            pl.BlockSpec((H1, H2), lambda i: (0, 0)),
            pl.BlockSpec((1, H2), lambda i: (0, 0)),
            pl.BlockSpec((1, H2), lambda i: (0, 0)),
            pl.BlockSpec(memory_space=pltpu.SMEM),
        ],
        out_specs=pl.BlockSpec((BM,), lambda i: (i,)),
        out_shape=jax.ShapeDtypeStruct((B,), jnp.float32),
    )(pooled, W1, b1.reshape(1, H1), W2, b2.reshape(1, H2),
      W3.reshape(1, H2), b3)


def kernel(x, table, W1, b1, W2, b2, W3, b3):
    table_lin = _detile_sc(table.T).reshape(VOCAB, E // 2)
    pooled = _pool_sc(x, table_lin)
    return _mlp_tc(pooled, W1, b1, W2, b2, W3, b3)

# --- scband reference (transcript-rebuilt; emitter-appended) ---
"""Pipeline reference for scband-mortgage-network-37426345017621 (READ-ONLY COPY).

The authoritative reference and input builder live on the scoring server;
editing this copy changes nothing except your own understanding.
"""

import jax, jax.numpy as jnp
import numpy as np

VOCAB = 1000000
EMBED = 64
BATCH = 16384
BAG = 100
HIDDEN = [512, 256]


def setup_inputs(seed: int = 0) -> dict:
    key = jax.random.key(seed)
    ks = jax.random.split(key, 10)
    x = jax.random.randint(ks[0], (BATCH, BAG), 0, VOCAB, dtype=jnp.int64 if jax.config.jax_enable_x64 else jnp.int32).astype(jnp.int32)
    table = jax.random.normal(ks[1], (VOCAB, EMBED), dtype=jnp.float32) * 0.02
    W1 = jax.random.normal(ks[2], (EMBED, HIDDEN[0]), dtype=jnp.float32) * (1.0 / np.sqrt(EMBED))
    b1 = jnp.zeros((HIDDEN[0],), dtype=jnp.float32)
    W2 = jax.random.normal(ks[3], (HIDDEN[0], HIDDEN[1]), dtype=jnp.float32) * (1.0 / np.sqrt(HIDDEN[0]))
    b2 = jnp.zeros((HIDDEN[1],), dtype=jnp.float32)
    W3 = jax.random.normal(ks[4], (HIDDEN[1], 1), dtype=jnp.float32) * (1.0 / np.sqrt(HIDDEN[1]))
    b3 = jnp.zeros((1,), dtype=jnp.float32)
    return {"x": x, "table": table, "W1": W1, "b1": b1, "W2": W2, "b2": b2, "W3": W3, "b3": b3}


def reference(x, table, W1, b1, W2, b2, W3, b3):
    # EmbeddingBag(mode='mean') on 2D input: gather then mean over bag dim
    emb = jnp.take(table, x, axis=0)          # [B, BAG, EMBED]
    out = jnp.mean(emb, axis=1)               # [B, EMBED]
    out = jax.nn.relu(out)                    # self.activation(out)
    out = jax.nn.relu(out @ W1 + b1)          # hidden layer 1 (Linear + ReLU)
    out = jax.nn.relu(out @ W2 + b2)          # hidden layer 2 (Linear + ReLU)
    out = out @ W3 + b3                       # final Linear(dims[-1], 1)
    return jnp.squeeze(out)                   # out.squeeze() -> [B]

if __name__ == "__main__":
    import jax
    _d = setup_inputs()
    print(jax.jit(kernel)(*tuple(_d.values())))

</pallas_src>

<mosaic_0001>
#map = affine_map<(d0, d1) -> (0, 0)>
module attributes {stable_mosaic.version = 14 : i64} {
  func.func @pool(%arg0: i32, %arg1: i32, %arg2: memref<16384x100xi32, #tpu.memory_space<hbm>>, %arg3: memref<1000000x32xi32, #tpu.memory_space<hbm>>, %arg4: memref<16384x64xf32, #tpu.memory_space<hbm>>, %arg5: memref<8x100xi32, #tpu.memory_space<vmem>>, %arg6: memref<8x100xi32, #tpu.memory_space<vmem>>, %arg7: memref<800x32xi32, #tpu.memory_space<vmem>>, %arg8: memref<800x32xi32, #tpu.memory_space<vmem>>, %arg9: memref<8x64xf32, #tpu.memory_space<vmem>>, %arg10: memref<8x64xf32, #tpu.memory_space<vmem>>, %arg11: memref<!tpu.dma_semaphore, #tpu.memory_space<semaphore_mem>>, %arg12: memref<!tpu.dma_semaphore, #tpu.memory_space<semaphore_mem>>, %arg13: memref<!tpu.dma_semaphore, #tpu.memory_space<semaphore_mem>>, %arg14: memref<!tpu.dma_semaphore, #tpu.memory_space<semaphore_mem>>, %arg15: memref<!tpu.dma_semaphore, #tpu.memory_space<semaphore_mem>>, %arg16: memref<!tpu.dma_semaphore, #tpu.memory_space<semaphore_mem>>) attributes {dimension_semantics = [#tpu.dimension_semantics<core_parallel>, #tpu.dimension_semantics<subcore_parallel>], iteration_bounds = array<i64: 2, 16>, scalar_prefetch = 0 : i64, scratch_operands = 12 : i64, tpu.core_type = #tpu.core_type<sc_vector_subcore>, window_params = [{transform_indices = #map}, {transform_indices = #map}, {transform_indices = #map}]} {
    %mul3A = arith.constant 2 : i32
    %mul3A_0 = arith.muli %arg1, %mul3A : i32
    %add3A = arith.addi %mul3A_0, %arg0 : i32
    %mul3A_1 = arith.constant 512 : i32
    %mul3A_2 = arith.muli %add3A, %mul3A_1 : i32
    %add3A_3 = arith.constant 0 : i32
    %add3A_4 = arith.addi %mul3A_2, %add3A_3 : i32
    %dma_start3A = arith.constant 0 : i32
    %dma_start3A_5 = tpu.memref_slice %arg2[%add3A_4, %dma_start3A] : memref<16384x100xi32, #tpu.memory_space<hbm>> -> memref<8x100xi32, #tpu.memory_space<hbm>>
    %dma_start3A_6 = arith.constant 0 : i32
    %dma_start3A_7 = tpu.memref_slice %arg2[%add3A_4, %dma_start3A_6] : memref<16384x100xi32, #tpu.memory_space<hbm>> -> memref<8x100xi32, #tpu.memory_space<hbm>>
    tpu.enqueue_dma source(%dma_start3A_7 : memref<8x100xi32, #tpu.memory_space<hbm>>) target(%arg5 : memref<8x100xi32, #tpu.memory_space<vmem>>) target_semaphore(%arg11 : memref<!tpu.dma_semaphore, #tpu.memory_space<semaphore_mem>>)
    %add3A_8 = arith.constant 0 : i32
    %add3A_9 = arith.addi %mul3A_2, %add3A_8 : i32
    %dma_wait3A = arith.constant 0 : i32
    %dma_wait3A_10 = tpu.memref_slice %arg2[%add3A_9, %dma_wait3A] : memref<16384x100xi32, #tpu.memory_space<hbm>> -> memref<8x100xi32, #tpu.memory_space<hbm>>
    %dma_wait3A_11 = arith.constant 0 : i32
    %dma_wait3A_12 = tpu.memref_slice %arg2[%add3A_9, %dma_wait3A_11] : memref<16384x100xi32, #tpu.memory_space<hbm>> -> memref<8x100xi32, #tpu.memory_space<hbm>>
    tpu.wait_dma2 semaphore(%arg11 : memref<!tpu.dma_semaphore, #tpu.memory_space<semaphore_mem>>) src(%dma_wait3A_12 : memref<8x100xi32, #tpu.memory_space<hbm>>) dst(%arg5 : memref<8x100xi32, #tpu.memory_space<vmem>>)
    %dma_start3A_13 = arith.constant 0 : i32
    %dma_start3A_14 = arith.constant 0 : i32
    %dma_start3A_15 = arith.constant 0 : i32
    %dma_start3A_16 = tpu.memref_slice %arg7[%dma_start3A_14, %dma_start3A_15] : memref<800x32xi32, #tpu.memory_space<vmem>> -> memref<100x32xi32, #tpu.memory_space<vmem>>
    %dma_start3A_17 = arith.constant 0 : i32
    %dma_start3A_18 = tpu.memref_slice %arg5[%dma_start3A_13, %dma_start3A_17] : memref<8x100xi32, #tpu.memory_space<vmem>> -> memref<1x100xi32, #tpu.memory_space<vmem>>
    %dma_start3A_19 = tpu.memref_squeeze %dma_start3A_18 : memref<1x100xi32, #tpu.memory_space<vmem>> -> memref<100xi32, #tpu.memory_space<vmem>>
    %dma_start3A_20 = arith.constant 0 : i32
    %dma_start3A_21 = arith.constant 0 : i32
    %dma_start3A_22 = tpu.memref_slice %arg3[%dma_start3A_20, %dma_start3A_21] : memref<1000000x32xi32, #tpu.memory_space<hbm>> -> memref<1000000x32xi32, #tpu.memory_space<hbm>>
    tpu.enqueue_indirect_dma source(%dma_start3A_22 : memref<1000000x32xi32, #tpu.memory_space<hbm>>) target(%dma_start3A_16 : memref<100x32xi32, #tpu.memory_space<vmem>>) offsets(%dma_start3A_19 : memref<100xi32, #tpu.memory_space<vmem>>) semaphore(%arg13 : memref<!tpu.dma_semaphore, #tpu.memory_space<semaphore_mem>>)
    %dma_start3A_23 = arith.constant 1 : i32
    %dma_start3A_24 = arith.constant 100 : i32
    %dma_start3A_25 = arith.constant 0 : i32
    %dma_start3A_26 = tpu.memref_slice %arg7[%dma_start3A_24, %dma_start3A_25] : memref<800x32xi32, #tpu.memory_space<vmem>> -> memref<100x32xi32, #tpu.memory_space<vmem>>
    %dma_start3A_27 = arith.constant 0 : i32
    %dma_start3A_28 = tpu.memref_slice %arg5[%dma_start3A_23, %dma_start3A_27] : memref<8x100xi32, #tpu.memory_space<vmem>> -> memref<1x100xi32, #tpu.memory_space<vmem>>
    %dma_start3A_29 = tpu.memref_squeeze %dma_start3A_28 : memref<1x100xi32, #tpu.memory_space<vmem>> -> memref<100xi32, #tpu.memory_space<vmem>>
    %dma_start3A_30 = arith.constant 0 : i32
    %dma_start3A_31 = arith.constant 0 : i32
    %dma_start3A_32 = tpu.memref_slice %arg3[%dma_start3A_30, %dma_start3A_31] : memref<1000000x32xi32, #tpu.memory_space<hbm>> -> memref<1000000x32xi32, #tpu.memory_space<hbm>>
    tpu.enqueue_indirect_dma source(%dma_start3A_32 : memref<1000000x32xi32, #tpu.memory_space<hbm>>) target(%dma_start3A_26 : memref<100x32xi32, #tpu.memory_space<vmem>>) offsets(%dma_start3A_29 : memref<100xi32, #tpu.memory_space<vmem>>) semaphore(%arg13 : memref<!tpu.dma_semaphore, #tpu.memory_space<semaphore_mem>>)
    %dma_start3A_33 = arith.constant 2 : i32
    %dma_start3A_34 = arith.constant 200 : i32
    %dma_start3A_35 = arith.constant 0 : i32
    %dma_start3A_36 = tpu.memref_slice %arg7[%dma_start3A_34, %dma_start3A_35] : memref<800x32xi32, #tpu.memory_space<vmem>> -> memref<100x32xi32, #tpu.memory_space<vmem>>
    %dma_start3A_37 = arith.constant 0 : i32
    %dma_start3A_38 = tpu.memref_slice %arg5[%dma_start3A_33, %dma_start3A_37] : memref<8x100xi32, #tpu.memory_space<vmem>> -> memref<1x100xi32, #tpu.memory_space<vmem>>
    %dma_start3A_39 = tpu.memref_squeeze %dma_start3A_38 : memref<1x100xi32, #tpu.memory_space<vmem>> -> memref<100xi32, #tpu.memory_space<vmem>>
    %dma_start3A_40 = arith.constant 0 : i32
    %dma_start3A_41 = arith.constant 0 : i32
    %dma_start3A_42 = tpu.memref_slice %arg3[%dma_start3A_40, %dma_start3A_41] : memref<1000000x32xi32, #tpu.memory_space<hbm>> -> memref<1000000x32xi32, #tpu.memory_space<hbm>>
    tpu.enqueue_indirect_dma source(%dma_start3A_42 : memref<1000000x32xi32, #tpu.memory_space<hbm>>) target(%dma_start3A_36 : memref<100x32xi32, #tpu.memory_space<vmem>>) offsets(%dma_start3A_39 : memref<100xi32, #tpu.memory_space<vmem>>) semaphore(%arg13 : memref<!tpu.dma_semaphore, #tpu.memory_space<semaphore_mem>>)
    %dma_start3A_43 = arith.constant 3 : i32
    %dma_start3A_44 = arith.constant 300 : i32
    %dma_start3A_45 = arith.constant 0 : i32
    %dma_start3A_46 = tpu.memref_slice %arg7[%dma_start3A_44, %dma_start3A_45] : memref<800x32xi32, #tpu.memory_space<vmem>> -> memref<100x32xi32, #tpu.memory_space<vmem>>
    %dma_start3A_47 = arith.constant 0 : i32
    %dma_start3A_48 = tpu.memref_slice %arg5[%dma_start3A_43, %dma_start3A_47] : memref<8x100xi32, #tpu.memory_space<vmem>> -> memref<1x100xi32, #tpu.memory_space<vmem>>
    %dma_start3A_49 = tpu.memref_squeeze %dma_start3A_48 : memref<1x100xi32, #tpu.memory_space<vmem>> -> memref<100xi32, #tpu.memory_space<vmem>>
    %dma_start3A_50 = arith.constant 0 : i32
    %dma_start3A_51 = arith.constant 0 : i32
    %dma_start3A_52 = tpu.memref_slice %arg3[%dma_start3A_50, %dma_start3A_51] : memref<1000000x32xi32, #tpu.memory_space<hbm>> -> memref<1000000x32xi32, #tpu.memory_space<hbm>>
    tpu.enqueue_indirect_dma source(%dma_start3A_52 : memref<1000000x32xi32, #tpu.memory_space<hbm>>) target(%dma_start3A_46 : memref<100x32xi32, #tpu.memory_space<vmem>>) offsets(%dma_start3A_49 : memref<100xi32, #tpu.memory_space<vmem>>) semaphore(%arg13 : memref<!tpu.dma_semaphore, #tpu.memory_space<semaphore_mem>>)
    %dma_start3A_53 = arith.constant 4 : i32
    %dma_start3A_54 = arith.constant 400 : i32
    %dma_start3A_55 = arith.constant 0 : i32
    %dma_start3A_56 = tpu.memref_slice %arg7[%dma_start3A_54, %dma_start3A_55] : memref<800x32xi32, #tpu.memory_space<vmem>> -> memref<100x32xi32, #tpu.memory_space<vmem>>
    %dma_start3A_57 = arith.constant 0 : i32
    %dma_start3A_58 = tpu.memref_slice %arg5[%dma_start3A_53, %dma_start3A_57] : memref<8x100xi32, #tpu.memory_space<vmem>> -> memref<1x100xi32, #tpu.memory_space<vmem>>
    %dma_start3A_59 = tpu.memref_squeeze %dma_start3A_58 : memref<1x100xi32, #tpu.memory_space<vmem>> -> memref<100xi32, #tpu.memory_space<vmem>>
    %dma_start3A_60 = arith.constant 0 : i32
    %dma_start3A_61 = arith.constant 0 : i32
    %dma_start3A_62 = tpu.memref_slice %arg3[%dma_start3A_60, %dma_start3A_61] : memref<1000000x32xi32, #tpu.memory_space<hbm>> -> memref<1000000x32xi32, #tpu.memory_space<hbm>>
    tpu.enqueue_indirect_dma source(%dma_start3A_62 : memref<1000000x32xi32, #tpu.memory_space<hbm>>) target(%dma_start3A_56 : memref<100x32xi32, #tpu.memory_space<vmem>>) offsets(%dma_start3A_59 : memref<100xi32, #tpu.memory_space<vmem>>) semaphore(%arg13 : memref<!tpu.dma_semaphore, #tpu.memory_space<semaphore_mem>>)
    %dma_start3A_63 = arith.constant 5 : i32
    %dma_start3A_64 = arith.constant 500 : i32
    %dma_start3A_65 = arith.constant 0 : i32
    %dma_start3A_66 = tpu.memref_slice %arg7[%dma_start3A_64, %dma_start3A_65] : memref<800x32xi32, #tpu.memory_space<vmem>> -> memref<100x32xi32, #tpu.memory_space<vmem>>
    %dma_start3A_67 = arith.constant 0 : i32
    %dma_start3A_68 = tpu.memref_slice %arg5[%dma_start3A_63, %dma_start3A_67] : memref<8x100xi32, #tpu.memory_space<vmem>> -> memref<1x100xi32, #tpu.memory_space<vmem>>
    %dma_start3A_69 = tpu.memref_squeeze %dma_start3A_68 : memref<1x100xi32, #tpu.memory_space<vmem>> -> memref<100xi32, #tpu.memory_space<vmem>>
    %dma_start3A_70 = arith.constant 0 : i32
    %dma_start3A_71 = arith.constant 0 : i32
    %dma_start3A_72 = tpu.memref_slice %arg3[%dma_start3A_70, %dma_start3A_71] : memref<1000000x32xi32, #tpu.memory_space<hbm>> -> memref<1000000x32xi32, #tpu.memory_space<hbm>>
    tpu.enqueue_indirect_dma source(%dma_start3A_72 : memref<1000000x32xi32, #tpu.memory_space<hbm>>) target(%dma_start3A_66 : memref<100x32xi32, #tpu.memory_space<vmem>>) offsets(%dma_start3A_69 : memref<100xi32, #tpu.memory_space<vmem>>) semaphore(%arg13 : memref<!tpu.dma_semaphore, #tpu.memory_space<semaphore_mem>>)
    %dma_start3A_73 = arith.constant 6 : i32
    %dma_start3A_74 = arith.constant 600 : i32
    %dma_start3A_75 = arith.constant 0 : i32
    %dma_start3A_76 = tpu.memref_slice %arg7[%dma_start3A_74, %dma_start3A_75] : memref<800x32xi32, #tpu.memory_space<vmem>> -> memref<100x32xi32, #tpu.memory_space<vmem>>
    %dma_start3A_77 = arith.constant 0 : i32
    %dma_start3A_78 = tpu.memref_slice %arg5[%dma_start3A_73, %dma_start3A_77] : memref<8x100xi32, #tpu.memory_space<vmem>> -> memref<1x100xi32, #tpu.memory_space<vmem>>
    %dma_start3A_79 = tpu.memref_squeeze %dma_start3A_78 : memref<1x100xi32, #tpu.memory_space<vmem>> -> memref<100xi32, #tpu.memory_space<vmem>>
    %dma_start3A_80 = arith.constant 0 : i32
    %dma_start3A_81 = arith.constant 0 : i32
    %dma_start3A_82 = tpu.memref_slice %arg3[%dma_start3A_80, %dma_start3A_81] : memref<1000000x32xi32, #tpu.memory_space<hbm>> -> memref<1000000x32xi32, #tpu.memory_space<hbm>>
    tpu.enqueue_indirect_dma source(%dma_start3A_82 : memref<1000000x32xi32, #tpu.memory_space<hbm>>) target(%dma_start3A_76 : memref<100x32xi32, #tpu.memory_space<vmem>>) offsets(%dma_start3A_79 : memref<100xi32, #tpu.memory_space<vmem>>) semaphore(%arg13 : memref<!tpu.dma_semaphore, #tpu.memory_space<semaphore_mem>>)
    %dma_start3A_83 = arith.constant 7 : i32
    %dma_start3A_84 = arith.constant 700 : i32
    %dma_start3A_85 = arith.constant 0 : i32
    %dma_start3A_86 = tpu.memref_slice %arg7[%dma_start3A_84, %dma_start3A_85] : memref<800x32xi32, #tpu.memory_space<vmem>> -> memref<100x32xi32, #tpu.memory_space<vmem>>
    %dma_start3A_87 = arith.constant 0 : i32
    %dma_start3A_88 = tpu.memref_slice %arg5[%dma_start3A_83, %dma_start3A_87] : memref<8x100xi32, #tpu.memory_space<vmem>> -> memref<1x100xi32, #tpu.memory_space<vmem>>
    %dma_start3A_89 = tpu.memref_squeeze %dma_start3A_88 : memref<1x100xi32, #tpu.memory_space<vmem>> -> memref<100xi32, #tpu.memory_space<vmem>>
    %dma_start3A_90 = arith.constant 0 : i32
    %dma_start3A_91 = arith.constant 0 : i32
    %dma_start3A_92 = tpu.memref_slice %arg3[%dma_start3A_90, %dma_start3A_91] : memref<1000000x32xi32, #tpu.memory_space<hbm>> -> memref<1000000x32xi32, #tpu.memory_space<hbm>>
    tpu.enqueue_indirect_dma source(%dma_start3A_92 : memref<1000000x32xi32, #tpu.memory_space<hbm>>) target(%dma_start3A_86 : memref<100x32xi32, #tpu.memory_space<vmem>>) offsets(%dma_start3A_89 : memref<100xi32, #tpu.memory_space<vmem>>) semaphore(%arg13 : memref<!tpu.dma_semaphore, #tpu.memory_space<semaphore_mem>>)
    %add3A_93 = arith.constant 8 : i32
    %add3A_94 = arith.addi %mul3A_2, %add3A_93 : i32
    %dma_start3A_95 = arith.constant 0 : i32
    %dma_start3A_96 = tpu.memref_slice %arg2[%add3A_94, %dma_start3A_95] : memref<16384x100xi32, #tpu.memory_space<hbm>> -> memref<8x100xi32, #tpu.memory_space<hbm>>
    %dma_start3A_97 = arith.constant 0 : i32
    %dma_start3A_98 = tpu.memref_slice %arg2[%add3A_94, %dma_start3A_97] : memref<16384x100xi32, #tpu.memory_space<hbm>> -> memref<8x100xi32, #tpu.memory_space<hbm>>
    tpu.enqueue_dma source(%dma_start3A_98 : memref<8x100xi32, #tpu.memory_space<hbm>>) target(%arg6 : memref<8x100xi32, #tpu.memory_space<vmem>>) target_semaphore(%arg12 : memref<!tpu.dma_semaphore, #tpu.memory_space<semaphore_mem>>)
    %scan3A = arith.constant 0 : i32
    %scan3A_99 = arith.constant 0 : i32
    %scan3A_100 = arith.constant 32 : i32
    %scan3A_101 = arith.addi %scan3A_99, %scan3A_100 : i32
    %scan3A_102 = arith.constant 1 : i32
    scf.for %scan3A_116 = %scan3A_99 to %scan3A_101 step %scan3A_102  : i32 {
      %mul3A_117 = arith.constant 2 : i32
      %mul3A_118 = arith.muli %mul3A_117, %scan3A_116 : i32
      %add3A_119 = arith.constant 0 : i32
      %add3A_120 = arith.addi %mul3A_118, %add3A_119 : i32
      %add3A_121 = arith.constant 1 : i32
      %add3A_122 = arith.addi %add3A_120, %add3A_121 : i32
      %lt3A = arith.constant 64 : i32
      %lt3A_123 = arith.cmpi slt, %add3A_122, %lt3A : i32
      %convert_element_type3A = arith.extui %lt3A_123 : i1 to i32
      %cond3A = arith.constant 0 : i32
      %cond3A_124 = arith.cmpi ne, %convert_element_type3A, %cond3A : i32
      scf.if %cond3A_124 {
        %add3A_855 = arith.constant 1 : i32
        %add3A_856 = arith.addi %add3A_120, %add3A_855 : i32
        %mul3A_857 = arith.constant 8 : i32
        %mul3A_858 = arith.muli %add3A_856, %mul3A_857 : i32
        %add3A_859 = arith.addi %mul3A_2, %mul3A_858 : i32
        %dma_wait3A_860 = arith.constant 0 : i32
        %dma_wait3A_861 = tpu.memref_slice %arg2[%add3A_859, %dma_wait3A_860] : memref<16384x100xi32, #tpu.memory_space<hbm>> -> memref<8x100xi32, #tpu.memory_space<hbm>>
        %dma_wait3A_862 = arith.constant 0 : i32
        %dma_wait3A_863 = tpu.memref_slice %arg2[%add3A_859, %dma_wait3A_862] : memref<16384x100xi32, #tpu.memory_space<hbm>> -> memref<8x100xi32, #tpu.memory_space<hbm>>
        tpu.wait_dma2 semaphore(%arg12 : memref<!tpu.dma_semaphore, #tpu.memory_space<semaphore_mem>>) src(%dma_wait3A_863 : memref<8x100xi32, #tpu.memory_space<hbm>>) dst(%arg6 : memref<8x100xi32, #tpu.memory_space<vmem>>)
        %dma_start3A_864 = arith.constant 0 : i32
        %dma_start3A_865 = arith.constant 0 : i32
        %dma_start3A_866 = arith.constant 0 : i32
        %dma_start3A_867 = tpu.memref_slice %arg8[%dma_start3A_865, %dma_start3A_866] : memref<800x32xi32, #tpu.memory_space<vmem>> -> memref<100x32xi32, #tpu.memory_space<vmem>>
        %dma_start3A_868 = arith.constant 0 : i32
        %dma_start3A_869 = tpu.memref_slice %arg6[%dma_start3A_864, %dma_start3A_868] : memref<8x100xi32, #tpu.memory_space<vmem>> -> memref<1x100xi32, #tpu.memory_space<vmem>>
        %dma_start3A_870 = tpu.memref_squeeze %dma_start3A_869 : memref<1x100xi32, #tpu.memory_space<vmem>> -> memref<100xi32, #tpu.memory_space<vmem>>
        %dma_start3A_871 = arith.constant 0 : i32
        %dma_start3A_872 = arith.constant 0 : i32
        %dma_start3A_873 = tpu.memref_slice %arg3[%dma_start3A_871, %dma_start3A_872] : memref<1000000x32xi32, #tpu.memory_space<hbm>> -> memref<1000000x32xi32, #tpu.memory_space<hbm>>
        tpu.enqueue_indirect_dma source(%dma_start3A_873 : memref<1000000x32xi32, #tpu.memory_space<hbm>>) target(%dma_start3A_867 : memref<100x32xi32, #tpu.memory_space<vmem>>) offsets(%dma_start3A_870 : memref<100xi32, #tpu.memory_space<vmem>>) semaphore(%arg14 : memref<!tpu.dma_semaphore, #tpu.memory_space<semaphore_mem>>)
        %dma_start3A_874 = arith.constant 1 : i32
        %dma_start3A_875 = arith.constant 100 : i32
        %dma_start3A_876 = arith.constant 0 : i32
        %dma_start3A_877 = tpu.memref_slice %arg8[%dma_start3A_875, %dma_start3A_876] : memref<800x32xi32, #tpu.memory_space<vmem>> -> memref<100x32xi32, #tpu.memory_space<vmem>>
        %dma_start3A_878 = arith.constant 0 : i32
        %dma_start3A_879 = tpu.memref_slice %arg6[%dma_start3A_874, %dma_start3A_878] : memref<8x100xi32, #tpu.memory_space<vmem>> -> memref<1x100xi32, #tpu.memory_space<vmem>>
        %dma_start3A_880 = tpu.memref_squeeze %dma_start3A_879 : memref<1x100xi32, #tpu.memory_space<vmem>> -> memref<100xi32, #tpu.memory_space<vmem>>
        %dma_start3A_881 = arith.constant 0 : i32
        %dma_start3A_882 = arith.constant 0 : i32
        %dma_start3A_883 = tpu.memref_slice %arg3[%dma_start3A_881, %dma_start3A_882] : memref<1000000x32xi32, #tpu.memory_space<hbm>> -> memref<1000000x32xi32, #tpu.memory_space<hbm>>
        tpu.enqueue_indirect_dma source(%dma_start3A_883 : memref<1000000x32xi32, #tpu.memory_space<hbm>>) target(%dma_start3A_877 : memref<100x32xi32, #tpu.memory_space<vmem>>) offsets(%dma_start3A_880 : memref<100xi32, #tpu.memory_space<vmem>>) semaphore(%arg14 : memref<!tpu.dma_semaphore, #tpu.memory_space<semaphore_mem>>)
        %dma_start3A_884 = arith.constant 2 : i32
        %dma_start3A_885 = arith.constant 200 : i32
        %dma_start3A_886 = arith.constant 0 : i32
        %dma_start3A_887 = tpu.memref_slice %arg8[%dma_start3A_885, %dma_start3A_886] : memref<800x32xi32, #tpu.memory_space<vmem>> -> memref<100x32xi32, #tpu.memory_space<vmem>>
        %dma_start3A_888 = arith.constant 0 : i32
        %dma_start3A_889 = tpu.memref_slice %arg6[%dma_start3A_884, %dma_start3A_888] : memref<8x100xi32, #tpu.memory_space<vmem>> -> memref<1x100xi32, #tpu.memory_space<vmem>>
        %dma_start3A_890 = tpu.memref_squeeze %dma_start3A_889 : memref<1x100xi32, #tpu.memory_space<vmem>> -> memref<100xi32, #tpu.memory_space<vmem>>
        %dma_start3A_891 = arith.constant 0 : i32
        %dma_start3A_892 = arith.constant 0 : i32
        %dma_start3A_893 = tpu.memref_slice %arg3[%dma_start3A_891, %dma_start3A_892] : memref<1000000x32xi32, #tpu.memory_space<hbm>> -> memref<1000000x32xi32, #tpu.memory_space<hbm>>
        tpu.enqueue_indirect_dma source(%dma_start3A_893 : memref<1000000x32xi32, #tpu.memory_space<hbm>>) target(%dma_start3A_887 : memref<100x32xi32, #tpu.memory_space<vmem>>) offsets(%dma_start3A_890 : memref<100xi32, #tpu.memory_space<vmem>>) semaphore(%arg14 : memref<!tpu.dma_semaphore, #tpu.memory_space<semaphore_mem>>)
        %dma_start3A_894 = arith.constant 3 : i32
        %dma_start3A_895 = arith.constant 300 : i32
        %dma_start3A_896 = arith.constant 0 : i32
        %dma_start3A_897 = tpu.memref_slice %arg8[%dma_start3A_895, %dma_start3A_896] : memref<800x32xi32, #tpu.memory_space<vmem>> -> memref<100x32xi32, #tpu.memory_space<vmem>>
        %dma_start3A_898 = arith.constant 0 : i32
        %dma_start3A_899 = tpu.memref_slice %arg6[%dma_start3A_894, %dma_start3A_898] : memref<8x100xi32, #tpu.memory_space<vmem>> -> memref<1x100xi32, #tpu.memory_space<vmem>>
        %dma_start3A_900 = tpu.memref_squeeze %dma_start3A_899 : memref<1x100xi32, #tpu.memory_space<vmem>> -> memref<100xi32, #tpu.memory_space<vmem>>
        %dma_start3A_901 = arith.constant 0 : i32
        %dma_start3A_902 = arith.constant 0 : i32
        %dma_start3A_903 = tpu.memref_slice %arg3[%dma_start3A_901, %dma_start3A_902] : memref<1000000x32xi32, #tpu.memory_space<hbm>> -> memref<1000000x32xi32, #tpu.memory_space<hbm>>
        tpu.enqueue_indirect_dma source(%dma_start3A_903 : memref<1000000x32xi32, #tpu.memory_space<hbm>>) target(%dma_start3A_897 : memref<100x32xi32, #tpu.memory_space<vmem>>) offsets(%dma_start3A_900 : memref<100xi32, #tpu.memory_space<vmem>>) semaphore(%arg14 : memref<!tpu.dma_semaphore, #tpu.memory_space<semaphore_mem>>)
        %dma_start3A_904 = arith.constant 4 : i32
        %dma_start3A_905 = arith.constant 400 : i32
        %dma_start3A_906 = arith.constant 0 : i32
        %dma_start3A_907 = tpu.memref_slice %arg8[%dma_start3A_905, %dma_start3A_906] : memref<800x32xi32, #tpu.memory_space<vmem>> -> memref<100x32xi32, #tpu.memory_space<vmem>>
        %dma_start3A_908 = arith.constant 0 : i32
        %dma_start3A_909 = tpu.memref_slice %arg6[%dma_start3A_904, %dma_start3A_908] : memref<8x100xi32, #tpu.memory_space<vmem>> -> memref<1x100xi32, #tpu.memory_space<vmem>>
        %dma_start3A_910 = tpu.memref_squeeze %dma_start3A_909 : memref<1x100xi32, #tpu.memory_space<vmem>> -> memref<100xi32, #tpu.memory_space<vmem>>
        %dma_start3A_911 = arith.constant 0 : i32
        %dma_start3A_912 = arith.constant 0 : i32
        %dma_start3A_913 = tpu.memref_slice %arg3[%dma_start3A_911, %dma_start3A_912] : memref<1000000x32xi32, #tpu.memory_space<hbm>> -> memref<1000000x32xi32, #tpu.memory_space<hbm>>
        tpu.enqueue_indirect_dma source(%dma_start3A_913 : memref<1000000x32xi32, #tpu.memory_space<hbm>>) target(%dma_start3A_907 : memref<100x32xi32, #tpu.memory_space<vmem>>) offsets(%dma_start3A_910 : memref<100xi32, #tpu.memory_space<vmem>>) semaphore(%arg14 : memref<!tpu.dma_semaphore, #tpu.memory_space<semaphore_mem>>)
        %dma_start3A_914 = arith.constant 5 : i32
        %dma_start3A_915 = arith.constant 500 : i32
        %dma_start3A_916 = arith.constant 0 : i32
        %dma_start3A_917 = tpu.memref_slice %arg8[%dma_start3A_915, %dma_start3A_916] : memref<800x32xi32, #tpu.memory_space<vmem>> -> memref<100x32xi32, #tpu.memory_space<vmem>>
        %dma_start3A_918 = arith.constant 0 : i32
        %dma_start3A_919 = tpu.memref_slice %arg6[%dma_start3A_914, %dma_start3A_918] : memref<8x100xi32, #tpu.memory_space<vmem>> -> memref<1x100xi32, #tpu.memory_space<vmem>>
        %dma_start3A_920 = tpu.memref_squeeze %dma_start3A_919 : memref<1x100xi32, #tpu.memory_space<vmem>> -> memref<100xi32, #tpu.memory_space<vmem>>
        %dma_start3A_921 = arith.constant 0 : i32
        %dma_start3A_922 = arith.constant 0 : i32
        %dma_start3A_923 = tpu.memref_slice %arg3[%dma_start3A_921, %dma_start3A_922] : memref<1000000x32xi32, #tpu.memory_space<hbm>> -> memref<1000000x32xi32, #tpu.memory_space<hbm>>
        tpu.enqueue_indirect_dma source(%dma_start3A_923 : memref<1000000x32xi32, #tpu.memory_space<hbm>>) target(%dma_start3A_917 : memref<100x32xi32, #tpu.memory_space<vmem>>) offsets(%dma_start3A_920 : memref<100xi32, #tpu.memory_space<vmem>>) semaphore(%arg14 : memref<!tpu.dma_semaphore, #tpu.memory_space<semaphore_mem>>)
        %dma_start3A_924 = arith.constant 6 : i32
        %dma_start3A_925 = arith.constant 600 : i32
        %dma_start3A_926 = arith.constant 0 : i32
        %dma_start3A_927 = tpu.memref_slice %arg8[%dma_start3A_925, %dma_start3A_926] : memref<800x32xi32, #tpu.memory_space<vmem>> -> memref<100x32xi32, #tpu.memory_space<vmem>>
        %dma_start3A_928 = arith.constant 0 : i32
        %dma_start3A_929 = tpu.memref_slice %arg6[%dma_start3A_924, %dma_start3A_928] : memref<8x100xi32, #tpu.memory_space<vmem>> -> memref<1x100xi32, #tpu.memory_space<vmem>>
        %dma_start3A_930 = tpu.memref_squeeze %dma_start3A_929 : memref<1x100xi32, #tpu.memory_space<vmem>> -> memref<100xi32, #tpu.memory_space<vmem>>
        %dma_start3A_931 = arith.constant 0 : i32
        %dma_start3A_932 = arith.constant 0 : i32
        %dma_start3A_933 = tpu.memref_slice %arg3[%dma_start3A_931, %dma_start3A_932] : memref<1000000x32xi32, #tpu.memory_space<hbm>> -> memref<1000000x32xi32, #tpu.memory_space<hbm>>
        tpu.enqueue_indirect_dma source(%dma_start3A_933 : memref<1000000x32xi32, #tpu.memory_space<hbm>>) target(%dma_start3A_927 : memref<100x32xi32, #tpu.memory_space<vmem>>) offsets(%dma_start3A_930 : memref<100xi32, #tpu.memory_space<vmem>>) semaphore(%arg14 : memref<!tpu.dma_semaphore, #tpu.memory_space<semaphore_mem>>)
        %dma_start3A_934 = arith.constant 7 : i32
        %dma_start3A_935 = arith.constant 700 : i32
        %dma_start3A_936 = arith.constant 0 : i32
        %dma_start3A_937 = tpu.memref_slice %arg8[%dma_start3A_935, %dma_start3A_936] : memref<800x32xi32, #tpu.memory_space<vmem>> -> memref<100x32xi32, #tpu.memory_space<vmem>>
        %dma_start3A_938 = arith.constant 0 : i32
        %dma_start3A_939 = tpu.memref_slice %arg6[%dma_start3A_934, %dma_start3A_938] : memref<8x100xi32, #tpu.memory_space<vmem>> -> memref<1x100xi32, #tpu.memory_space<vmem>>
        %dma_start3A_940 = tpu.memref_squeeze %dma_start3A_939 : memref<1x100xi32, #tpu.memory_space<vmem>> -> memref<100xi32, #tpu.memory_space<vmem>>
        %dma_start3A_941 = arith.constant 0 : i32
        %dma_start3A_942 = arith.constant 0 : i32
        %dma_start3A_943 = tpu.memref_slice %arg3[%dma_start3A_941, %dma_start3A_942] : memref<1000000x32xi32, #tpu.memory_space<hbm>> -> memref<1000000x32xi32, #tpu.memory_space<hbm>>
        tpu.enqueue_indirect_dma source(%dma_start3A_943 : memref<1000000x32xi32, #tpu.memory_space<hbm>>) target(%dma_start3A_937 : memref<100x32xi32, #tpu.memory_space<vmem>>) offsets(%dma_start3A_940 : memref<100xi32, #tpu.memory_space<vmem>>) semaphore(%arg14 : memref<!tpu.dma_semaphore, #tpu.memory_space<semaphore_mem>>)
      } else {
      }
      %dma_wait3A_125 = arith.constant 0 : i32
      %dma_wait3A_126 = arith.constant 0 : i32
      %dma_wait3A_127 = tpu.memref_slice %arg3[%dma_wait3A_125, %dma_wait3A_126] : memref<1000000x32xi32, #tpu.memory_space<hbm>> -> memref<800x32xi32, #tpu.memory_space<hbm>>
      %dma_wait3A_128 = arith.constant 0 : i32
      %dma_wait3A_129 = arith.constant 0 : i32
      %dma_wait3A_130 = tpu.memref_slice %arg3[%dma_wait3A_128, %dma_wait3A_129] : memref<1000000x32xi32, #tpu.memory_space<hbm>> -> memref<800x32xi32, #tpu.memory_space<hbm>>
      tpu.wait_dma2 semaphore(%arg13 : memref<!tpu.dma_semaphore, #tpu.memory_space<semaphore_mem>>) src(%dma_wait3A_130 : memref<800x32xi32, #tpu.memory_space<hbm>>) dst(%arg7 : memref<800x32xi32, #tpu.memory_space<vmem>>)
      %add3A_131 = arith.constant 2 : i32
      %add3A_132 = arith.addi %add3A_120, %add3A_131 : i32
      %lt3A_133 = arith.constant 64 : i32
      %lt3A_134 = arith.cmpi slt, %add3A_132, %lt3A_133 : i32
      %convert_element_type3A_135 = arith.extui %lt3A_134 : i1 to i32
      %cond3A_136 = arith.constant 0 : i32
      %cond3A_137 = arith.cmpi ne, %convert_element_type3A_135, %cond3A_136 : i32
      scf.if %cond3A_137 {
        %add3A_855 = arith.constant 2 : i32
        %add3A_856 = arith.addi %add3A_120, %add3A_855 : i32
        %mul3A_857 = arith.constant 8 : i32
        %mul3A_858 = arith.muli %add3A_856, %mul3A_857 : i32
        %add3A_859 = arith.addi %mul3A_2, %mul3A_858 : i32
        %dma_start3A_860 = arith.constant 0 : i32
        %dma_start3A_861 = tpu.memref_slice %arg2[%add3A_859, %dma_start3A_860] : memref<16384x100xi32, #tpu.memory_space<hbm>> -> memref<8x100xi32, #tpu.memory_space<hbm>>
        %dma_start3A_862 = arith.constant 0 : i32
        %dma_start3A_863 = tpu.memref_slice %arg2[%add3A_859, %dma_start3A_862] : memref<16384x100xi32, #tpu.memory_space<hbm>> -> memref<8x100xi32, #tpu.memory_space<hbm>>
        tpu.enqueue_dma source(%dma_start3A_863 : memref<8x100xi32, #tpu.memory_space<hbm>>) target(%arg5 : memref<8x100xi32, #tpu.memory_space<vmem>>) target_semaphore(%arg11 : memref<!tpu.dma_semaphore, #tpu.memory_space<semaphore_mem>>)
      } else {
      }
      %ge3A = arith.constant 2 : i32
      %ge3A_138 = arith.cmpi sge, %add3A_120, %ge3A : i32
      %convert_element_type3A_139 = arith.extui %ge3A_138 : i1 to i32
      %cond3A_140 = arith.constant 0 : i32
      %cond3A_141 = arith.cmpi ne, %convert_element_type3A_139, %cond3A_140 : i32
      scf.if %cond3A_141 {
        %dma_wait3A_855 = arith.constant 0 : i32
        %dma_wait3A_856 = arith.constant 0 : i32
        %dma_wait3A_857 = tpu.memref_slice %arg4[%dma_wait3A_855, %dma_wait3A_856] : memref<16384x64xf32, #tpu.memory_space<hbm>> -> memref<8x64xf32, #tpu.memory_space<hbm>>
        %dma_wait3A_858 = arith.constant 0 : i32
        %dma_wait3A_859 = arith.constant 0 : i32
        %dma_wait3A_860 = tpu.memref_slice %arg4[%dma_wait3A_858, %dma_wait3A_859] : memref<16384x64xf32, #tpu.memory_space<hbm>> -> memref<8x64xf32, #tpu.memory_space<hbm>>
        tpu.wait_dma2 semaphore(%arg15 : memref<!tpu.dma_semaphore, #tpu.memory_space<semaphore_mem>>) src(%dma_wait3A_860 : memref<8x64xf32, #tpu.memory_space<hbm>>) dst(%arg9 : memref<8x64xf32, #tpu.memory_space<vmem>>)
      } else {
      }
      %broadcast_in_dim3A = arith.constant 0.000000e+00 : f32
      %broadcast_in_dim3A_142 = vector.broadcast %broadcast_in_dim3A : f32 to vector<16xf32>
      %broadcast_in_dim3A_143 = arith.constant 0.000000e+00 : f32
      %broadcast_in_dim3A_144 = vector.broadcast %broadcast_in_dim3A_143 : f32 to vector<16xf32>
      %broadcast_in_dim3A_145 = arith.constant 0.000000e+00 : f32
      %broadcast_in_dim3A_146 = vector.broadcast %broadcast_in_dim3A_145 : f32 to vector<16xf32>
      %broadcast_in_dim3A_147 = arith.constant 0.000000e+00 : f32
      %broadcast_in_dim3A_148 = vector.broadcast %broadcast_in_dim3A_147 : f32 to vector<16xf32>
      %broadcast_in_dim3A_149 = arith.constant 0.000000e+00 : f32
      %broadcast_in_dim3A_150 = vector.broadcast %broadcast_in_dim3A_149 : f32 to vector<16xf32>
      %broadcast_in_dim3A_151 = arith.constant 0.000000e+00 : f32
      %broadcast_in_dim3A_152 = vector.broadcast %broadcast_in_dim3A_151 : f32 to vector<16xf32>
      %broadcast_in_dim3A_153 = arith.constant 0.000000e+00 : f32
      %broadcast_in_dim3A_154 = vector.broadcast %broadcast_in_dim3A_153 : f32 to vector<16xf32>
      %broadcast_in_dim3A_155 = arith.constant 0.000000e+00 : f32
      %broadcast_in_dim3A_156 = vector.broadcast %broadcast_in_dim3A_155 : f32 to vector<16xf32>
      %scan3A_157 = arith.constant 0 : i32
      %scan3A_158 = arith.constant 50 : i32
      %scan3A_159 = arith.addi %scan3A_157, %scan3A_158 : i32
      %scan3A_160 = arith.constant 1 : i32
      %scan3A_161:8 = scf.for %scan3A_855 = %scan3A_157 to %scan3A_159 step %scan3A_160 iter_args(%scan3A_856 = %broadcast_in_dim3A_142, %scan3A_857 = %broadcast_in_dim3A_144, %scan3A_858 = %broadcast_in_dim3A_146, %scan3A_859 = %broadcast_in_dim3A_148, %scan3A_860 = %broadcast_in_dim3A_150, %scan3A_861 = %broadcast_in_dim3A_152, %scan3A_862 = %broadcast_in_dim3A_154, %scan3A_863 = %broadcast_in_dim3A_156) -> (vector<16xf32>, vector<16xf32>, vector<16xf32>, vector<16xf32>, vector<16xf32>, vector<16xf32>, vector<16xf32>, vector<16xf32>)  : i32 {
        %mul3A_864 = arith.constant 2 : i32
        %mul3A_865 = arith.muli %mul3A_864, %scan3A_855 : i32
        %add3A_866 = arith.constant 0 : i32
        %add3A_867 = arith.addi %add3A_866, %mul3A_865 : i32
        %add3A_868 = arith.constant 0 : i32
        %add3A_869 = arith.addi %add3A_867, %add3A_868 : i32
        %get3A = arith.index_cast %add3A_869 : i32 to index
        %get3A_870 = arith.constant 0 : index
        %get3A_871 = tpu.vector_load %arg7[%get3A, %get3A_870] {strides = array<i32>} : memref<800x32xi32, #tpu.memory_space<vmem>>, vector<16xi32>,
        %shift_left3A = arith.constant 16 : i32
        %shift_left3A_872 = vector.broadcast %shift_left3A : i32 to vector<16xi32>
        %shift_left3A_873 = arith.shli %get3A_871, %shift_left3A_872 : vector<16xi32>
        %bitcast3A = vector.bitcast %shift_left3A_873 : vector<16xi32> to vector<16xf32>
        %and3A = arith.constant -65536 : i32
        %and3A_874 = vector.broadcast %and3A : i32 to vector<16xi32>
        %and3A_875 = arith.andi %get3A_871, %and3A_874 : vector<16xi32>
        %bitcast3A_876 = vector.bitcast %and3A_875 : vector<16xi32> to vector<16xf32>
        %add3A_877 = arith.addf %scan3A_856, %bitcast3A : vector<16xf32>
        %add3A_878 = arith.addf %scan3A_857, %bitcast3A_876 : vector<16xf32>
        %add3A_879 = arith.constant 0 : i32
        %add3A_880 = arith.addi %add3A_867, %add3A_879 : i32
        %get3A_881 = arith.index_cast %add3A_880 : i32 to index
        %get3A_882 = arith.constant 16 : index
        %get3A_883 = tpu.vector_load %arg7[%get3A_881, %get3A_882] {strides = array<i32>} : memref<800x32xi32, #tpu.memory_space<vmem>>, vector<16xi32>,
        %shift_left3A_884 = arith.constant 16 : i32
        %shift_left3A_885 = vector.broadcast %shift_left3A_884 : i32 to vector<16xi32>
        %shift_left3A_886 = arith.shli %get3A_883, %shift_left3A_885 : vector<16xi32>
        %bitcast3A_887 = vector.bitcast %shift_left3A_886 : vector<16xi32> to vector<16xf32>
        %and3A_888 = arith.constant -65536 : i32
        %and3A_889 = vector.broadcast %and3A_888 : i32 to vector<16xi32>
        %and3A_890 = arith.andi %get3A_883, %and3A_889 : vector<16xi32>
        %bitcast3A_891 = vector.bitcast %and3A_890 : vector<16xi32> to vector<16xf32>
        %add3A_892 = arith.addf %scan3A_858, %bitcast3A_887 : vector<16xf32>
        %add3A_893 = arith.addf %scan3A_859, %bitcast3A_891 : vector<16xf32>
        %add3A_894 = arith.constant 1 : i32
        %add3A_895 = arith.addi %add3A_867, %add3A_894 : i32
        %get3A_896 = arith.index_cast %add3A_895 : i32 to index
        %get3A_897 = arith.constant 0 : index
        %get3A_898 = tpu.vector_load %arg7[%get3A_896, %get3A_897] {strides = array<i32>} : memref<800x32xi32, #tpu.memory_space<vmem>>, vector<16xi32>,
        %shift_left3A_899 = arith.constant 16 : i32
        %shift_left3A_900 = vector.broadcast %shift_left3A_899 : i32 to vector<16xi32>
        %shift_left3A_901 = arith.shli %get3A_898, %shift_left3A_900 : vector<16xi32>
        %bitcast3A_902 = vector.bitcast %shift_left3A_901 : vector<16xi32> to vector<16xf32>
        %and3A_903 = arith.constant -65536 : i32
        %and3A_904 = vector.broadcast %and3A_903 : i32 to vector<16xi32>
        %and3A_905 = arith.andi %get3A_898, %and3A_904 : vector<16xi32>
        %bitcast3A_906 = vector.bitcast %and3A_905 : vector<16xi32> to vector<16xf32>
        %add3A_907 = arith.addf %scan3A_860, %bitcast3A_902 : vector<16xf32>
        %add3A_908 = arith.addf %scan3A_861, %bitcast3A_906 : vector<16xf32>
        %add3A_909 = arith.constant 1 : i32
        %add3A_910 = arith.addi %add3A_867, %add3A_909 : i32
        %get3A_911 = arith.index_cast %add3A_910 : i32 to index
        %get3A_912 = arith.constant 16 : index
        %get3A_913 = tpu.vector_load %arg7[%get3A_911, %get3A_912] {strides = array<i32>} : memref<800x32xi32, #tpu.memory_space<vmem>>, vector<16xi32>,
        %shift_left3A_914 = arith.constant 16 : i32
        %shift_left3A_915 = vector.broadcast %shift_left3A_914 : i32 to vector<16xi32>
        %shift_left3A_916 = arith.shli %get3A_913, %shift_left3A_915 : vector<16xi32>
        %bitcast3A_917 = vector.bitcast %shift_left3A_916 : vector<16xi32> to vector<16xf32>
        %and3A_918 = arith.constant -65536 : i32
        %and3A_919 = vector.broadcast %and3A_918 : i32 to vector<16xi32>
        %and3A_920 = arith.andi %get3A_913, %and3A_919 : vector<16xi32>
        %bitcast3A_921 = vector.bitcast %and3A_920 : vector<16xi32> to vector<16xf32>
        %add3A_922 = arith.addf %scan3A_862, %bitcast3A_917 : vector<16xf32>
        %add3A_923 = arith.addf %scan3A_863, %bitcast3A_921 : vector<16xf32>
        scf.yield %add3A_877, %add3A_878, %add3A_892, %add3A_893, %add3A_907, %add3A_908, %add3A_922, %add3A_923 : vector<16xf32>, vector<16xf32>, vector<16xf32>, vector<16xf32>, vector<16xf32>, vector<16xf32>, vector<16xf32>, vector<16xf32>
      }
      %scan3A_162 = arith.constant 50 : i32
      %add3A_163 = arith.addf %scan3A_161#0, %scan3A_161#4 : vector<16xf32>
      %swap3A = arith.constant 0 : i32
      %swap3A_164 = arith.index_cast %swap3A : i32 to index
      %swap3A_165 = arith.constant 0 : index
      %swap3A_166 = tpu.vector_load %arg9[%swap3A_164, %swap3A_165] {strides = array<i32>} : memref<8x64xf32, #tpu.memory_space<vmem>>, vector<16xf32>,
      tpu.vector_store %arg9[%swap3A_164, %swap3A_165], %add3A_163 {strides = array<i32>} : memref<8x64xf32, #tpu.memory_space<vmem>>, vector<16xf32>,
      %add3A_167 = arith.addf %scan3A_161#1, %scan3A_161#5 : vector<16xf32>
      %swap3A_168 = arith.constant 0 : i32
      %swap3A_169 = arith.index_cast %swap3A_168 : i32 to index
      %swap3A_170 = arith.constant 16 : index
      %swap3A_171 = tpu.vector_load %arg9[%swap3A_169, %swap3A_170] {strides = array<i32>} : memref<8x64xf32, #tpu.memory_space<vmem>>, vector<16xf32>,
      tpu.vector_store %arg9[%swap3A_169, %swap3A_170], %add3A_167 {strides = array<i32>} : memref<8x64xf32, #tpu.memory_space<vmem>>, vector<16xf32>,
      %add3A_172 = arith.addf %scan3A_161#2, %scan3A_161#6 : vector<16xf32>
      %swap3A_173 = arith.constant 0 : i32
      %swap3A_174 = arith.index_cast %swap3A_173 : i32 to index
      %swap3A_175 = arith.constant 32 : index
      %swap3A_176 = tpu.vector_load %arg9[%swap3A_174, %swap3A_175] {strides = array<i32>} : memref<8x64xf32, #tpu.memory_space<vmem>>, vector<16xf32>,
      tpu.vector_store %arg9[%swap3A_174, %swap3A_175], %add3A_172 {strides = array<i32>} : memref<8x64xf32, #tpu.memory_space<vmem>>, vector<16xf32>,
      %add3A_177 = arith.addf %scan3A_161#3, %scan3A_161#7 : vector<16xf32>
      %swap3A_178 = arith.constant 0 : i32
      %swap3A_179 = arith.index_cast %swap3A_178 : i32 to index
      %swap3A_180 = arith.constant 48 : index
      %swap3A_181 = tpu.vector_load %arg9[%swap3A_179, %swap3A_180] {strides = array<i32>} : memref<8x64xf32, #tpu.memory_space<vmem>>, vector<16xf32>,
      tpu.vector_store %arg9[%swap3A_179, %swap3A_180], %add3A_177 {strides = array<i32>} : memref<8x64xf32, #tpu.memory_space<vmem>>, vector<16xf32>,
      %broadcast_in_dim3A_182 = arith.constant 0.000000e+00 : f32
      %broadcast_in_dim3A_183 = vector.broadcast %broadcast_in_dim3A_182 : f32 to vector<16xf32>
      %broadcast_in_dim3A_184 = arith.constant 0.000000e+00 : f32
      %broadcast_in_dim3A_185 = vector.broadcast %broadcast_in_dim3A_184 : f32 to vector<16xf32>
      %broadcast_in_dim3A_186 = arith.constant 0.000000e+00 : f32
      %broadcast_in_dim3A_187 = vector.broadcast %broadcast_in_dim3A_186 : f32 to vector<16xf32>
      %broadcast_in_dim3A_188 = arith.constant 0.000000e+00 : f32
      %broadcast_in_dim3A_189 = vector.broadcast %broadcast_in_dim3A_188 : f32 to vector<16xf32>
      %broadcast_in_dim3A_190 = arith.constant 0.000000e+00 : f32
      %broadcast_in_dim3A_191 = vector.broadcast %broadcast_in_dim3A_190 : f32 to vector<16xf32>
      %broadcast_in_dim3A_192 = arith.constant 0.000000e+00 : f32
      %broadcast_in_dim3A_193 = vector.broadcast %broadcast_in_dim3A_192 : f32 to vector<16xf32>
      %broadcast_in_dim3A_194 = arith.constant 0.000000e+00 : f32
      %broadcast_in_dim3A_195 = vector.broadcast %broadcast_in_dim3A_194 : f32 to vector<16xf32>
      %broadcast_in_dim3A_196 = arith.constant 0.000000e+00 : f32
      %broadcast_in_dim3A_197 = vector.broadcast %broadcast_in_dim3A_196 : f32 to vector<16xf32>
      %scan3A_198 = arith.constant 0 : i32
      %scan3A_199 = arith.constant 50 : i32
      %scan3A_200 = arith.addi %scan3A_198, %scan3A_199 : i32
      %scan3A_201 = arith.constant 1 : i32
      %scan3A_202:8 = scf.for %scan3A_855 = %scan3A_198 to %scan3A_200 step %scan3A_201 iter_args(%scan3A_856 = %broadcast_in_dim3A_183, %scan3A_857 = %broadcast_in_dim3A_185, %scan3A_858 = %broadcast_in_dim3A_187, %scan3A_859 = %broadcast_in_dim3A_189, %scan3A_860 = %broadcast_in_dim3A_191, %scan3A_861 = %broadcast_in_dim3A_193, %scan3A_862 = %broadcast_in_dim3A_195, %scan3A_863 = %broadcast_in_dim3A_197) -> (vector<16xf32>, vector<16xf32>, vector<16xf32>, vector<16xf32>, vector<16xf32>, vector<16xf32>, vector<16xf32>, vector<16xf32>)  : i32 {
        %mul3A_864 = arith.constant 2 : i32
        %mul3A_865 = arith.muli %mul3A_864, %scan3A_855 : i32
        %add3A_866 = arith.constant 100 : i32
        %add3A_867 = arith.addi %add3A_866, %mul3A_865 : i32
        %add3A_868 = arith.constant 0 : i32
        %add3A_869 = arith.addi %add3A_867, %add3A_868 : i32
        %get3A = arith.index_cast %add3A_869 : i32 to index
        %get3A_870 = arith.constant 0 : index
        %get3A_871 = tpu.vector_load %arg7[%get3A, %get3A_870] {strides = array<i32>} : memref<800x32xi32, #tpu.memory_space<vmem>>, vector<16xi32>,
        %shift_left3A = arith.constant 16 : i32
        %shift_left3A_872 = vector.broadcast %shift_left3A : i32 to vector<16xi32>
        %shift_left3A_873 = arith.shli %get3A_871, %shift_left3A_872 : vector<16xi32>
        %bitcast3A = vector.bitcast %shift_left3A_873 : vector<16xi32> to vector<16xf32>
        %and3A = arith.constant -65536 : i32
        %and3A_874 = vector.broadcast %and3A : i32 to vector<16xi32>
        %and3A_875 = arith.andi %get3A_871, %and3A_874 : vector<16xi32>
        %bitcast3A_876 = vector.bitcast %and3A_875 : vector<16xi32> to vector<16xf32>
        %add3A_877 = arith.addf %scan3A_856, %bitcast3A : vector<16xf32>
        %add3A_878 = arith.addf %scan3A_857, %bitcast3A_876 : vector<16xf32>
        %add3A_879 = arith.constant 0 : i32
        %add3A_880 = arith.addi %add3A_867, %add3A_879 : i32
        %get3A_881 = arith.index_cast %add3A_880 : i32 to index
        %get3A_882 = arith.constant 16 : index
        %get3A_883 = tpu.vector_load %arg7[%get3A_881, %get3A_882] {strides = array<i32>} : memref<800x32xi32, #tpu.memory_space<vmem>>, vector<16xi32>,
        %shift_left3A_884 = arith.constant 16 : i32
        %shift_left3A_885 = vector.broadcast %shift_left3A_884 : i32 to vector<16xi32>
        %shift_left3A_886 = arith.shli %get3A_883, %shift_left3A_885 : vector<16xi32>
        %bitcast3A_887 = vector.bitcast %shift_left3A_886 : vector<16xi32> to vector<16xf32>
        %and3A_888 = arith.constant -65536 : i32
        %and3A_889 = vector.broadcast %and3A_888 : i32 to vector<16xi32>
        %and3A_890 = arith.andi %get3A_883, %and3A_889 : vector<16xi32>
        %bitcast3A_891 = vector.bitcast %and3A_890 : vector<16xi32> to vector<16xf32>
        %add3A_892 = arith.addf %scan3A_858, %bitcast3A_887 : vector<16xf32>
        %add3A_893 = arith.addf %scan3A_859, %bitcast3A_891 : vector<16xf32>
        %add3A_894 = arith.constant 1 : i32
        %add3A_895 = arith.addi %add3A_867, %add3A_894 : i32
        %get3A_896 = arith.index_cast %add3A_895 : i32 to index
        %get3A_897 = arith.constant 0 : index
        %get3A_898 = tpu.vector_load %arg7[%get3A_896, %get3A_897] {strides = array<i32>} : memref<800x32xi32, #tpu.memory_space<vmem>>, vector<16xi32>,
        %shift_left3A_899 = arith.constant 16 : i32
        %shift_left3A_900 = vector.broadcast %shift_left3A_899 : i32 to vector<16xi32>
        %shift_left3A_901 = arith.shli %get3A_898, %shift_left3A_900 : vector<16xi32>
        %bitcast3A_902 = vector.bitcast %shift_left3A_901 : vector<16xi32> to vector<16xf32>
        %and3A_903 = arith.constant -65536 : i32
        %and3A_904 = vector.broadcast %and3A_903 : i32 to vector<16xi32>
        %and3A_905 = arith.andi %get3A_898, %and3A_904 : vector<16xi32>
        %bitcast3A_906 = vector.bitcast %and3A_905 : vector<16xi32> to vector<16xf32>
        %add3A_907 = arith.addf %scan3A_860, %bitcast3A_902 : vector<16xf32>
        %add3A_908 = arith.addf %scan3A_861, %bitcast3A_906 : vector<16xf32>
        %add3A_909 = arith.constant 1 : i32
        %add3A_910 = arith.addi %add3A_867, %add3A_909 : i32
        %get3A_911 = arith.index_cast %add3A_910 : i32 to index
        %get3A_912 = arith.constant 16 : index
        %get3A_913 = tpu.vector_load %arg7[%get3A_911, %get3A_912] {strides = array<i32>} : memref<800x32xi32, #tpu.memory_space<vmem>>, vector<16xi32>,
        %shift_left3A_914 = arith.constant 16 : i32
        %shift_left3A_915 = vector.broadcast %shift_left3A_914 : i32 to vector<16xi32>
        %shift_left3A_916 = arith.shli %get3A_913, %shift_left3A_915 : vector<16xi32>
        %bitcast3A_917 = vector.bitcast %shift_left3A_916 : vector<16xi32> to vector<16xf32>
        %and3A_918 = arith.constant -65536 : i32
        %and3A_919 = vector.broadcast %and3A_918 : i32 to vector<16xi32>
        %and3A_920 = arith.andi %get3A_913, %and3A_919 : vector<16xi32>
        %bitcast3A_921 = vector.bitcast %and3A_920 : vector<16xi32> to vector<16xf32>
        %add3A_922 = arith.addf %scan3A_862, %bitcast3A_917 : vector<16xf32>
        %add3A_923 = arith.addf %scan3A_863, %bitcast3A_921 : vector<16xf32>
        scf.yield %add3A_877, %add3A_878, %add3A_892, %add3A_893, %add3A_907, %add3A_908, %add3A_922, %add3A_923 : vector<16xf32>, vector<16xf32>, vector<16xf32>, vector<16xf32>, vector<16xf32>, vector<16xf32>, vector<16xf32>, vector<16xf32>
      }
      %scan3A_203 = arith.constant 50 : i32
      %add3A_204 = arith.addf %scan3A_202#0, %scan3A_202#4 : vector<16xf32>
      %swap3A_205 = arith.constant 1 : i32
      %swap3A_206 = arith.index_cast %swap3A_205 : i32 to index
      %swap3A_207 = arith.constant 0 : index
      %swap3A_208 = tpu.vector_load %arg9[%swap3A_206, %swap3A_207] {strides = array<i32>} : memref<8x64xf32, #tpu.memory_space<vmem>>, vector<16xf32>,
      tpu.vector_store %arg9[%swap3A_206, %swap3A_207], %add3A_204 {strides = array<i32>} : memref<8x64xf32, #tpu.memory_space<vmem>>, vector<16xf32>,
      %add3A_209 = arith.addf %scan3A_202#1, %scan3A_202#5 : vector<16xf32>
      %swap3A_210 = arith.constant 1 : i32
      %swap3A_211 = arith.index_cast %swap3A_210 : i32 to index
      %swap3A_212 = arith.constant 16 : index
      %swap3A_213 = tpu.vector_load %arg9[%swap3A_211, %swap3A_212] {strides = array<i32>} : memref<8x64xf32, #tpu.memory_space<vmem>>, vector<16xf32>,
      tpu.vector_store %arg9[%swap3A_211, %swap3A_212], %add3A_209 {strides = array<i32>} : memref<8x64xf32, #tpu.memory_space<vmem>>, vector<16xf32>,
      %add3A_214 = arith.addf %scan3A_202#2, %scan3A_202#6 : vector<16xf32>
      %swap3A_215 = arith.constant 1 : i32
      %swap3A_216 = arith.index_cast %swap3A_215 : i32 to index
      %swap3A_217 = arith.constant 32 : index
      %swap3A_218 = tpu.vector_load %arg9[%swap3A_216, %swap3A_217] {strides = array<i32>} : memref<8x64xf32, #tpu.memory_space<vmem>>, vector<16xf32>,
      tpu.vector_store %arg9[%swap3A_216, %swap3A_217], %add3A_214 {strides = array<i32>} : memref<8x64xf32, #tpu.memory_space<vmem>>, vector<16xf32>,
      %add3A_219 = arith.addf %scan3A_202#3, %scan3A_202#7 : vector<16xf32>
      %swap3A_220 = arith.constant 1 : i32
      %swap3A_221 = arith.index_cast %swap3A_220 : i32 to index
      %swap3A_222 = arith.constant 48 : index
      %swap3A_223 = tpu.vector_load %arg9[%swap3A_221, %swap3A_222] {strides = array<i32>} : memref<8x64xf32, #tpu.memory_space<vmem>>, vector<16xf32>,
      tpu.vector_store %arg9[%swap3A_221, %swap3A_222], %add3A_219 {strides = array<i32>} : memref<8x64xf32, #tpu.memory_space<vmem>>, vector<16xf32>,
      %broadcast_in_dim3A_224 = arith.constant 0.000000e+00 : f32
      %broadcast_in_dim3A_225 = vector.broadcast %broadcast_in_dim3A_224 : f32 to vector<16xf32>
      %broadcast_in_dim3A_226 = arith.constant 0.000000e+00 : f32
      %broadcast_in_dim3A_227 = vector.broadcast %broadcast_in_dim3A_226 : f32 to vector<16xf32>
      %broadcast_in_dim3A_228 = arith.constant 0.000000e+00 : f32
      %broadcast_in_dim3A_229 = vector.broadcast %broadcast_in_dim3A_228 : f32 to vector<16xf32>
      %broadcast_in_dim3A_230 = arith.constant 0.000000e+00 : f32
      %broadcast_in_dim3A_231 = vector.broadcast %broadcast_in_dim3A_230 : f32 to vector<16xf32>
      %broadcast_in_dim3A_232 = arith.constant 0.000000e+00 : f32
      %broadcast_in_dim3A_233 = vector.broadcast %broadcast_in_dim3A_232 : f32 to vector<16xf32>
      %broadcast_in_dim3A_234 = arith.constant 0.000000e+00 : f32
      %broadcast_in_dim3A_235 = vector.broadcast %broadcast_in_dim3A_234 : f32 to vector<16xf32>
      %broadcast_in_dim3A_236 = arith.constant 0.000000e+00 : f32
      %broadcast_in_dim3A_237 = vector.broadcast %broadcast_in_dim3A_236 : f32 to vector<16xf32>
      %broadcast_in_dim3A_238 = arith.constant 0.000000e+00 : f32
      %broadcast_in_dim3A_239 = vector.broadcast %broadcast_in_dim3A_238 : f32 to vector<16xf32>
      %scan3A_240 = arith.constant 0 : i32
      %scan3A_241 = arith.constant 50 : i32
      %scan3A_242 = arith.addi %scan3A_240, %scan3A_241 : i32
      %scan3A_243 = arith.constant 1 : i32
      %scan3A_244:8 = scf.for %scan3A_855 = %scan3A_240 to %scan3A_242 step %scan3A_243 iter_args(%scan3A_856 = %broadcast_in_dim3A_225, %scan3A_857 = %broadcast_in_dim3A_227, %scan3A_858 = %broadcast_in_dim3A_229, %scan3A_859 = %broadcast_in_dim3A_231, %scan3A_860 = %broadcast_in_dim3A_233, %scan3A_861 = %broadcast_in_dim3A_235, %scan3A_862 = %broadcast_in_dim3A_237, %scan3A_863 = %broadcast_in_dim3A_239) -> (vector<16xf32>, vector<16xf32>, vector<16xf32>, vector<16xf32>, vector<16xf32>, vector<16xf32>, vector<16xf32>, vector<16xf32>)  : i32 {
        %mul3A_864 = arith.constant 2 : i32
        %mul3A_865 = arith.muli %mul3A_864, %scan3A_855 : i32
        %add3A_866 = arith.constant 200 : i32
        %add3A_867 = arith.addi %add3A_866, %mul3A_865 : i32
        %add3A_868 = arith.constant 0 : i32
        %add3A_869 = arith.addi %add3A_867, %add3A_868 : i32
        %get3A = arith.index_cast %add3A_869 : i32 to index
        %get3A_870 = arith.constant 0 : index
        %get3A_871 = tpu.vector_load %arg7[%get3A, %get3A_870] {strides = array<i32>} : memref<800x32xi32, #tpu.memory_space<vmem>>, vector<16xi32>,
        %shift_left3A = arith.constant 16 : i32
        %shift_left3A_872 = vector.broadcast %shift_left3A : i32 to vector<16xi32>
        %shift_left3A_873 = arith.shli %get3A_871, %shift_left3A_872 : vector<16xi32>
        %bitcast3A = vector.bitcast %shift_left3A_873 : vector<16xi32> to vector<16xf32>
        %and3A = arith.constant -65536 : i32
        %and3A_874 = vector.broadcast %and3A : i32 to vector<16xi32>
        %and3A_875 = arith.andi %get3A_871, %and3A_874 : vector<16xi32>
        %bitcast3A_876 = vector.bitcast %and3A_875 : vector<16xi32> to vector<16xf32>
        %add3A_877 = arith.addf %scan3A_856, %bitcast3A : vector<16xf32>
        %add3A_878 = arith.addf %scan3A_857, %bitcast3A_876 : vector<16xf32>
        %add3A_879 = arith.constant 0 : i32
        %add3A_880 = arith.addi %add3A_867, %add3A_879 : i32
        %get3A_881 = arith.index_cast %add3A_880 : i32 to index
        %get3A_882 = arith.constant 16 : index
        %get3A_883 = tpu.vector_load %arg7[%get3A_881, %get3A_882] {strides = array<i32>} : memref<800x32xi32, #tpu.memory_space<vmem>>, vector<16xi32>,
        %shift_left3A_884 = arith.constant 16 : i32
        %shift_left3A_885 = vector.broadcast %shift_left3A_884 : i32 to vector<16xi32>
        %shift_left3A_886 = arith.shli %get3A_883, %shift_left3A_885 : vector<16xi32>
        %bitcast3A_887 = vector.bitcast %shift_left3A_886 : vector<16xi32> to vector<16xf32>
        %and3A_888 = arith.constant -65536 : i32
        %and3A_889 = vector.broadcast %and3A_888 : i32 to vector<16xi32>
        %and3A_890 = arith.andi %get3A_883, %and3A_889 : vector<16xi32>
        %bitcast3A_891 = vector.bitcast %and3A_890 : vector<16xi32> to vector<16xf32>
        %add3A_892 = arith.addf %scan3A_858, %bitcast3A_887 : vector<16xf32>
        %add3A_893 = arith.addf %scan3A_859, %bitcast3A_891 : vector<16xf32>
        %add3A_894 = arith.constant 1 : i32
        %add3A_895 = arith.addi %add3A_867, %add3A_894 : i32
        %get3A_896 = arith.index_cast %add3A_895 : i32 to index
        %get3A_897 = arith.constant 0 : index
        %get3A_898 = tpu.vector_load %arg7[%get3A_896, %get3A_897] {strides = array<i32>} : memref<800x32xi32, #tpu.memory_space<vmem>>, vector<16xi32>,
        %shift_left3A_899 = arith.constant 16 : i32
        %shift_left3A_900 = vector.broadcast %shift_left3A_899 : i32 to vector<16xi32>
        %shift_left3A_901 = arith.shli %get3A_898, %shift_left3A_900 : vector<16xi32>
        %bitcast3A_902 = vector.bitcast %shift_left3A_901 : vector<16xi32> to vector<16xf32>
        %and3A_903 = arith.constant -65536 : i32
        %and3A_904 = vector.broadcast %and3A_903 : i32 to vector<16xi32>
        %and3A_905 = arith.andi %get3A_898, %and3A_904 : vector<16xi32>
        %bitcast3A_906 = vector.bitcast %and3A_905 : vector<16xi32> to vector<16xf32>
        %add3A_907 = arith.addf %scan3A_860, %bitcast3A_902 : vector<16xf32>
        %add3A_908 = arith.addf %scan3A_861, %bitcast3A_906 : vector<16xf32>
        %add3A_909 = arith.constant 1 : i32
        %add3A_910 = arith.addi %add3A_867, %add3A_909 : i32
        %get3A_911 = arith.index_cast %add3A_910 : i32 to index
        %get3A_912 = arith.constant 16 : index
        %get3A_913 = tpu.vector_load %arg7[%get3A_911, %get3A_912] {strides = array<i32>} : memref<800x32xi32, #tpu.memory_space<vmem>>, vector<16xi32>,
        %shift_left3A_914 = arith.constant 16 : i32
        %shift_left3A_915 = vector.broadcast %shift_left3A_914 : i32 to vector<16xi32>
        %shift_left3A_916 = arith.shli %get3A_913, %shift_left3A_915 : vector<16xi32>
        %bitcast3A_917 = vector.bitcast %shift_left3A_916 : vector<16xi32> to vector<16xf32>
        %and3A_918 = arith.constant -65536 : i32
        %and3A_919 = vector.broadcast %and3A_918 : i32 to vector<16xi32>
        %and3A_920 = arith.andi %get3A_913, %and3A_919 : vector<16xi32>
        %bitcast3A_921 = vector.bitcast %and3A_920 : vector<16xi32> to vector<16xf32>
        %add3A_922 = arith.addf %scan3A_862, %bitcast3A_917 : vector<16xf32>
        %add3A_923 = arith.addf %scan3A_863, %bitcast3A_921 : vector<16xf32>
        scf.yield %add3A_877, %add3A_878, %add3A_892, %add3A_893, %add3A_907, %add3A_908, %add3A_922, %add3A_923 : vector<16xf32>, vector<16xf32>, vector<16xf32>, vector<16xf32>, vector<16xf32>, vector<16xf32>, vector<16xf32>, vector<16xf32>
      }
      %scan3A_245 = arith.constant 50 : i32
      %add3A_246 = arith.addf %scan3A_244#0, %scan3A_244#4 : vector<16xf32>
      %swap3A_247 = arith.constant 2 : i32
      %swap3A_248 = arith.index_cast %swap3A_247 : i32 to index
      %swap3A_249 = arith.constant 0 : index
      %swap3A_250 = tpu.vector_load %arg9[%swap3A_248, %swap3A_249] {strides = array<i32>} : memref<8x64xf32, #tpu.memory_space<vmem>>, vector<16xf32>,
      tpu.vector_store %arg9[%swap3A_248, %swap3A_249], %add3A_246 {strides = array<i32>} : memref<8x64xf32, #tpu.memory_space<vmem>>, vector<16xf32>,
      %add3A_251 = arith.addf %scan3A_244#1, %scan3A_244#5 : vector<16xf32>
      %swap3A_252 = arith.constant 2 : i32
      %swap3A_253 = arith.index_cast %swap3A_252 : i32 to index
      %swap3A_254 = arith.constant 16 : index
      %swap3A_255 = tpu.vector_load %arg9[%swap3A_253, %swap3A_254] {strides = array<i32>} : memref<8x64xf32, #tpu.memory_space<vmem>>, vector<16xf32>,
      tpu.vector_store %arg9[%swap3A_253, %swap3A_254], %add3A_251 {strides = array<i32>} : memref<8x64xf32, #tpu.memory_space<vmem>>, vector<16xf32>,
      %add3A_256 = arith.addf %scan3A_244#2, %scan3A_244#6 : vector<16xf32>
      %swap3A_257 = arith.constant 2 : i32
      %swap3A_258 = arith.index_cast %swap3A_257 : i32 to index
      %swap3A_259 = arith.constant 32 : index
      %swap3A_260 = tpu.vector_load %arg9[%swap3A_258, %swap3A_259] {strides = array<i32>} : memref<8x64xf32, #tpu.memory_space<vmem>>, vector<16xf32>,
      tpu.vector_store %arg9[%swap3A_258, %swap3A_259], %add3A_256 {strides = array<i32>} : memref<8x64xf32, #tpu.memory_space<vmem>>, vector<16xf32>,
      %add3A_261 = arith.addf %scan3A_244#3, %scan3A_244#7 : vector<16xf32>
      %swap3A_262 = arith.constant 2 : i32
      %swap3A_263 = arith.index_cast %swap3A_262 : i32 to index
      %swap3A_264 = arith.constant 48 : index
      %swap3A_265 = tpu.vector_load %arg9[%swap3A_263, %swap3A_264] {strides = array<i32>} : memref<8x64xf32, #tpu.memory_space<vmem>>, vector<16xf32>,
      tpu.vector_store %arg9[%swap3A_263, %swap3A_264], %add3A_261 {strides = array<i32>} : memref<8x64xf32, #tpu.memory_space<vmem>>, vector<16xf32>,
      %broadcast_in_dim3A_266 = arith.constant 0.000000e+00 : f32
      %broadcast_in_dim3A_267 = vector.broadcast %broadcast_in_dim3A_266 : f32 to vector<16xf32>
      %broadcast_in_dim3A_268 = arith.constant 0.000000e+00 : f32
      %broadcast_in_dim3A_269 = vector.broadcast %broadcast_in_dim3A_268 : f32 to vector<16xf32>
      %broadcast_in_dim3A_270 = arith.constant 0.000000e+00 : f32
      %broadcast_in_dim3A_271 = vector.broadcast %broadcast_in_dim3A_270 : f32 to vector<16xf32>
      %broadcast_in_dim3A_272 = arith.constant 0.000000e+00 : f32
      %broadcast_in_dim3A_273 = vector.broadcast %broadcast_in_dim3A_272 : f32 to vector<16xf32>
      %broadcast_in_dim3A_274 = arith.constant 0.000000e+00 : f32
      %broadcast_in_dim3A_275 = vector.broadcast %broadcast_in_dim3A_274 : f32 to vector<16xf32>
      %broadcast_in_dim3A_276 = arith.constant 0.000000e+00 : f32
      %broadcast_in_dim3A_277 = vector.broadcast %broadcast_in_dim3A_276 : f32 to vector<16xf32>
      %broadcast_in_dim3A_278 = arith.constant 0.000000e+00 : f32
      %broadcast_in_dim3A_279 = vector.broadcast %broadcast_in_dim3A_278 : f32 to vector<16xf32>
      %broadcast_in_dim3A_280 = arith.constant 0.000000e+00 : f32
      %broadcast_in_dim3A_281 = vector.broadcast %broadcast_in_dim3A_280 : f32 to vector<16xf32>
      %scan3A_282 = arith.constant 0 : i32
      %scan3A_283 = arith.constant 50 : i32
      %scan3A_284 = arith.addi %scan3A_282, %scan3A_283 : i32
      %scan3A_285 = arith.constant 1 : i32
      %scan3A_286:8 = scf.for %scan3A_855 = %scan3A_282 to %scan3A_284 step %scan3A_285 iter_args(%scan3A_856 = %broadcast_in_dim3A_267, %scan3A_857 = %broadcast_in_dim3A_269, %scan3A_858 = %broadcast_in_dim3A_271, %scan3A_859 = %broadcast_in_dim3A_273, %scan3A_860 = %broadcast_in_dim3A_275, %scan3A_861 = %broadcast_in_dim3A_277, %scan3A_862 = %broadcast_in_dim3A_279, %scan3A_863 = %broadcast_in_dim3A_281) -> (vector<16xf32>, vector<16xf32>, vector<16xf32>, vector<16xf32>, vector<16xf32>, vector<16xf32>, vector<16xf32>, vector<16xf32>)  : i32 {
        %mul3A_864 = arith.constant 2 : i32
        %mul3A_865 = arith.muli %mul3A_864, %scan3A_855 : i32
        %add3A_866 = arith.constant 300 : i32
        %add3A_867 = arith.addi %add3A_866, %mul3A_865 : i32
        %add3A_868 = arith.constant 0 : i32
        %add3A_869 = arith.addi %add3A_867, %add3A_868 : i32
        %get3A = arith.index_cast %add3A_869 : i32 to index
        %get3A_870 = arith.constant 0 : index
        %get3A_871 = tpu.vector_load %arg7[%get3A, %get3A_870] {strides = array<i32>} : memref<800x32xi32, #tpu.memory_space<vmem>>, vector<16xi32>,
        %shift_left3A = arith.constant 16 : i32
        %shift_left3A_872 = vector.broadcast %shift_left3A : i32 to vector<16xi32>
        %shift_left3A_873 = arith.shli %get3A_871, %shift_left3A_872 : vector<16xi32>
        %bitcast3A = vector.bitcast %shift_left3A_873 : vector<16xi32> to vector<16xf32>
        %and3A = arith.constant -65536 : i32
        %and3A_874 = vector.broadcast %and3A : i32 to vector<16xi32>
        %and3A_875 = arith.andi %get3A_871, %and3A_874 : vector<16xi32>
        %bitcast3A_876 = vector.bitcast %and3A_875 : vector<16xi32> to vector<16xf32>
        %add3A_877 = arith.addf %scan3A_856, %bitcast3A : vector<16xf32>
        %add3A_878 = arith.addf %scan3A_857, %bitcast3A_876 : vector<16xf32>
        %add3A_879 = arith.constant 0 : i32
        %add3A_880 = arith.addi %add3A_867, %add3A_879 : i32
        %get3A_881 = arith.index_cast %add3A_880 : i32 to index
        %get3A_882 = arith.constant 16 : index
        %get3A_883 = tpu.vector_load %arg7[%get3A_881, %get3A_882] {strides = array<i32>} : memref<800x32xi32, #tpu.memory_space<vmem>>, vector<16xi32>,
        %shift_left3A_884 = arith.constant 16 : i32
        %shift_left3A_885 = vector.broadcast %shift_left3A_884 : i32 to vector<16xi32>
        %shift_left3A_886 = arith.shli %get3A_883, %shift_left3A_885 : vector<16xi32>
        %bitcast3A_887 = vector.bitcast %shift_left3A_886 : vector<16xi32> to vector<16xf32>
        %and3A_888 = arith.constant -65536 : i32
        %and3A_889 = vector.broadcast %and3A_888 : i32 to vector<16xi32>
        %and3A_890 = arith.andi %get3A_883, %and3A_889 : vector<16xi32>
        %bitcast3A_891 = vector.bitcast %and3A_890 : vector<16xi32> to vector<16xf32>
        %add3A_892 = arith.addf %scan3A_858, %bitcast3A_887 : vector<16xf32>
        %add3A_893 = arith.addf %scan3A_859, %bitcast3A_891 : vector<16xf32>
        %add3A_894 = arith.constant 1 : i32
        %add3A_895 = arith.addi %add3A_867, %add3A_894 : i32
        %get3A_896 = arith.index_cast %add3A_895 : i32 to index
        %get3A_897 = arith.constant 0 : index
        %get3A_898 = tpu.vector_load %arg7[%get3A_896, %get3A_897] {strides = array<i32>} : memref<800x32xi32, #tpu.memory_space<vmem>>, vector<16xi32>,
        %shift_left3A_899 = arith.constant 16 : i32
        %shift_left3A_900 = vector.broadcast %shift_left3A_899 : i32 to vector<16xi32>
        %shift_left3A_901 = arith.shli %get3A_898, %shift_left3A_900 : vector<16xi32>
        %bitcast3A_902 = vector.bitcast %shift_left3A_901 : vector<16xi32> to vector<16xf32>
        %and3A_903 = arith.constant -65536 : i32
        %and3A_904 = vector.broadcast %and3A_903 : i32 to vector<16xi32>
        %and3A_905 = arith.andi %get3A_898, %and3A_904 : vector<16xi32>
        %bitcast3A_906 = vector.bitcast %and3A_905 : vector<16xi32> to vector<16xf32>
        %add3A_907 = arith.addf %scan3A_860, %bitcast3A_902 : vector<16xf32>
        %add3A_908 = arith.addf %scan3A_861, %bitcast3A_906 : vector<16xf32>
        %add3A_909 = arith.constant 1 : i32
        %add3A_910 = arith.addi %add3A_867, %add3A_909 : i32
        %get3A_911 = arith.index_cast %add3A_910 : i32 to index
        %get3A_912 = arith.constant 16 : index
        %get3A_913 = tpu.vector_load %arg7[%get3A_911, %get3A_912] {strides = array<i32>} : memref<800x32xi32, #tpu.memory_space<vmem>>, vector<16xi32>,
        %shift_left3A_914 = arith.constant 16 : i32
        %shift_left3A_915 = vector.broadcast %shift_left3A_914 : i32 to vector<16xi32>
        %shift_left3A_916 = arith.shli %get3A_913, %shift_left3A_915 : vector<16xi32>
        %bitcast3A_917 = vector.bitcast %shift_left3A_916 : vector<16xi32> to vector<16xf32>
        %and3A_918 = arith.constant -65536 : i32
        %and3A_919 = vector.broadcast %and3A_918 : i32 to vector<16xi32>
        %and3A_920 = arith.andi %get3A_913, %and3A_919 : vector<16xi32>
        %bitcast3A_921 = vector.bitcast %and3A_920 : vector<16xi32> to vector<16xf32>
        %add3A_922 = arith.addf %scan3A_862, %bitcast3A_917 : vector<16xf32>
        %add3A_923 = arith.addf %scan3A_863, %bitcast3A_921 : vector<16xf32>
        scf.yield %add3A_877, %add3A_878, %add3A_892, %add3A_893, %add3A_907, %add3A_908, %add3A_922, %add3A_923 : vector<16xf32>, vector<16xf32>, vector<16xf32>, vector<16xf32>, vector<16xf32>, vector<16xf32>, vector<16xf32>, vector<16xf32>
      }
      %scan3A_287 = arith.constant 50 : i32
      %add3A_288 = arith.addf %scan3A_286#0, %scan3A_286#4 : vector<16xf32>
      %swap3A_289 = arith.constant 3 : i32
      %swap3A_290 = arith.index_cast %swap3A_289 : i32 to index
      %swap3A_291 = arith.constant 0 : index
      %swap3A_292 = tpu.vector_load %arg9[%swap3A_290, %swap3A_291] {strides = array<i32>} : memref<8x64xf32, #tpu.memory_space<vmem>>, vector<16xf32>,
      tpu.vector_store %arg9[%swap3A_290, %swap3A_291], %add3A_288 {strides = array<i32>} : memref<8x64xf32, #tpu.memory_space<vmem>>, vector<16xf32>,
      %add3A_293 = arith.addf %scan3A_286#1, %scan3A_286#5 : vector<16xf32>
      %swap3A_294 = arith.constant 3 : i32
      %swap3A_295 = arith.index_cast %swap3A_294 : i32 to index
      %swap3A_296 = arith.constant 16 : index
      %swap3A_297 = tpu.vector_load %arg9[%swap3A_295, %swap3A_296] {strides = array<i32>} : memref<8x64xf32, #tpu.memory_space<vmem>>, vector<16xf32>,
      tpu.vector_store %arg9[%swap3A_295, %swap3A_296], %add3A_293 {strides = array<i32>} : memref<8x64xf32, #tpu.memory_space<vmem>>, vector<16xf32>,
      %add3A_298 = arith.addf %scan3A_286#2, %scan3A_286#6 : vector<16xf32>
      %swap3A_299 = arith.constant 3 : i32
      %swap3A_300 = arith.index_cast %swap3A_299 : i32 to index
      %swap3A_301 = arith.constant 32 : index
      %swap3A_302 = tpu.vector_load %arg9[%swap3A_300, %swap3A_301] {strides = array<i32>} : memref<8x64xf32, #tpu.memory_space<vmem>>, vector<16xf32>,
      tpu.vector_store %arg9[%swap3A_300, %swap3A_301], %add3A_298 {strides = array<i32>} : memref<8x64xf32, #tpu.memory_space<vmem>>, vector<16xf32>,
      %add3A_303 = arith.addf %scan3A_286#3, %scan3A_286#7 : vector<16xf32>
      %swap3A_304 = arith.constant 3 : i32
      %swap3A_305 = arith.index_cast %swap3A_304 : i32 to index
      %swap3A_306 = arith.constant 48 : index
      %swap3A_307 = tpu.vector_load %arg9[%swap3A_305, %swap3A_306] {strides = array<i32>} : memref<8x64xf32, #tpu.memory_space<vmem>>, vector<16xf32>,
      tpu.vector_store %arg9[%swap3A_305, %swap3A_306], %add3A_303 {strides = array<i32>} : memref<8x64xf32, #tpu.memory_space<vmem>>, vector<16xf32>,
      %broadcast_in_dim3A_308 = arith.constant 0.000000e+00 : f32
      %broadcast_in_dim3A_309 = vector.broadcast %broadcast_in_dim3A_308 : f32 to vector<16xf32>
      %broadcast_in_dim3A_310 = arith.constant 0.000000e+00 : f32
      %broadcast_in_dim3A_311 = vector.broadcast %broadcast_in_dim3A_310 : f32 to vector<16xf32>
      %broadcast_in_dim3A_312 = arith.constant 0.000000e+00 : f32
      %broadcast_in_dim3A_313 = vector.broadcast %broadcast_in_dim3A_312 : f32 to vector<16xf32>
      %broadcast_in_dim3A_314 = arith.constant 0.000000e+00 : f32
      %broadcast_in_dim3A_315 = vector.broadcast %broadcast_in_dim3A_314 : f32 to vector<16xf32>
      %broadcast_in_dim3A_316 = arith.constant 0.000000e+00 : f32
      %broadcast_in_dim3A_317 = vector.broadcast %broadcast_in_dim3A_316 : f32 to vector<16xf32>
      %broadcast_in_dim3A_318 = arith.constant 0.000000e+00 : f32
      %broadcast_in_dim3A_319 = vector.broadcast %broadcast_in_dim3A_318 : f32 to vector<16xf32>
      %broadcast_in_dim3A_320 = arith.constant 0.000000e+00 : f32
      %broadcast_in_dim3A_321 = vector.broadcast %broadcast_in_dim3A_320 : f32 to vector<16xf32>
      %broadcast_in_dim3A_322 = arith.constant 0.000000e+00 : f32
      %broadcast_in_dim3A_323 = vector.broadcast %broadcast_in_dim3A_322 : f32 to vector<16xf32>
      %scan3A_324 = arith.constant 0 : i32
      %scan3A_325 = arith.constant 50 : i32
      %scan3A_326 = arith.addi %scan3A_324, %scan3A_325 : i32
      %scan3A_327 = arith.constant 1 : i32
      %scan3A_328:8 = scf.for %scan3A_855 = %scan3A_324 to %scan3A_326 step %scan3A_327 iter_args(%scan3A_856 = %broadcast_in_dim3A_309, %scan3A_857 = %broadcast_in_dim3A_311, %scan3A_858 = %broadcast_in_dim3A_313, %scan3A_859 = %broadcast_in_dim3A_315, %scan3A_860 = %broadcast_in_dim3A_317, %scan3A_861 = %broadcast_in_dim3A_319, %scan3A_862 = %broadcast_in_dim3A_321, %scan3A_863 = %broadcast_in_dim3A_323) -> (vector<16xf32>, vector<16xf32>, vector<16xf32>, vector<16xf32>, vector<16xf32>, vector<16xf32>, vector<16xf32>, vector<16xf32>)  : i32 {
        %mul3A_864 = arith.constant 2 : i32
        %mul3A_865 = arith.muli %mul3A_864, %scan3A_855 : i32
        %add3A_866 = arith.constant 400 : i32
        %add3A_867 = arith.addi %add3A_866, %mul3A_865 : i32
        %add3A_868 = arith.constant 0 : i32
        %add3A_869 = arith.addi %add3A_867, %add3A_868 : i32
        %get3A = arith.index_cast %add3A_869 : i32 to index
        %get3A_870 = arith.constant 0 : index
        %get3A_871 = tpu.vector_load %arg7[%get3A, %get3A_870] {strides = array<i32>} : memref<800x32xi32, #tpu.memory_space<vmem>>, vector<16xi32>,
        %shift_left3A = arith.constant 16 : i32
        %shift_left3A_872 = vector.broadcast %shift_left3A : i32 to vector<16xi32>
        %shift_left3A_873 = arith.shli %get3A_871, %shift_left3A_872 : vector<16xi32>
        %bitcast3A = vector.bitcast %shift_left3A_873 : vector<16xi32> to vector<16xf32>
        %and3A = arith.constant -65536 : i32
        %and3A_874 = vector.broadcast %and3A : i32 to vector<16xi32>
        %and3A_875 = arith.andi %get3A_871, %and3A_874 : vector<16xi32>
        %bitcast3A_876 = vector.bitcast %and3A_875 : vector<16xi32> to vector<16xf32>
        %add3A_877 = arith.addf %scan3A_856, %bitcast3A : vector<16xf32>
        %add3A_878 = arith.addf %scan3A_857, %bitcast3A_876 : vector<16xf32>
        %add3A_879 = arith.constant 0 : i32
        %add3A_880 = arith.addi %add3A_867, %add3A_879 : i32
        %get3A_881 = arith.index_cast %add3A_880 : i32 to index
        %get3A_882 = arith.constant 16 : index
        %get3A_883 = tpu.vector_load %arg7[%get3A_881, %get3A_882] {strides = array<i32>} : memref<800x32xi32, #tpu.memory_space<vmem>>, vector<16xi32>,
        %shift_left3A_884 = arith.constant 16 : i32
        %shift_left3A_885 = vector.broadcast %shift_left3A_884 : i32 to vector<16xi32>
        %shift_left3A_886 = arith.shli %get3A_883, %shift_left3A_885 : vector<16xi32>
        %bitcast3A_887 = vector.bitcast %shift_left3A_886 : vector<16xi32> to vector<16xf32>
        %and3A_888 = arith.constant -65536 : i32
        %and3A_889 = vector.broadcast %and3A_888 : i32 to vector<16xi32>
        %and3A_890 = arith.andi %get3A_883, %and3A_889 : vector<16xi32>
        %bitcast3A_891 = vector.bitcast %and3A_890 : vector<16xi32> to vector<16xf32>
        %add3A_892 = arith.addf %scan3A_858, %bitcast3A_887 : vector<16xf32>
        %add3A_893 = arith.addf %scan3A_859, %bitcast3A_891 : vector<16xf32>
        %add3A_894 = arith.constant 1 : i32
        %add3A_895 = arith.addi %add3A_867, %add3A_894 : i32
        %get3A_896 = arith.index_cast %add3A_895 : i32 to index
        %get3A_897 = arith.constant 0 : index
        %get3A_898 = tpu.vector_load %arg7[%get3A_896, %get3A_897] {strides = array<i32>} : memref<800x32xi32, #tpu.memory_space<vmem>>, vector<16xi32>,
        %shift_left3A_899 = arith.constant 16 : i32
        %shift_left3A_900 = vector.broadcast %shift_left3A_899 : i32 to vector<16xi32>
        %shift_left3A_901 = arith.shli %get3A_898, %shift_left3A_900 : vector<16xi32>
        %bitcast3A_902 = vector.bitcast %shift_left3A_901 : vector<16xi32> to vector<16xf32>
        %and3A_903 = arith.constant -65536 : i32
        %and3A_904 = vector.broadcast %and3A_903 : i32 to vector<16xi32>
        %and3A_905 = arith.andi %get3A_898, %and3A_904 : vector<16xi32>
        %bitcast3A_906 = vector.bitcast %and3A_905 : vector<16xi32> to vector<16xf32>
        %add3A_907 = arith.addf %scan3A_860, %bitcast3A_902 : vector<16xf32>
        %add3A_908 = arith.addf %scan3A_861, %bitcast3A_906 : vector<16xf32>
        %add3A_909 = arith.constant 1 : i32
        %add3A_910 = arith.addi %add3A_867, %add3A_909 : i32
        %get3A_911 = arith.index_cast %add3A_910 : i32 to index
        %get3A_912 = arith.constant 16 : index
        %get3A_913 = tpu.vector_load %arg7[%get3A_911, %get3A_912] {strides = array<i32>} : memref<800x32xi32, #tpu.memory_space<vmem>>, vector<16xi32>,
        %shift_left3A_914 = arith.constant 16 : i32
        %shift_left3A_915 = vector.broadcast %shift_left3A_914 : i32 to vector<16xi32>
        %shift_left3A_916 = arith.shli %get3A_913, %shift_left3A_915 : vector<16xi32>
        %bitcast3A_917 = vector.bitcast %shift_left3A_916 : vector<16xi32> to vector<16xf32>
        %and3A_918 = arith.constant -65536 : i32
        %and3A_919 = vector.broadcast %and3A_918 : i32 to vector<16xi32>
        %and3A_920 = arith.andi %get3A_913, %and3A_919 : vector<16xi32>
        %bitcast3A_921 = vector.bitcast %and3A_920 : vector<16xi32> to vector<16xf32>
        %add3A_922 = arith.addf %scan3A_862, %bitcast3A_917 : vector<16xf32>
        %add3A_923 = arith.addf %scan3A_863, %bitcast3A_921 : vector<16xf32>
        scf.yield %add3A_877, %add3A_878, %add3A_892, %add3A_893, %add3A_907, %add3A_908, %add3A_922, %add3A_923 : vector<16xf32>, vector<16xf32>, vector<16xf32>, vector<16xf32>, vector<16xf32>, vector<16xf32>, vector<16xf32>, vector<16xf32>
      }
      %scan3A_329 = arith.constant 50 : i32
      %add3A_330 = arith.addf %scan3A_328#0, %scan3A_328#4 : vector<16xf32>
      %swap3A_331 = arith.constant 4 : i32
      %swap3A_332 = arith.index_cast %swap3A_331 : i32 to index
      %swap3A_333 = arith.constant 0 : index
      %swap3A_334 = tpu.vector_load %arg9[%swap3A_332, %swap3A_333] {strides = array<i32>} : memref<8x64xf32, #tpu.memory_space<vmem>>, vector<16xf32>,
      tpu.vector_store %arg9[%swap3A_332, %swap3A_333], %add3A_330 {strides = array<i32>} : memref<8x64xf32, #tpu.memory_space<vmem>>, vector<16xf32>,
      %add3A_335 = arith.addf %scan3A_328#1, %scan3A_328#5 : vector<16xf32>
      %swap3A_336 = arith.constant 4 : i32
      %swap3A_337 = arith.index_cast %swap3A_336 : i32 to index
      %swap3A_338 = arith.constant 16 : index
      %swap3A_339 = tpu.vector_load %arg9[%swap3A_337, %swap3A_338] {strides = array<i32>} : memref<8x64xf32, #tpu.memory_space<vmem>>, vector<16xf32>,
      tpu.vector_store %arg9[%swap3A_337, %swap3A_338], %add3A_335 {strides = array<i32>} : memref<8x64xf32, #tpu.memory_space<vmem>>, vector<16xf32>,
      %add3A_340 = arith.addf %scan3A_328#2, %scan3A_328#6 : vector<16xf32>
      %swap3A_341 = arith.constant 4 : i32
      %swap3A_342 = arith.index_cast %swap3A_341 : i32 to index
      %swap3A_343 = arith.constant 32 : index
      %swap3A_344 = tpu.vector_load %arg9[%swap3A_342, %swap3A_343] {strides = array<i32>} : memref<8x64xf32, #tpu.memory_space<vmem>>, vector<16xf32>,
      tpu.vector_store %arg9[%swap3A_342, %swap3A_343], %add3A_340 {strides = array<i32>} : memref<8x64xf32, #tpu.memory_space<vmem>>, vector<16xf32>,
      %add3A_345 = arith.addf %scan3A_328#3, %scan3A_328#7 : vector<16xf32>
      %swap3A_346 = arith.constant 4 : i32
      %swap3A_347 = arith.index_cast %swap3A_346 : i32 to index
      %swap3A_348 = arith.constant 48 : index
      %swap3A_349 = tpu.vector_load %arg9[%swap3A_347, %swap3A_348] {strides = array<i32>} : memref<8x64xf32, #tpu.memory_space<vmem>>, vector<16xf32>,
      tpu.vector_store %arg9[%swap3A_347, %swap3A_348], %add3A_345 {strides = array<i32>} : memref<8x64xf32, #tpu.memory_space<vmem>>, vector<16xf32>,
      %broadcast_in_dim3A_350 = arith.constant 0.000000e+00 : f32
      %broadcast_in_dim3A_351 = vector.broadcast %broadcast_in_dim3A_350 : f32 to vector<16xf32>
      %broadcast_in_dim3A_352 = arith.constant 0.000000e+00 : f32
      %broadcast_in_dim3A_353 = vector.broadcast %broadcast_in_dim3A_352 : f32 to vector<16xf32>
      %broadcast_in_dim3A_354 = arith.constant 0.000000e+00 : f32
      %broadcast_in_dim3A_355 = vector.broadcast %broadcast_in_dim3A_354 : f32 to vector<16xf32>
      %broadcast_in_dim3A_356 = arith.constant 0.000000e+00 : f32
      %broadcast_in_dim3A_357 = vector.broadcast %broadcast_in_dim3A_356 : f32 to vector<16xf32>
      %broadcast_in_dim3A_358 = arith.constant 0.000000e+00 : f32
      %broadcast_in_dim3A_359 = vector.broadcast %broadcast_in_dim3A_358 : f32 to vector<16xf32>
      %broadcast_in_dim3A_360 = arith.constant 0.000000e+00 : f32
      %broadcast_in_dim3A_361 = vector.broadcast %broadcast_in_dim3A_360 : f32 to vector<16xf32>
      %broadcast_in_dim3A_362 = arith.constant 0.000000e+00 : f32
      %broadcast_in_dim3A_363 = vector.broadcast %broadcast_in_dim3A_362 : f32 to vector<16xf32>
      %broadcast_in_dim3A_364 = arith.constant 0.000000e+00 : f32
      %broadcast_in_dim3A_365 = vector.broadcast %broadcast_in_dim3A_364 : f32 to vector<16xf32>
      %scan3A_366 = arith.constant 0 : i32
      %scan3A_367 = arith.constant 50 : i32
      %scan3A_368 = arith.addi %scan3A_366, %scan3A_367 : i32
      %scan3A_369 = arith.constant 1 : i32
      %scan3A_370:8 = scf.for %scan3A_855 = %scan3A_366 to %scan3A_368 step %scan3A_369 iter_args(%scan3A_856 = %broadcast_in_dim3A_351, %scan3A_857 = %broadcast_in_dim3A_353, %scan3A_858 = %broadcast_in_dim3A_355, %scan3A_859 = %broadcast_in_dim3A_357, %scan3A_860 = %broadcast_in_dim3A_359, %scan3A_861 = %broadcast_in_dim3A_361, %scan3A_862 = %broadcast_in_dim3A_363, %scan3A_863 = %broadcast_in_dim3A_365) -> (vector<16xf32>, vector<16xf32>, vector<16xf32>, vector<16xf32>, vector<16xf32>, vector<16xf32>, vector<16xf32>, vector<16xf32>)  : i32 {
        %mul3A_864 = arith.constant 2 : i32
        %mul3A_865 = arith.muli %mul3A_864, %scan3A_855 : i32
        %add3A_866 = arith.constant 500 : i32
        %add3A_867 = arith.addi %add3A_866, %mul3A_865 : i32
        %add3A_868 = arith.constant 0 : i32
        %add3A_869 = arith.addi %add3A_867, %add3A_868 : i32
        %get3A = arith.index_cast %add3A_869 : i32 to index
        %get3A_870 = arith.constant 0 : index
        %get3A_871 = tpu.vector_load %arg7[%get3A, %get3A_870] {strides = array<i32>} : memref<800x32xi32, #tpu.memory_space<vmem>>, vector<16xi32>,
        %shift_left3A = arith.constant 16 : i32
        %shift_left3A_872 = vector.broadcast %shift_left3A : i32 to vector<16xi32>
        %shift_left3A_873 = arith.shli %get3A_871, %shift_left3A_872 : vector<16xi32>
        %bitcast3A = vector.bitcast %shift_left3A_873 : vector<16xi32> to vector<16xf32>
        %and3A = arith.constant -65536 : i32
        %and3A_874 = vector.broadcast %and3A : i32 to vector<16xi32>
        %and3A_875 = arith.andi %get3A_871, %and3A_874 : vector<16xi32>
        %bitcast3A_876 = vector.bitcast %and3A_875 : vector<16xi32> to vector<16xf32>
        %add3A_877 = arith.addf %scan3A_856, %bitcast3A : vector<16xf32>
        %add3A_878 = arith.addf %scan3A_857, %bitcast3A_876 : vector<16xf32>
        %add3A_879 = arith.constant 0 : i32
        %add3A_880 = arith.addi %add3A_867, %add3A_879 : i32
        %get3A_881 = arith.index_cast %add3A_880 : i32 to index
        %get3A_882 = arith.constant 16 : index
        %get3A_883 = tpu.vector_load %arg7[%get3A_881, %get3A_882] {strides = array<i32>} : memref<800x32xi32, #tpu.memory_space<vmem>>, vector<16xi32>,
        %shift_left3A_884 = arith.constant 16 : i32
        %shift_left3A_885 = vector.broadcast %shift_left3A_884 : i32 to vector<16xi32>
        %shift_left3A_886 = arith.shli %get3A_883, %shift_left3A_885 : vector<16xi32>
        %bitcast3A_887 = vector.bitcast %shift_left3A_886 : vector<16xi32> to vector<16xf32>
        %and3A_888 = arith.constant -65536 : i32
        %and3A_889 = vector.broadcast %and3A_888 : i32 to vector<16xi32>
        %and3A_890 = arith.andi %get3A_883, %and3A_889 : vector<16xi32>
        %bitcast3A_891 = vector.bitcast %and3A_890 : vector<16xi32> to vector<16xf32>
        %add3A_892 = arith.addf %scan3A_858, %bitcast3A_887 : vector<16xf32>
        %add3A_893 = arith.addf %scan3A_859, %bitcast3A_891 : vector<16xf32>
        %add3A_894 = arith.constant 1 : i32
        %add3A_895 = arith.addi %add3A_867, %add3A_894 : i32
        %get3A_896 = arith.index_cast %add3A_895 : i32 to index
        %get3A_897 = arith.constant 0 : index
        %get3A_898 = tpu.vector_load %arg7[%get3A_896, %get3A_897] {strides = array<i32>} : memref<800x32xi32, #tpu.memory_space<vmem>>, vector<16xi32>,
        %shift_left3A_899 = arith.constant 16 : i32
        %shift_left3A_900 = vector.broadcast %shift_left3A_899 : i32 to vector<16xi32>
        %shift_left3A_901 = arith.shli %get3A_898, %shift_left3A_900 : vector<16xi32>
        %bitcast3A_902 = vector.bitcast %shift_left3A_901 : vector<16xi32> to vector<16xf32>
        %and3A_903 = arith.constant -65536 : i32
        %and3A_904 = vector.broadcast %and3A_903 : i32 to vector<16xi32>
        %and3A_905 = arith.andi %get3A_898, %and3A_904 : vector<16xi32>
        %bitcast3A_906 = vector.bitcast %and3A_905 : vector<16xi32> to vector<16xf32>
        %add3A_907 = arith.addf %scan3A_860, %bitcast3A_902 : vector<16xf32>
        %add3A_908 = arith.addf %scan3A_861, %bitcast3A_906 : vector<16xf32>
        %add3A_909 = arith.constant 1 : i32
        %add3A_910 = arith.addi %add3A_867, %add3A_909 : i32
        %get3A_911 = arith.index_cast %add3A_910 : i32 to index
        %get3A_912 = arith.constant 16 : index
        %get3A_913 = tpu.vector_load %arg7[%get3A_911, %get3A_912] {strides = array<i32>} : memref<800x32xi32, #tpu.memory_space<vmem>>, vector<16xi32>,
        %shift_left3A_914 = arith.constant 16 : i32
        %shift_left3A_915 = vector.broadcast %shift_left3A_914 : i32 to vector<16xi32>
        %shift_left3A_916 = arith.shli %get3A_913, %shift_left3A_915 : vector<16xi32>
        %bitcast3A_917 = vector.bitcast %shift_left3A_916 : vector<16xi32> to vector<16xf32>
        %and3A_918 = arith.constant -65536 : i32
        %and3A_919 = vector.broadcast %and3A_918 : i32 to vector<16xi32>
        %and3A_920 = arith.andi %get3A_913, %and3A_919 : vector<16xi32>
        %bitcast3A_921 = vector.bitcast %and3A_920 : vector<16xi32> to vector<16xf32>
        %add3A_922 = arith.addf %scan3A_862, %bitcast3A_917 : vector<16xf32>
        %add3A_923 = arith.addf %scan3A_863, %bitcast3A_921 : vector<16xf32>
        scf.yield %add3A_877, %add3A_878, %add3A_892, %add3A_893, %add3A_907, %add3A_908, %add3A_922, %add3A_923 : vector<16xf32>, vector<16xf32>, vector<16xf32>, vector<16xf32>, vector<16xf32>, vector<16xf32>, vector<16xf32>, vector<16xf32>
      }
      %scan3A_371 = arith.constant 50 : i32
      %add3A_372 = arith.addf %scan3A_370#0, %scan3A_370#4 : vector<16xf32>
      %swap3A_373 = arith.constant 5 : i32
      %swap3A_374 = arith.index_cast %swap3A_373 : i32 to index
      %swap3A_375 = arith.constant 0 : index
      %swap3A_376 = tpu.vector_load %arg9[%swap3A_374, %swap3A_375] {strides = array<i32>} : memref<8x64xf32, #tpu.memory_space<vmem>>, vector<16xf32>,
      tpu.vector_store %arg9[%swap3A_374, %swap3A_375], %add3A_372 {strides = array<i32>} : memref<8x64xf32, #tpu.memory_space<vmem>>, vector<16xf32>,
      %add3A_377 = arith.addf %scan3A_370#1, %scan3A_370#5 : vector<16xf32>
      %swap3A_378 = arith.constant 5 : i32
      %swap3A_379 = arith.index_cast %swap3A_378 : i32 to index
      %swap3A_380 = arith.constant 16 : index
      %swap3A_381 = tpu.vector_load %arg9[%swap3A_379, %swap3A_380] {strides = array<i32>} : memref<8x64xf32, #tpu.memory_space<vmem>>, vector<16xf32>,
      tpu.vector_store %arg9[%swap3A_379, %swap3A_380], %add3A_377 {strides = array<i32>} : memref<8x64xf32, #tpu.memory_space<vmem>>, vector<16xf32>,
      %add3A_382 = arith.addf %scan3A_370#2, %scan3A_370#6 : vector<16xf32>
      %swap3A_383 = arith.constant 5 : i32
      %swap3A_384 = arith.index_cast %swap3A_383 : i32 to index
      %swap3A_385 = arith.constant 32 : index
      %swap3A_386 = tpu.vector_load %arg9[%swap3A_384, %swap3A_385] {strides = array<i32>} : memref<8x64xf32, #tpu.memory_space<vmem>>, vector<16xf32>,
      tpu.vector_store %arg9[%swap3A_384, %swap3A_385], %add3A_382 {strides = array<i32>} : memref<8x64xf32, #tpu.memory_space<vmem>>, vector<16xf32>,
      %add3A_387 = arith.addf %scan3A_370#3, %scan3A_370#7 : vector<16xf32>
      %swap3A_388 = arith.constant 5 : i32
      %swap3A_389 = arith.index_cast %swap3A_388 : i32 to index
      %swap3A_390 = arith.constant 48 : index
      %swap3A_391 = tpu.vector_load %arg9[%swap3A_389, %swap3A_390] {strides = array<i32>} : memref<8x64xf32, #tpu.memory_space<vmem>>, vector<16xf32>,
      tpu.vector_store %arg9[%swap3A_389, %swap3A_390], %add3A_387 {strides = array<i32>} : memref<8x64xf32, #tpu.memory_space<vmem>>, vector<16xf32>,
      %broadcast_in_dim3A_392 = arith.constant 0.000000e+00 : f32
      %broadcast_in_dim3A_393 = vector.broadcast %broadcast_in_dim3A_392 : f32 to vector<16xf32>
      %broadcast_in_dim3A_394 = arith.constant 0.000000e+00 : f32
      %broadcast_in_dim3A_395 = vector.broadcast %broadcast_in_dim3A_394 : f32 to vector<16xf32>
      %broadcast_in_dim3A_396 = arith.constant 0.000000e+00 : f32
      %broadcast_in_dim3A_397 = vector.broadcast %broadcast_in_dim3A_396 : f32 to vector<16xf32>
      %broadcast_in_dim3A_398 = arith.constant 0.000000e+00 : f32
      %broadcast_in_dim3A_399 = vector.broadcast %broadcast_in_dim3A_398 : f32 to vector<16xf32>
      %broadcast_in_dim3A_400 = arith.constant 0.000000e+00 : f32
      %broadcast_in_dim3A_401 = vector.broadcast %broadcast_in_dim3A_400 : f32 to vector<16xf32>
      %broadcast_in_dim3A_402 = arith.constant 0.000000e+00 : f32
      %broadcast_in_dim3A_403 = vector.broadcast %broadcast_in_dim3A_402 : f32 to vector<16xf32>
      %broadcast_in_dim3A_404 = arith.constant 0.000000e+00 : f32
      %broadcast_in_dim3A_405 = vector.broadcast %broadcast_in_dim3A_404 : f32 to vector<16xf32>
      %broadcast_in_dim3A_406 = arith.constant 0.000000e+00 : f32
      %broadcast_in_dim3A_407 = vector.broadcast %broadcast_in_dim3A_406 : f32 to vector<16xf32>
      %scan3A_408 = arith.constant 0 : i32
      %scan3A_409 = arith.constant 50 : i32
      %scan3A_410 = arith.addi %scan3A_408, %scan3A_409 : i32
      %scan3A_411 = arith.constant 1 : i32
      %scan3A_412:8 = scf.for %scan3A_855 = %scan3A_408 to %scan3A_410 step %scan3A_411 iter_args(%scan3A_856 = %broadcast_in_dim3A_393, %scan3A_857 = %broadcast_in_dim3A_395, %scan3A_858 = %broadcast_in_dim3A_397, %scan3A_859 = %broadcast_in_dim3A_399, %scan3A_860 = %broadcast_in_dim3A_401, %scan3A_861 = %broadcast_in_dim3A_403, %scan3A_862 = %broadcast_in_dim3A_405, %scan3A_863 = %broadcast_in_dim3A_407) -> (vector<16xf32>, vector<16xf32>, vector<16xf32>, vector<16xf32>, vector<16xf32>, vector<16xf32>, vector<16xf32>, vector<16xf32>)  : i32 {
        %mul3A_864 = arith.constant 2 : i32
        %mul3A_865 = arith.muli %mul3A_864, %scan3A_855 : i32
        %add3A_866 = arith.constant 600 : i32
        %add3A_867 = arith.addi %add3A_866, %mul3A_865 : i32
        %add3A_868 = arith.constant 0 : i32
        %add3A_869 = arith.addi %add3A_867, %add3A_868 : i32
        %get3A = arith.index_cast %add3A_869 : i32 to index
        %get3A_870 = arith.constant 0 : index
        %get3A_871 = tpu.vector_load %arg7[%get3A, %get3A_870] {strides = array<i32>} : memref<800x32xi32, #tpu.memory_space<vmem>>, vector<16xi32>,
        %shift_left3A = arith.constant 16 : i32
        %shift_left3A_872 = vector.broadcast %shift_left3A : i32 to vector<16xi32>
        %shift_left3A_873 = arith.shli %get3A_871, %shift_left3A_872 : vector<16xi32>
        %bitcast3A = vector.bitcast %shift_left3A_873 : vector<16xi32> to vector<16xf32>
        %and3A = arith.constant -65536 : i32
        %and3A_874 = vector.broadcast %and3A : i32 to vector<16xi32>
        %and3A_875 = arith.andi %get3A_871, %and3A_874 : vector<16xi32>
        %bitcast3A_876 = vector.bitcast %and3A_875 : vector<16xi32> to vector<16xf32>
        %add3A_877 = arith.addf %scan3A_856, %bitcast3A : vector<16xf32>
        %add3A_878 = arith.addf %scan3A_857, %bitcast3A_876 : vector<16xf32>
        %add3A_879 = arith.constant 0 : i32
        %add3A_880 = arith.addi %add3A_867, %add3A_879 : i32
        %get3A_881 = arith.index_cast %add3A_880 : i32 to index
        %get3A_882 = arith.constant 16 : index
        %get3A_883 = tpu.vector_load %arg7[%get3A_881, %get3A_882] {strides = array<i32>} : memref<800x32xi32, #tpu.memory_space<vmem>>, vector<16xi32>,
        %shift_left3A_884 = arith.constant 16 : i32
        %shift_left3A_885 = vector.broadcast %shift_left3A_884 : i32 to vector<16xi32>
        %shift_left3A_886 = arith.shli %get3A_883, %shift_left3A_885 : vector<16xi32>
        %bitcast3A_887 = vector.bitcast %shift_left3A_886 : vector<16xi32> to vector<16xf32>
        %and3A_888 = arith.constant -65536 : i32
        %and3A_889 = vector.broadcast %and3A_888 : i32 to vector<16xi32>
        %and3A_890 = arith.andi %get3A_883, %and3A_889 : vector<16xi32>
        %bitcast3A_891 = vector.bitcast %and3A_890 : vector<16xi32> to vector<16xf32>
        %add3A_892 = arith.addf %scan3A_858, %bitcast3A_887 : vector<16xf32>
        %add3A_893 = arith.addf %scan3A_859, %bitcast3A_891 : vector<16xf32>
        %add3A_894 = arith.constant 1 : i32
        %add3A_895 = arith.addi %add3A_867, %add3A_894 : i32
        %get3A_896 = arith.index_cast %add3A_895 : i32 to index
        %get3A_897 = arith.constant 0 : index
        %get3A_898 = tpu.vector_load %arg7[%get3A_896, %get3A_897] {strides = array<i32>} : memref<800x32xi32, #tpu.memory_space<vmem>>, vector<16xi32>,
        %shift_left3A_899 = arith.constant 16 : i32
        %shift_left3A_900 = vector.broadcast %shift_left3A_899 : i32 to vector<16xi32>
        %shift_left3A_901 = arith.shli %get3A_898, %shift_left3A_900 : vector<16xi32>
        %bitcast3A_902 = vector.bitcast %shift_left3A_901 : vector<16xi32> to vector<16xf32>
        %and3A_903 = arith.constant -65536 : i32
        %and3A_904 = vector.broadcast %and3A_903 : i32 to vector<16xi32>
        %and3A_905 = arith.andi %get3A_898, %and3A_904 : vector<16xi32>
        %bitcast3A_906 = vector.bitcast %and3A_905 : vector<16xi32> to vector<16xf32>
        %add3A_907 = arith.addf %scan3A_860, %bitcast3A_902 : vector<16xf32>
        %add3A_908 = arith.addf %scan3A_861, %bitcast3A_906 : vector<16xf32>
        %add3A_909 = arith.constant 1 : i32
        %add3A_910 = arith.addi %add3A_867, %add3A_909 : i32
        %get3A_911 = arith.index_cast %add3A_910 : i32 to index
        %get3A_912 = arith.constant 16 : index
        %get3A_913 = tpu.vector_load %arg7[%get3A_911, %get3A_912] {strides = array<i32>} : memref<800x32xi32, #tpu.memory_space<vmem>>, vector<16xi32>,
        %shift_left3A_914 = arith.constant 16 : i32
        %shift_left3A_915 = vector.broadcast %shift_left3A_914 : i32 to vector<16xi32>
        %shift_left3A_916 = arith.shli %get3A_913, %shift_left3A_915 : vector<16xi32>
        %bitcast3A_917 = vector.bitcast %shift_left3A_916 : vector<16xi32> to vector<16xf32>
        %and3A_918 = arith.constant -65536 : i32
        %and3A_919 = vector.broadcast %and3A_918 : i32 to vector<16xi32>
        %and3A_920 = arith.andi %get3A_913, %and3A_919 : vector<16xi32>
        %bitcast3A_921 = vector.bitcast %and3A_920 : vector<16xi32> to vector<16xf32>
        %add3A_922 = arith.addf %scan3A_862, %bitcast3A_917 : vector<16xf32>
        %add3A_923 = arith.addf %scan3A_863, %bitcast3A_921 : vector<16xf32>
        scf.yield %add3A_877, %add3A_878, %add3A_892, %add3A_893, %add3A_907, %add3A_908, %add3A_922, %add3A_923 : vector<16xf32>, vector<16xf32>, vector<16xf32>, vector<16xf32>, vector<16xf32>, vector<16xf32>, vector<16xf32>, vector<16xf32>
      }
      %scan3A_413 = arith.constant 50 : i32
      %add3A_414 = arith.addf %scan3A_412#0, %scan3A_412#4 : vector<16xf32>
      %swap3A_415 = arith.constant 6 : i32
      %swap3A_416 = arith.index_cast %swap3A_415 : i32 to index
      %swap3A_417 = arith.constant 0 : index
      %swap3A_418 = tpu.vector_load %arg9[%swap3A_416, %swap3A_417] {strides = array<i32>} : memref<8x64xf32, #tpu.memory_space<vmem>>, vector<16xf32>,
      tpu.vector_store %arg9[%swap3A_416, %swap3A_417], %add3A_414 {strides = array<i32>} : memref<8x64xf32, #tpu.memory_space<vmem>>, vector<16xf32>,
      %add3A_419 = arith.addf %scan3A_412#1, %scan3A_412#5 : vector<16xf32>
      %swap3A_420 = arith.constant 6 : i32
      %swap3A_421 = arith.index_cast %swap3A_420 : i32 to index
      %swap3A_422 = arith.constant 16 : index
      %swap3A_423 = tpu.vector_load %arg9[%swap3A_421, %swap3A_422] {strides = array<i32>} : memref<8x64xf32, #tpu.memory_space<vmem>>, vector<16xf32>,
      tpu.vector_store %arg9[%swap3A_421, %swap3A_422], %add3A_419 {strides = array<i32>} : memref<8x64xf32, #tpu.memory_space<vmem>>, vector<16xf32>,
      %add3A_424 = arith.addf %scan3A_412#2, %scan3A_412#6 : vector<16xf32>
      %swap3A_425 = arith.constant 6 : i32
      %swap3A_426 = arith.index_cast %swap3A_425 : i32 to index
      %swap3A_427 = arith.constant 32 : index
      %swap3A_428 = tpu.vector_load %arg9[%swap3A_426, %swap3A_427] {strides = array<i32>} : memref<8x64xf32, #tpu.memory_space<vmem>>, vector<16xf32>,
      tpu.vector_store %arg9[%swap3A_426, %swap3A_427], %add3A_424 {strides = array<i32>} : memref<8x64xf32, #tpu.memory_space<vmem>>, vector<16xf32>,
      %add3A_429 = arith.addf %scan3A_412#3, %scan3A_412#7 : vector<16xf32>
      %swap3A_430 = arith.constant 6 : i32
      %swap3A_431 = arith.index_cast %swap3A_430 : i32 to index
      %swap3A_432 = arith.constant 48 : index
      %swap3A_433 = tpu.vector_load %arg9[%swap3A_431, %swap3A_432] {strides = array<i32>} : memref<8x64xf32, #tpu.memory_space<vmem>>, vector<16xf32>,
      tpu.vector_store %arg9[%swap3A_431, %swap3A_432], %add3A_429 {strides = array<i32>} : memref<8x64xf32, #tpu.memory_space<vmem>>, vector<16xf32>,
      %broadcast_in_dim3A_434 = arith.constant 0.000000e+00 : f32
      %broadcast_in_dim3A_435 = vector.broadcast %broadcast_in_dim3A_434 : f32 to vector<16xf32>
      %broadcast_in_dim3A_436 = arith.constant 0.000000e+00 : f32
      %broadcast_in_dim3A_437 = vector.broadcast %broadcast_in_dim3A_436 : f32 to vector<16xf32>
      %broadcast_in_dim3A_438 = arith.constant 0.000000e+00 : f32
      %broadcast_in_dim3A_439 = vector.broadcast %broadcast_in_dim3A_438 : f32 to vector<16xf32>
      %broadcast_in_dim3A_440 = arith.constant 0.000000e+00 : f32
      %broadcast_in_dim3A_441 = vector.broadcast %broadcast_in_dim3A_440 : f32 to vector<16xf32>
      %broadcast_in_dim3A_442 = arith.constant 0.000000e+00 : f32
      %broadcast_in_dim3A_443 = vector.broadcast %broadcast_in_dim3A_442 : f32 to vector<16xf32>
      %broadcast_in_dim3A_444 = arith.constant 0.000000e+00 : f32
      %broadcast_in_dim3A_445 = vector.broadcast %broadcast_in_dim3A_444 : f32 to vector<16xf32>
      %broadcast_in_dim3A_446 = arith.constant 0.000000e+00 : f32
      %broadcast_in_dim3A_447 = vector.broadcast %broadcast_in_dim3A_446 : f32 to vector<16xf32>
      %broadcast_in_dim3A_448 = arith.constant 0.000000e+00 : f32
      %broadcast_in_dim3A_449 = vector.broadcast %broadcast_in_dim3A_448 : f32 to vector<16xf32>
      %scan3A_450 = arith.constant 0 : i32
      %scan3A_451 = arith.constant 50 : i32
      %scan3A_452 = arith.addi %scan3A_450, %scan3A_451 : i32
      %scan3A_453 = arith.constant 1 : i32
      %scan3A_454:8 = scf.for %scan3A_855 = %scan3A_450 to %scan3A_452 step %scan3A_453 iter_args(%scan3A_856 = %broadcast_in_dim3A_435, %scan3A_857 = %broadcast_in_dim3A_437, %scan3A_858 = %broadcast_in_dim3A_439, %scan3A_859 = %broadcast_in_dim3A_441, %scan3A_860 = %broadcast_in_dim3A_443, %scan3A_861 = %broadcast_in_dim3A_445, %scan3A_862 = %broadcast_in_dim3A_447, %scan3A_863 = %broadcast_in_dim3A_449) -> (vector<16xf32>, vector<16xf32>, vector<16xf32>, vector<16xf32>, vector<16xf32>, vector<16xf32>, vector<16xf32>, vector<16xf32>)  : i32 {
        %mul3A_864 = arith.constant 2 : i32
        %mul3A_865 = arith.muli %mul3A_864, %scan3A_855 : i32
        %add3A_866 = arith.constant 700 : i32
        %add3A_867 = arith.addi %add3A_866, %mul3A_865 : i32
        %add3A_868 = arith.constant 0 : i32
        %add3A_869 = arith.addi %add3A_867, %add3A_868 : i32
        %get3A = arith.index_cast %add3A_869 : i32 to index
        %get3A_870 = arith.constant 0 : index
        %get3A_871 = tpu.vector_load %arg7[%get3A, %get3A_870] {strides = array<i32>} : memref<800x32xi32, #tpu.memory_space<vmem>>, vector<16xi32>,
        %shift_left3A = arith.constant 16 : i32
        %shift_left3A_872 = vector.broadcast %shift_left3A : i32 to vector<16xi32>
        %shift_left3A_873 = arith.shli %get3A_871, %shift_left3A_872 : vector<16xi32>
        %bitcast3A = vector.bitcast %shift_left3A_873 : vector<16xi32> to vector<16xf32>
        %and3A = arith.constant -65536 : i32
        %and3A_874 = vector.broadcast %and3A : i32 to vector<16xi32>
        %and3A_875 = arith.andi %get3A_871, %and3A_874 : vector<16xi32>
        %bitcast3A_876 = vector.bitcast %and3A_875 : vector<16xi32> to vector<16xf32>
        %add3A_877 = arith.addf %scan3A_856, %bitcast3A : vector<16xf32>
        %add3A_878 = arith.addf %scan3A_857, %bitcast3A_876 : vector<16xf32>
        %add3A_879 = arith.constant 0 : i32
        %add3A_880 = arith.addi %add3A_867, %add3A_879 : i32
        %get3A_881 = arith.index_cast %add3A_880 : i32 to index
        %get3A_882 = arith.constant 16 : index
        %get3A_883 = tpu.vector_load %arg7[%get3A_881, %get3A_882] {strides = array<i32>} : memref<800x32xi32, #tpu.memory_space<vmem>>, vector<16xi32>,
        %shift_left3A_884 = arith.constant 16 : i32
        %shift_left3A_885 = vector.broadcast %shift_left3A_884 : i32 to vector<16xi32>
        %shift_left3A_886 = arith.shli %get3A_883, %shift_left3A_885 : vector<16xi32>
        %bitcast3A_887 = vector.bitcast %shift_left3A_886 : vector<16xi32> to vector<16xf32>
        %and3A_888 = arith.constant -65536 : i32
        %and3A_889 = vector.broadcast %and3A_888 : i32 to vector<16xi32>
        %and3A_890 = arith.andi %get3A_883, %and3A_889 : vector<16xi32>
        %bitcast3A_891 = vector.bitcast %and3A_890 : vector<16xi32> to vector<16xf32>
        %add3A_892 = arith.addf %scan3A_858, %bitcast3A_887 : vector<16xf32>
        %add3A_893 = arith.addf %scan3A_859, %bitcast3A_891 : vector<16xf32>
        %add3A_894 = arith.constant 1 : i32
        %add3A_895 = arith.addi %add3A_867, %add3A_894 : i32
        %get3A_896 = arith.index_cast %add3A_895 : i32 to index
        %get3A_897 = arith.constant 0 : index
        %get3A_898 = tpu.vector_load %arg7[%get3A_896, %get3A_897] {strides = array<i32>} : memref<800x32xi32, #tpu.memory_space<vmem>>, vector<16xi32>,
        %shift_left3A_899 = arith.constant 16 : i32
        %shift_left3A_900 = vector.broadcast %shift_left3A_899 : i32 to vector<16xi32>
        %shift_left3A_901 = arith.shli %get3A_898, %shift_left3A_900 : vector<16xi32>
        %bitcast3A_902 = vector.bitcast %shift_left3A_901 : vector<16xi32> to vector<16xf32>
        %and3A_903 = arith.constant -65536 : i32
        %and3A_904 = vector.broadcast %and3A_903 : i32 to vector<16xi32>
        %and3A_905 = arith.andi %get3A_898, %and3A_904 : vector<16xi32>
        %bitcast3A_906 = vector.bitcast %and3A_905 : vector<16xi32> to vector<16xf32>
        %add3A_907 = arith.addf %scan3A_860, %bitcast3A_902 : vector<16xf32>
        %add3A_908 = arith.addf %scan3A_861, %bitcast3A_906 : vector<16xf32>
        %add3A_909 = arith.constant 1 : i32
        %add3A_910 = arith.addi %add3A_867, %add3A_909 : i32
        %get3A_911 = arith.index_cast %add3A_910 : i32 to index
        %get3A_912 = arith.constant 16 : index
        %get3A_913 = tpu.vector_load %arg7[%get3A_911, %get3A_912] {strides = array<i32>} : memref<800x32xi32, #tpu.memory_space<vmem>>, vector<16xi32>,
        %shift_left3A_914 = arith.constant 16 : i32
        %shift_left3A_915 = vector.broadcast %shift_left3A_914 : i32 to vector<16xi32>
        %shift_left3A_916 = arith.shli %get3A_913, %shift_left3A_915 : vector<16xi32>
        %bitcast3A_917 = vector.bitcast %shift_left3A_916 : vector<16xi32> to vector<16xf32>
        %and3A_918 = arith.constant -65536 : i32
        %and3A_919 = vector.broadcast %and3A_918 : i32 to vector<16xi32>
        %and3A_920 = arith.andi %get3A_913, %and3A_919 : vector<16xi32>
        %bitcast3A_921 = vector.bitcast %and3A_920 : vector<16xi32> to vector<16xf32>
        %add3A_922 = arith.addf %scan3A_862, %bitcast3A_917 : vector<16xf32>
        %add3A_923 = arith.addf %scan3A_863, %bitcast3A_921 : vector<16xf32>
        scf.yield %add3A_877, %add3A_878, %add3A_892, %add3A_893, %add3A_907, %add3A_908, %add3A_922, %add3A_923 : vector<16xf32>, vector<16xf32>, vector<16xf32>, vector<16xf32>, vector<16xf32>, vector<16xf32>, vector<16xf32>, vector<16xf32>
      }
      %scan3A_455 = arith.constant 50 : i32
      %add3A_456 = arith.addf %scan3A_454#0, %scan3A_454#4 : vector<16xf32>
      %swap3A_457 = arith.constant 7 : i32
      %swap3A_458 = arith.index_cast %swap3A_457 : i32 to index
      %swap3A_459 = arith.constant 0 : index
      %swap3A_460 = tpu.vector_load %arg9[%swap3A_458, %swap3A_459] {strides = array<i32>} : memref<8x64xf32, #tpu.memory_space<vmem>>, vector<16xf32>,
      tpu.vector_store %arg9[%swap3A_458, %swap3A_459], %add3A_456 {strides = array<i32>} : memref<8x64xf32, #tpu.memory_space<vmem>>, vector<16xf32>,
      %add3A_461 = arith.addf %scan3A_454#1, %scan3A_454#5 : vector<16xf32>
      %swap3A_462 = arith.constant 7 : i32
      %swap3A_463 = arith.index_cast %swap3A_462 : i32 to index
      %swap3A_464 = arith.constant 16 : index
      %swap3A_465 = tpu.vector_load %arg9[%swap3A_463, %swap3A_464] {strides = array<i32>} : memref<8x64xf32, #tpu.memory_space<vmem>>, vector<16xf32>,
      tpu.vector_store %arg9[%swap3A_463, %swap3A_464], %add3A_461 {strides = array<i32>} : memref<8x64xf32, #tpu.memory_space<vmem>>, vector<16xf32>,
      %add3A_466 = arith.addf %scan3A_454#2, %scan3A_454#6 : vector<16xf32>
      %swap3A_467 = arith.constant 7 : i32
      %swap3A_468 = arith.index_cast %swap3A_467 : i32 to index
      %swap3A_469 = arith.constant 32 : index
      %swap3A_470 = tpu.vector_load %arg9[%swap3A_468, %swap3A_469] {strides = array<i32>} : memref<8x64xf32, #tpu.memory_space<vmem>>, vector<16xf32>,
      tpu.vector_store %arg9[%swap3A_468, %swap3A_469], %add3A_466 {strides = array<i32>} : memref<8x64xf32, #tpu.memory_space<vmem>>, vector<16xf32>,
      %add3A_471 = arith.addf %scan3A_454#3, %scan3A_454#7 : vector<16xf32>
      %swap3A_472 = arith.constant 7 : i32
      %swap3A_473 = arith.index_cast %swap3A_472 : i32 to index
      %swap3A_474 = arith.constant 48 : index
      %swap3A_475 = tpu.vector_load %arg9[%swap3A_473, %swap3A_474] {strides = array<i32>} : memref<8x64xf32, #tpu.memory_space<vmem>>, vector<16xf32>,
      tpu.vector_store %arg9[%swap3A_473, %swap3A_474], %add3A_471 {strides = array<i32>} : memref<8x64xf32, #tpu.memory_space<vmem>>, vector<16xf32>,
      %mul3A_476 = arith.constant 8 : i32
      %mul3A_477 = arith.muli %add3A_120, %mul3A_476 : i32
      %add3A_478 = arith.addi %mul3A_2, %mul3A_477 : i32
      %dma_start3A_479 = arith.constant 0 : i32
      %dma_start3A_480 = tpu.memref_slice %arg4[%add3A_478, %dma_start3A_479] : memref<16384x64xf32, #tpu.memory_space<hbm>> -> memref<8x64xf32, #tpu.memory_space<hbm>>
      %dma_start3A_481 = arith.constant 0 : i32
      %dma_start3A_482 = tpu.memref_slice %arg4[%add3A_478, %dma_start3A_481] : memref<16384x64xf32, #tpu.memory_space<hbm>> -> memref<8x64xf32, #tpu.memory_space<hbm>>
      tpu.enqueue_dma source(%arg9 : memref<8x64xf32, #tpu.memory_space<vmem>>) target(%dma_start3A_482 : memref<8x64xf32, #tpu.memory_space<hbm>>) target_semaphore(%arg15 : memref<!tpu.dma_semaphore, #tpu.memory_space<semaphore_mem>>)
      %mul3A_483 = arith.constant 2 : i32
      %mul3A_484 = arith.muli %mul3A_483, %scan3A_116 : i32
      %add3A_485 = arith.constant 1 : i32
      %add3A_486 = arith.addi %mul3A_484, %add3A_485 : i32
      %add3A_487 = arith.constant 1 : i32
      %add3A_488 = arith.addi %add3A_486, %add3A_487 : i32
      %lt3A_489 = arith.constant 64 : i32
      %lt3A_490 = arith.cmpi slt, %add3A_488, %lt3A_489 : i32
      %convert_element_type3A_491 = arith.extui %lt3A_490 : i1 to i32
      %cond3A_492 = arith.constant 0 : i32
      %cond3A_493 = arith.cmpi ne, %convert_element_type3A_491, %cond3A_492 : i32
      scf.if %cond3A_493 {
        %add3A_855 = arith.constant 1 : i32
        %add3A_856 = arith.addi %add3A_486, %add3A_855 : i32
        %mul3A_857 = arith.constant 8 : i32
        %mul3A_858 = arith.muli %add3A_856, %mul3A_857 : i32
        %add3A_859 = arith.addi %mul3A_2, %mul3A_858 : i32
        %dma_wait3A_860 = arith.constant 0 : i32
        %dma_wait3A_861 = tpu.memref_slice %arg2[%add3A_859, %dma_wait3A_860] : memref<16384x100xi32, #tpu.memory_space<hbm>> -> memref<8x100xi32, #tpu.memory_space<hbm>>
        %dma_wait3A_862 = arith.constant 0 : i32
        %dma_wait3A_863 = tpu.memref_slice %arg2[%add3A_859, %dma_wait3A_862] : memref<16384x100xi32, #tpu.memory_space<hbm>> -> memref<8x100xi32, #tpu.memory_space<hbm>>
        tpu.wait_dma2 semaphore(%arg11 : memref<!tpu.dma_semaphore, #tpu.memory_space<semaphore_mem>>) src(%dma_wait3A_863 : memref<8x100xi32, #tpu.memory_space<hbm>>) dst(%arg5 : memref<8x100xi32, #tpu.memory_space<vmem>>)
        %dma_start3A_864 = arith.constant 0 : i32
        %dma_start3A_865 = arith.constant 0 : i32
        %dma_start3A_866 = arith.constant 0 : i32
        %dma_start3A_867 = tpu.memref_slice %arg7[%dma_start3A_865, %dma_start3A_866] : memref<800x32xi32, #tpu.memory_space<vmem>> -> memref<100x32xi32, #tpu.memory_space<vmem>>
        %dma_start3A_868 = arith.constant 0 : i32
        %dma_start3A_869 = tpu.memref_slice %arg5[%dma_start3A_864, %dma_start3A_868] : memref<8x100xi32, #tpu.memory_space<vmem>> -> memref<1x100xi32, #tpu.memory_space<vmem>>
        %dma_start3A_870 = tpu.memref_squeeze %dma_start3A_869 : memref<1x100xi32, #tpu.memory_space<vmem>> -> memref<100xi32, #tpu.memory_space<vmem>>
        %dma_start3A_871 = arith.constant 0 : i32
        %dma_start3A_872 = arith.constant 0 : i32
        %dma_start3A_873 = tpu.memref_slice %arg3[%dma_start3A_871, %dma_start3A_872] : memref<1000000x32xi32, #tpu.memory_space<hbm>> -> memref<1000000x32xi32, #tpu.memory_space<hbm>>
        tpu.enqueue_indirect_dma source(%dma_start3A_873 : memref<1000000x32xi32, #tpu.memory_space<hbm>>) target(%dma_start3A_867 : memref<100x32xi32, #tpu.memory_space<vmem>>) offsets(%dma_start3A_870 : memref<100xi32, #tpu.memory_space<vmem>>) semaphore(%arg13 : memref<!tpu.dma_semaphore, #tpu.memory_space<semaphore_mem>>)
        %dma_start3A_874 = arith.constant 1 : i32
        %dma_start3A_875 = arith.constant 100 : i32
        %dma_start3A_876 = arith.constant 0 : i32
        %dma_start3A_877 = tpu.memref_slice %arg7[%dma_start3A_875, %dma_start3A_876] : memref<800x32xi32, #tpu.memory_space<vmem>> -> memref<100x32xi32, #tpu.memory_space<vmem>>
        %dma_start3A_878 = arith.constant 0 : i32
        %dma_start3A_879 = tpu.memref_slice %arg5[%dma_start3A_874, %dma_start3A_878] : memref<8x100xi32, #tpu.memory_space<vmem>> -> memref<1x100xi32, #tpu.memory_space<vmem>>
        %dma_start3A_880 = tpu.memref_squeeze %dma_start3A_879 : memref<1x100xi32, #tpu.memory_space<vmem>> -> memref<100xi32, #tpu.memory_space<vmem>>
        %dma_start3A_881 = arith.constant 0 : i32
        %dma_start3A_882 = arith.constant 0 : i32
        %dma_start3A_883 = tpu.memref_slice %arg3[%dma_start3A_881, %dma_start3A_882] : memref<1000000x32xi32, #tpu.memory_space<hbm>> -> memref<1000000x32xi32, #tpu.memory_space<hbm>>
        tpu.enqueue_indirect_dma source(%dma_start3A_883 : memref<1000000x32xi32, #tpu.memory_space<hbm>>) target(%dma_start3A_877 : memref<100x32xi32, #tpu.memory_space<vmem>>) offsets(%dma_start3A_880 : memref<100xi32, #tpu.memory_space<vmem>>) semaphore(%arg13 : memref<!tpu.dma_semaphore, #tpu.memory_space<semaphore_mem>>)
        %dma_start3A_884 = arith.constant 2 : i32
        %dma_start3A_885 = arith.constant 200 : i32
        %dma_start3A_886 = arith.constant 0 : i32
        %dma_start3A_887 = tpu.memref_slice %arg7[%dma_start3A_885, %dma_start3A_886] : memref<800x32xi32, #tpu.memory_space<vmem>> -> memref<100x32xi32, #tpu.memory_space<vmem>>
        %dma_start3A_888 = arith.constant 0 : i32
        %dma_start3A_889 = tpu.memref_slice %arg5[%dma_start3A_884, %dma_start3A_888] : memref<8x100xi32, #tpu.memory_space<vmem>> -> memref<1x100xi32, #tpu.memory_space<vmem>>
        %dma_start3A_890 = tpu.memref_squeeze %dma_start3A_889 : memref<1x100xi32, #tpu.memory_space<vmem>> -> memref<100xi32, #tpu.memory_space<vmem>>
        %dma_start3A_891 = arith.constant 0 : i32
        %dma_start3A_892 = arith.constant 0 : i32
        %dma_start3A_893 = tpu.memref_slice %arg3[%dma_start3A_891, %dma_start3A_892] : memref<1000000x32xi32, #tpu.memory_space<hbm>> -> memref<1000000x32xi32, #tpu.memory_space<hbm>>
        tpu.enqueue_indirect_dma source(%dma_start3A_893 : memref<1000000x32xi32, #tpu.memory_space<hbm>>) target(%dma_start3A_887 : memref<100x32xi32, #tpu.memory_space<vmem>>) offsets(%dma_start3A_890 : memref<100xi32, #tpu.memory_space<vmem>>) semaphore(%arg13 : memref<!tpu.dma_semaphore, #tpu.memory_space<semaphore_mem>>)
        %dma_start3A_894 = arith.constant 3 : i32
        %dma_start3A_895 = arith.constant 300 : i32
        %dma_start3A_896 = arith.constant 0 : i32
        %dma_start3A_897 = tpu.memref_slice %arg7[%dma_start3A_895, %dma_start3A_896] : memref<800x32xi32, #tpu.memory_space<vmem>> -> memref<100x32xi32, #tpu.memory_space<vmem>>
        %dma_start3A_898 = arith.constant 0 : i32
        %dma_start3A_899 = tpu.memref_slice %arg5[%dma_start3A_894, %dma_start3A_898] : memref<8x100xi32, #tpu.memory_space<vmem>> -> memref<1x100xi32, #tpu.memory_space<vmem>>
        %dma_start3A_900 = tpu.memref_squeeze %dma_start3A_899 : memref<1x100xi32, #tpu.memory_space<vmem>> -> memref<100xi32, #tpu.memory_space<vmem>>
        %dma_start3A_901 = arith.constant 0 : i32
        %dma_start3A_902 = arith.constant 0 : i32
        %dma_start3A_903 = tpu.memref_slice %arg3[%dma_start3A_901, %dma_start3A_902] : memref<1000000x32xi32, #tpu.memory_space<hbm>> -> memref<1000000x32xi32, #tpu.memory_space<hbm>>
        tpu.enqueue_indirect_dma source(%dma_start3A_903 : memref<1000000x32xi32, #tpu.memory_space<hbm>>) target(%dma_start3A_897 : memref<100x32xi32, #tpu.memory_space<vmem>>) offsets(%dma_start3A_900 : memref<100xi32, #tpu.memory_space<vmem>>) semaphore(%arg13 : memref<!tpu.dma_semaphore, #tpu.memory_space<semaphore_mem>>)
        %dma_start3A_904 = arith.constant 4 : i32
        %dma_start3A_905 = arith.constant 400 : i32
        %dma_start3A_906 = arith.constant 0 : i32
        %dma_start3A_907 = tpu.memref_slice %arg7[%dma_start3A_905, %dma_start3A_906] : memref<800x32xi32, #tpu.memory_space<vmem>> -> memref<100x32xi32, #tpu.memory_space<vmem>>
        %dma_start3A_908 = arith.constant 0 : i32
        %dma_start3A_909 = tpu.memref_slice %arg5[%dma_start3A_904, %dma_start3A_908] : memref<8x100xi32, #tpu.memory_space<vmem>> -> memref<1x100xi32, #tpu.memory_space<vmem>>
        %dma_start3A_910 = tpu.memref_squeeze %dma_start3A_909 : memref<1x100xi32, #tpu.memory_space<vmem>> -> memref<100xi32, #tpu.memory_space<vmem>>
        %dma_start3A_911 = arith.constant 0 : i32
        %dma_start3A_912 = arith.constant 0 : i32
        %dma_start3A_913 = tpu.memref_slice %arg3[%dma_start3A_911, %dma_start3A_912] : memref<1000000x32xi32, #tpu.memory_space<hbm>> -> memref<1000000x32xi32, #tpu.memory_space<hbm>>
        tpu.enqueue_indirect_dma source(%dma_start3A_913 : memref<1000000x32xi32, #tpu.memory_space<hbm>>) target(%dma_start3A_907 : memref<100x32xi32, #tpu.memory_space<vmem>>) offsets(%dma_start3A_910 : memref<100xi32, #tpu.memory_space<vmem>>) semaphore(%arg13 : memref<!tpu.dma_semaphore, #tpu.memory_space<semaphore_mem>>)
        %dma_start3A_914 = arith.constant 5 : i32
        %dma_start3A_915 = arith.constant 500 : i32
        %dma_start3A_916 = arith.constant 0 : i32
        %dma_start3A_917 = tpu.memref_slice %arg7[%dma_start3A_915, %dma_start3A_916] : memref<800x32xi32, #tpu.memory_space<vmem>> -> memref<100x32xi32, #tpu.memory_space<vmem>>
        %dma_start3A_918 = arith.constant 0 : i32
        %dma_start3A_919 = tpu.memref_slice %arg5[%dma_start3A_914, %dma_start3A_918] : memref<8x100xi32, #tpu.memory_space<vmem>> -> memref<1x100xi32, #tpu.memory_space<vmem>>
        %dma_start3A_920 = tpu.memref_squeeze %dma_start3A_919 : memref<1x100xi32, #tpu.memory_space<vmem>> -> memref<100xi32, #tpu.memory_space<vmem>>
        %dma_start3A_921 = arith.constant 0 : i32
        %dma_start3A_922 = arith.constant 0 : i32
        %dma_start3A_923 = tpu.memref_slice %arg3[%dma_start3A_921, %dma_start3A_922] : memref<1000000x32xi32, #tpu.memory_space<hbm>> -> memref<1000000x32xi32, #tpu.memory_space<hbm>>
        tpu.enqueue_indirect_dma source(%dma_start3A_923 : memref<1000000x32xi32, #tpu.memory_space<hbm>>) target(%dma_start3A_917 : memref<100x32xi32, #tpu.memory_space<vmem>>) offsets(%dma_start3A_920 : memref<100xi32, #tpu.memory_space<vmem>>) semaphore(%arg13 : memref<!tpu.dma_semaphore, #tpu.memory_space<semaphore_mem>>)
        %dma_start3A_924 = arith.constant 6 : i32
        %dma_start3A_925 = arith.constant 600 : i32
        %dma_start3A_926 = arith.constant 0 : i32
        %dma_start3A_927 = tpu.memref_slice %arg7[%dma_start3A_925, %dma_start3A_926] : memref<800x32xi32, #tpu.memory_space<vmem>> -> memref<100x32xi32, #tpu.memory_space<vmem>>
        %dma_start3A_928 = arith.constant 0 : i32
        %dma_start3A_929 = tpu.memref_slice %arg5[%dma_start3A_924, %dma_start3A_928] : memref<8x100xi32, #tpu.memory_space<vmem>> -> memref<1x100xi32, #tpu.memory_space<vmem>>
        %dma_start3A_930 = tpu.memref_squeeze %dma_start3A_929 : memref<1x100xi32, #tpu.memory_space<vmem>> -> memref<100xi32, #tpu.memory_space<vmem>>
        %dma_start3A_931 = arith.constant 0 : i32
        %dma_start3A_932 = arith.constant 0 : i32
        %dma_start3A_933 = tpu.memref_slice %arg3[%dma_start3A_931, %dma_start3A_932] : memref<1000000x32xi32, #tpu.memory_space<hbm>> -> memref<1000000x32xi32, #tpu.memory_space<hbm>>
        tpu.enqueue_indirect_dma source(%dma_start3A_933 : memref<1000000x32xi32, #tpu.memory_space<hbm>>) target(%dma_start3A_927 : memref<100x32xi32, #tpu.memory_space<vmem>>) offsets(%dma_start3A_930 : memref<100xi32, #tpu.memory_space<vmem>>) semaphore(%arg13 : memref<!tpu.dma_semaphore, #tpu.memory_space<semaphore_mem>>)
        %dma_start3A_934 = arith.constant 7 : i32
        %dma_start3A_935 = arith.constant 700 : i32
        %dma_start3A_936 = arith.constant 0 : i32
        %dma_start3A_937 = tpu.memref_slice %arg7[%dma_start3A_935, %dma_start3A_936] : memref<800x32xi32, #tpu.memory_space<vmem>> -> memref<100x32xi32, #tpu.memory_space<vmem>>
        %dma_start3A_938 = arith.constant 0 : i32
        %dma_start3A_939 = tpu.memref_slice %arg5[%dma_start3A_934, %dma_start3A_938] : memref<8x100xi32, #tpu.memory_space<vmem>> -> memref<1x100xi32, #tpu.memory_space<vmem>>
        %dma_start3A_940 = tpu.memref_squeeze %dma_start3A_939 : memref<1x100xi32, #tpu.memory_space<vmem>> -> memref<100xi32, #tpu.memory_space<vmem>>
        %dma_start3A_941 = arith.constant 0 : i32
        %dma_start3A_942 = arith.constant 0 : i32
        %dma_start3A_943 = tpu.memref_slice %arg3[%dma_start3A_941, %dma_start3A_942] : memref<1000000x32xi32, #tpu.memory_space<hbm>> -> memref<1000000x32xi32, #tpu.memory_space<hbm>>
        tpu.enqueue_indirect_dma source(%dma_start3A_943 : memref<1000000x32xi32, #tpu.memory_space<hbm>>) target(%dma_start3A_937 : memref<100x32xi32, #tpu.memory_space<vmem>>) offsets(%dma_start3A_940 : memref<100xi32, #tpu.memory_space<vmem>>) semaphore(%arg13 : memref<!tpu.dma_semaphore, #tpu.memory_space<semaphore_mem>>)
      } else {
      }
      %dma_wait3A_494 = arith.constant 0 : i32
      %dma_wait3A_495 = arith.constant 0 : i32
      %dma_wait3A_496 = tpu.memref_slice %arg3[%dma_wait3A_494, %dma_wait3A_495] : memref<1000000x32xi32, #tpu.memory_space<hbm>> -> memref<800x32xi32, #tpu.memory_space<hbm>>
      %dma_wait3A_497 = arith.constant 0 : i32
      %dma_wait3A_498 = arith.constant 0 : i32
      %dma_wait3A_499 = tpu.memref_slice %arg3[%dma_wait3A_497, %dma_wait3A_498] : memref<1000000x32xi32, #tpu.memory_space<hbm>> -> memref<800x32xi32, #tpu.memory_space<hbm>>
      tpu.wait_dma2 semaphore(%arg14 : memref<!tpu.dma_semaphore, #tpu.memory_space<semaphore_mem>>) src(%dma_wait3A_499 : memref<800x32xi32, #tpu.memory_space<hbm>>) dst(%arg8 : memref<800x32xi32, #tpu.memory_space<vmem>>)
      %add3A_500 = arith.constant 2 : i32
      %add3A_501 = arith.addi %add3A_486, %add3A_500 : i32
      %lt3A_502 = arith.constant 64 : i32
      %lt3A_503 = arith.cmpi slt, %add3A_501, %lt3A_502 : i32
      %convert_element_type3A_504 = arith.extui %lt3A_503 : i1 to i32
      %cond3A_505 = arith.constant 0 : i32
      %cond3A_506 = arith.cmpi ne, %convert_element_type3A_504, %cond3A_505 : i32
      scf.if %cond3A_506 {
        %add3A_855 = arith.constant 2 : i32
        %add3A_856 = arith.addi %add3A_486, %add3A_855 : i32
        %mul3A_857 = arith.constant 8 : i32
        %mul3A_858 = arith.muli %add3A_856, %mul3A_857 : i32
        %add3A_859 = arith.addi %mul3A_2, %mul3A_858 : i32
        %dma_start3A_860 = arith.constant 0 : i32
        %dma_start3A_861 = tpu.memref_slice %arg2[%add3A_859, %dma_start3A_860] : memref<16384x100xi32, #tpu.memory_space<hbm>> -> memref<8x100xi32, #tpu.memory_space<hbm>>
        %dma_start3A_862 = arith.constant 0 : i32
        %dma_start3A_863 = tpu.memref_slice %arg2[%add3A_859, %dma_start3A_862] : memref<16384x100xi32, #tpu.memory_space<hbm>> -> memref<8x100xi32, #tpu.memory_space<hbm>>
        tpu.enqueue_dma source(%dma_start3A_863 : memref<8x100xi32, #tpu.memory_space<hbm>>) target(%arg6 : memref<8x100xi32, #tpu.memory_space<vmem>>) target_semaphore(%arg12 : memref<!tpu.dma_semaphore, #tpu.memory_space<semaphore_mem>>)
      } else {
      }
      %ge3A_507 = arith.constant 2 : i32
      %ge3A_508 = arith.cmpi sge, %add3A_486, %ge3A_507 : i32
      %convert_element_type3A_509 = arith.extui %ge3A_508 : i1 to i32
      %cond3A_510 = arith.constant 0 : i32
      %cond3A_511 = arith.cmpi ne, %convert_element_type3A_509, %cond3A_510 : i32
      scf.if %cond3A_511 {
        %dma_wait3A_855 = arith.constant 0 : i32
        %dma_wait3A_856 = arith.constant 0 : i32
        %dma_wait3A_857 = tpu.memref_slice %arg4[%dma_wait3A_855, %dma_wait3A_856] : memref<16384x64xf32, #tpu.memory_space<hbm>> -> memref<8x64xf32, #tpu.memory_space<hbm>>
        %dma_wait3A_858 = arith.constant 0 : i32
        %dma_wait3A_859 = arith.constant 0 : i32
        %dma_wait3A_860 = tpu.memref_slice %arg4[%dma_wait3A_858, %dma_wait3A_859] : memref<16384x64xf32, #tpu.memory_space<hbm>> -> memref<8x64xf32, #tpu.memory_space<hbm>>
        tpu.wait_dma2 semaphore(%arg16 : memref<!tpu.dma_semaphore, #tpu.memory_space<semaphore_mem>>) src(%dma_wait3A_860 : memref<8x64xf32, #tpu.memory_space<hbm>>) dst(%arg10 : memref<8x64xf32, #tpu.memory_space<vmem>>)
      } else {
      }
      %broadcast_in_dim3A_512 = arith.constant 0.000000e+00 : f32
      %broadcast_in_dim3A_513 = vector.broadcast %broadcast_in_dim3A_512 : f32 to vector<16xf32>
      %broadcast_in_dim3A_514 = arith.constant 0.000000e+00 : f32
      %broadcast_in_dim3A_515 = vector.broadcast %broadcast_in_dim3A_514 : f32 to vector<16xf32>
      %broadcast_in_dim3A_516 = arith.constant 0.000000e+00 : f32
      %broadcast_in_dim3A_517 = vector.broadcast %broadcast_in_dim3A_516 : f32 to vector<16xf32>
      %broadcast_in_dim3A_518 = arith.constant 0.000000e+00 : f32
      %broadcast_in_dim3A_519 = vector.broadcast %broadcast_in_dim3A_518 : f32 to vector<16xf32>
      %broadcast_in_dim3A_520 = arith.constant 0.000000e+00 : f32
      %broadcast_in_dim3A_521 = vector.broadcast %broadcast_in_dim3A_520 : f32 to vector<16xf32>
      %broadcast_in_dim3A_522 = arith.constant 0.000000e+00 : f32
      %broadcast_in_dim3A_523 = vector.broadcast %broadcast_in_dim3A_522 : f32 to vector<16xf32>
      %broadcast_in_dim3A_524 = arith.constant 0.000000e+00 : f32
      %broadcast_in_dim3A_525 = vector.broadcast %broadcast_in_dim3A_524 : f32 to vector<16xf32>
      %broadcast_in_dim3A_526 = arith.constant 0.000000e+00 : f32
      %broadcast_in_dim3A_527 = vector.broadcast %broadcast_in_dim3A_526 : f32 to vector<16xf32>
      %scan3A_528 = arith.constant 0 : i32
      %scan3A_529 = arith.constant 50 : i32
      %scan3A_530 = arith.addi %scan3A_528, %scan3A_529 : i32
      %scan3A_531 = arith.constant 1 : i32
      %scan3A_532:8 = scf.for %scan3A_855 = %scan3A_528 to %scan3A_530 step %scan3A_531 iter_args(%scan3A_856 = %broadcast_in_dim3A_513, %scan3A_857 = %broadcast_in_dim3A_515, %scan3A_858 = %broadcast_in_dim3A_517, %scan3A_859 = %broadcast_in_dim3A_519, %scan3A_860 = %broadcast_in_dim3A_521, %scan3A_861 = %broadcast_in_dim3A_523, %scan3A_862 = %broadcast_in_dim3A_525, %scan3A_863 = %broadcast_in_dim3A_527) -> (vector<16xf32>, vector<16xf32>, vector<16xf32>, vector<16xf32>, vector<16xf32>, vector<16xf32>, vector<16xf32>, vector<16xf32>)  : i32 {
        %mul3A_864 = arith.constant 2 : i32
        %mul3A_865 = arith.muli %mul3A_864, %scan3A_855 : i32
        %add3A_866 = arith.constant 0 : i32
        %add3A_867 = arith.addi %add3A_866, %mul3A_865 : i32
        %add3A_868 = arith.constant 0 : i32
        %add3A_869 = arith.addi %add3A_867, %add3A_868 : i32
        %get3A = arith.index_cast %add3A_869 : i32 to index
        %get3A_870 = arith.constant 0 : index
        %get3A_871 = tpu.vector_load %arg8[%get3A, %get3A_870] {strides = array<i32>} : memref<800x32xi32, #tpu.memory_space<vmem>>, vector<16xi32>,
        %shift_left3A = arith.constant 16 : i32
        %shift_left3A_872 = vector.broadcast %shift_left3A : i32 to vector<16xi32>
        %shift_left3A_873 = arith.shli %get3A_871, %shift_left3A_872 : vector<16xi32>
        %bitcast3A = vector.bitcast %shift_left3A_873 : vector<16xi32> to vector<16xf32>
        %and3A = arith.constant -65536 : i32
        %and3A_874 = vector.broadcast %and3A : i32 to vector<16xi32>
        %and3A_875 = arith.andi %get3A_871, %and3A_874 : vector<16xi32>
        %bitcast3A_876 = vector.bitcast %and3A_875 : vector<16xi32> to vector<16xf32>
        %add3A_877 = arith.addf %scan3A_856, %bitcast3A : vector<16xf32>
        %add3A_878 = arith.addf %scan3A_857, %bitcast3A_876 : vector<16xf32>
        %add3A_879 = arith.constant 0 : i32
        %add3A_880 = arith.addi %add3A_867, %add3A_879 : i32
        %get3A_881 = arith.index_cast %add3A_880 : i32 to index
        %get3A_882 = arith.constant 16 : index
        %get3A_883 = tpu.vector_load %arg8[%get3A_881, %get3A_882] {strides = array<i32>} : memref<800x32xi32, #tpu.memory_space<vmem>>, vector<16xi32>,
        %shift_left3A_884 = arith.constant 16 : i32
        %shift_left3A_885 = vector.broadcast %shift_left3A_884 : i32 to vector<16xi32>
        %shift_left3A_886 = arith.shli %get3A_883, %shift_left3A_885 : vector<16xi32>
        %bitcast3A_887 = vector.bitcast %shift_left3A_886 : vector<16xi32> to vector<16xf32>
        %and3A_888 = arith.constant -65536 : i32
        %and3A_889 = vector.broadcast %and3A_888 : i32 to vector<16xi32>
        %and3A_890 = arith.andi %get3A_883, %and3A_889 : vector<16xi32>
        %bitcast3A_891 = vector.bitcast %and3A_890 : vector<16xi32> to vector<16xf32>
        %add3A_892 = arith.addf %scan3A_858, %bitcast3A_887 : vector<16xf32>
        %add3A_893 = arith.addf %scan3A_859, %bitcast3A_891 : vector<16xf32>
        %add3A_894 = arith.constant 1 : i32
        %add3A_895 = arith.addi %add3A_867, %add3A_894 : i32
        %get3A_896 = arith.index_cast %add3A_895 : i32 to index
        %get3A_897 = arith.constant 0 : index
        %get3A_898 = tpu.vector_load %arg8[%get3A_896, %get3A_897] {strides = array<i32>} : memref<800x32xi32, #tpu.memory_space<vmem>>, vector<16xi32>,
        %shift_left3A_899 = arith.constant 16 : i32
        %shift_left3A_900 = vector.broadcast %shift_left3A_899 : i32 to vector<16xi32>
        %shift_left3A_901 = arith.shli %get3A_898, %shift_left3A_900 : vector<16xi32>
        %bitcast3A_902 = vector.bitcast %shift_left3A_901 : vector<16xi32> to vector<16xf32>
        %and3A_903 = arith.constant -65536 : i32
        %and3A_904 = vector.broadcast %and3A_903 : i32 to vector<16xi32>
        %and3A_905 = arith.andi %get3A_898, %and3A_904 : vector<16xi32>
        %bitcast3A_906 = vector.bitcast %and3A_905 : vector<16xi32> to vector<16xf32>
        %add3A_907 = arith.addf %scan3A_860, %bitcast3A_902 : vector<16xf32>
        %add3A_908 = arith.addf %scan3A_861, %bitcast3A_906 : vector<16xf32>
        %add3A_909 = arith.constant 1 : i32
        %add3A_910 = arith.addi %add3A_867, %add3A_909 : i32
        %get3A_911 = arith.index_cast %add3A_910 : i32 to index
        %get3A_912 = arith.constant 16 : index
        %get3A_913 = tpu.vector_load %arg8[%get3A_911, %get3A_912] {strides = array<i32>} : memref<800x32xi32, #tpu.memory_space<vmem>>, vector<16xi32>,
        %shift_left3A_914 = arith.constant 16 : i32
        %shift_left3A_915 = vector.broadcast %shift_left3A_914 : i32 to vector<16xi32>
        %shift_left3A_916 = arith.shli %get3A_913, %shift_left3A_915 : vector<16xi32>
        %bitcast3A_917 = vector.bitcast %shift_left3A_916 : vector<16xi32> to vector<16xf32>
        %and3A_918 = arith.constant -65536 : i32
        %and3A_919 = vector.broadcast %and3A_918 : i32 to vector<16xi32>
        %and3A_920 = arith.andi %get3A_913, %and3A_919 : vector<16xi32>
        %bitcast3A_921 = vector.bitcast %and3A_920 : vector<16xi32> to vector<16xf32>
        %add3A_922 = arith.addf %scan3A_862, %bitcast3A_917 : vector<16xf32>
        %add3A_923 = arith.addf %scan3A_863, %bitcast3A_921 : vector<16xf32>
        scf.yield %add3A_877, %add3A_878, %add3A_892, %add3A_893, %add3A_907, %add3A_908, %add3A_922, %add3A_923 : vector<16xf32>, vector<16xf32>, vector<16xf32>, vector<16xf32>, vector<16xf32>, vector<16xf32>, vector<16xf32>, vector<16xf32>
      }
      %scan3A_533 = arith.constant 50 : i32
      %add3A_534 = arith.addf %scan3A_532#0, %scan3A_532#4 : vector<16xf32>
      %swap3A_535 = arith.constant 0 : i32
      %swap3A_536 = arith.index_cast %swap3A_535 : i32 to index
      %swap3A_537 = arith.constant 0 : index
      %swap3A_538 = tpu.vector_load %arg10[%swap3A_536, %swap3A_537] {strides = array<i32>} : memref<8x64xf32, #tpu.memory_space<vmem>>, vector<16xf32>,
      tpu.vector_store %arg10[%swap3A_536, %swap3A_537], %add3A_534 {strides = array<i32>} : memref<8x64xf32, #tpu.memory_space<vmem>>, vector<16xf32>,
      %add3A_539 = arith.addf %scan3A_532#1, %scan3A_532#5 : vector<16xf32>
      %swap3A_540 = arith.constant 0 : i32
      %swap3A_541 = arith.index_cast %swap3A_540 : i32 to index
      %swap3A_542 = arith.constant 16 : index
      %swap3A_543 = tpu.vector_load %arg10[%swap3A_541, %swap3A_542] {strides = array<i32>} : memref<8x64xf32, #tpu.memory_space<vmem>>, vector<16xf32>,
      tpu.vector_store %arg10[%swap3A_541, %swap3A_542], %add3A_539 {strides = array<i32>} : memref<8x64xf32, #tpu.memory_space<vmem>>, vector<16xf32>,
      %add3A_544 = arith.addf %scan3A_532#2, %scan3A_532#6 : vector<16xf32>
      %swap3A_545 = arith.constant 0 : i32
      %swap3A_546 = arith.index_cast %swap3A_545 : i32 to index
      %swap3A_547 = arith.constant 32 : index
      %swap3A_548 = tpu.vector_load %arg10[%swap3A_546, %swap3A_547] {strides = array<i32>} : memref<8x64xf32, #tpu.memory_space<vmem>>, vector<16xf32>,
      tpu.vector_store %arg10[%swap3A_546, %swap3A_547], %add3A_544 {strides = array<i32>} : memref<8x64xf32, #tpu.memory_space<vmem>>, vector<16xf32>,
      %add3A_549 = arith.addf %scan3A_532#3, %scan3A_532#7 : vector<16xf32>
      %swap3A_550 = arith.constant 0 : i32
      %swap3A_551 = arith.index_cast %swap3A_550 : i32 to index
      %swap3A_552 = arith.constant 48 : index
      %swap3A_553 = tpu.vector_load %arg10[%swap3A_551, %swap3A_552] {strides = array<i32>} : memref<8x64xf32, #tpu.memory_space<vmem>>, vector<16xf32>,
      tpu.vector_store %arg10[%swap3A_551, %swap3A_552], %add3A_549 {strides = array<i32>} : memref<8x64xf32, #tpu.memory_space<vmem>>, vector<16xf32>,
      %broadcast_in_dim3A_554 = arith.constant 0.000000e+00 : f32
      %broadcast_in_dim3A_555 = vector.broadcast %broadcast_in_dim3A_554 : f32 to vector<16xf32>
      %broadcast_in_dim3A_556 = arith.constant 0.000000e+00 : f32
      %broadcast_in_dim3A_557 = vector.broadcast %broadcast_in_dim3A_556 : f32 to vector<16xf32>
      %broadcast_in_dim3A_558 = arith.constant 0.000000e+00 : f32
      %broadcast_in_dim3A_559 = vector.broadcast %broadcast_in_dim3A_558 : f32 to vector<16xf32>
      %broadcast_in_dim3A_560 = arith.constant 0.000000e+00 : f32
      %broadcast_in_dim3A_561 = vector.broadcast %broadcast_in_dim3A_560 : f32 to vector<16xf32>
      %broadcast_in_dim3A_562 = arith.constant 0.000000e+00 : f32
      %broadcast_in_dim3A_563 = vector.broadcast %broadcast_in_dim3A_562 : f32 to vector<16xf32>
      %broadcast_in_dim3A_564 = arith.constant 0.000000e+00 : f32
      %broadcast_in_dim3A_565 = vector.broadcast %broadcast_in_dim3A_564 : f32 to vector<16xf32>
      %broadcast_in_dim3A_566 = arith.constant 0.000000e+00 : f32
      %broadcast_in_dim3A_567 = vector.broadcast %broadcast_in_dim3A_566 : f32 to vector<16xf32>
      %broadcast_in_dim3A_568 = arith.constant 0.000000e+00 : f32
      %broadcast_in_dim3A_569 = vector.broadcast %broadcast_in_dim3A_568 : f32 to vector<16xf32>
      %scan3A_570 = arith.constant 0 : i32
      %scan3A_571 = arith.constant 50 : i32
      %scan3A_572 = arith.addi %scan3A_570, %scan3A_571 : i32
      %scan3A_573 = arith.constant 1 : i32
      %scan3A_574:8 = scf.for %scan3A_855 = %scan3A_570 to %scan3A_572 step %scan3A_573 iter_args(%scan3A_856 = %broadcast_in_dim3A_555, %scan3A_857 = %broadcast_in_dim3A_557, %scan3A_858 = %broadcast_in_dim3A_559, %scan3A_859 = %broadcast_in_dim3A_561, %scan3A_860 = %broadcast_in_dim3A_563, %scan3A_861 = %broadcast_in_dim3A_565, %scan3A_862 = %broadcast_in_dim3A_567, %scan3A_863 = %broadcast_in_dim3A_569) -> (vector<16xf32>, vector<16xf32>, vector<16xf32>, vector<16xf32>, vector<16xf32>, vector<16xf32>, vector<16xf32>, vector<16xf32>)  : i32 {
        %mul3A_864 = arith.constant 2 : i32
        %mul3A_865 = arith.muli %mul3A_864, %scan3A_855 : i32
        %add3A_866 = arith.constant 100 : i32
        %add3A_867 = arith.addi %add3A_866, %mul3A_865 : i32
        %add3A_868 = arith.constant 0 : i32
        %add3A_869 = arith.addi %add3A_867, %add3A_868 : i32
        %get3A = arith.index_cast %add3A_869 : i32 to index
        %get3A_870 = arith.constant 0 : index
        %get3A_871 = tpu.vector_load %arg8[%get3A, %get3A_870] {strides = array<i32>} : memref<800x32xi32, #tpu.memory_space<vmem>>, vector<16xi32>,
        %shift_left3A = arith.constant 16 : i32
        %shift_left3A_872 = vector.broadcast %shift_left3A : i32 to vector<16xi32>
        %shift_left3A_873 = arith.shli %get3A_871, %shift_left3A_872 : vector<16xi32>
        %bitcast3A = vector.bitcast %shift_left3A_873 : vector<16xi32> to vector<16xf32>
        %and3A = arith.constant -65536 : i32
        %and3A_874 = vector.broadcast %and3A : i32 to vector<16xi32>
        %and3A_875 = arith.andi %get3A_871, %and3A_874 : vector<16xi32>
        %bitcast3A_876 = vector.bitcast %and3A_875 : vector<16xi32> to vector<16xf32>
        %add3A_877 = arith.addf %scan3A_856, %bitcast3A : vector<16xf32>
        %add3A_878 = arith.addf %scan3A_857, %bitcast3A_876 : vector<16xf32>
        %add3A_879 = arith.constant 0 : i32
        %add3A_880 = arith.addi %add3A_867, %add3A_879 : i32
        %get3A_881 = arith.index_cast %add3A_880 : i32 to index
        %get3A_882 = arith.constant 16 : index
        %get3A_883 = tpu.vector_load %arg8[%get3A_881, %get3A_882] {strides = array<i32>} : memref<800x32xi32, #tpu.memory_space<vmem>>, vector<16xi32>,
        %shift_left3A_884 = arith.constant 16 : i32
        %shift_left3A_885 = vector.broadcast %shift_left3A_884 : i32 to vector<16xi32>
        %shift_left3A_886 = arith.shli %get3A_883, %shift_left3A_885 : vector<16xi32>
        %bitcast3A_887 = vector.bitcast %shift_left3A_886 : vector<16xi32> to vector<16xf32>
        %and3A_888 = arith.constant -65536 : i32
        %and3A_889 = vector.broadcast %and3A_888 : i32 to vector<16xi32>
        %and3A_890 = arith.andi %get3A_883, %and3A_889 : vector<16xi32>
        %bitcast3A_891 = vector.bitcast %and3A_890 : vector<16xi32> to vector<16xf32>
        %add3A_892 = arith.addf %scan3A_858, %bitcast3A_887 : vector<16xf32>
        %add3A_893 = arith.addf %scan3A_859, %bitcast3A_891 : vector<16xf32>
        %add3A_894 = arith.constant 1 : i32
        %add3A_895 = arith.addi %add3A_867, %add3A_894 : i32
        %get3A_896 = arith.index_cast %add3A_895 : i32 to index
        %get3A_897 = arith.constant 0 : index
        %get3A_898 = tpu.vector_load %arg8[%get3A_896, %get3A_897] {strides = array<i32>} : memref<800x32xi32, #tpu.memory_space<vmem>>, vector<16xi32>,
        %shift_left3A_899 = arith.constant 16 : i32
        %shift_left3A_900 = vector.broadcast %shift_left3A_899 : i32 to vector<16xi32>
        %shift_left3A_901 = arith.shli %get3A_898, %shift_left3A_900 : vector<16xi32>
        %bitcast3A_902 = vector.bitcast %shift_left3A_901 : vector<16xi32> to vector<16xf32>
        %and3A_903 = arith.constant -65536 : i32
        %and3A_904 = vector.broadcast %and3A_903 : i32 to vector<16xi32>
        %and3A_905 = arith.andi %get3A_898, %and3A_904 : vector<16xi32>
        %bitcast3A_906 = vector.bitcast %and3A_905 : vector<16xi32> to vector<16xf32>
        %add3A_907 = arith.addf %scan3A_860, %bitcast3A_902 : vector<16xf32>
        %add3A_908 = arith.addf %scan3A_861, %bitcast3A_906 : vector<16xf32>
        %add3A_909 = arith.constant 1 : i32
        %add3A_910 = arith.addi %add3A_867, %add3A_909 : i32
        %get3A_911 = arith.index_cast %add3A_910 : i32 to index
        %get3A_912 = arith.constant 16 : index
        %get3A_913 = tpu.vector_load %arg8[%get3A_911, %get3A_912] {strides = array<i32>} : memref<800x32xi32, #tpu.memory_space<vmem>>, vector<16xi32>,
        %shift_left3A_914 = arith.constant 16 : i32
        %shift_left3A_915 = vector.broadcast %shift_left3A_914 : i32 to vector<16xi32>
        %shift_left3A_916 = arith.shli %get3A_913, %shift_left3A_915 : vector<16xi32>
        %bitcast3A_917 = vector.bitcast %shift_left3A_916 : vector<16xi32> to vector<16xf32>
        %and3A_918 = arith.constant -65536 : i32
        %and3A_919 = vector.broadcast %and3A_918 : i32 to vector<16xi32>
        %and3A_920 = arith.andi %get3A_913, %and3A_919 : vector<16xi32>
        %bitcast3A_921 = vector.bitcast %and3A_920 : vector<16xi32> to vector<16xf32>
        %add3A_922 = arith.addf %scan3A_862, %bitcast3A_917 : vector<16xf32>
        %add3A_923 = arith.addf %scan3A_863, %bitcast3A_921 : vector<16xf32>
        scf.yield %add3A_877, %add3A_878, %add3A_892, %add3A_893, %add3A_907, %add3A_908, %add3A_922, %add3A_923 : vector<16xf32>, vector<16xf32>, vector<16xf32>, vector<16xf32>, vector<16xf32>, vector<16xf32>, vector<16xf32>, vector<16xf32>
      }
      %scan3A_575 = arith.constant 50 : i32
      %add3A_576 = arith.addf %scan3A_574#0, %scan3A_574#4 : vector<16xf32>
      %swap3A_577 = arith.constant 1 : i32
      %swap3A_578 = arith.index_cast %swap3A_577 : i32 to index
      %swap3A_579 = arith.constant 0 : index
      %swap3A_580 = tpu.vector_load %arg10[%swap3A_578, %swap3A_579] {strides = array<i32>} : memref<8x64xf32, #tpu.memory_space<vmem>>, vector<16xf32>,
      tpu.vector_store %arg10[%swap3A_578, %swap3A_579], %add3A_576 {strides = array<i32>} : memref<8x64xf32, #tpu.memory_space<vmem>>, vector<16xf32>,
      %add3A_581 = arith.addf %scan3A_574#1, %scan3A_574#5 : vector<16xf32>
      %swap3A_582 = arith.constant 1 : i32
      %swap3A_583 = arith.index_cast %swap3A_582 : i32 to index
      %swap3A_584 = arith.constant 16 : index
      %swap3A_585 = tpu.vector_load %arg10[%swap3A_583, %swap3A_584] {strides = array<i32>} : memref<8x64xf32, #tpu.memory_space<vmem>>, vector<16xf32>,
      tpu.vector_store %arg10[%swap3A_583, %swap3A_584], %add3A_581 {strides = array<i32>} : memref<8x64xf32, #tpu.memory_space<vmem>>, vector<16xf32>,
      %add3A_586 = arith.addf %scan3A_574#2, %scan3A_574#6 : vector<16xf32>
      %swap3A_587 = arith.constant 1 : i32
      %swap3A_588 = arith.index_cast %swap3A_587 : i32 to index
      %swap3A_589 = arith.constant 32 : index
      %swap3A_590 = tpu.vector_load %arg10[%swap3A_588, %swap3A_589] {strides = array<i32>} : memref<8x64xf32, #tpu.memory_space<vmem>>, vector<16xf32>,
      tpu.vector_store %arg10[%swap3A_588, %swap3A_589], %add3A_586 {strides = array<i32>} : memref<8x64xf32, #tpu.memory_space<vmem>>, vector<16xf32>,
      %add3A_591 = arith.addf %scan3A_574#3, %scan3A_574#7 : vector<16xf32>
      %swap3A_592 = arith.constant 1 : i32
      %swap3A_593 = arith.index_cast %swap3A_592 : i32 to index
      %swap3A_594 = arith.constant 48 : index
      %swap3A_595 = tpu.vector_load %arg10[%swap3A_593, %swap3A_594] {strides = array<i32>} : memref<8x64xf32, #tpu.memory_space<vmem>>, vector<16xf32>,
      tpu.vector_store %arg10[%swap3A_593, %swap3A_594], %add3A_591 {strides = array<i32>} : memref<8x64xf32, #tpu.memory_space<vmem>>, vector<16xf32>,
      %broadcast_in_dim3A_596 = arith.constant 0.000000e+00 : f32
      %broadcast_in_dim3A_597 = vector.broadcast %broadcast_in_dim3A_596 : f32 to vector<16xf32>
      %broadcast_in_dim3A_598 = arith.constant 0.000000e+00 : f32
      %broadcast_in_dim3A_599 = vector.broadcast %broadcast_in_dim3A_598 : f32 to vector<16xf32>
      %broadcast_in_dim3A_600 = arith.constant 0.000000e+00 : f32
      %broadcast_in_dim3A_601 = vector.broadcast %broadcast_in_dim3A_600 : f32 to vector<16xf32>
      %broadcast_in_dim3A_602 = arith.constant 0.000000e+00 : f32
      %broadcast_in_dim3A_603 = vector.broadcast %broadcast_in_dim3A_602 : f32 to vector<16xf32>
      %broadcast_in_dim3A_604 = arith.constant 0.000000e+00 : f32
      %broadcast_in_dim3A_605 = vector.broadcast %broadcast_in_dim3A_604 : f32 to vector<16xf32>
      %broadcast_in_dim3A_606 = arith.constant 0.000000e+00 : f32
      %broadcast_in_dim3A_607 = vector.broadcast %broadcast_in_dim3A_606 : f32 to vector<16xf32>
      %broadcast_in_dim3A_608 = arith.constant 0.000000e+00 : f32
      %broadcast_in_dim3A_609 = vector.broadcast %broadcast_in_dim3A_608 : f32 to vector<16xf32>
      %broadcast_in_dim3A_610 = arith.constant 0.000000e+00 : f32
      %broadcast_in_dim3A_611 = vector.broadcast %broadcast_in_dim3A_610 : f32 to vector<16xf32>
      %scan3A_612 = arith.constant 0 : i32
      %scan3A_613 = arith.constant 50 : i32
      %scan3A_614 = arith.addi %scan3A_612, %scan3A_613 : i32
      %scan3A_615 = arith.constant 1 : i32
      %scan3A_616:8 = scf.for %scan3A_855 = %scan3A_612 to %scan3A_614 step %scan3A_615 iter_args(%scan3A_856 = %broadcast_in_dim3A_597, %scan3A_857 = %broadcast_in_dim3A_599, %scan3A_858 = %broadcast_in_dim3A_601, %scan3A_859 = %broadcast_in_dim3A_603, %scan3A_860 = %broadcast_in_dim3A_605, %scan3A_861 = %broadcast_in_dim3A_607, %scan3A_862 = %broadcast_in_dim3A_609, %scan3A_863 = %broadcast_in_dim3A_611) -> (vector<16xf32>, vector<16xf32>, vector<16xf32>, vector<16xf32>, vector<16xf32>, vector<16xf32>, vector<16xf32>, vector<16xf32>)  : i32 {
        %mul3A_864 = arith.constant 2 : i32
        %mul3A_865 = arith.muli %mul3A_864, %scan3A_855 : i32
        %add3A_866 = arith.constant 200 : i32
        %add3A_867 = arith.addi %add3A_866, %mul3A_865 : i32
        %add3A_868 = arith.constant 0 : i32
        %add3A_869 = arith.addi %add3A_867, %add3A_868 : i32
        %get3A = arith.index_cast %add3A_869 : i32 to index
        %get3A_870 = arith.constant 0 : index
        %get3A_871 = tpu.vector_load %arg8[%get3A, %get3A_870] {strides = array<i32>} : memref<800x32xi32, #tpu.memory_space<vmem>>, vector<16xi32>,
        %shift_left3A = arith.constant 16 : i32
        %shift_left3A_872 = vector.broadcast %shift_left3A : i32 to vector<16xi32>
        %shift_left3A_873 = arith.shli %get3A_871, %shift_left3A_872 : vector<16xi32>
        %bitcast3A = vector.bitcast %shift_left3A_873 : vector<16xi32> to vector<16xf32>
        %and3A = arith.constant -65536 : i32
        %and3A_874 = vector.broadcast %and3A : i32 to vector<16xi32>
        %and3A_875 = arith.andi %get3A_871, %and3A_874 : vector<16xi32>
        %bitcast3A_876 = vector.bitcast %and3A_875 : vector<16xi32> to vector<16xf32>
        %add3A_877 = arith.addf %scan3A_856, %bitcast3A : vector<16xf32>
        %add3A_878 = arith.addf %scan3A_857, %bitcast3A_876 : vector<16xf32>
        %add3A_879 = arith.constant 0 : i32
        %add3A_880 = arith.addi %add3A_867, %add3A_879 : i32
        %get3A_881 = arith.index_cast %add3A_880 : i32 to index
        %get3A_882 = arith.constant 16 : index
        %get3A_883 = tpu.vector_load %arg8[%get3A_881, %get3A_882] {strides = array<i32>} : memref<800x32xi32, #tpu.memory_space<vmem>>, vector<16xi32>,
        %shift_left3A_884 = arith.constant 16 : i32
        %shift_left3A_885 = vector.broadcast %shift_left3A_884 : i32 to vector<16xi32>
        %shift_left3A_886 = arith.shli %get3A_883, %shift_left3A_885 : vector<16xi32>
        %bitcast3A_887 = vector.bitcast %shift_left3A_886 : vector<16xi32> to vector<16xf32>
        %and3A_888 = arith.constant -65536 : i32
        %and3A_889 = vector.broadcast %and3A_888 : i32 to vector<16xi32>
        %and3A_890 = arith.andi %get3A_883, %and3A_889 : vector<16xi32>
        %bitcast3A_891 = vector.bitcast %and3A_890 : vector<16xi32> to vector<16xf32>
        %add3A_892 = arith.addf %scan3A_858, %bitcast3A_887 : vector<16xf32>
        %add3A_893 = arith.addf %scan3A_859, %bitcast3A_891 : vector<16xf32>
        %add3A_894 = arith.constant 1 : i32
        %add3A_895 = arith.addi %add3A_867, %add3A_894 : i32
        %get3A_896 = arith.index_cast %add3A_895 : i32 to index
        %get3A_897 = arith.constant 0 : index
        %get3A_898 = tpu.vector_load %arg8[%get3A_896, %get3A_897] {strides = array<i32>} : memref<800x32xi32, #tpu.memory_space<vmem>>, vector<16xi32>,
        %shift_left3A_899 = arith.constant 16 : i32
        %shift_left3A_900 = vector.broadcast %shift_left3A_899 : i32 to vector<16xi32>
        %shift_left3A_901 = arith.shli %get3A_898, %shift_left3A_900 : vector<16xi32>
        %bitcast3A_902 = vector.bitcast %shift_left3A_901 : vector<16xi32> to vector<16xf32>
        %and3A_903 = arith.constant -65536 : i32
        %and3A_904 = vector.broadcast %and3A_903 : i32 to vector<16xi32>
        %and3A_905 = arith.andi %get3A_898, %and3A_904 : vector<16xi32>
        %bitcast3A_906 = vector.bitcast %and3A_905 : vector<16xi32> to vector<16xf32>
        %add3A_907 = arith.addf %scan3A_860, %bitcast3A_902 : vector<16xf32>
        %add3A_908 = arith.addf %scan3A_861, %bitcast3A_906 : vector<16xf32>
        %add3A_909 = arith.constant 1 : i32
        %add3A_910 = arith.addi %add3A_867, %add3A_909 : i32
        %get3A_911 = arith.index_cast %add3A_910 : i32 to index
        %get3A_912 = arith.constant 16 : index
        %get3A_913 = tpu.vector_load %arg8[%get3A_911, %get3A_912] {strides = array<i32>} : memref<800x32xi32, #tpu.memory_space<vmem>>, vector<16xi32>,
        %shift_left3A_914 = arith.constant 16 : i32
        %shift_left3A_915 = vector.broadcast %shift_left3A_914 : i32 to vector<16xi32>
        %shift_left3A_916 = arith.shli %get3A_913, %shift_left3A_915 : vector<16xi32>
        %bitcast3A_917 = vector.bitcast %shift_left3A_916 : vector<16xi32> to vector<16xf32>
        %and3A_918 = arith.constant -65536 : i32
        %and3A_919 = vector.broadcast %and3A_918 : i32 to vector<16xi32>
        %and3A_920 = arith.andi %get3A_913, %and3A_919 : vector<16xi32>
        %bitcast3A_921 = vector.bitcast %and3A_920 : vector<16xi32> to vector<16xf32>
        %add3A_922 = arith.addf %scan3A_862, %bitcast3A_917 : vector<16xf32>
        %add3A_923 = arith.addf %scan3A_863, %bitcast3A_921 : vector<16xf32>
        scf.yield %add3A_877, %add3A_878, %add3A_892, %add3A_893, %add3A_907, %add3A_908, %add3A_922, %add3A_923 : vector<16xf32>, vector<16xf32>, vector<16xf32>, vector<16xf32>, vector<16xf32>, vector<16xf32>, vector<16xf32>, vector<16xf32>
      }
      %scan3A_617 = arith.constant 50 : i32
      %add3A_618 = arith.addf %scan3A_616#0, %scan3A_616#4 : vector<16xf32>
      %swap3A_619 = arith.constant 2 : i32
      %swap3A_620 = arith.index_cast %swap3A_619 : i32 to index
      %swap3A_621 = arith.constant 0 : index
      %swap3A_622 = tpu.vector_load %arg10[%swap3A_620, %swap3A_621] {strides = array<i32>} : memref<8x64xf32, #tpu.memory_space<vmem>>, vector<16xf32>,
      tpu.vector_store %arg10[%swap3A_620, %swap3A_621], %add3A_618 {strides = array<i32>} : memref<8x64xf32, #tpu.memory_space<vmem>>, vector<16xf32>,
      %add3A_623 = arith.addf %scan3A_616#1, %scan3A_616#5 : vector<16xf32>
      %swap3A_624 = arith.constant 2 : i32
      %swap3A_625 = arith.index_cast %swap3A_624 : i32 to index
      %swap3A_626 = arith.constant 16 : index
      %swap3A_627 = tpu.vector_load %arg10[%swap3A_625, %swap3A_626] {strides = array<i32>} : memref<8x64xf32, #tpu.memory_space<vmem>>, vector<16xf32>,
      tpu.vector_store %arg10[%swap3A_625, %swap3A_626], %add3A_623 {strides = array<i32>} : memref<8x64xf32, #tpu.memory_space<vmem>>, vector<16xf32>,
      %add3A_628 = arith.addf %scan3A_616#2, %scan3A_616#6 : vector<16xf32>
      %swap3A_629 = arith.constant 2 : i32
      %swap3A_630 = arith.index_cast %swap3A_629 : i32 to index
      %swap3A_631 = arith.constant 32 : index
      %swap3A_632 = tpu.vector_load %arg10[%swap3A_630, %swap3A_631] {strides = array<i32>} : memref<8x64xf32, #tpu.memory_space<vmem>>, vector<16xf32>,
      tpu.vector_store %arg10[%swap3A_630, %swap3A_631], %add3A_628 {strides = array<i32>} : memref<8x64xf32, #tpu.memory_space<vmem>>, vector<16xf32>,
      %add3A_633 = arith.addf %scan3A_616#3, %scan3A_616#7 : vector<16xf32>
      %swap3A_634 = arith.constant 2 : i32
      %swap3A_635 = arith.index_cast %swap3A_634 : i32 to index
      %swap3A_636 = arith.constant 48 : index
      %swap3A_637 = tpu.vector_load %arg10[%swap3A_635, %swap3A_636] {strides = array<i32>} : memref<8x64xf32, #tpu.memory_space<vmem>>, vector<16xf32>,
      tpu.vector_store %arg10[%swap3A_635, %swap3A_636], %add3A_633 {strides = array<i32>} : memref<8x64xf32, #tpu.memory_space<vmem>>, vector<16xf32>,
      %broadcast_in_dim3A_638 = arith.constant 0.000000e+00 : f32
      %broadcast_in_dim3A_639 = vector.broadcast %broadcast_in_dim3A_638 : f32 to vector<16xf32>
      %broadcast_in_dim3A_640 = arith.constant 0.000000e+00 : f32
      %broadcast_in_dim3A_641 = vector.broadcast %broadcast_in_dim3A_640 : f32 to vector<16xf32>
      %broadcast_in_dim3A_642 = arith.constant 0.000000e+00 : f32
      %broadcast_in_dim3A_643 = vector.broadcast %broadcast_in_dim3A_642 : f32 to vector<16xf32>
      %broadcast_in_dim3A_644 = arith.constant 0.000000e+00 : f32
      %broadcast_in_dim3A_645 = vector.broadcast %broadcast_in_dim3A_644 : f32 to vector<16xf32>
      %broadcast_in_dim3A_646 = arith.constant 0.000000e+00 : f32
      %broadcast_in_dim3A_647 = vector.broadcast %broadcast_in_dim3A_646 : f32 to vector<16xf32>
      %broadcast_in_dim3A_648 = arith.constant 0.000000e+00 : f32
      %broadcast_in_dim3A_649 = vector.broadcast %broadcast_in_dim3A_648 : f32 to vector<16xf32>
      %broadcast_in_dim3A_650 = arith.constant 0.000000e+00 : f32
      %broadcast_in_dim3A_651 = vector.broadcast %broadcast_in_dim3A_650 : f32 to vector<16xf32>
      %broadcast_in_dim3A_652 = arith.constant 0.000000e+00 : f32
      %broadcast_in_dim3A_653 = vector.broadcast %broadcast_in_dim3A_652 : f32 to vector<16xf32>
      %scan3A_654 = arith.constant 0 : i32
      %scan3A_655 = arith.constant 50 : i32
      %scan3A_656 = arith.addi %scan3A_654, %scan3A_655 : i32
      %scan3A_657 = arith.constant 1 : i32
      %scan3A_658:8 = scf.for %scan3A_855 = %scan3A_654 to %scan3A_656 step %scan3A_657 iter_args(%scan3A_856 = %broadcast_in_dim3A_639, %scan3A_857 = %broadcast_in_dim3A_641, %scan3A_858 = %broadcast_in_dim3A_643, %scan3A_859 = %broadcast_in_dim3A_645, %scan3A_860 = %broadcast_in_dim3A_647, %scan3A_861 = %broadcast_in_dim3A_649, %scan3A_862 = %broadcast_in_dim3A_651, %scan3A_863 = %broadcast_in_dim3A_653) -> (vector<16xf32>, vector<16xf32>, vector<16xf32>, vector<16xf32>, vector<16xf32>, vector<16xf32>, vector<16xf32>, vector<16xf32>)  : i32 {
        %mul3A_864 = arith.constant 2 : i32
        %mul3A_865 = arith.muli %mul3A_864, %scan3A_855 : i32
        %add3A_866 = arith.constant 300 : i32
        %add3A_867 = arith.addi %add3A_866, %mul3A_865 : i32
        %add3A_868 = arith.constant 0 : i32
        %add3A_869 = arith.addi %add3A_867, %add3A_868 : i32
        %get3A = arith.index_cast %add3A_869 : i32 to index
        %get3A_870 = arith.constant 0 : index
        %get3A_871 = tpu.vector_load %arg8[%get3A, %get3A_870] {strides = array<i32>} : memref<800x32xi32, #tpu.memory_space<vmem>>, vector<16xi32>,
        %shift_left3A = arith.constant 16 : i32
        %shift_left3A_872 = vector.broadcast %shift_left3A : i32 to vector<16xi32>
        %shift_left3A_873 = arith.shli %get3A_871, %shift_left3A_872 : vector<16xi32>
        %bitcast3A = vector.bitcast %shift_left3A_873 : vector<16xi32> to vector<16xf32>
        %and3A = arith.constant -65536 : i32
        %and3A_874 = vector.broadcast %and3A : i32 to vector<16xi32>
        %and3A_875 = arith.andi %get3A_871, %and3A_874 : vector<16xi32>
        %bitcast3A_876 = vector.bitcast %and3A_875 : vector<16xi32> to vector<16xf32>
        %add3A_877 = arith.addf %scan3A_856, %bitcast3A : vector<16xf32>
        %add3A_878 = arith.addf %scan3A_857, %bitcast3A_876 : vector<16xf32>
        %add3A_879 = arith.constant 0 : i32
        %add3A_880 = arith.addi %add3A_867, %add3A_879 : i32
        %get3A_881 = arith.index_cast %add3A_880 : i32 to index
        %get3A_882 = arith.constant 16 : index
        %get3A_883 = tpu.vector_load %arg8[%get3A_881, %get3A_882] {strides = array<i32>} : memref<800x32xi32, #tpu.memory_space<vmem>>, vector<16xi32>,
        %shift_left3A_884 = arith.constant 16 : i32
        %shift_left3A_885 = vector.broadcast %shift_left3A_884 : i32 to vector<16xi32>
        %shift_left3A_886 = arith.shli %get3A_883, %shift_left3A_885 : vector<16xi32>
        %bitcast3A_887 = vector.bitcast %shift_left3A_886 : vector<16xi32> to vector<16xf32>
        %and3A_888 = arith.constant -65536 : i32
        %and3A_889 = vector.broadcast %and3A_888 : i32 to vector<16xi32>
        %and3A_890 = arith.andi %get3A_883, %and3A_889 : vector<16xi32>
        %bitcast3A_891 = vector.bitcast %and3A_890 : vector<16xi32> to vector<16xf32>
        %add3A_892 = arith.addf %scan3A_858, %bitcast3A_887 : vector<16xf32>
        %add3A_893 = arith.addf %scan3A_859, %bitcast3A_891 : vector<16xf32>
        %add3A_894 = arith.constant 1 : i32
        %add3A_895 = arith.addi %add3A_867, %add3A_894 : i32
        %get3A_896 = arith.index_cast %add3A_895 : i32 to index
        %get3A_897 = arith.constant 0 : index
        %get3A_898 = tpu.vector_load %arg8[%get3A_896, %get3A_897] {strides = array<i32>} : memref<800x32xi32, #tpu.memory_space<vmem>>, vector<16xi32>,
        %shift_left3A_899 = arith.constant 16 : i32
        %shift_left3A_900 = vector.broadcast %shift_left3A_899 : i32 to vector<16xi32>
        %shift_left3A_901 = arith.shli %get3A_898, %shift_left3A_900 : vector<16xi32>
        %bitcast3A_902 = vector.bitcast %shift_left3A_901 : vector<16xi32> to vector<16xf32>
        %and3A_903 = arith.constant -65536 : i32
        %and3A_904 = vector.broadcast %and3A_903 : i32 to vector<16xi32>
        %and3A_905 = arith.andi %get3A_898, %and3A_904 : vector<16xi32>
        %bitcast3A_906 = vector.bitcast %and3A_905 : vector<16xi32> to vector<16xf32>
        %add3A_907 = arith.addf %scan3A_860, %bitcast3A_902 : vector<16xf32>
        %add3A_908 = arith.addf %scan3A_861, %bitcast3A_906 : vector<16xf32>
        %add3A_909 = arith.constant 1 : i32
        %add3A_910 = arith.addi %add3A_867, %add3A_909 : i32
        %get3A_911 = arith.index_cast %add3A_910 : i32 to index
        %get3A_912 = arith.constant 16 : index
        %get3A_913 = tpu.vector_load %arg8[%get3A_911, %get3A_912] {strides = array<i32>} : memref<800x32xi32, #tpu.memory_space<vmem>>, vector<16xi32>,
        %shift_left3A_914 = arith.constant 16 : i32
        %shift_left3A_915 = vector.broadcast %shift_left3A_914 : i32 to vector<16xi32>
        %shift_left3A_916 = arith.shli %get3A_913, %shift_left3A_915 : vector<16xi32>
        %bitcast3A_917 = vector.bitcast %shift_left3A_916 : vector<16xi32> to vector<16xf32>
        %and3A_918 = arith.constant -65536 : i32
        %and3A_919 = vector.broadcast %and3A_918 : i32 to vector<16xi32>
        %and3A_920 = arith.andi %get3A_913, %and3A_919 : vector<16xi32>
        %bitcast3A_921 = vector.bitcast %and3A_920 : vector<16xi32> to vector<16xf32>
        %add3A_922 = arith.addf %scan3A_862, %bitcast3A_917 : vector<16xf32>
        %add3A_923 = arith.addf %scan3A_863, %bitcast3A_921 : vector<16xf32>
        scf.yield %add3A_877, %add3A_878, %add3A_892, %add3A_893, %add3A_907, %add3A_908, %add3A_922, %add3A_923 : vector<16xf32>, vector<16xf32>, vector<16xf32>, vector<16xf32>, vector<16xf32>, vector<16xf32>, vector<16xf32>, vector<16xf32>
      }
      %scan3A_659 = arith.constant 50 : i32
      %add3A_660 = arith.addf %scan3A_658#0, %scan3A_658#4 : vector<16xf32>
      %swap3A_661 = arith.constant 3 : i32
      %swap3A_662 = arith.index_cast %swap3A_661 : i32 to index
      %swap3A_663 = arith.constant 0 : index
      %swap3A_664 = tpu.vector_load %arg10[%swap3A_662, %swap3A_663] {strides = array<i32>} : memref<8x64xf32, #tpu.memory_space<vmem>>, vector<16xf32>,
      tpu.vector_store %arg10[%swap3A_662, %swap3A_663], %add3A_660 {strides = array<i32>} : memref<8x64xf32, #tpu.memory_space<vmem>>, vector<16xf32>,
      %add3A_665 = arith.addf %scan3A_658#1, %scan3A_658#5 : vector<16xf32>
      %swap3A_666 = arith.constant 3 : i32
      %swap3A_667 = arith.index_cast %swap3A_666 : i32 to index
      %swap3A_668 = arith.constant 16 : index
      %swap3A_669 = tpu.vector_load %arg10[%swap3A_667, %swap3A_668] {strides = array<i32>} : memref<8x64xf32, #tpu.memory_space<vmem>>, vector<16xf32>,
      tpu.vector_store %arg10[%swap3A_667, %swap3A_668], %add3A_665 {strides = array<i32>} : memref<8x64xf32, #tpu.memory_space<vmem>>, vector<16xf32>,
      %add3A_670 = arith.addf %scan3A_658#2, %scan3A_658#6 : vector<16xf32>
      %swap3A_671 = arith.constant 3 : i32
      %swap3A_672 = arith.index_cast %swap3A_671 : i32 to index
      %swap3A_673 = arith.constant 32 : index
      %swap3A_674 = tpu.vector_load %arg10[%swap3A_672, %swap3A_673] {strides = array<i32>} : memref<8x64xf32, #tpu.memory_space<vmem>>, vector<16xf32>,
      tpu.vector_store %arg10[%swap3A_672, %swap3A_673], %add3A_670 {strides = array<i32>} : memref<8x64xf32, #tpu.memory_space<vmem>>, vector<16xf32>,
      %add3A_675 = arith.addf %scan3A_658#3, %scan3A_658#7 : vector<16xf32>
      %swap3A_676 = arith.constant 3 : i32
      %swap3A_677 = arith.index_cast %swap3A_676 : i32 to index
      %swap3A_678 = arith.constant 48 : index
      %swap3A_679 = tpu.vector_load %arg10[%swap3A_677, %swap3A_678] {strides = array<i32>} : memref<8x64xf32, #tpu.memory_space<vmem>>, vector<16xf32>,
      tpu.vector_store %arg10[%swap3A_677, %swap3A_678], %add3A_675 {strides = array<i32>} : memref<8x64xf32, #tpu.memory_space<vmem>>, vector<16xf32>,
      %broadcast_in_dim3A_680 = arith.constant 0.000000e+00 : f32
      %broadcast_in_dim3A_681 = vector.broadcast %broadcast_in_dim3A_680 : f32 to vector<16xf32>
      %broadcast_in_dim3A_682 = arith.constant 0.000000e+00 : f32
      %broadcast_in_dim3A_683 = vector.broadcast %broadcast_in_dim3A_682 : f32 to vector<16xf32>
      %broadcast_in_dim3A_684 = arith.constant 0.000000e+00 : f32
      %broadcast_in_dim3A_685 = vector.broadcast %broadcast_in_dim3A_684 : f32 to vector<16xf32>
      %broadcast_in_dim3A_686 = arith.constant 0.000000e+00 : f32
      %broadcast_in_dim3A_687 = vector.broadcast %broadcast_in_dim3A_686 : f32 to vector<16xf32>
      %broadcast_in_dim3A_688 = arith.constant 0.000000e+00 : f32
      %broadcast_in_dim3A_689 = vector.broadcast %broadcast_in_dim3A_688 : f32 to vector<16xf32>
      %broadcast_in_dim3A_690 = arith.constant 0.000000e+00 : f32
      %broadcast_in_dim3A_691 = vector.broadcast %broadcast_in_dim3A_690 : f32 to vector<16xf32>
      %broadcast_in_dim3A_692 = arith.constant 0.000000e+00 : f32
      %broadcast_in_dim3A_693 = vector.broadcast %broadcast_in_dim3A_692 : f32 to vector<16xf32>
      %broadcast_in_dim3A_694 = arith.constant 0.000000e+00 : f32
      %broadcast_in_dim3A_695 = vector.broadcast %broadcast_in_dim3A_694 : f32 to vector<16xf32>
      %scan3A_696 = arith.constant 0 : i32
      %scan3A_697 = arith.constant 50 : i32
      %scan3A_698 = arith.addi %scan3A_696, %scan3A_697 : i32
      %scan3A_699 = arith.constant 1 : i32
      %scan3A_700:8 = scf.for %scan3A_855 = %scan3A_696 to %scan3A_698 step %scan3A_699 iter_args(%scan3A_856 = %broadcast_in_dim3A_681, %scan3A_857 = %broadcast_in_dim3A_683, %scan3A_858 = %broadcast_in_dim3A_685, %scan3A_859 = %broadcast_in_dim3A_687, %scan3A_860 = %broadcast_in_dim3A_689, %scan3A_861 = %broadcast_in_dim3A_691, %scan3A_862 = %broadcast_in_dim3A_693, %scan3A_863 = %broadcast_in_dim3A_695) -> (vector<16xf32>, vector<16xf32>, vector<16xf32>, vector<16xf32>, vector<16xf32>, vector<16xf32>, vector<16xf32>, vector<16xf32>)  : i32 {
        %mul3A_864 = arith.constant 2 : i32
        %mul3A_865 = arith.muli %mul3A_864, %scan3A_855 : i32
        %add3A_866 = arith.constant 400 : i32
        %add3A_867 = arith.addi %add3A_866, %mul3A_865 : i32
        %add3A_868 = arith.constant 0 : i32
        %add3A_869 = arith.addi %add3A_867, %add3A_868 : i32
        %get3A = arith.index_cast %add3A_869 : i32 to index
        %get3A_870 = arith.constant 0 : index
        %get3A_871 = tpu.vector_load %arg8[%get3A, %get3A_870] {strides = array<i32>} : memref<800x32xi32, #tpu.memory_space<vmem>>, vector<16xi32>,
        %shift_left3A = arith.constant 16 : i32
        %shift_left3A_872 = vector.broadcast %shift_left3A : i32 to vector<16xi32>
        %shift_left3A_873 = arith.shli %get3A_871, %shift_left3A_872 : vector<16xi32>
        %bitcast3A = vector.bitcast %shift_left3A_873 : vector<16xi32> to vector<16xf32>
        %and3A = arith.constant -65536 : i32
        %and3A_874 = vector.broadcast %and3A : i32 to vector<16xi32>
        %and3A_875 = arith.andi %get3A_871, %and3A_874 : vector<16xi32>
        %bitcast3A_876 = vector.bitcast %and3A_875 : vector<16xi32> to vector<16xf32>
        %add3A_877 = arith.addf %scan3A_856, %bitcast3A : vector<16xf32>
        %add3A_878 = arith.addf %scan3A_857, %bitcast3A_876 : vector<16xf32>
        %add3A_879 = arith.constant 0 : i32
        %add3A_880 = arith.addi %add3A_867, %add3A_879 : i32
        %get3A_881 = arith.index_cast %add3A_880 : i32 to index
        %get3A_882 = arith.constant 16 : index
        %get3A_883 = tpu.vector_load %arg8[%get3A_881, %get3A_882] {strides = array<i32>} : memref<800x32xi32, #tpu.memory_space<vmem>>, vector<16xi32>,
        %shift_left3A_884 = arith.constant 16 : i32
        %shift_left3A_885 = vector.broadcast %shift_left3A_884 : i32 to vector<16xi32>
        %shift_left3A_886 = arith.shli %get3A_883, %shift_left3A_885 : vector<16xi32>
        %bitcast3A_887 = vector.bitcast %shift_left3A_886 : vector<16xi32> to vector<16xf32>
        %and3A_888 = arith.constant -65536 : i32
        %and3A_889 = vector.broadcast %and3A_888 : i32 to vector<16xi32>
        %and3A_890 = arith.andi %get3A_883, %and3A_889 : vector<16xi32>
        %bitcast3A_891 = vector.bitcast %and3A_890 : vector<16xi32> to vector<16xf32>
        %add3A_892 = arith.addf %scan3A_858, %bitcast3A_887 : vector<16xf32>
        %add3A_893 = arith.addf %scan3A_859, %bitcast3A_891 : vector<16xf32>
        %add3A_894 = arith.constant 1 : i32
        %add3A_895 = arith.addi %add3A_867, %add3A_894 : i32
        %get3A_896 = arith.index_cast %add3A_895 : i32 to index
        %get3A_897 = arith.constant 0 : index
        %get3A_898 = tpu.vector_load %arg8[%get3A_896, %get3A_897] {strides = array<i32>} : memref<800x32xi32, #tpu.memory_space<vmem>>, vector<16xi32>,
        %shift_left3A_899 = arith.constant 16 : i32
        %shift_left3A_900 = vector.broadcast %shift_left3A_899 : i32 to vector<16xi32>
        %shift_left3A_901 = arith.shli %get3A_898, %shift_left3A_900 : vector<16xi32>
        %bitcast3A_902 = vector.bitcast %shift_left3A_901 : vector<16xi32> to vector<16xf32>
        %and3A_903 = arith.constant -65536 : i32
        %and3A_904 = vector.broadcast %and3A_903 : i32 to vector<16xi32>
        %and3A_905 = arith.andi %get3A_898, %and3A_904 : vector<16xi32>
        %bitcast3A_906 = vector.bitcast %and3A_905 : vector<16xi32> to vector<16xf32>
        %add3A_907 = arith.addf %scan3A_860, %bitcast3A_902 : vector<16xf32>
        %add3A_908 = arith.addf %scan3A_861, %bitcast3A_906 : vector<16xf32>
        %add3A_909 = arith.constant 1 : i32
        %add3A_910 = arith.addi %add3A_867, %add3A_909 : i32
        %get3A_911 = arith.index_cast %add3A_910 : i32 to index
        %get3A_912 = arith.constant 16 : index
        %get3A_913 = tpu.vector_load %arg8[%get3A_911, %get3A_912] {strides = array<i32>} : memref<800x32xi32, #tpu.memory_space<vmem>>, vector<16xi32>,
        %shift_left3A_914 = arith.constant 16 : i32
        %shift_left3A_915 = vector.broadcast %shift_left3A_914 : i32 to vector<16xi32>
        %shift_left3A_916 = arith.shli %get3A_913, %shift_left3A_915 : vector<16xi32>
        %bitcast3A_917 = vector.bitcast %shift_left3A_916 : vector<16xi32> to vector<16xf32>
        %and3A_918 = arith.constant -65536 : i32
        %and3A_919 = vector.broadcast %and3A_918 : i32 to vector<16xi32>
        %and3A_920 = arith.andi %get3A_913, %and3A_919 : vector<16xi32>
        %bitcast3A_921 = vector.bitcast %and3A_920 : vector<16xi32> to vector<16xf32>
        %add3A_922 = arith.addf %scan3A_862, %bitcast3A_917 : vector<16xf32>
        %add3A_923 = arith.addf %scan3A_863, %bitcast3A_921 : vector<16xf32>
        scf.yield %add3A_877, %add3A_878, %add3A_892, %add3A_893, %add3A_907, %add3A_908, %add3A_922, %add3A_923 : vector<16xf32>, vector<16xf32>, vector<16xf32>, vector<16xf32>, vector<16xf32>, vector<16xf32>, vector<16xf32>, vector<16xf32>
      }
      %scan3A_701 = arith.constant 50 : i32
      %add3A_702 = arith.addf %scan3A_700#0, %scan3A_700#4 : vector<16xf32>
      %swap3A_703 = arith.constant 4 : i32
      %swap3A_704 = arith.index_cast %swap3A_703 : i32 to index
      %swap3A_705 = arith.constant 0 : index
      %swap3A_706 = tpu.vector_load %arg10[%swap3A_704, %swap3A_705] {strides = array<i32>} : memref<8x64xf32, #tpu.memory_space<vmem>>, vector<16xf32>,
      tpu.vector_store %arg10[%swap3A_704, %swap3A_705], %add3A_702 {strides = array<i32>} : memref<8x64xf32, #tpu.memory_space<vmem>>, vector<16xf32>,
      %add3A_707 = arith.addf %scan3A_700#1, %scan3A_700#5 : vector<16xf32>
      %swap3A_708 = arith.constant 4 : i32
      %swap3A_709 = arith.index_cast %swap3A_708 : i32 to index
      %swap3A_710 = arith.constant 16 : index
      %swap3A_711 = tpu.vector_load %arg10[%swap3A_709, %swap3A_710] {strides = array<i32>} : memref<8x64xf32, #tpu.memory_space<vmem>>, vector<16xf32>,
      tpu.vector_store %arg10[%swap3A_709, %swap3A_710], %add3A_707 {strides = array<i32>} : memref<8x64xf32, #tpu.memory_space<vmem>>, vector<16xf32>,
      %add3A_712 = arith.addf %scan3A_700#2, %scan3A_700#6 : vector<16xf32>
      %swap3A_713 = arith.constant 4 : i32
      %swap3A_714 = arith.index_cast %swap3A_713 : i32 to index
      %swap3A_715 = arith.constant 32 : index
      %swap3A_716 = tpu.vector_load %arg10[%swap3A_714, %swap3A_715] {strides = array<i32>} : memref<8x64xf32, #tpu.memory_space<vmem>>, vector<16xf32>,
      tpu.vector_store %arg10[%swap3A_714, %swap3A_715], %add3A_712 {strides = array<i32>} : memref<8x64xf32, #tpu.memory_space<vmem>>, vector<16xf32>,
      %add3A_717 = arith.addf %scan3A_700#3, %scan3A_700#7 : vector<16xf32>
      %swap3A_718 = arith.constant 4 : i32
      %swap3A_719 = arith.index_cast %swap3A_718 : i32 to index
      %swap3A_720 = arith.constant 48 : index
      %swap3A_721 = tpu.vector_load %arg10[%swap3A_719, %swap3A_720] {strides = array<i32>} : memref<8x64xf32, #tpu.memory_space<vmem>>, vector<16xf32>,
      tpu.vector_store %arg10[%swap3A_719, %swap3A_720], %add3A_717 {strides = array<i32>} : memref<8x64xf32, #tpu.memory_space<vmem>>, vector<16xf32>,
      %broadcast_in_dim3A_722 = arith.constant 0.000000e+00 : f32
      %broadcast_in_dim3A_723 = vector.broadcast %broadcast_in_dim3A_722 : f32 to vector<16xf32>
      %broadcast_in_dim3A_724 = arith.constant 0.000000e+00 : f32
      %broadcast_in_dim3A_725 = vector.broadcast %broadcast_in_dim3A_724 : f32 to vector<16xf32>
      %broadcast_in_dim3A_726 = arith.constant 0.000000e+00 : f32
      %broadcast_in_dim3A_727 = vector.broadcast %broadcast_in_dim3A_726 : f32 to vector<16xf32>
      %broadcast_in_dim3A_728 = arith.constant 0.000000e+00 : f32
      %broadcast_in_dim3A_729 = vector.broadcast %broadcast_in_dim3A_728 : f32 to vector<16xf32>
      %broadcast_in_dim3A_730 = arith.constant 0.000000e+00 : f32
      %broadcast_in_dim3A_731 = vector.broadcast %broadcast_in_dim3A_730 : f32 to vector<16xf32>
      %broadcast_in_dim3A_732 = arith.constant 0.000000e+00 : f32
      %broadcast_in_dim3A_733 = vector.broadcast %broadcast_in_dim3A_732 : f32 to vector<16xf32>
      %broadcast_in_dim3A_734 = arith.constant 0.000000e+00 : f32
      %broadcast_in_dim3A_735 = vector.broadcast %broadcast_in_dim3A_734 : f32 to vector<16xf32>
      %broadcast_in_dim3A_736 = arith.constant 0.000000e+00 : f32
      %broadcast_in_dim3A_737 = vector.broadcast %broadcast_in_dim3A_736 : f32 to vector<16xf32>
      %scan3A_738 = arith.constant 0 : i32
      %scan3A_739 = arith.constant 50 : i32
      %scan3A_740 = arith.addi %scan3A_738, %scan3A_739 : i32
      %scan3A_741 = arith.constant 1 : i32
      %scan3A_742:8 = scf.for %scan3A_855 = %scan3A_738 to %scan3A_740 step %scan3A_741 iter_args(%scan3A_856 = %broadcast_in_dim3A_723, %scan3A_857 = %broadcast_in_dim3A_725, %scan3A_858 = %broadcast_in_dim3A_727, %scan3A_859 = %broadcast_in_dim3A_729, %scan3A_860 = %broadcast_in_dim3A_731, %scan3A_861 = %broadcast_in_dim3A_733, %scan3A_862 = %broadcast_in_dim3A_735, %scan3A_863 = %broadcast_in_dim3A_737) -> (vector<16xf32>, vector<16xf32>, vector<16xf32>, vector<16xf32>, vector<16xf32>, vector<16xf32>, vector<16xf32>, vector<16xf32>)  : i32 {
        %mul3A_864 = arith.constant 2 : i32
        %mul3A_865 = arith.muli %mul3A_864, %scan3A_855 : i32
        %add3A_866 = arith.constant 500 : i32
        %add3A_867 = arith.addi %add3A_866, %mul3A_865 : i32
        %add3A_868 = arith.constant 0 : i32
        %add3A_869 = arith.addi %add3A_867, %add3A_868 : i32
        %get3A = arith.index_cast %add3A_869 : i32 to index
        %get3A_870 = arith.constant 0 : index
        %get3A_871 = tpu.vector_load %arg8[%get3A, %get3A_870] {strides = array<i32>} : memref<800x32xi32, #tpu.memory_space<vmem>>, vector<16xi32>,
        %shift_left3A = arith.constant 16 : i32
        %shift_left3A_872 = vector.broadcast %shift_left3A : i32 to vector<16xi32>
        %shift_left3A_873 = arith.shli %get3A_871, %shift_left3A_872 : vector<16xi32>
        %bitcast3A = vector.bitcast %shift_left3A_873 : vector<16xi32> to vector<16xf32>
        %and3A = arith.constant -65536 : i32
        %and3A_874 = vector.broadcast %and3A : i32 to vector<16xi32>
        %and3A_875 = arith.andi %get3A_871, %and3A_874 : vector<16xi32>
        %bitcast3A_876 = vector.bitcast %and3A_875 : vector<16xi32> to vector<16xf32>
        %add3A_877 = arith.addf %scan3A_856, %bitcast3A : vector<16xf32>
        %add3A_878 = arith.addf %scan3A_857, %bitcast3A_876 : vector<16xf32>
        %add3A_879 = arith.constant 0 : i32
        %add3A_880 = arith.addi %add3A_867, %add3A_879 : i32
        %get3A_881 = arith.index_cast %add3A_880 : i32 to index
        %get3A_882 = arith.constant 16 : index
        %get3A_883 = tpu.vector_load %arg8[%get3A_881, %get3A_882] {strides = array<i32>} : memref<800x32xi32, #tpu.memory_space<vmem>>, vector<16xi32>,
        %shift_left3A_884 = arith.constant 16 : i32
        %shift_left3A_885 = vector.broadcast %shift_left3A_884 : i32 to vector<16xi32>
        %shift_left3A_886 = arith.shli %get3A_883, %shift_left3A_885 : vector<16xi32>
        %bitcast3A_887 = vector.bitcast %shift_left3A_886 : vector<16xi32> to vector<16xf32>
        %and3A_888 = arith.constant -65536 : i32
        %and3A_889 = vector.broadcast %and3A_888 : i32 to vector<16xi32>
        %and3A_890 = arith.andi %get3A_883, %and3A_889 : vector<16xi32>
        %bitcast3A_891 = vector.bitcast %and3A_890 : vector<16xi32> to vector<16xf32>
        %add3A_892 = arith.addf %scan3A_858, %bitcast3A_887 : vector<16xf32>
        %add3A_893 = arith.addf %scan3A_859, %bitcast3A_891 : vector<16xf32>
        %add3A_894 = arith.constant 1 : i32
        %add3A_895 = arith.addi %add3A_867, %add3A_894 : i32
        %get3A_896 = arith.index_cast %add3A_895 : i32 to index
        %get3A_897 = arith.constant 0 : index
        %get3A_898 = tpu.vector_load %arg8[%get3A_896, %get3A_897] {strides = array<i32>} : memref<800x32xi32, #tpu.memory_space<vmem>>, vector<16xi32>,
        %shift_left3A_899 = arith.constant 16 : i32
        %shift_left3A_900 = vector.broadcast %shift_left3A_899 : i32 to vector<16xi32>
        %shift_left3A_901 = arith.shli %get3A_898, %shift_left3A_900 : vector<16xi32>
        %bitcast3A_902 = vector.bitcast %shift_left3A_901 : vector<16xi32> to vector<16xf32>
        %and3A_903 = arith.constant -65536 : i32
        %and3A_904 = vector.broadcast %and3A_903 : i32 to vector<16xi32>
        %and3A_905 = arith.andi %get3A_898, %and3A_904 : vector<16xi32>
        %bitcast3A_906 = vector.bitcast %and3A_905 : vector<16xi32> to vector<16xf32>
        %add3A_907 = arith.addf %scan3A_860, %bitcast3A_902 : vector<16xf32>
        %add3A_908 = arith.addf %scan3A_861, %bitcast3A_906 : vector<16xf32>
        %add3A_909 = arith.constant 1 : i32
        %add3A_910 = arith.addi %add3A_867, %add3A_909 : i32
        %get3A_911 = arith.index_cast %add3A_910 : i32 to index
        %get3A_912 = arith.constant 16 : index
        %get3A_913 = tpu.vector_load %arg8[%get3A_911, %get3A_912] {strides = array<i32>} : memref<800x32xi32, #tpu.memory_space<vmem>>, vector<16xi32>,
        %shift_left3A_914 = arith.constant 16 : i32
        %shift_left3A_915 = vector.broadcast %shift_left3A_914 : i32 to vector<16xi32>
        %shift_left3A_916 = arith.shli %get3A_913, %shift_left3A_915 : vector<16xi32>
        %bitcast3A_917 = vector.bitcast %shift_left3A_916 : vector<16xi32> to vector<16xf32>
        %and3A_918 = arith.constant -65536 : i32
        %and3A_919 = vector.broadcast %and3A_918 : i32 to vector<16xi32>
        %and3A_920 = arith.andi %get3A_913, %and3A_919 : vector<16xi32>
        %bitcast3A_921 = vector.bitcast %and3A_920 : vector<16xi32> to vector<16xf32>
        %add3A_922 = arith.addf %scan3A_862, %bitcast3A_917 : vector<16xf32>
        %add3A_923 = arith.addf %scan3A_863, %bitcast3A_921 : vector<16xf32>
        scf.yield %add3A_877, %add3A_878, %add3A_892, %add3A_893, %add3A_907, %add3A_908, %add3A_922, %add3A_923 : vector<16xf32>, vector<16xf32>, vector<16xf32>, vector<16xf32>, vector<16xf32>, vector<16xf32>, vector<16xf32>, vector<16xf32>
      }
      %scan3A_743 = arith.constant 50 : i32
      %add3A_744 = arith.addf %scan3A_742#0, %scan3A_742#4 : vector<16xf32>
      %swap3A_745 = arith.constant 5 : i32
      %swap3A_746 = arith.index_cast %swap3A_745 : i32 to index
      %swap3A_747 = arith.constant 0 : index
      %swap3A_748 = tpu.vector_load %arg10[%swap3A_746, %swap3A_747] {strides = array<i32>} : memref<8x64xf32, #tpu.memory_space<vmem>>, vector<16xf32>,
      tpu.vector_store %arg10[%swap3A_746, %swap3A_747], %add3A_744 {strides = array<i32>} : memref<8x64xf32, #tpu.memory_space<vmem>>, vector<16xf32>,
      %add3A_749 = arith.addf %scan3A_742#1, %scan3A_742#5 : vector<16xf32>
      %swap3A_750 = arith.constant 5 : i32
      %swap3A_751 = arith.index_cast %swap3A_750 : i32 to index
      %swap3A_752 = arith.constant 16 : index
      %swap3A_753 = tpu.vector_load %arg10[%swap3A_751, %swap3A_752] {strides = array<i32>} : memref<8x64xf32, #tpu.memory_space<vmem>>, vector<16xf32>,
      tpu.vector_store %arg10[%swap3A_751, %swap3A_752], %add3A_749 {strides = array<i32>} : memref<8x64xf32, #tpu.memory_space<vmem>>, vector<16xf32>,
      %add3A_754 = arith.addf %scan3A_742#2, %scan3A_742#6 : vector<16xf32>
      %swap3A_755 = arith.constant 5 : i32
      %swap3A_756 = arith.index_cast %swap3A_755 : i32 to index
      %swap3A_757 = arith.constant 32 : index
      %swap3A_758 = tpu.vector_load %arg10[%swap3A_756, %swap3A_757] {strides = array<i32>} : memref<8x64xf32, #tpu.memory_space<vmem>>, vector<16xf32>,
      tpu.vector_store %arg10[%swap3A_756, %swap3A_757], %add3A_754 {strides = array<i32>} : memref<8x64xf32, #tpu.memory_space<vmem>>, vector<16xf32>,
      %add3A_759 = arith.addf %scan3A_742#3, %scan3A_742#7 : vector<16xf32>
      %swap3A_760 = arith.constant 5 : i32
      %swap3A_761 = arith.index_cast %swap3A_760 : i32 to index
      %swap3A_762 = arith.constant 48 : index
      %swap3A_763 = tpu.vector_load %arg10[%swap3A_761, %swap3A_762] {strides = array<i32>} : memref<8x64xf32, #tpu.memory_space<vmem>>, vector<16xf32>,
      tpu.vector_store %arg10[%swap3A_761, %swap3A_762], %add3A_759 {strides = array<i32>} : memref<8x64xf32, #tpu.memory_space<vmem>>, vector<16xf32>,
      %broadcast_in_dim3A_764 = arith.constant 0.000000e+00 : f32
      %broadcast_in_dim3A_765 = vector.broadcast %broadcast_in_dim3A_764 : f32 to vector<16xf32>
      %broadcast_in_dim3A_766 = arith.constant 0.000000e+00 : f32
      %broadcast_in_dim3A_767 = vector.broadcast %broadcast_in_dim3A_766 : f32 to vector<16xf32>
      %broadcast_in_dim3A_768 = arith.constant 0.000000e+00 : f32
      %broadcast_in_dim3A_769 = vector.broadcast %broadcast_in_dim3A_768 : f32 to vector<16xf32>
      %broadcast_in_dim3A_770 = arith.constant 0.000000e+00 : f32
      %broadcast_in_dim3A_771 = vector.broadcast %broadcast_in_dim3A_770 : f32 to vector<16xf32>
      %broadcast_in_dim3A_772 = arith.constant 0.000000e+00 : f32
      %broadcast_in_dim3A_773 = vector.broadcast %broadcast_in_dim3A_772 : f32 to vector<16xf32>
      %broadcast_in_dim3A_774 = arith.constant 0.000000e+00 : f32
      %broadcast_in_dim3A_775 = vector.broadcast %broadcast_in_dim3A_774 : f32 to vector<16xf32>
      %broadcast_in_dim3A_776 = arith.constant 0.000000e+00 : f32
      %broadcast_in_dim3A_777 = vector.broadcast %broadcast_in_dim3A_776 : f32 to vector<16xf32>
      %broadcast_in_dim3A_778 = arith.constant 0.000000e+00 : f32
      %broadcast_in_dim3A_779 = vector.broadcast %broadcast_in_dim3A_778 : f32 to vector<16xf32>
      %scan3A_780 = arith.constant 0 : i32
      %scan3A_781 = arith.constant 50 : i32
      %scan3A_782 = arith.addi %scan3A_780, %scan3A_781 : i32
      %scan3A_783 = arith.constant 1 : i32
      %scan3A_784:8 = scf.for %scan3A_855 = %scan3A_780 to %scan3A_782 step %scan3A_783 iter_args(%scan3A_856 = %broadcast_in_dim3A_765, %scan3A_857 = %broadcast_in_dim3A_767, %scan3A_858 = %broadcast_in_dim3A_769, %scan3A_859 = %broadcast_in_dim3A_771, %scan3A_860 = %broadcast_in_dim3A_773, %scan3A_861 = %broadcast_in_dim3A_775, %scan3A_862 = %broadcast_in_dim3A_777, %scan3A_863 = %broadcast_in_dim3A_779) -> (vector<16xf32>, vector<16xf32>, vector<16xf32>, vector<16xf32>, vector<16xf32>, vector<16xf32>, vector<16xf32>, vector<16xf32>)  : i32 {
        %mul3A_864 = arith.constant 2 : i32
        %mul3A_865 = arith.muli %mul3A_864, %scan3A_855 : i32
        %add3A_866 = arith.constant 600 : i32
        %add3A_867 = arith.addi %add3A_866, %mul3A_865 : i32
        %add3A_868 = arith.constant 0 : i32
        %add3A_869 = arith.addi %add3A_867, %add3A_868 : i32
        %get3A = arith.index_cast %add3A_869 : i32 to index
        %get3A_870 = arith.constant 0 : index
        %get3A_871 = tpu.vector_load %arg8[%get3A, %get3A_870] {strides = array<i32>} : memref<800x32xi32, #tpu.memory_space<vmem>>, vector<16xi32>,
        %shift_left3A = arith.constant 16 : i32
        %shift_left3A_872 = vector.broadcast %shift_left3A : i32 to vector<16xi32>
        %shift_left3A_873 = arith.shli %get3A_871, %shift_left3A_872 : vector<16xi32>
        %bitcast3A = vector.bitcast %shift_left3A_873 : vector<16xi32> to vector<16xf32>
        %and3A = arith.constant -65536 : i32
        %and3A_874 = vector.broadcast %and3A : i32 to vector<16xi32>
        %and3A_875 = arith.andi %get3A_871, %and3A_874 : vector<16xi32>
        %bitcast3A_876 = vector.bitcast %and3A_875 : vector<16xi32> to vector<16xf32>
        %add3A_877 = arith.addf %scan3A_856, %bitcast3A : vector<16xf32>
        %add3A_878 = arith.addf %scan3A_857, %bitcast3A_876 : vector<16xf32>
        %add3A_879 = arith.constant 0 : i32
        %add3A_880 = arith.addi %add3A_867, %add3A_879 : i32
        %get3A_881 = arith.index_cast %add3A_880 : i32 to index
        %get3A_882 = arith.constant 16 : index
        %get3A_883 = tpu.vector_load %arg8[%get3A_881, %get3A_882] {strides = array<i32>} : memref<800x32xi32, #tpu.memory_space<vmem>>, vector<16xi32>,
        %shift_left3A_884 = arith.constant 16 : i32
        %shift_left3A_885 = vector.broadcast %shift_left3A_884 : i32 to vector<16xi32>
        %shift_left3A_886 = arith.shli %get3A_883, %shift_left3A_885 : vector<16xi32>
        %bitcast3A_887 = vector.bitcast %shift_left3A_886 : vector<16xi32> to vector<16xf32>
        %and3A_888 = arith.constant -65536 : i32
        %and3A_889 = vector.broadcast %and3A_888 : i32 to vector<16xi32>
        %and3A_890 = arith.andi %get3A_883, %and3A_889 : vector<16xi32>
        %bitcast3A_891 = vector.bitcast %and3A_890 : vector<16xi32> to vector<16xf32>
        %add3A_892 = arith.addf %scan3A_858, %bitcast3A_887 : vector<16xf32>
        %add3A_893 = arith.addf %scan3A_859, %bitcast3A_891 : vector<16xf32>
        %add3A_894 = arith.constant 1 : i32
        %add3A_895 = arith.addi %add3A_867, %add3A_894 : i32
        %get3A_896 = arith.index_cast %add3A_895 : i32 to index
        %get3A_897 = arith.constant 0 : index
        %get3A_898 = tpu.vector_load %arg8[%get3A_896, %get3A_897] {strides = array<i32>} : memref<800x32xi32, #tpu.memory_space<vmem>>, vector<16xi32>,
        %shift_left3A_899 = arith.constant 16 : i32
        %shift_left3A_900 = vector.broadcast %shift_left3A_899 : i32 to vector<16xi32>
        %shift_left3A_901 = arith.shli %get3A_898, %shift_left3A_900 : vector<16xi32>
        %bitcast3A_902 = vector.bitcast %shift_left3A_901 : vector<16xi32> to vector<16xf32>
        %and3A_903 = arith.constant -65536 : i32
        %and3A_904 = vector.broadcast %and3A_903 : i32 to vector<16xi32>
        %and3A_905 = arith.andi %get3A_898, %and3A_904 : vector<16xi32>
        %bitcast3A_906 = vector.bitcast %and3A_905 : vector<16xi32> to vector<16xf32>
        %add3A_907 = arith.addf %scan3A_860, %bitcast3A_902 : vector<16xf32>
        %add3A_908 = arith.addf %scan3A_861, %bitcast3A_906 : vector<16xf32>
        %add3A_909 = arith.constant 1 : i32
        %add3A_910 = arith.addi %add3A_867, %add3A_909 : i32
        %get3A_911 = arith.index_cast %add3A_910 : i32 to index
        %get3A_912 = arith.constant 16 : index
        %get3A_913 = tpu.vector_load %arg8[%get3A_911, %get3A_912] {strides = array<i32>} : memref<800x32xi32, #tpu.memory_space<vmem>>, vector<16xi32>,
        %shift_left3A_914 = arith.constant 16 : i32
        %shift_left3A_915 = vector.broadcast %shift_left3A_914 : i32 to vector<16xi32>
        %shift_left3A_916 = arith.shli %get3A_913, %shift_left3A_915 : vector<16xi32>
        %bitcast3A_917 = vector.bitcast %shift_left3A_916 : vector<16xi32> to vector<16xf32>
        %and3A_918 = arith.constant -65536 : i32
        %and3A_919 = vector.broadcast %and3A_918 : i32 to vector<16xi32>
        %and3A_920 = arith.andi %get3A_913, %and3A_919 : vector<16xi32>
        %bitcast3A_921 = vector.bitcast %and3A_920 : vector<16xi32> to vector<16xf32>
        %add3A_922 = arith.addf %scan3A_862, %bitcast3A_917 : vector<16xf32>
        %add3A_923 = arith.addf %scan3A_863, %bitcast3A_921 : vector<16xf32>
        scf.yield %add3A_877, %add3A_878, %add3A_892, %add3A_893, %add3A_907, %add3A_908, %add3A_922, %add3A_923 : vector<16xf32>, vector<16xf32>, vector<16xf32>, vector<16xf32>, vector<16xf32>, vector<16xf32>, vector<16xf32>, vector<16xf32>
      }
      %scan3A_785 = arith.constant 50 : i32
      %add3A_786 = arith.addf %scan3A_784#0, %scan3A_784#4 : vector<16xf32>
      %swap3A_787 = arith.constant 6 : i32
      %swap3A_788 = arith.index_cast %swap3A_787 : i32 to index
      %swap3A_789 = arith.constant 0 : index
      %swap3A_790 = tpu.vector_load %arg10[%swap3A_788, %swap3A_789] {strides = array<i32>} : memref<8x64xf32, #tpu.memory_space<vmem>>, vector<16xf32>,
      tpu.vector_store %arg10[%swap3A_788, %swap3A_789], %add3A_786 {strides = array<i32>} : memref<8x64xf32, #tpu.memory_space<vmem>>, vector<16xf32>,
      %add3A_791 = arith.addf %scan3A_784#1, %scan3A_784#5 : vector<16xf32>
      %swap3A_792 = arith.constant 6 : i32
      %swap3A_793 = arith.index_cast %swap3A_792 : i32 to index
      %swap3A_794 = arith.constant 16 : index
      %swap3A_795 = tpu.vector_load %arg10[%swap3A_793, %swap3A_794] {strides = array<i32>} : memref<8x64xf32, #tpu.memory_space<vmem>>, vector<16xf32>,
      tpu.vector_store %arg10[%swap3A_793, %swap3A_794], %add3A_791 {strides = array<i32>} : memref<8x64xf32, #tpu.memory_space<vmem>>, vector<16xf32>,
      %add3A_796 = arith.addf %scan3A_784#2, %scan3A_784#6 : vector<16xf32>
      %swap3A_797 = arith.constant 6 : i32
      %swap3A_798 = arith.index_cast %swap3A_797 : i32 to index
      %swap3A_799 = arith.constant 32 : index
      %swap3A_800 = tpu.vector_load %arg10[%swap3A_798, %swap3A_799] {strides = array<i32>} : memref<8x64xf32, #tpu.memory_space<vmem>>, vector<16xf32>,
      tpu.vector_store %arg10[%swap3A_798, %swap3A_799], %add3A_796 {strides = array<i32>} : memref<8x64xf32, #tpu.memory_space<vmem>>, vector<16xf32>,
      %add3A_801 = arith.addf %scan3A_784#3, %scan3A_784#7 : vector<16xf32>
      %swap3A_802 = arith.constant 6 : i32
      %swap3A_803 = arith.index_cast %swap3A_802 : i32 to index
      %swap3A_804 = arith.constant 48 : index
      %swap3A_805 = tpu.vector_load %arg10[%swap3A_803, %swap3A_804] {strides = array<i32>} : memref<8x64xf32, #tpu.memory_space<vmem>>, vector<16xf32>,
      tpu.vector_store %arg10[%swap3A_803, %swap3A_804], %add3A_801 {strides = array<i32>} : memref<8x64xf32, #tpu.memory_space<vmem>>, vector<16xf32>,
      %broadcast_in_dim3A_806 = arith.constant 0.000000e+00 : f32
      %broadcast_in_dim3A_807 = vector.broadcast %broadcast_in_dim3A_806 : f32 to vector<16xf32>
      %broadcast_in_dim3A_808 = arith.constant 0.000000e+00 : f32
      %broadcast_in_dim3A_809 = vector.broadcast %broadcast_in_dim3A_808 : f32 to vector<16xf32>
      %broadcast_in_dim3A_810 = arith.constant 0.000000e+00 : f32
      %broadcast_in_dim3A_811 = vector.broadcast %broadcast_in_dim3A_810 : f32 to vector<16xf32>
      %broadcast_in_dim3A_812 = arith.constant 0.000000e+00 : f32
      %broadcast_in_dim3A_813 = vector.broadcast %broadcast_in_dim3A_812 : f32 to vector<16xf32>
      %broadcast_in_dim3A_814 = arith.constant 0.000000e+00 : f32
      %broadcast_in_dim3A_815 = vector.broadcast %broadcast_in_dim3A_814 : f32 to vector<16xf32>
      %broadcast_in_dim3A_816 = arith.constant 0.000000e+00 : f32
      %broadcast_in_dim3A_817 = vector.broadcast %broadcast_in_dim3A_816 : f32 to vector<16xf32>
      %broadcast_in_dim3A_818 = arith.constant 0.000000e+00 : f32
      %broadcast_in_dim3A_819 = vector.broadcast %broadcast_in_dim3A_818 : f32 to vector<16xf32>
      %broadcast_in_dim3A_820 = arith.constant 0.000000e+00 : f32
      %broadcast_in_dim3A_821 = vector.broadcast %broadcast_in_dim3A_820 : f32 to vector<16xf32>
      %scan3A_822 = arith.constant 0 : i32
      %scan3A_823 = arith.constant 50 : i32
      %scan3A_824 = arith.addi %scan3A_822, %scan3A_823 : i32
      %scan3A_825 = arith.constant 1 : i32
      %scan3A_826:8 = scf.for %scan3A_855 = %scan3A_822 to %scan3A_824 step %scan3A_825 iter_args(%scan3A_856 = %broadcast_in_dim3A_807, %scan3A_857 = %broadcast_in_dim3A_809, %scan3A_858 = %broadcast_in_dim3A_811, %scan3A_859 = %broadcast_in_dim3A_813, %scan3A_860 = %broadcast_in_dim3A_815, %scan3A_861 = %broadcast_in_dim3A_817, %scan3A_862 = %broadcast_in_dim3A_819, %scan3A_863 = %broadcast_in_dim3A_821) -> (vector<16xf32>, vector<16xf32>, vector<16xf32>, vector<16xf32>, vector<16xf32>, vector<16xf32>, vector<16xf32>, vector<16xf32>)  : i32 {
        %mul3A_864 = arith.constant 2 : i32
        %mul3A_865 = arith.muli %mul3A_864, %scan3A_855 : i32
        %add3A_866 = arith.constant 700 : i32
        %add3A_867 = arith.addi %add3A_866, %mul3A_865 : i32
        %add3A_868 = arith.constant 0 : i32
        %add3A_869 = arith.addi %add3A_867, %add3A_868 : i32
        %get3A = arith.index_cast %add3A_869 : i32 to index
        %get3A_870 = arith.constant 0 : index
        %get3A_871 = tpu.vector_load %arg8[%get3A, %get3A_870] {strides = array<i32>} : memref<800x32xi32, #tpu.memory_space<vmem>>, vector<16xi32>,
        %shift_left3A = arith.constant 16 : i32
        %shift_left3A_872 = vector.broadcast %shift_left3A : i32 to vector<16xi32>
        %shift_left3A_873 = arith.shli %get3A_871, %shift_left3A_872 : vector<16xi32>
        %bitcast3A = vector.bitcast %shift_left3A_873 : vector<16xi32> to vector<16xf32>
        %and3A = arith.constant -65536 : i32
        %and3A_874 = vector.broadcast %and3A : i32 to vector<16xi32>
        %and3A_875 = arith.andi %get3A_871, %and3A_874 : vector<16xi32>
        %bitcast3A_876 = vector.bitcast %and3A_875 : vector<16xi32> to vector<16xf32>
        %add3A_877 = arith.addf %scan3A_856, %bitcast3A : vector<16xf32>
        %add3A_878 = arith.addf %scan3A_857, %bitcast3A_876 : vector<16xf32>
        %add3A_879 = arith.constant 0 : i32
        %add3A_880 = arith.addi %add3A_867, %add3A_879 : i32
        %get3A_881 = arith.index_cast %add3A_880 : i32 to index
        %get3A_882 = arith.constant 16 : index
        %get3A_883 = tpu.vector_load %arg8[%get3A_881, %get3A_882] {strides = array<i32>} : memref<800x32xi32, #tpu.memory_space<vmem>>, vector<16xi32>,
        %shift_left3A_884 = arith.constant 16 : i32
        %shift_left3A_885 = vector.broadcast %shift_left3A_884 : i32 to vector<16xi32>
        %shift_left3A_886 = arith.shli %get3A_883, %shift_left3A_885 : vector<16xi32>
        %bitcast3A_887 = vector.bitcast %shift_left3A_886 : vector<16xi32> to vector<16xf32>
        %and3A_888 = arith.constant -65536 : i32
        %and3A_889 = vector.broadcast %and3A_888 : i32 to vector<16xi32>
        %and3A_890 = arith.andi %get3A_883, %and3A_889 : vector<16xi32>
        %bitcast3A_891 = vector.bitcast %and3A_890 : vector<16xi32> to vector<16xf32>
        %add3A_892 = arith.addf %scan3A_858, %bitcast3A_887 : vector<16xf32>
        %add3A_893 = arith.addf %scan3A_859, %bitcast3A_891 : vector<16xf32>
        %add3A_894 = arith.constant 1 : i32
        %add3A_895 = arith.addi %add3A_867, %add3A_894 : i32
        %get3A_896 = arith.index_cast %add3A_895 : i32 to index
        %get3A_897 = arith.constant 0 : index
        %get3A_898 = tpu.vector_load %arg8[%get3A_896, %get3A_897] {strides = array<i32>} : memref<800x32xi32, #tpu.memory_space<vmem>>, vector<16xi32>,
        %shift_left3A_899 = arith.constant 16 : i32
        %shift_left3A_900 = vector.broadcast %shift_left3A_899 : i32 to vector<16xi32>
        %shift_left3A_901 = arith.shli %get3A_898, %shift_left3A_900 : vector<16xi32>
        %bitcast3A_902 = vector.bitcast %shift_left3A_901 : vector<16xi32> to vector<16xf32>
        %and3A_903 = arith.constant -65536 : i32
        %and3A_904 = vector.broadcast %and3A_903 : i32 to vector<16xi32>
        %and3A_905 = arith.andi %get3A_898, %and3A_904 : vector<16xi32>
        %bitcast3A_906 = vector.bitcast %and3A_905 : vector<16xi32> to vector<16xf32>
        %add3A_907 = arith.addf %scan3A_860, %bitcast3A_902 : vector<16xf32>
        %add3A_908 = arith.addf %scan3A_861, %bitcast3A_906 : vector<16xf32>
        %add3A_909 = arith.constant 1 : i32
        %add3A_910 = arith.addi %add3A_867, %add3A_909 : i32
        %get3A_911 = arith.index_cast %add3A_910 : i32 to index
        %get3A_912 = arith.constant 16 : index
        %get3A_913 = tpu.vector_load %arg8[%get3A_911, %get3A_912] {strides = array<i32>} : memref<800x32xi32, #tpu.memory_space<vmem>>, vector<16xi32>,
        %shift_left3A_914 = arith.constant 16 : i32
        %shift_left3A_915 = vector.broadcast %shift_left3A_914 : i32 to vector<16xi32>
        %shift_left3A_916 = arith.shli %get3A_913, %shift_left3A_915 : vector<16xi32>
        %bitcast3A_917 = vector.bitcast %shift_left3A_916 : vector<16xi32> to vector<16xf32>
        %and3A_918 = arith.constant -65536 : i32
        %and3A_919 = vector.broadcast %and3A_918 : i32 to vector<16xi32>
        %and3A_920 = arith.andi %get3A_913, %and3A_919 : vector<16xi32>
        %bitcast3A_921 = vector.bitcast %and3A_920 : vector<16xi32> to vector<16xf32>
        %add3A_922 = arith.addf %scan3A_862, %bitcast3A_917 : vector<16xf32>
        %add3A_923 = arith.addf %scan3A_863, %bitcast3A_921 : vector<16xf32>
        scf.yield %add3A_877, %add3A_878, %add3A_892, %add3A_893, %add3A_907, %add3A_908, %add3A_922, %add3A_923 : vector<16xf32>, vector<16xf32>, vector<16xf32>, vector<16xf32>, vector<16xf32>, vector<16xf32>, vector<16xf32>, vector<16xf32>
      }
      %scan3A_827 = arith.constant 50 : i32
      %add3A_828 = arith.addf %scan3A_826#0, %scan3A_826#4 : vector<16xf32>
      %swap3A_829 = arith.constant 7 : i32
      %swap3A_830 = arith.index_cast %swap3A_829 : i32 to index
      %swap3A_831 = arith.constant 0 : index
      %swap3A_832 = tpu.vector_load %arg10[%swap3A_830, %swap3A_831] {strides = array<i32>} : memref<8x64xf32, #tpu.memory_space<vmem>>, vector<16xf32>,
      tpu.vector_store %arg10[%swap3A_830, %swap3A_831], %add3A_828 {strides = array<i32>} : memref<8x64xf32, #tpu.memory_space<vmem>>, vector<16xf32>,
      %add3A_833 = arith.addf %scan3A_826#1, %scan3A_826#5 : vector<16xf32>
      %swap3A_834 = arith.constant 7 : i32
      %swap3A_835 = arith.index_cast %swap3A_834 : i32 to index
      %swap3A_836 = arith.constant 16 : index
      %swap3A_837 = tpu.vector_load %arg10[%swap3A_835, %swap3A_836] {strides = array<i32>} : memref<8x64xf32, #tpu.memory_space<vmem>>, vector<16xf32>,
      tpu.vector_store %arg10[%swap3A_835, %swap3A_836], %add3A_833 {strides = array<i32>} : memref<8x64xf32, #tpu.memory_space<vmem>>, vector<16xf32>,
      %add3A_838 = arith.addf %scan3A_826#2, %scan3A_826#6 : vector<16xf32>
      %swap3A_839 = arith.constant 7 : i32
      %swap3A_840 = arith.index_cast %swap3A_839 : i32 to index
      %swap3A_841 = arith.constant 32 : index
      %swap3A_842 = tpu.vector_load %arg10[%swap3A_840, %swap3A_841] {strides = array<i32>} : memref<8x64xf32, #tpu.memory_space<vmem>>, vector<16xf32>,
      tpu.vector_store %arg10[%swap3A_840, %swap3A_841], %add3A_838 {strides = array<i32>} : memref<8x64xf32, #tpu.memory_space<vmem>>, vector<16xf32>,
      %add3A_843 = arith.addf %scan3A_826#3, %scan3A_826#7 : vector<16xf32>
      %swap3A_844 = arith.constant 7 : i32
      %swap3A_845 = arith.index_cast %swap3A_844 : i32 to index
      %swap3A_846 = arith.constant 48 : index
      %swap3A_847 = tpu.vector_load %arg10[%swap3A_845, %swap3A_846] {strides = array<i32>} : memref<8x64xf32, #tpu.memory_space<vmem>>, vector<16xf32>,
      tpu.vector_store %arg10[%swap3A_845, %swap3A_846], %add3A_843 {strides = array<i32>} : memref<8x64xf32, #tpu.memory_space<vmem>>, vector<16xf32>,
      %mul3A_848 = arith.constant 8 : i32
      %mul3A_849 = arith.muli %add3A_486, %mul3A_848 : i32
      %add3A_850 = arith.addi %mul3A_2, %mul3A_849 : i32
      %dma_start3A_851 = arith.constant 0 : i32
      %dma_start3A_852 = tpu.memref_slice %arg4[%add3A_850, %dma_start3A_851] : memref<16384x64xf32, #tpu.memory_space<hbm>> -> memref<8x64xf32, #tpu.memory_space<hbm>>
      %dma_start3A_853 = arith.constant 0 : i32
      %dma_start3A_854 = tpu.memref_slice %arg4[%add3A_850, %dma_start3A_853] : memref<16384x64xf32, #tpu.memory_space<hbm>> -> memref<8x64xf32, #tpu.memory_space<hbm>>
      tpu.enqueue_dma source(%arg10 : memref<8x64xf32, #tpu.memory_space<vmem>>) target(%dma_start3A_854 : memref<8x64xf32, #tpu.memory_space<hbm>>) target_semaphore(%arg16 : memref<!tpu.dma_semaphore, #tpu.memory_space<semaphore_mem>>)
    }
    %scan3A_103 = arith.constant 32 : i32
    %dma_wait3A_104 = arith.constant 0 : i32
    %dma_wait3A_105 = arith.constant 0 : i32
    %dma_wait3A_106 = tpu.memref_slice %arg4[%dma_wait3A_104, %dma_wait3A_105] : memref<16384x64xf32, #tpu.memory_space<hbm>> -> memref<8x64xf32, #tpu.memory_space<hbm>>
    %dma_wait3A_107 = arith.constant 0 : i32
    %dma_wait3A_108 = arith.constant 0 : i32
    %dma_wait3A_109 = tpu.memref_slice %arg4[%dma_wait3A_107, %dma_wait3A_108] : memref<16384x64xf32, #tpu.memory_space<hbm>> -> memref<8x64xf32, #tpu.memory_space<hbm>>
    tpu.wait_dma2 semaphore(%arg15 : memref<!tpu.dma_semaphore, #tpu.memory_space<semaphore_mem>>) src(%dma_wait3A_109 : memref<8x64xf32, #tpu.memory_space<hbm>>) dst(%arg9 : memref<8x64xf32, #tpu.memory_space<vmem>>)
    %dma_wait3A_110 = arith.constant 0 : i32
    %dma_wait3A_111 = arith.constant 0 : i32
    %dma_wait3A_112 = tpu.memref_slice %arg4[%dma_wait3A_110, %dma_wait3A_111] : memref<16384x64xf32, #tpu.memory_space<hbm>> -> memref<8x64xf32, #tpu.memory_space<hbm>>
    %dma_wait3A_113 = arith.constant 0 : i32
    %dma_wait3A_114 = arith.constant 0 : i32
    %dma_wait3A_115 = tpu.memref_slice %arg4[%dma_wait3A_113, %dma_wait3A_114] : memref<16384x64xf32, #tpu.memory_space<hbm>> -> memref<8x64xf32, #tpu.memory_space<hbm>>
    tpu.wait_dma2 semaphore(%arg16 : memref<!tpu.dma_semaphore, #tpu.memory_space<semaphore_mem>>) src(%dma_wait3A_115 : memref<8x64xf32, #tpu.memory_space<hbm>>) dst(%arg10 : memref<8x64xf32, #tpu.memory_space<vmem>>)
    return
  }
}

#map = affine_map<(d0, d1) -> (0, 0)>
#map1 = affine_map<(d0, d1) -> (0)>
module attributes {stable_mosaic.version = 14 : i64} {
  func.func @detile(%arg0: i32, %arg1: i32, %arg2: memref<64x1000000xf32, #tpu.memory_space<hbm>>, %arg3: memref<32000000xi32, #tpu.memory_space<hbm>>, %arg4: memref<64x257xf32, #tpu.memory_space<vmem>>, %arg5: memref<64x257xf32, #tpu.memory_space<vmem>>, %arg6: memref<8192xi32, #tpu.memory_space<vmem>>, %arg7: memref<8192xi32, #tpu.memory_space<vmem>>, %arg8: memref<64x64xf32, #tpu.memory_space<vmem>>, %arg9: memref<!tpu.dma_semaphore, #tpu.memory_space<semaphore_mem>>, %arg10: memref<!tpu.dma_semaphore, #tpu.memory_space<semaphore_mem>>, %arg11: memref<!tpu.dma_semaphore, #tpu.memory_space<semaphore_mem>>, %arg12: memref<!tpu.dma_semaphore, #tpu.memory_space<semaphore_mem>>) attributes {dimension_semantics = [#tpu.dimension_semantics<core_parallel>, #tpu.dimension_semantics<subcore_parallel>], iteration_bounds = array<i64: 2, 16>, scalar_prefetch = 0 : i64, scratch_operands = 9 : i64, tpu.core_type = #tpu.core_type<sc_vector_subcore>, window_params = [{transform_indices = #map}, {transform_indices = #map1}]} {
    %mul3A = arith.constant 2 : i32
    %mul3A_0 = arith.muli %arg1, %mul3A : i32
    %add3A = arith.addi %mul3A_0, %arg0 : i32
    %iota3A = tpu.iota {dimensions = array<i32: 0>} : vector<16xi32>
    %add3A_1 = arith.constant 0 : i32
    %add3A_2 = vector.broadcast %add3A_1 : i32 to vector<16xi32>
    %add3A_3 = arith.addi %iota3A, %add3A_2 : vector<16xi32>
    %add3A_4 = arith.constant 16 : i32
    %add3A_5 = vector.broadcast %add3A_4 : i32 to vector<16xi32>
    %add3A_6 = arith.addi %iota3A, %add3A_5 : vector<16xi32>
    %add3A_7 = arith.constant 32 : i32
    %add3A_8 = vector.broadcast %add3A_7 : i32 to vector<16xi32>
    %add3A_9 = arith.addi %iota3A, %add3A_8 : vector<16xi32>
    %add3A_10 = arith.constant 48 : i32
    %add3A_11 = vector.broadcast %add3A_10 : i32 to vector<16xi32>
    %add3A_12 = arith.addi %iota3A, %add3A_11 : vector<16xi32>
    %sub3A = arith.constant 3906 : i32
    %sub3A_13 = arith.subi %sub3A, %add3A : i32
    %add3A_14 = arith.constant 32 : i32
    %add3A_15 = arith.addi %sub3A_13, %add3A_14 : i32
    %sub3A_16 = arith.constant 1 : i32
    %sub3A_17 = arith.subi %add3A_15, %sub3A_16 : i32
    %jit3A = arith.constant 32 : i32
    %div3A = arith.divsi %sub3A_17, %jit3A : i32
    %sign3A = arith.constant 0 : i32
    %sign3A_18 = arith.cmpi sgt, %sub3A_17, %sign3A : i32
    %sign3A_19 = arith.extui %sign3A_18 : i1 to i32
    %sign3A_20 = arith.constant 0 : i32
    %sign3A_21 = arith.cmpi slt, %sub3A_17, %sign3A_20 : i32
    %sign3A_22 = arith.extui %sign3A_21 : i1 to i32
    %sign3A_23 = arith.subi %sign3A_19, %sign3A_22 : i32
    %sign3A_24 = arith.constant 0 : i32
    %sign3A_25 = arith.cmpi sgt, %jit3A, %sign3A_24 : i32
    %sign3A_26 = arith.extui %sign3A_25 : i1 to i32
    %sign3A_27 = arith.constant 0 : i32
    %sign3A_28 = arith.cmpi slt, %jit3A, %sign3A_27 : i32
    %sign3A_29 = arith.extui %sign3A_28 : i1 to i32
    %sign3A_30 = arith.subi %sign3A_26, %sign3A_29 : i32
    %ne3A = arith.cmpi ne, %sign3A_23, %sign3A_30 : i32
    %rem3A = arith.remsi %sub3A_17, %jit3A : i32
    %ne3A_31 = arith.constant 0 : i32
    %ne3A_32 = arith.cmpi ne, %rem3A, %ne3A_31 : i32
    %and3A = arith.andi %ne3A, %ne3A_32 : i1
    %sub3A_33 = arith.constant 1 : i32
    %sub3A_34 = arith.subi %div3A, %sub3A_33 : i32
    %select_n3A = arith.select %and3A, %sub3A_34, %div3A : i32
    %gt3A = arith.constant 0 : i32
    %gt3A_35 = arith.cmpi sgt, %select_n3A, %gt3A : i32
    %convert_element_type3A = arith.extui %gt3A_35 : i1 to i32
    %cond3A = arith.constant 0 : i32
    %cond3A_36 = arith.cmpi ne, %convert_element_type3A, %cond3A : i32
    scf.if %cond3A_36 {
      %add3A_55 = arith.constant 0 : i32
      %add3A_56 = arith.addi %add3A, %add3A_55 : i32
      %mul3A_57 = arith.constant 256 : i32
      %mul3A_58 = arith.muli %add3A_56, %mul3A_57 : i32
      %dma_start3A = arith.constant 0 : i32
      %dma_start3A_59 = arith.constant 0 : i32
      %dma_start3A_60 = tpu.memref_slice %arg4[%dma_start3A, %dma_start3A_59] : memref<64x257xf32, #tpu.memory_space<vmem>> -> memref<64x256xf32, #tpu.memory_space<vmem>>
      %dma_start3A_61 = arith.constant 0 : i32
      %dma_start3A_62 = tpu.memref_slice %arg2[%dma_start3A_61, %mul3A_58] : memref<64x1000000xf32, #tpu.memory_space<hbm>> -> memref<64x256xf32, #tpu.memory_space<hbm>>
      %dma_start3A_63 = arith.constant 0 : i32
      %dma_start3A_64 = arith.constant 0 : i32
      %dma_start3A_65 = tpu.memref_slice %arg4[%dma_start3A_63, %dma_start3A_64] : memref<64x257xf32, #tpu.memory_space<vmem>> -> memref<64x256xf32, #tpu.memory_space<vmem>>
      %dma_start3A_66 = arith.constant 0 : i32
      %dma_start3A_67 = tpu.memref_slice %arg2[%dma_start3A_66, %mul3A_58] : memref<64x1000000xf32, #tpu.memory_space<hbm>> -> memref<64x256xf32, #tpu.memory_space<hbm>>
      tpu.enqueue_dma source(%dma_start3A_67 : memref<64x256xf32, #tpu.memory_space<hbm>>) target(%dma_start3A_65 : memref<64x256xf32, #tpu.memory_space<vmem>>) target_semaphore(%arg9 : memref<!tpu.dma_semaphore, #tpu.memory_space<semaphore_mem>>)
    } else {
    }
    %scan3A = arith.constant 0 : i32
    %scan3A_37 = arith.constant 0 : i32
    %scan3A_38 = arith.constant 62 : i32
    %scan3A_39 = arith.addi %scan3A_37, %scan3A_38 : i32
    %scan3A_40 = arith.constant 1 : i32
    scf.for %scan3A_55 = %scan3A_37 to %scan3A_39 step %scan3A_40  : i32 {
      %mul3A_56 = arith.constant 2 : i32
      %mul3A_57 = arith.muli %mul3A_56, %scan3A_55 : i32
      %add3A_58 = arith.constant 0 : i32
      %add3A_59 = arith.addi %mul3A_57, %add3A_58 : i32
      %lt3A = arith.cmpi slt, %add3A_59, %select_n3A : i32
      %convert_element_type3A_60 = arith.extui %lt3A : i1 to i32
      %cond3A_61 = arith.constant 0 : i32
      %cond3A_62 = arith.cmpi ne, %convert_element_type3A_60, %cond3A_61 : i32
      scf.if %cond3A_62 {
        %mul3A_71 = arith.constant 32 : i32
        %mul3A_72 = arith.muli %mul3A_71, %add3A_59 : i32
        %add3A_73 = arith.addi %add3A, %mul3A_72 : i32
        %mul3A_74 = arith.constant 256 : i32
        %mul3A_75 = arith.muli %add3A_73, %mul3A_74 : i32
        %dma_wait3A = arith.constant 0 : i32
        %dma_wait3A_76 = arith.constant 0 : i32
        %dma_wait3A_77 = tpu.memref_slice %arg4[%dma_wait3A, %dma_wait3A_76] : memref<64x257xf32, #tpu.memory_space<vmem>> -> memref<64x256xf32, #tpu.memory_space<vmem>>
        %dma_wait3A_78 = arith.constant 0 : i32
        %dma_wait3A_79 = tpu.memref_slice %arg2[%dma_wait3A_78, %mul3A_75] : memref<64x1000000xf32, #tpu.memory_space<hbm>> -> memref<64x256xf32, #tpu.memory_space<hbm>>
        %dma_wait3A_80 = arith.constant 0 : i32
        %dma_wait3A_81 = arith.constant 0 : i32
        %dma_wait3A_82 = tpu.memref_slice %arg4[%dma_wait3A_80, %dma_wait3A_81] : memref<64x257xf32, #tpu.memory_space<vmem>> -> memref<64x256xf32, #tpu.memory_space<vmem>>
        %dma_wait3A_83 = arith.constant 0 : i32
        %dma_wait3A_84 = tpu.memref_slice %arg2[%dma_wait3A_83, %mul3A_75] : memref<64x1000000xf32, #tpu.memory_space<hbm>> -> memref<64x256xf32, #tpu.memory_space<hbm>>
        tpu.wait_dma2 semaphore(%arg9 : memref<!tpu.dma_semaphore, #tpu.memory_space<semaphore_mem>>) src(%dma_wait3A_84 : memref<64x256xf32, #tpu.memory_space<hbm>>) dst(%dma_wait3A_82 : memref<64x256xf32, #tpu.memory_space<vmem>>)
        %add3A_85 = arith.constant 1 : i32
        %add3A_86 = arith.addi %add3A_59, %add3A_85 : i32
        %lt3A_87 = arith.cmpi slt, %add3A_86, %select_n3A : i32
        %convert_element_type3A_88 = arith.extui %lt3A_87 : i1 to i32
        %cond3A_89 = arith.constant 0 : i32
        %cond3A_90 = arith.cmpi ne, %convert_element_type3A_88, %cond3A_89 : i32
        scf.if %cond3A_90 {
          %add3A_106 = arith.constant 1 : i32
          %add3A_107 = arith.addi %add3A_59, %add3A_106 : i32
          %mul3A_108 = arith.constant 32 : i32
          %mul3A_109 = arith.muli %mul3A_108, %add3A_107 : i32
          %add3A_110 = arith.addi %add3A, %mul3A_109 : i32
          %mul3A_111 = arith.constant 256 : i32
          %mul3A_112 = arith.muli %add3A_110, %mul3A_111 : i32
          %dma_start3A_113 = arith.constant 0 : i32
          %dma_start3A_114 = arith.constant 0 : i32
          %dma_start3A_115 = tpu.memref_slice %arg5[%dma_start3A_113, %dma_start3A_114] : memref<64x257xf32, #tpu.memory_space<vmem>> -> memref<64x256xf32, #tpu.memory_space<vmem>>
          %dma_start3A_116 = arith.constant 0 : i32
          %dma_start3A_117 = tpu.memref_slice %arg2[%dma_start3A_116, %mul3A_112] : memref<64x1000000xf32, #tpu.memory_space<hbm>> -> memref<64x256xf32, #tpu.memory_space<hbm>>
          %dma_start3A_118 = arith.constant 0 : i32
          %dma_start3A_119 = arith.constant 0 : i32
          %dma_start3A_120 = tpu.memref_slice %arg5[%dma_start3A_118, %dma_start3A_119] : memref<64x257xf32, #tpu.memory_space<vmem>> -> memref<64x256xf32, #tpu.memory_space<vmem>>
          %dma_start3A_121 = arith.constant 0 : i32
          %dma_start3A_122 = tpu.memref_slice %arg2[%dma_start3A_121, %mul3A_112] : memref<64x1000000xf32, #tpu.memory_space<hbm>> -> memref<64x256xf32, #tpu.memory_space<hbm>>
          tpu.enqueue_dma source(%dma_start3A_122 : memref<64x256xf32, #tpu.memory_space<hbm>>) target(%dma_start3A_120 : memref<64x256xf32, #tpu.memory_space<vmem>>) target_semaphore(%arg10 : memref<!tpu.dma_semaphore, #tpu.memory_space<semaphore_mem>>)
        } else {
        }
        %parallel_loop3A = arith.constant 0 : i32
        %parallel_loop3A_91 = arith.constant 256 : i32
        %parallel_loop3A_92 = arith.constant 1 : i32
        scf.for %parallel_loop3A_106 = %parallel_loop3A to %parallel_loop3A_91 step %parallel_loop3A_92  : i32 {
          %parallel_loop3A_107 = vector.broadcast %parallel_loop3A_106 : i32 to vector<16xi32>
          %parallel_loop3A_108 = tpu.vector_load_idx %arg4[%add3A_3, %parallel_loop3A_107] : memref<64x257xf32, #tpu.memory_space<vmem>>[vector<16xi32>, vector<16xi32>], vector<16xf32>,
          %parallel_loop3A_109 = tpu.vector_load_idx %arg4[%add3A_6, %parallel_loop3A_107] : memref<64x257xf32, #tpu.memory_space<vmem>>[vector<16xi32>, vector<16xi32>], vector<16xf32>,
          %parallel_loop3A_110 = tpu.vector_load_idx %arg4[%add3A_9, %parallel_loop3A_107] : memref<64x257xf32, #tpu.memory_space<vmem>>[vector<16xi32>, vector<16xi32>], vector<16xf32>,
          %parallel_loop3A_111 = tpu.vector_load_idx %arg4[%add3A_12, %parallel_loop3A_107] : memref<64x257xf32, #tpu.memory_space<vmem>>[vector<16xi32>, vector<16xi32>], vector<16xf32>,
          %parallel_loop3A_112 = vector.bitcast %parallel_loop3A_108 : vector<16xf32> to vector<16xi32>
          %parallel_loop3A_113 = arith.constant 16 : i32
          %parallel_loop3A_114 = vector.broadcast %parallel_loop3A_113 : i32 to vector<16xi32>
          %parallel_loop3A_115 = arith.shrsi %parallel_loop3A_112, %parallel_loop3A_114 : vector<16xi32>
          %parallel_loop3A_116 = arith.constant 1 : i32
          %parallel_loop3A_117 = vector.broadcast %parallel_loop3A_116 : i32 to vector<16xi32>
          %parallel_loop3A_118 = arith.andi %parallel_loop3A_115, %parallel_loop3A_117 : vector<16xi32>
          %parallel_loop3A_119 = arith.constant 32767 : i32
          %parallel_loop3A_120 = vector.broadcast %parallel_loop3A_119 : i32 to vector<16xi32>
          %parallel_loop3A_121 = arith.addi %parallel_loop3A_120, %parallel_loop3A_118 : vector<16xi32>
          %parallel_loop3A_122 = arith.addi %parallel_loop3A_112, %parallel_loop3A_121 : vector<16xi32>
          %parallel_loop3A_123 = arith.constant 16 : i32
          %parallel_loop3A_124 = vector.broadcast %parallel_loop3A_123 : i32 to vector<16xi32>
          %parallel_loop3A_125 = arith.shrsi %parallel_loop3A_122, %parallel_loop3A_124 : vector<16xi32>
          %parallel_loop3A_126 = arith.constant 65535 : i32
          %parallel_loop3A_127 = vector.broadcast %parallel_loop3A_126 : i32 to vector<16xi32>
          %parallel_loop3A_128 = arith.andi %parallel_loop3A_125, %parallel_loop3A_127 : vector<16xi32>
          %parallel_loop3A_129 = vector.bitcast %parallel_loop3A_109 : vector<16xf32> to vector<16xi32>
          %parallel_loop3A_130 = arith.constant 16 : i32
          %parallel_loop3A_131 = vector.broadcast %parallel_loop3A_130 : i32 to vector<16xi32>
          %parallel_loop3A_132 = arith.shrsi %parallel_loop3A_129, %parallel_loop3A_131 : vector<16xi32>
          %parallel_loop3A_133 = arith.constant 1 : i32
          %parallel_loop3A_134 = vector.broadcast %parallel_loop3A_133 : i32 to vector<16xi32>
          %parallel_loop3A_135 = arith.andi %parallel_loop3A_132, %parallel_loop3A_134 : vector<16xi32>
          %parallel_loop3A_136 = arith.constant 32767 : i32
          %parallel_loop3A_137 = vector.broadcast %parallel_loop3A_136 : i32 to vector<16xi32>
          %parallel_loop3A_138 = arith.addi %parallel_loop3A_137, %parallel_loop3A_135 : vector<16xi32>
          %parallel_loop3A_139 = arith.addi %parallel_loop3A_129, %parallel_loop3A_138 : vector<16xi32>
          %parallel_loop3A_140 = arith.constant 16 : i32
          %parallel_loop3A_141 = vector.broadcast %parallel_loop3A_140 : i32 to vector<16xi32>
          %parallel_loop3A_142 = arith.shrsi %parallel_loop3A_139, %parallel_loop3A_141 : vector<16xi32>
          %parallel_loop3A_143 = arith.constant 16 : i32
          %parallel_loop3A_144 = vector.broadcast %parallel_loop3A_143 : i32 to vector<16xi32>
          %parallel_loop3A_145 = arith.shli %parallel_loop3A_142, %parallel_loop3A_144 : vector<16xi32>
          %parallel_loop3A_146 = arith.ori %parallel_loop3A_145, %parallel_loop3A_128 : vector<16xi32>
          %parallel_loop3A_147 = arith.constant 32 : i32
          %parallel_loop3A_148 = arith.muli %parallel_loop3A_106, %parallel_loop3A_147 : i32
          %parallel_loop3A_149 = arith.constant 0 : i32
          %parallel_loop3A_150 = arith.addi %parallel_loop3A_148, %parallel_loop3A_149 : i32
          %parallel_loop3A_151 = arith.index_cast %parallel_loop3A_150 : i32 to index
          %parallel_loop3A_152 = tpu.vector_load %arg6[%parallel_loop3A_151] {strides = array<i32>} : memref<8192xi32, #tpu.memory_space<vmem>>, vector<16xi32>,
          tpu.vector_store %arg6[%parallel_loop3A_151], %parallel_loop3A_146 {strides = array<i32>} : memref<8192xi32, #tpu.memory_space<vmem>>, vector<16xi32>,
          %parallel_loop3A_153 = vector.bitcast %parallel_loop3A_110 : vector<16xf32> to vector<16xi32>
          %parallel_loop3A_154 = arith.constant 16 : i32
          %parallel_loop3A_155 = vector.broadcast %parallel_loop3A_154 : i32 to vector<16xi32>
          %parallel_loop3A_156 = arith.shrsi %parallel_loop3A_153, %parallel_loop3A_155 : vector<16xi32>
          %parallel_loop3A_157 = arith.constant 1 : i32
          %parallel_loop3A_158 = vector.broadcast %parallel_loop3A_157 : i32 to vector<16xi32>
          %parallel_loop3A_159 = arith.andi %parallel_loop3A_156, %parallel_loop3A_158 : vector<16xi32>
          %parallel_loop3A_160 = arith.constant 32767 : i32
          %parallel_loop3A_161 = vector.broadcast %parallel_loop3A_160 : i32 to vector<16xi32>
          %parallel_loop3A_162 = arith.addi %parallel_loop3A_161, %parallel_loop3A_159 : vector<16xi32>
          %parallel_loop3A_163 = arith.addi %parallel_loop3A_153, %parallel_loop3A_162 : vector<16xi32>
          %parallel_loop3A_164 = arith.constant 16 : i32
          %parallel_loop3A_165 = vector.broadcast %parallel_loop3A_164 : i32 to vector<16xi32>
          %parallel_loop3A_166 = arith.shrsi %parallel_loop3A_163, %parallel_loop3A_165 : vector<16xi32>
          %parallel_loop3A_167 = arith.constant 65535 : i32
          %parallel_loop3A_168 = vector.broadcast %parallel_loop3A_167 : i32 to vector<16xi32>
          %parallel_loop3A_169 = arith.andi %parallel_loop3A_166, %parallel_loop3A_168 : vector<16xi32>
          %parallel_loop3A_170 = vector.bitcast %parallel_loop3A_111 : vector<16xf32> to vector<16xi32>
          %parallel_loop3A_171 = arith.constant 16 : i32
          %parallel_loop3A_172 = vector.broadcast %parallel_loop3A_171 : i32 to vector<16xi32>
          %parallel_loop3A_173 = arith.shrsi %parallel_loop3A_170, %parallel_loop3A_172 : vector<16xi32>
          %parallel_loop3A_174 = arith.constant 1 : i32
          %parallel_loop3A_175 = vector.broadcast %parallel_loop3A_174 : i32 to vector<16xi32>
          %parallel_loop3A_176 = arith.andi %parallel_loop3A_173, %parallel_loop3A_175 : vector<16xi32>
          %parallel_loop3A_177 = arith.constant 32767 : i32
          %parallel_loop3A_178 = vector.broadcast %parallel_loop3A_177 : i32 to vector<16xi32>
          %parallel_loop3A_179 = arith.addi %parallel_loop3A_178, %parallel_loop3A_176 : vector<16xi32>
          %parallel_loop3A_180 = arith.addi %parallel_loop3A_170, %parallel_loop3A_179 : vector<16xi32>
          %parallel_loop3A_181 = arith.constant 16 : i32
          %parallel_loop3A_182 = vector.broadcast %parallel_loop3A_181 : i32 to vector<16xi32>
          %parallel_loop3A_183 = arith.shrsi %parallel_loop3A_180, %parallel_loop3A_182 : vector<16xi32>
          %parallel_loop3A_184 = arith.constant 16 : i32
          %parallel_loop3A_185 = vector.broadcast %parallel_loop3A_184 : i32 to vector<16xi32>
          %parallel_loop3A_186 = arith.shli %parallel_loop3A_183, %parallel_loop3A_185 : vector<16xi32>
          %parallel_loop3A_187 = arith.ori %parallel_loop3A_186, %parallel_loop3A_169 : vector<16xi32>
          %parallel_loop3A_188 = arith.constant 32 : i32
          %parallel_loop3A_189 = arith.muli %parallel_loop3A_106, %parallel_loop3A_188 : i32
          %parallel_loop3A_190 = arith.constant 16 : i32
          %parallel_loop3A_191 = arith.addi %parallel_loop3A_189, %parallel_loop3A_190 : i32
          %parallel_loop3A_192 = arith.index_cast %parallel_loop3A_191 : i32 to index
          %parallel_loop3A_193 = tpu.vector_load %arg6[%parallel_loop3A_192] {strides = array<i32>} : memref<8192xi32, #tpu.memory_space<vmem>>, vector<16xi32>,
          tpu.vector_store %arg6[%parallel_loop3A_192], %parallel_loop3A_187 {strides = array<i32>} : memref<8192xi32, #tpu.memory_space<vmem>>, vector<16xi32>,
        } {sc.loop_unroll_factor = 8 : i64, sc.parallel_access}
        %ge3A_93 = arith.constant 2 : i32
        %ge3A_94 = arith.cmpi sge, %add3A_59, %ge3A_93 : i32
        %convert_element_type3A_95 = arith.extui %ge3A_94 : i1 to i32
        %cond3A_96 = arith.constant 0 : i32
        %cond3A_97 = arith.cmpi ne, %convert_element_type3A_95, %cond3A_96 : i32
        scf.if %cond3A_97 {
          %dma_wait3A_106 = arith.constant 0 : i32
          %dma_wait3A_107 = tpu.memref_slice %arg3[%dma_wait3A_106] : memref<32000000xi32, #tpu.memory_space<hbm>> -> memref<8192xi32, #tpu.memory_space<hbm>>
          %dma_wait3A_108 = arith.constant 0 : i32
          %dma_wait3A_109 = tpu.memref_slice %arg3[%dma_wait3A_108] : memref<32000000xi32, #tpu.memory_space<hbm>> -> memref<8192xi32, #tpu.memory_space<hbm>>
          tpu.wait_dma2 semaphore(%arg11 : memref<!tpu.dma_semaphore, #tpu.memory_space<semaphore_mem>>) src(%dma_wait3A_109 : memref<8192xi32, #tpu.memory_space<hbm>>) dst(%arg6 : memref<8192xi32, #tpu.memory_space<vmem>>)
        } else {
        }
        %mul3A_98 = arith.constant 32 : i32
        %mul3A_99 = arith.muli %mul3A_98, %add3A_59 : i32
        %add3A_100 = arith.addi %add3A, %mul3A_99 : i32
        %mul3A_101 = arith.constant 256 : i32
        %mul3A_102 = arith.muli %add3A_100, %mul3A_101 : i32
        %mul3A_103 = arith.constant 32 : i32
        %mul3A_104 = arith.muli %mul3A_102, %mul3A_103 : i32
        %dma_start3A = tpu.memref_slice %arg3[%mul3A_104] : memref<32000000xi32, #tpu.memory_space<hbm>> -> memref<8192xi32, #tpu.memory_space<hbm>>
        %dma_start3A_105 = tpu.memref_slice %arg3[%mul3A_104] : memref<32000000xi32, #tpu.memory_space<hbm>> -> memref<8192xi32, #tpu.memory_space<hbm>>
        tpu.enqueue_dma source(%arg6 : memref<8192xi32, #tpu.memory_space<vmem>>) target(%dma_start3A_105 : memref<8192xi32, #tpu.memory_space<hbm>>) target_semaphore(%arg11 : memref<!tpu.dma_semaphore, #tpu.memory_space<semaphore_mem>>)
      } else {
      }
      %mul3A_63 = arith.constant 2 : i32
      %mul3A_64 = arith.muli %mul3A_63, %scan3A_55 : i32
      %add3A_65 = arith.constant 1 : i32
      %add3A_66 = arith.addi %mul3A_64, %add3A_65 : i32
      %lt3A_67 = arith.cmpi slt, %add3A_66, %select_n3A : i32
      %convert_element_type3A_68 = arith.extui %lt3A_67 : i1 to i32
      %cond3A_69 = arith.constant 0 : i32
      %cond3A_70 = arith.cmpi ne, %convert_element_type3A_68, %cond3A_69 : i32
      scf.if %cond3A_70 {
        %mul3A_71 = arith.constant 32 : i32
        %mul3A_72 = arith.muli %mul3A_71, %add3A_66 : i32
        %add3A_73 = arith.addi %add3A, %mul3A_72 : i32
        %mul3A_74 = arith.constant 256 : i32
        %mul3A_75 = arith.muli %add3A_73, %mul3A_74 : i32
        %dma_wait3A = arith.constant 0 : i32
        %dma_wait3A_76 = arith.constant 0 : i32
        %dma_wait3A_77 = tpu.memref_slice %arg5[%dma_wait3A, %dma_wait3A_76] : memref<64x257xf32, #tpu.memory_space<vmem>> -> memref<64x256xf32, #tpu.memory_space<vmem>>
        %dma_wait3A_78 = arith.constant 0 : i32
        %dma_wait3A_79 = tpu.memref_slice %arg2[%dma_wait3A_78, %mul3A_75] : memref<64x1000000xf32, #tpu.memory_space<hbm>> -> memref<64x256xf32, #tpu.memory_space<hbm>>
        %dma_wait3A_80 = arith.constant 0 : i32
        %dma_wait3A_81 = arith.constant 0 : i32
        %dma_wait3A_82 = tpu.memref_slice %arg5[%dma_wait3A_80, %dma_wait3A_81] : memref<64x257xf32, #tpu.memory_space<vmem>> -> memref<64x256xf32, #tpu.memory_space<vmem>>
        %dma_wait3A_83 = arith.constant 0 : i32
        %dma_wait3A_84 = tpu.memref_slice %arg2[%dma_wait3A_83, %mul3A_75] : memref<64x1000000xf32, #tpu.memory_space<hbm>> -> memref<64x256xf32, #tpu.memory_space<hbm>>
        tpu.wait_dma2 semaphore(%arg10 : memref<!tpu.dma_semaphore, #tpu.memory_space<semaphore_mem>>) src(%dma_wait3A_84 : memref<64x256xf32, #tpu.memory_space<hbm>>) dst(%dma_wait3A_82 : memref<64x256xf32, #tpu.memory_space<vmem>>)
        %add3A_85 = arith.constant 1 : i32
        %add3A_86 = arith.addi %add3A_66, %add3A_85 : i32
        %lt3A_87 = arith.cmpi slt, %add3A_86, %select_n3A : i32
        %convert_element_type3A_88 = arith.extui %lt3A_87 : i1 to i32
        %cond3A_89 = arith.constant 0 : i32
        %cond3A_90 = arith.cmpi ne, %convert_element_type3A_88, %cond3A_89 : i32
        scf.if %cond3A_90 {
          %add3A_106 = arith.constant 1 : i32
          %add3A_107 = arith.addi %add3A_66, %add3A_106 : i32
          %mul3A_108 = arith.constant 32 : i32
          %mul3A_109 = arith.muli %mul3A_108, %add3A_107 : i32
          %add3A_110 = arith.addi %add3A, %mul3A_109 : i32
          %mul3A_111 = arith.constant 256 : i32
          %mul3A_112 = arith.muli %add3A_110, %mul3A_111 : i32
          %dma_start3A_113 = arith.constant 0 : i32
          %dma_start3A_114 = arith.constant 0 : i32
          %dma_start3A_115 = tpu.memref_slice %arg4[%dma_start3A_113, %dma_start3A_114] : memref<64x257xf32, #tpu.memory_space<vmem>> -> memref<64x256xf32, #tpu.memory_space<vmem>>
          %dma_start3A_116 = arith.constant 0 : i32
          %dma_start3A_117 = tpu.memref_slice %arg2[%dma_start3A_116, %mul3A_112] : memref<64x1000000xf32, #tpu.memory_space<hbm>> -> memref<64x256xf32, #tpu.memory_space<hbm>>
          %dma_start3A_118 = arith.constant 0 : i32
          %dma_start3A_119 = arith.constant 0 : i32
          %dma_start3A_120 = tpu.memref_slice %arg4[%dma_start3A_118, %dma_start3A_119] : memref<64x257xf32, #tpu.memory_space<vmem>> -> memref<64x256xf32, #tpu.memory_space<vmem>>
          %dma_start3A_121 = arith.constant 0 : i32
          %dma_start3A_122 = tpu.memref_slice %arg2[%dma_start3A_121, %mul3A_112] : memref<64x1000000xf32, #tpu.memory_space<hbm>> -> memref<64x256xf32, #tpu.memory_space<hbm>>
          tpu.enqueue_dma source(%dma_start3A_122 : memref<64x256xf32, #tpu.memory_space<hbm>>) target(%dma_start3A_120 : memref<64x256xf32, #tpu.memory_space<vmem>>) target_semaphore(%arg9 : memref<!tpu.dma_semaphore, #tpu.memory_space<semaphore_mem>>)
        } else {
        }
        %parallel_loop3A = arith.constant 0 : i32
        %parallel_loop3A_91 = arith.constant 256 : i32
        %parallel_loop3A_92 = arith.constant 1 : i32
        scf.for %parallel_loop3A_106 = %parallel_loop3A to %parallel_loop3A_91 step %parallel_loop3A_92  : i32 {
          %parallel_loop3A_107 = vector.broadcast %parallel_loop3A_106 : i32 to vector<16xi32>
          %parallel_loop3A_108 = tpu.vector_load_idx %arg5[%add3A_3, %parallel_loop3A_107] : memref<64x257xf32, #tpu.memory_space<vmem>>[vector<16xi32>, vector<16xi32>], vector<16xf32>,
          %parallel_loop3A_109 = tpu.vector_load_idx %arg5[%add3A_6, %parallel_loop3A_107] : memref<64x257xf32, #tpu.memory_space<vmem>>[vector<16xi32>, vector<16xi32>], vector<16xf32>,
          %parallel_loop3A_110 = tpu.vector_load_idx %arg5[%add3A_9, %parallel_loop3A_107] : memref<64x257xf32, #tpu.memory_space<vmem>>[vector<16xi32>, vector<16xi32>], vector<16xf32>,
          %parallel_loop3A_111 = tpu.vector_load_idx %arg5[%add3A_12, %parallel_loop3A_107] : memref<64x257xf32, #tpu.memory_space<vmem>>[vector<16xi32>, vector<16xi32>], vector<16xf32>,
          %parallel_loop3A_112 = vector.bitcast %parallel_loop3A_108 : vector<16xf32> to vector<16xi32>
          %parallel_loop3A_113 = arith.constant 16 : i32
          %parallel_loop3A_114 = vector.broadcast %parallel_loop3A_113 : i32 to vector<16xi32>
          %parallel_loop3A_115 = arith.shrsi %parallel_loop3A_112, %parallel_loop3A_114 : vector<16xi32>
          %parallel_loop3A_116 = arith.constant 1 : i32
          %parallel_loop3A_117 = vector.broadcast %parallel_loop3A_116 : i32 to vector<16xi32>
          %parallel_loop3A_118 = arith.andi %parallel_loop3A_115, %parallel_loop3A_117 : vector<16xi32>
          %parallel_loop3A_119 = arith.constant 32767 : i32
          %parallel_loop3A_120 = vector.broadcast %parallel_loop3A_119 : i32 to vector<16xi32>
          %parallel_loop3A_121 = arith.addi %parallel_loop3A_120, %parallel_loop3A_118 : vector<16xi32>
          %parallel_loop3A_122 = arith.addi %parallel_loop3A_112, %parallel_loop3A_121 : vector<16xi32>
          %parallel_loop3A_123 = arith.constant 16 : i32
          %parallel_loop3A_124 = vector.broadcast %parallel_loop3A_123 : i32 to vector<16xi32>
          %parallel_loop3A_125 = arith.shrsi %parallel_loop3A_122, %parallel_loop3A_124 : vector<16xi32>
          %parallel_loop3A_126 = arith.constant 65535 : i32
          %parallel_loop3A_127 = vector.broadcast %parallel_loop3A_126 : i32 to vector<16xi32>
          %parallel_loop3A_128 = arith.andi %parallel_loop3A_125, %parallel_loop3A_127 : vector<16xi32>
          %parallel_loop3A_129 = vector.bitcast %parallel_loop3A_109 : vector<16xf32> to vector<16xi32>
          %parallel_loop3A_130 = arith.constant 16 : i32
          %parallel_loop3A_131 = vector.broadcast %parallel_loop3A_130 : i32 to vector<16xi32>
          %parallel_loop3A_132 = arith.shrsi %parallel_loop3A_129, %parallel_loop3A_131 : vector<16xi32>
          %parallel_loop3A_133 = arith.constant 1 : i32
          %parallel_loop3A_134 = vector.broadcast %parallel_loop3A_133 : i32 to vector<16xi32>
          %parallel_loop3A_135 = arith.andi %parallel_loop3A_132, %parallel_loop3A_134 : vector<16xi32>
          %parallel_loop3A_136 = arith.constant 32767 : i32
          %parallel_loop3A_137 = vector.broadcast %parallel_loop3A_136 : i32 to vector<16xi32>
          %parallel_loop3A_138 = arith.addi %parallel_loop3A_137, %parallel_loop3A_135 : vector<16xi32>
          %parallel_loop3A_139 = arith.addi %parallel_loop3A_129, %parallel_loop3A_138 : vector<16xi32>
          %parallel_loop3A_140 = arith.constant 16 : i32
          %parallel_loop3A_141 = vector.broadcast %parallel_loop3A_140 : i32 to vector<16xi32>
          %parallel_loop3A_142 = arith.shrsi %parallel_loop3A_139, %parallel_loop3A_141 : vector<16xi32>
          %parallel_loop3A_143 = arith.constant 16 : i32
          %parallel_loop3A_144 = vector.broadcast %parallel_loop3A_143 : i32 to vector<16xi32>
          %parallel_loop3A_145 = arith.shli %parallel_loop3A_142, %parallel_loop3A_144 : vector<16xi32>
          %parallel_loop3A_146 = arith.ori %parallel_loop3A_145, %parallel_loop3A_128 : vector<16xi32>
          %parallel_loop3A_147 = arith.constant 32 : i32
          %parallel_loop3A_148 = arith.muli %parallel_loop3A_106, %parallel_loop3A_147 : i32
          %parallel_loop3A_149 = arith.constant 0 : i32
          %parallel_loop3A_150 = arith.addi %parallel_loop3A_148, %parallel_loop3A_149 : i32
          %parallel_loop3A_151 = arith.index_cast %parallel_loop3A_150 : i32 to index
          %parallel_loop3A_152 = tpu.vector_load %arg7[%parallel_loop3A_151] {strides = array<i32>} : memref<8192xi32, #tpu.memory_space<vmem>>, vector<16xi32>,
          tpu.vector_store %arg7[%parallel_loop3A_151], %parallel_loop3A_146 {strides = array<i32>} : memref<8192xi32, #tpu.memory_space<vmem>>, vector<16xi32>,
          %parallel_loop3A_153 = vector.bitcast %parallel_loop3A_110 : vector<16xf32> to vector<16xi32>
          %parallel_loop3A_154 = arith.constant 16 : i32
          %parallel_loop3A_155 = vector.broadcast %parallel_loop3A_154 : i32 to vector<16xi32>
          %parallel_loop3A_156 = arith.shrsi %parallel_loop3A_153, %parallel_loop3A_155 : vector<16xi32>
          %parallel_loop3A_157 = arith.constant 1 : i32
          %parallel_loop3A_158 = vector.broadcast %parallel_loop3A_157 : i32 to vector<16xi32>
          %parallel_loop3A_159 = arith.andi %parallel_loop3A_156, %parallel_loop3A_158 : vector<16xi32>
          %parallel_loop3A_160 = arith.constant 32767 : i32
          %parallel_loop3A_161 = vector.broadcast %parallel_loop3A_160 : i32 to vector<16xi32>
          %parallel_loop3A_162 = arith.addi %parallel_loop3A_161, %parallel_loop3A_159 : vector<16xi32>
          %parallel_loop3A_163 = arith.addi %parallel_loop3A_153, %parallel_loop3A_162 : vector<16xi32>
          %parallel_loop3A_164 = arith.constant 16 : i32
          %parallel_loop3A_165 = vector.broadcast %parallel_loop3A_164 : i32 to vector<16xi32>
          %parallel_loop3A_166 = arith.shrsi %parallel_loop3A_163, %parallel_loop3A_165 : vector<16xi32>
          %parallel_loop3A_167 = arith.constant 65535 : i32
          %parallel_loop3A_168 = vector.broadcast %parallel_loop3A_167 : i32 to vector<16xi32>
          %parallel_loop3A_169 = arith.andi %parallel_loop3A_166, %parallel_loop3A_168 : vector<16xi32>
          %parallel_loop3A_170 = vector.bitcast %parallel_loop3A_111 : vector<16xf32> to vector<16xi32>
          %parallel_loop3A_171 = arith.constant 16 : i32
          %parallel_loop3A_172 = vector.broadcast %parallel_loop3A_171 : i32 to vector<16xi32>
          %parallel_loop3A_173 = arith.shrsi %parallel_loop3A_170, %parallel_loop3A_172 : vector<16xi32>
          %parallel_loop3A_174 = arith.constant 1 : i32
          %parallel_loop3A_175 = vector.broadcast %parallel_loop3A_174 : i32 to vector<16xi32>
          %parallel_loop3A_176 = arith.andi %parallel_loop3A_173, %parallel_loop3A_175 : vector<16xi32>
          %parallel_loop3A_177 = arith.constant 32767 : i32
          %parallel_loop3A_178 = vector.broadcast %parallel_loop3A_177 : i32 to vector<16xi32>
          %parallel_loop3A_179 = arith.addi %parallel_loop3A_178, %parallel_loop3A_176 : vector<16xi32>
          %parallel_loop3A_180 = arith.addi %parallel_loop3A_170, %parallel_loop3A_179 : vector<16xi32>
          %parallel_loop3A_181 = arith.constant 16 : i32
          %parallel_loop3A_182 = vector.broadcast %parallel_loop3A_181 : i32 to vector<16xi32>
          %parallel_loop3A_183 = arith.shrsi %parallel_loop3A_180, %parallel_loop3A_182 : vector<16xi32>
          %parallel_loop3A_184 = arith.constant 16 : i32
          %parallel_loop3A_185 = vector.broadcast %parallel_loop3A_184 : i32 to vector<16xi32>
          %parallel_loop3A_186 = arith.shli %parallel_loop3A_183, %parallel_loop3A_185 : vector<16xi32>
          %parallel_loop3A_187 = arith.ori %parallel_loop3A_186, %parallel_loop3A_169 : vector<16xi32>
          %parallel_loop3A_188 = arith.constant 32 : i32
          %parallel_loop3A_189 = arith.muli %parallel_loop3A_106, %parallel_loop3A_188 : i32
          %parallel_loop3A_190 = arith.constant 16 : i32
          %parallel_loop3A_191 = arith.addi %parallel_loop3A_189, %parallel_loop3A_190 : i32
          %parallel_loop3A_192 = arith.index_cast %parallel_loop3A_191 : i32 to index
          %parallel_loop3A_193 = tpu.vector_load %arg7[%parallel_loop3A_192] {strides = array<i32>} : memref<8192xi32, #tpu.memory_space<vmem>>, vector<16xi32>,
          tpu.vector_store %arg7[%parallel_loop3A_192], %parallel_loop3A_187 {strides = array<i32>} : memref<8192xi32, #tpu.memory_space<vmem>>, vector<16xi32>,
        } {sc.loop_unroll_factor = 8 : i64, sc.parallel_access}
        %ge3A_93 = arith.constant 2 : i32
        %ge3A_94 = arith.cmpi sge, %add3A_66, %ge3A_93 : i32
        %convert_element_type3A_95 = arith.extui %ge3A_94 : i1 to i32
        %cond3A_96 = arith.constant 0 : i32
        %cond3A_97 = arith.cmpi ne, %convert_element_type3A_95, %cond3A_96 : i32
        scf.if %cond3A_97 {
          %dma_wait3A_106 = arith.constant 0 : i32
          %dma_wait3A_107 = tpu.memref_slice %arg3[%dma_wait3A_106] : memref<32000000xi32, #tpu.memory_space<hbm>> -> memref<8192xi32, #tpu.memory_space<hbm>>
          %dma_wait3A_108 = arith.constant 0 : i32
          %dma_wait3A_109 = tpu.memref_slice %arg3[%dma_wait3A_108] : memref<32000000xi32, #tpu.memory_space<hbm>> -> memref<8192xi32, #tpu.memory_space<hbm>>
          tpu.wait_dma2 semaphore(%arg12 : memref<!tpu.dma_semaphore, #tpu.memory_space<semaphore_mem>>) src(%dma_wait3A_109 : memref<8192xi32, #tpu.memory_space<hbm>>) dst(%arg7 : memref<8192xi32, #tpu.memory_space<vmem>>)
        } else {
        }
        %mul3A_98 = arith.constant 32 : i32
        %mul3A_99 = arith.muli %mul3A_98, %add3A_66 : i32
        %add3A_100 = arith.addi %add3A, %mul3A_99 : i32
        %mul3A_101 = arith.constant 256 : i32
        %mul3A_102 = arith.muli %add3A_100, %mul3A_101 : i32
        %mul3A_103 = arith.constant 32 : i32
        %mul3A_104 = arith.muli %mul3A_102, %mul3A_103 : i32
        %dma_start3A = tpu.memref_slice %arg3[%mul3A_104] : memref<32000000xi32, #tpu.memory_space<hbm>> -> memref<8192xi32, #tpu.memory_space<hbm>>
        %dma_start3A_105 = tpu.memref_slice %arg3[%mul3A_104] : memref<32000000xi32, #tpu.memory_space<hbm>> -> memref<8192xi32, #tpu.memory_space<hbm>>
        tpu.enqueue_dma source(%arg7 : memref<8192xi32, #tpu.memory_space<vmem>>) target(%dma_start3A_105 : memref<8192xi32, #tpu.memory_space<hbm>>) target_semaphore(%arg12 : memref<!tpu.dma_semaphore, #tpu.memory_space<semaphore_mem>>)
      } else {
      }
    }
    %scan3A_41 = arith.constant 62 : i32
    %ge3A = arith.constant 1 : i32
    %ge3A_42 = arith.cmpi sge, %select_n3A, %ge3A : i32
    %convert_element_type3A_43 = arith.extui %ge3A_42 : i1 to i32
    %cond3A_44 = arith.constant 0 : i32
    %cond3A_45 = arith.cmpi ne, %convert_element_type3A_43, %cond3A_44 : i32
    scf.if %cond3A_45 {
      %dma_wait3A = arith.constant 0 : i32
      %dma_wait3A_55 = tpu.memref_slice %arg3[%dma_wait3A] : memref<32000000xi32, #tpu.memory_space<hbm>> -> memref<8192xi32, #tpu.memory_space<hbm>>
      %dma_wait3A_56 = arith.constant 0 : i32
      %dma_wait3A_57 = tpu.memref_slice %arg3[%dma_wait3A_56] : memref<32000000xi32, #tpu.memory_space<hbm>> -> memref<8192xi32, #tpu.memory_space<hbm>>
      tpu.wait_dma2 semaphore(%arg11 : memref<!tpu.dma_semaphore, #tpu.memory_space<semaphore_mem>>) src(%dma_wait3A_57 : memref<8192xi32, #tpu.memory_space<hbm>>) dst(%arg6 : memref<8192xi32, #tpu.memory_space<vmem>>)
    } else {
    }
    %ge3A_46 = arith.constant 2 : i32
    %ge3A_47 = arith.cmpi sge, %select_n3A, %ge3A_46 : i32
    %convert_element_type3A_48 = arith.extui %ge3A_47 : i1 to i32
    %cond3A_49 = arith.constant 0 : i32
    %cond3A_50 = arith.cmpi ne, %convert_element_type3A_48, %cond3A_49 : i32
    scf.if %cond3A_50 {
      %dma_wait3A = arith.constant 0 : i32
      %dma_wait3A_55 = tpu.memref_slice %arg3[%dma_wait3A] : memref<32000000xi32, #tpu.memory_space<hbm>> -> memref<8192xi32, #tpu.memory_space<hbm>>
      %dma_wait3A_56 = arith.constant 0 : i32
      %dma_wait3A_57 = tpu.memref_slice %arg3[%dma_wait3A_56] : memref<32000000xi32, #tpu.memory_space<hbm>> -> memref<8192xi32, #tpu.memory_space<hbm>>
      tpu.wait_dma2 semaphore(%arg12 : memref<!tpu.dma_semaphore, #tpu.memory_space<semaphore_mem>>) src(%dma_wait3A_57 : memref<8192xi32, #tpu.memory_space<hbm>>) dst(%arg7 : memref<8192xi32, #tpu.memory_space<vmem>>)
    } else {
    }
    %eq3A = arith.constant 2 : i32
    %eq3A_51 = arith.cmpi eq, %add3A, %eq3A : i32
    %convert_element_type3A_52 = arith.extui %eq3A_51 : i1 to i32
    %cond3A_53 = arith.constant 0 : i32
    %cond3A_54 = arith.cmpi ne, %convert_element_type3A_52, %cond3A_53 : i32
    scf.if %cond3A_54 {
      "tpu.region"() ({
        %run_scoped3A = tpu.sem_alloc : memref<!tpu.dma_semaphore, #tpu.memory_space<semaphore_mem>>
        %dma_start3A = arith.constant 0 : i32
        %dma_start3A_57 = arith.constant 999936 : i32
        %dma_start3A_58 = tpu.memref_slice %arg2[%dma_start3A, %dma_start3A_57] : memref<64x1000000xf32, #tpu.memory_space<hbm>> -> memref<64x64xf32, #tpu.memory_space<hbm>>
        %dma_start3A_59 = arith.constant 0 : i32
        %dma_start3A_60 = arith.constant 999936 : i32
        %dma_start3A_61 = tpu.memref_slice %arg2[%dma_start3A_59, %dma_start3A_60] : memref<64x1000000xf32, #tpu.memory_space<hbm>> -> memref<64x64xf32, #tpu.memory_space<hbm>>
        tpu.enqueue_dma source(%dma_start3A_61 : memref<64x64xf32, #tpu.memory_space<hbm>>) target(%arg8 : memref<64x64xf32, #tpu.memory_space<vmem>>) target_semaphore(%run_scoped3A : memref<!tpu.dma_semaphore, #tpu.memory_space<semaphore_mem>>)
        %dma_wait3A = arith.constant 0 : i32
        %dma_wait3A_62 = arith.constant 999936 : i32
        %dma_wait3A_63 = tpu.memref_slice %arg2[%dma_wait3A, %dma_wait3A_62] : memref<64x1000000xf32, #tpu.memory_space<hbm>> -> memref<64x64xf32, #tpu.memory_space<hbm>>
        %dma_wait3A_64 = arith.constant 0 : i32
        %dma_wait3A_65 = arith.constant 999936 : i32
        %dma_wait3A_66 = tpu.memref_slice %arg2[%dma_wait3A_64, %dma_wait3A_65] : memref<64x1000000xf32, #tpu.memory_space<hbm>> -> memref<64x64xf32, #tpu.memory_space<hbm>>
        tpu.wait_dma2 semaphore(%run_scoped3A : memref<!tpu.dma_semaphore, #tpu.memory_space<semaphore_mem>>) src(%dma_wait3A_66 : memref<64x64xf32, #tpu.memory_space<hbm>>) dst(%arg8 : memref<64x64xf32, #tpu.memory_space<vmem>>)
        tpu.yield
      }) : () -> ()
      %parallel_loop3A = arith.constant 0 : i32
      %parallel_loop3A_55 = arith.constant 64 : i32
      %parallel_loop3A_56 = arith.constant 1 : i32
      scf.for %parallel_loop3A_57 = %parallel_loop3A to %parallel_loop3A_55 step %parallel_loop3A_56  : i32 {
        %parallel_loop3A_58 = vector.broadcast %parallel_loop3A_57 : i32 to vector<16xi32>
        %parallel_loop3A_59 = tpu.vector_load_idx %arg8[%add3A_3, %parallel_loop3A_58] : memref<64x64xf32, #tpu.memory_space<vmem>>[vector<16xi32>, vector<16xi32>], vector<16xf32>,
        %parallel_loop3A_60 = tpu.vector_load_idx %arg8[%add3A_6, %parallel_loop3A_58] : memref<64x64xf32, #tpu.memory_space<vmem>>[vector<16xi32>, vector<16xi32>], vector<16xf32>,
        %parallel_loop3A_61 = tpu.vector_load_idx %arg8[%add3A_9, %parallel_loop3A_58] : memref<64x64xf32, #tpu.memory_space<vmem>>[vector<16xi32>, vector<16xi32>], vector<16xf32>,
        %parallel_loop3A_62 = tpu.vector_load_idx %arg8[%add3A_12, %parallel_loop3A_58] : memref<64x64xf32, #tpu.memory_space<vmem>>[vector<16xi32>, vector<16xi32>], vector<16xf32>,
        %parallel_loop3A_63 = vector.bitcast %parallel_loop3A_59 : vector<16xf32> to vector<16xi32>
        %parallel_loop3A_64 = arith.constant 16 : i32
        %parallel_loop3A_65 = vector.broadcast %parallel_loop3A_64 : i32 to vector<16xi32>
        %parallel_loop3A_66 = arith.shrsi %parallel_loop3A_63, %parallel_loop3A_65 : vector<16xi32>
        %parallel_loop3A_67 = arith.constant 1 : i32
        %parallel_loop3A_68 = vector.broadcast %parallel_loop3A_67 : i32 to vector<16xi32>
        %parallel_loop3A_69 = arith.andi %parallel_loop3A_66, %parallel_loop3A_68 : vector<16xi32>
        %parallel_loop3A_70 = arith.constant 32767 : i32
        %parallel_loop3A_71 = vector.broadcast %parallel_loop3A_70 : i32 to vector<16xi32>
        %parallel_loop3A_72 = arith.addi %parallel_loop3A_71, %parallel_loop3A_69 : vector<16xi32>
        %parallel_loop3A_73 = arith.addi %parallel_loop3A_63, %parallel_loop3A_72 : vector<16xi32>
        %parallel_loop3A_74 = arith.constant 16 : i32
        %parallel_loop3A_75 = vector.broadcast %parallel_loop3A_74 : i32 to vector<16xi32>
        %parallel_loop3A_76 = arith.shrsi %parallel_loop3A_73, %parallel_loop3A_75 : vector<16xi32>
        %parallel_loop3A_77 = arith.constant 65535 : i32
        %parallel_loop3A_78 = vector.broadcast %parallel_loop3A_77 : i32 to vector<16xi32>
        %parallel_loop3A_79 = arith.andi %parallel_loop3A_76, %parallel_loop3A_78 : vector<16xi32>
        %parallel_loop3A_80 = vector.bitcast %parallel_loop3A_60 : vector<16xf32> to vector<16xi32>
        %parallel_loop3A_81 = arith.constant 16 : i32
        %parallel_loop3A_82 = vector.broadcast %parallel_loop3A_81 : i32 to vector<16xi32>
        %parallel_loop3A_83 = arith.shrsi %parallel_loop3A_80, %parallel_loop3A_82 : vector<16xi32>
        %parallel_loop3A_84 = arith.constant 1 : i32
        %parallel_loop3A_85 = vector.broadcast %parallel_loop3A_84 : i32 to vector<16xi32>
        %parallel_loop3A_86 = arith.andi %parallel_loop3A_83, %parallel_loop3A_85 : vector<16xi32>
        %parallel_loop3A_87 = arith.constant 32767 : i32
        %parallel_loop3A_88 = vector.broadcast %parallel_loop3A_87 : i32 to vector<16xi32>
        %parallel_loop3A_89 = arith.addi %parallel_loop3A_88, %parallel_loop3A_86 : vector<16xi32>
        %parallel_loop3A_90 = arith.addi %parallel_loop3A_80, %parallel_loop3A_89 : vector<16xi32>
        %parallel_loop3A_91 = arith.constant 16 : i32
        %parallel_loop3A_92 = vector.broadcast %parallel_loop3A_91 : i32 to vector<16xi32>
        %parallel_loop3A_93 = arith.shrsi %parallel_loop3A_90, %parallel_loop3A_92 : vector<16xi32>
        %parallel_loop3A_94 = arith.constant 16 : i32
        %parallel_loop3A_95 = vector.broadcast %parallel_loop3A_94 : i32 to vector<16xi32>
        %parallel_loop3A_96 = arith.shli %parallel_loop3A_93, %parallel_loop3A_95 : vector<16xi32>
        %parallel_loop3A_97 = arith.ori %parallel_loop3A_96, %parallel_loop3A_79 : vector<16xi32>
        %parallel_loop3A_98 = arith.constant 32 : i32
        %parallel_loop3A_99 = arith.muli %parallel_loop3A_57, %parallel_loop3A_98 : i32
        %parallel_loop3A_100 = arith.constant 0 : i32
        %parallel_loop3A_101 = arith.addi %parallel_loop3A_99, %parallel_loop3A_100 : i32
        %parallel_loop3A_102 = arith.index_cast %parallel_loop3A_101 : i32 to index
        %parallel_loop3A_103 = tpu.vector_load %arg6[%parallel_loop3A_102] {strides = array<i32>} : memref<8192xi32, #tpu.memory_space<vmem>>, vector<16xi32>,
        tpu.vector_store %arg6[%parallel_loop3A_102], %parallel_loop3A_97 {strides = array<i32>} : memref<8192xi32, #tpu.memory_space<vmem>>, vector<16xi32>,
        %parallel_loop3A_104 = vector.bitcast %parallel_loop3A_61 : vector<16xf32> to vector<16xi32>
        %parallel_loop3A_105 = arith.constant 16 : i32
        %parallel_loop3A_106 = vector.broadcast %parallel_loop3A_105 : i32 to vector<16xi32>
        %parallel_loop3A_107 = arith.shrsi %parallel_loop3A_104, %parallel_loop3A_106 : vector<16xi32>
        %parallel_loop3A_108 = arith.constant 1 : i32
        %parallel_loop3A_109 = vector.broadcast %parallel_loop3A_108 : i32 to vector<16xi32>
        %parallel_loop3A_110 = arith.andi %parallel_loop3A_107, %parallel_loop3A_109 : vector<16xi32>
        %parallel_loop3A_111 = arith.constant 32767 : i32
        %parallel_loop3A_112 = vector.broadcast %parallel_loop3A_111 : i32 to vector<16xi32>
        %parallel_loop3A_113 = arith.addi %parallel_loop3A_112, %parallel_loop3A_110 : vector<16xi32>
        %parallel_loop3A_114 = arith.addi %parallel_loop3A_104, %parallel_loop3A_113 : vector<16xi32>
        %parallel_loop3A_115 = arith.constant 16 : i32
        %parallel_loop3A_116 = vector.broadcast %parallel_loop3A_115 : i32 to vector<16xi32>
        %parallel_loop3A_117 = arith.shrsi %parallel_loop3A_114, %parallel_loop3A_116 : vector<16xi32>
        %parallel_loop3A_118 = arith.constant 65535 : i32
        %parallel_loop3A_119 = vector.broadcast %parallel_loop3A_118 : i32 to vector<16xi32>
        %parallel_loop3A_120 = arith.andi %parallel_loop3A_117, %parallel_loop3A_119 : vector<16xi32>
        %parallel_loop3A_121 = vector.bitcast %parallel_loop3A_62 : vector<16xf32> to vector<16xi32>
        %parallel_loop3A_122 = arith.constant 16 : i32
        %parallel_loop3A_123 = vector.broadcast %parallel_loop3A_122 : i32 to vector<16xi32>
        %parallel_loop3A_124 = arith.shrsi %parallel_loop3A_121, %parallel_loop3A_123 : vector<16xi32>
        %parallel_loop3A_125 = arith.constant 1 : i32
        %parallel_loop3A_126 = vector.broadcast %parallel_loop3A_125 : i32 to vector<16xi32>
        %parallel_loop3A_127 = arith.andi %parallel_loop3A_124, %parallel_loop3A_126 : vector<16xi32>
        %parallel_loop3A_128 = arith.constant 32767 : i32
        %parallel_loop3A_129 = vector.broadcast %parallel_loop3A_128 : i32 to vector<16xi32>
        %parallel_loop3A_130 = arith.addi %parallel_loop3A_129, %parallel_loop3A_127 : vector<16xi32>
        %parallel_loop3A_131 = arith.addi %parallel_loop3A_121, %parallel_loop3A_130 : vector<16xi32>
        %parallel_loop3A_132 = arith.constant 16 : i32
        %parallel_loop3A_133 = vector.broadcast %parallel_loop3A_132 : i32 to vector<16xi32>
        %parallel_loop3A_134 = arith.shrsi %parallel_loop3A_131, %parallel_loop3A_133 : vector<16xi32>
        %parallel_loop3A_135 = arith.constant 16 : i32
        %parallel_loop3A_136 = vector.broadcast %parallel_loop3A_135 : i32 to vector<16xi32>
        %parallel_loop3A_137 = arith.shli %parallel_loop3A_134, %parallel_loop3A_136 : vector<16xi32>
        %parallel_loop3A_138 = arith.ori %parallel_loop3A_137, %parallel_loop3A_120 : vector<16xi32>
        %parallel_loop3A_139 = arith.constant 32 : i32
        %parallel_loop3A_140 = arith.muli %parallel_loop3A_57, %parallel_loop3A_139 : i32
        %parallel_loop3A_141 = arith.constant 16 : i32
        %parallel_loop3A_142 = arith.addi %parallel_loop3A_140, %parallel_loop3A_141 : i32
        %parallel_loop3A_143 = arith.index_cast %parallel_loop3A_142 : i32 to index
        %parallel_loop3A_144 = tpu.vector_load %arg6[%parallel_loop3A_143] {strides = array<i32>} : memref<8192xi32, #tpu.memory_space<vmem>>, vector<16xi32>,
        tpu.vector_store %arg6[%parallel_loop3A_143], %parallel_loop3A_138 {strides = array<i32>} : memref<8192xi32, #tpu.memory_space<vmem>>, vector<16xi32>,
      } {sc.loop_unroll_factor = 4 : i64, sc.parallel_access}
      "tpu.region"() ({
        %run_scoped3A = tpu.sem_alloc : memref<!tpu.dma_semaphore, #tpu.memory_space<semaphore_mem>>
        %dma_start3A = arith.constant 0 : i32
        %dma_start3A_57 = tpu.memref_slice %arg6[%dma_start3A] : memref<8192xi32, #tpu.memory_space<vmem>> -> memref<2048xi32, #tpu.memory_space<vmem>>
        %dma_start3A_58 = arith.constant 31997952 : i32
        %dma_start3A_59 = tpu.memref_slice %arg3[%dma_start3A_58] : memref<32000000xi32, #tpu.memory_space<hbm>> -> memref<2048xi32, #tpu.memory_space<hbm>>
        %dma_start3A_60 = arith.constant 31997952 : i32
        %dma_start3A_61 = tpu.memref_slice %arg3[%dma_start3A_60] : memref<32000000xi32, #tpu.memory_space<hbm>> -> memref<2048xi32, #tpu.memory_space<hbm>>
        %dma_start3A_62 = arith.constant 0 : i32
        %dma_start3A_63 = tpu.memref_slice %arg6[%dma_start3A_62] : memref<8192xi32, #tpu.memory_space<vmem>> -> memref<2048xi32, #tpu.memory_space<vmem>>
        tpu.enqueue_dma source(%dma_start3A_63 : memref<2048xi32, #tpu.memory_space<vmem>>) target(%dma_start3A_61 : memref<2048xi32, #tpu.memory_space<hbm>>) target_semaphore(%run_scoped3A : memref<!tpu.dma_semaphore, #tpu.memory_space<semaphore_mem>>)
        %dma_wait3A = arith.constant 0 : i32
        %dma_wait3A_64 = tpu.memref_slice %arg6[%dma_wait3A] : memref<8192xi32, #tpu.memory_space<vmem>> -> memref<2048xi32, #tpu.memory_space<vmem>>
        %dma_wait3A_65 = arith.constant 31997952 : i32
        %dma_wait3A_66 = tpu.memref_slice %arg3[%dma_wait3A_65] : memref<32000000xi32, #tpu.memory_space<hbm>> -> memref<2048xi32, #tpu.memory_space<hbm>>
        %dma_wait3A_67 = arith.constant 31997952 : i32
        %dma_wait3A_68 = tpu.memref_slice %arg3[%dma_wait3A_67] : memref<32000000xi32, #tpu.memory_space<hbm>> -> memref<2048xi32, #tpu.memory_space<hbm>>
        %dma_wait3A_69 = arith.constant 0 : i32
        %dma_wait3A_70 = tpu.memref_slice %arg6[%dma_wait3A_69] : memref<8192xi32, #tpu.memory_space<vmem>> -> memref<2048xi32, #tpu.memory_space<vmem>>
        tpu.wait_dma2 semaphore(%run_scoped3A : memref<!tpu.dma_semaphore, #tpu.memory_space<semaphore_mem>>) src(%dma_wait3A_70 : memref<2048xi32, #tpu.memory_space<vmem>>) dst(%dma_wait3A_68 : memref<2048xi32, #tpu.memory_space<hbm>>)
        tpu.yield
      }) : () -> ()
    } else {
    }
    return
  }
}

module attributes {stable_mosaic.version = 14 : i64} {
  func.func @_mlp_body(%arg0: i32, %arg1: memref<1024x64xf32, #tpu.memory_space<vmem>>, %arg2: memref<64x512xf32, #tpu.memory_space<vmem>>, %arg3: memref<1x512xf32, #tpu.memory_space<vmem>>, %arg4: memref<512x256xf32, #tpu.memory_space<vmem>>, %arg5: memref<1x256xf32, #tpu.memory_space<vmem>>, %arg6: memref<1x256xf32, #tpu.memory_space<vmem>>, %arg7: memref<1xf32, #tpu.memory_space<smem>>, %arg8: memref<1024xf32, #tpu.memory_space<vmem>>) attributes {dimension_semantics = [#tpu.dimension_semantics<arbitrary>], iteration_bounds = array<i64: 16>, scalar_prefetch = 0 : i64, scratch_operands = 0 : i64, tpu.core_type = #tpu.core_type<tc>, window_params = [{transform_indices = @transform_0, window_bounds = array<i64: 1024, 64>}, {pipeline_mode = #tpu.pipeline_mode<synchronous>, transform_indices = @transform_1, window_bounds = array<i64: 64, 512>}, {pipeline_mode = #tpu.pipeline_mode<synchronous>, transform_indices = @transform_2, window_bounds = array<i64: 1, 512>}, {pipeline_mode = #tpu.pipeline_mode<synchronous>, transform_indices = @transform_3, window_bounds = array<i64: 512, 256>}, {pipeline_mode = #tpu.pipeline_mode<synchronous>, transform_indices = @transform_4, window_bounds = array<i64: 1, 256>}, {pipeline_mode = #tpu.pipeline_mode<synchronous>, transform_indices = @transform_5, window_bounds = array<i64: 1, 256>}, {transform_indices = @transform_6, window_bounds = array<i64: 1>}, {transform_indices = @transform_7, window_bounds = array<i64: 1024>}]} {
    %get3A = arith.constant 0 : index
    %get3A_0 = arith.constant 0 : index
    %get3A_1 = vector.load %arg1[%get3A, %get3A_0] : memref<1024x64xf32, #tpu.memory_space<vmem>>, vector<1024x64xf32>
    %max3A = arith.constant 0.000000e+00 : f32
    %max3A_2 = vector.broadcast %max3A : f32 to vector<1024x64xf32>
    %max3A_3 = arith.maximumf %get3A_1, %max3A_2 : vector<1024x64xf32>
    %mul3A = arith.constant 0.00999999977 : f32
    %mul3A_4 = vector.broadcast %mul3A : f32 to vector<1024x64xf32>
    %mul3A_5 = arith.mulf %max3A_3, %mul3A_4 : vector<1024x64xf32>
    %get3A_6 = arith.constant 0 : index
    %get3A_7 = arith.constant 0 : index
    %get3A_8 = vector.load %arg2[%get3A_6, %get3A_7] : memref<64x512xf32, #tpu.memory_space<vmem>>, vector<64x512xf32>
    %dot_general3A = arith.constant dense<0.000000e+00> : vector<1024x512xf32>
    %dot_general3A_9 = tpu.matmul %mul3A_5, %get3A_8, %dot_general3A {dimension_numbers = #tpu.dot_dimension_numbers<[1], [0], [0], [1], [0, 0, 1, 1], [], []>, transpose_lhs_hint = false} : vector<1024x64xf32>, vector<64x512xf32>, vector<1024x512xf32> -> vector<1024x512xf32>
    %get3A_10 = arith.constant 0 : index
    %get3A_11 = arith.constant 0 : index
    %get3A_12 = vector.load %arg3[%get3A_10, %get3A_11] : memref<1x512xf32, #tpu.memory_space<vmem>>, vector<1x512xf32>
    %add3A = vector.broadcast %get3A_12 : vector<1x512xf32> to vector<1024x512xf32>
    %add3A_13 = arith.addf %dot_general3A_9, %add3A : vector<1024x512xf32>
    %max3A_14 = arith.constant 0.000000e+00 : f32
    %max3A_15 = vector.broadcast %max3A_14 : f32 to vector<1024x512xf32>
    %max3A_16 = arith.maximumf %add3A_13, %max3A_15 : vector<1024x512xf32>
    %get3A_17 = arith.constant 0 : index
    %get3A_18 = arith.constant 0 : index
    %get3A_19 = vector.load %arg4[%get3A_17, %get3A_18] : memref<512x256xf32, #tpu.memory_space<vmem>>, vector<512x256xf32>
    %dot_general3A_20 = arith.constant dense<0.000000e+00> : vector<1024x256xf32>
    %dot_general3A_21 = tpu.matmul %max3A_16, %get3A_19, %dot_general3A_20 {dimension_numbers = #tpu.dot_dimension_numbers<[1], [0], [0], [1], [0, 0, 1, 1], [], []>, transpose_lhs_hint = false} : vector<1024x512xf32>, vector<512x256xf32>, vector<1024x256xf32> -> vector<1024x256xf32>
    %get3A_22 = arith.constant 0 : index
    %get3A_23 = arith.constant 0 : index
    %get3A_24 = vector.load %arg5[%get3A_22, %get3A_23] : memref<1x256xf32, #tpu.memory_space<vmem>>, vector<1x256xf32>
    %add3A_25 = vector.broadcast %get3A_24 : vector<1x256xf32> to vector<1024x256xf32>
    %add3A_26 = arith.addf %dot_general3A_21, %add3A_25 : vector<1024x256xf32>
    %max3A_27 = arith.constant 0.000000e+00 : f32
    %max3A_28 = vector.broadcast %max3A_27 : f32 to vector<1024x256xf32>
    %max3A_29 = arith.maximumf %add3A_26, %max3A_28 : vector<1024x256xf32>
    %get3A_30 = arith.constant 0 : index
    %get3A_31 = arith.constant 0 : index
    %get3A_32 = vector.load %arg6[%get3A_30, %get3A_31] : memref<1x256xf32, #tpu.memory_space<vmem>>, vector<1x256xf32>
    %mul3A_33 = vector.broadcast %get3A_32 : vector<1x256xf32> to vector<1024x256xf32>
    %mul3A_34 = arith.mulf %max3A_29, %mul3A_33 : vector<1024x256xf32>
    %reduce_sum3A = arith.constant dense<0.000000e+00> : vector<1024xf32>
    %reduce_sum3A_35 = vector.multi_reduction <add>, %mul3A_34, %reduce_sum3A [1] : vector<1024x256xf32> to vector<1024xf32>
    %get3A_36 = arith.constant 0 : index
    %get3A_37 = memref.load %arg7[%get3A_36] : memref<1xf32, #tpu.memory_space<smem>>
    %add3A_38 = vector.broadcast %get3A_37 : f32 to vector<1024xf32>
    %add3A_39 = arith.addf %reduce_sum3A_35, %add3A_38 : vector<1024xf32>
    %swap3A = arith.constant 0 : index
    %swap3A_40 = vector.load %arg8[%swap3A] : memref<1024xf32, #tpu.memory_space<vmem>>, vector<1024xf32>
    tpu.vector_store %arg8[%swap3A], %add3A_39 {strides = array<i32>} : memref<1024xf32, #tpu.memory_space<vmem>>, vector<1024xf32>,
    return
  }
  func.func @transform_0(%arg0: i32) -> (i32, i32) {
    %c0_i32 = arith.constant 0 : i32
    %c0_i32_0 = arith.constant 0 : i32
    return %arg0, %c0_i32 : i32, i32
  }
  func.func @transform_1(%arg0: i32) -> (i32, i32) {
    %c0_i32 = arith.constant 0 : i32
    %c0_i32_0 = arith.constant 0 : i32
    %c0_i32_1 = arith.constant 0 : i32
    return %c0_i32, %c0_i32_0 : i32, i32
  }
  func.func @transform_2(%arg0: i32) -> (i32, i32) {
    %c0_i32 = arith.constant 0 : i32
    %c0_i32_0 = arith.constant 0 : i32
    %c0_i32_1 = arith.constant 0 : i32
    return %c0_i32, %c0_i32_0 : i32, i32
  }
  func.func @transform_3(%arg0: i32) -> (i32, i32) {
    %c0_i32 = arith.constant 0 : i32
    %c0_i32_0 = arith.constant 0 : i32
    %c0_i32_1 = arith.constant 0 : i32
    return %c0_i32, %c0_i32_0 : i32, i32
  }
  func.func @transform_4(%arg0: i32) -> (i32, i32) {
    %c0_i32 = arith.constant 0 : i32
    %c0_i32_0 = arith.constant 0 : i32
    %c0_i32_1 = arith.constant 0 : i32
    return %c0_i32, %c0_i32_0 : i32, i32
  }
  func.func @transform_5(%arg0: i32) -> (i32, i32) {
    %c0_i32 = arith.constant 0 : i32
    %c0_i32_0 = arith.constant 0 : i32
    %c0_i32_1 = arith.constant 0 : i32
    return %c0_i32, %c0_i32_0 : i32, i32
  }
  func.func @transform_6(%arg0: i32) -> i32 {
    %c0_i32 = arith.constant 0 : i32
    %c0_i32_0 = arith.constant 0 : i32
    return %c0_i32 : i32
  }
  func.func @transform_7(%arg0: i32) -> i32 {
    %c0_i32 = arith.constant 0 : i32
    return %arg0 : i32
  }
}

</mosaic_0001>

<sc_bundles>
// kernel: kernel.5.cloned.1.call-start
scs
__scs_entry_jumppad:
0x0: {  	(pc) =	sbr.rel $0x88, $3  }
0x1: {  	(tag) =	ssettag $0x0;
	lr =	simm.s32 $0x1  }
0x2: {  	[smem:$0x3F99] =	sst lr;
	_ =	strace $0xD0000000  }
0x3: {  	_ = 	snop  }
0x4: {  	_ = 	snop  }
0x5: {  	_ = 	snop  }
0x6: {  	_ = 	snop  }
0x7: {  	_ = 	snop  }
__scs_overlays_trampoline_lowered:
0x8: {  	[smem:$0x3FA8] =	sst s0  }
0x9: {  	[smem:$0x3FA9] =	sst s1  }
0xa: {  	[smem:$0x3FAA] =	sst s2  }
0xb: {  	[smem:$0x3FAB] =	sst s3  }
0xc: {  	[smem:$0x3FAC] =	sst s4  }
0xd: {  	[smem:$0x3FAD] =	sst s5  }
0xe: {  	[smem:$0x3FAE] =	sst s6  }
0xf: {  	[smem:$0x3FAF] =	sst s7  }
0x10: {  	[smem:$0x3FB0] =	sst s8  }
0x11: {  	[smem:$0x3FB1] =	sst s9;
	s0 =	simm.s32 @!p0 $0x0  }
0x12: {  	s1 =	sld [smem:$0x3F97];
	s0 =	simm.s32 @p0 $0x1  }
0x13: {  	[smem:$0x3FB2] =	sst s0;
	s0 =	simm.s32 @!p1 $0x0  }
0x14: {  	s2 =	sld [smem:$0x3F96];
	s0 =	simm.s32 @p1 $0x1  }
0x15: {  	[smem:$0x3FB3] =	sst s0;
	s0 =	simm.s32 @!p2 $0x0  }
0x16: {  	s3 =	sld [smem:$0x3FDB];
	s0 =	simm.s32 @p2 $0x1  }
0x17: {  	s4 =	simm.s32 $0x1BF5;
	[smem:$0x3FB5] =	sst s0  }
0x18: {  	s0 =	sld [smem:$0x3F98];
	_ =	swait.ge [sflag:s4], $0x0  }
0x19: {  	s7 =	sld [smem:$0x3F99]  }
0x1a: {  	s8 =	sadd.s32 $0xFFFFE003, lr  }
0x1b: {  	s9 =	sadd.s32 $0xFFFFFEF7, lr;
	s5 =	simm.s32 $0xFFFFFFFF;
	p2 =	slt.u32 s8, $0xFFFFF086  }
0x1c: {  	p1 =	slt.u32 s9, $0xF7A;
	s5 =	simm.s32 @!p2 $0x0  }
0x1d: {  	s5 =	simm.s32 @p1 $0x1;
	p0 =	seq.s32 s7, s2  }
0x1e: {  	s7 =	smul.u32 @!p0 $0xF7A, s2;
	p2 =	seq.s32 @!p0 s5, $0x0  }
0x1f: {  	s9 =	smul.u32 $0xF7A, s1;
	s8 =	simm.s32 @!p0 $0x1BF5;
	p2 =	por !p2, p0  }
0x20: {  	[sflag:s8] =	ssyncset.s32 @!p0 $0xFFFFF086;
	s6 =	sadd.s32 @!p0 s3, s7;
	s7 =	simm.s32 @!p0 $0x108  }
0x21: {  	s3 =	sadd.s32 s3, s9;
	s6 =	sadd.s32 @!p0 $0x88, s6;
	s7 =	simm.s32 @p2 $0x1082  }
0x22: {  	[simem:s7], [sflag:s8] =	dma.local @!p0 [hbm:s6], $0xF7A  }
0x23: {  	s9 =	sor.u32 $0xD0000000, s2;
	s6 =	simm.s32 $0x108;
	_ =	swait.ge @!p0 [sflag:s8], $0x0  }
0x24: {  	s3 =	sadd.s32 $0x88, s3;
	s6 =	simm.s32 @!p1 $0x1082;
	[sflag:s4] =	ssyncset.s32 $0xFFFFF086  }
0x25: {  	[simem:s6], [sflag:s4] =	dma.local [hbm:s3], $0xF7A  }
0x26: {  	[smem:$0x3F99] =	sst s1;
	(tag) =	ssettag s2;
	_ =	strace s9  }
0x27: {  	s1 =	sld [smem:$0x3FA9]  }
0x28: {  	s2 =	sld [smem:$0x3FAA]  }
0x29: {  	s4 =	sld [smem:$0x3FAC]  }
0x2a: {  	p0 =	seq.s32 s5, $0x0;
	s5 =	sld [smem:$0x3FAD]  }
0x2b: {  	s6 =	sld [smem:$0x3FAE]  }
0x2c: {  	s7 =	sld [smem:$0x3FAF]  }
0x2d: {  	s3 =	simm.s32 $0x108;
	s8 =	sld [smem:$0x3FB0]  }
0x2e: {  	s3 =	simm.s32 @!p0 $0x1082;
	s9 =	sld [smem:$0x3FB1]  }
0x2f: {  	lr =	sadd.s32 s0, s3;
	s0 =	sld [smem:$0x3FA8]  }
0x30: {  	s3 =	sld [smem:$0x3FAB]  }
0x31: {  	[smem:$0x3FB4] =	sst s10  }
0x32: {  	s10 =	sld [smem:$0x3FB2];
	_ =	sdelay $0x3  }
0x33: {  	p0 =	seq.s32 s10, $0x1;
	s10 =	sld [smem:$0x3FB4];
	_ =	sdelay $0x3  }
0x34: {  	[smem:$0x3FB4] =	sst s10  }
0x35: {  	s10 =	sld [smem:$0x3FB3];
	_ =	sdelay $0x3  }
0x36: {  	p1 =	seq.s32 s10, $0x1;
	s10 =	sld [smem:$0x3FB4];
	_ =	sdelay $0x3  }
0x37: {  	[smem:$0x3FB4] =	sst s10  }
0x38: {  	s10 =	sld [smem:$0x3FB5]  }
0x39: {  	_ = 	snop;
	(pc) =	sbr.ind lr, $3  }
0x3a: {  	_ = 	snop  }
0x3b: {  	_ = 	snop  }
0x3c: {  	p2 =	seq.s32 s10, $0x1;
	s10 =	sld [smem:$0x3FB4]  }
0x3d: {  	_ =	shalt  }
0x3e: {  	_ =	shalt  }
0x3f: {  	_ =	shalt  }
0x40: {  	_ =	shalt  }
0x41: {  	_ =	shalt  }
0x42: {  	_ =	shalt  }
0x43: {  	_ =	shalt  }
0x44: {  	_ =	shalt  }
0x45: {  	_ =	shalt  }
0x46: {  	_ =	shalt  }
0x47: {  	_ =	shalt  }
0x48: {  	_ =	shalt  }
0x49: {  	_ =	shalt  }
0x4a: {  	_ =	shalt  }
0x4b: {  	_ =	shalt  }
0x4c: {  	_ =	shalt  }
0x4d: {  	_ =	shalt  }
0x4e: {  	_ =	shalt  }
0x4f: {  	_ =	shalt  }
0x50: {  	_ =	shalt  }
0x51: {  	_ =	shalt  }
0x52: {  	_ =	shalt  }
0x53: {  	_ =	shalt  }
0x54: {  	_ =	shalt  }
0x55: {  	_ =	shalt  }
0x56: {  	_ =	shalt  }
0x57: {  	_ =	shalt  }
0x58: {  	_ =	shalt  }
0x59: {  	_ =	shalt  }
0x5a: {  	_ =	shalt  }
0x5b: {  	_ =	shalt  }
0x5c: {  	_ =	shalt  }
0x5d: {  	_ =	shalt  }
0x5e: {  	_ =	shalt  }
0x5f: {  	_ =	shalt  }
0x60: {  	_ =	shalt  }
0x61: {  	_ =	shalt  }
0x62: {  	_ =	shalt  }
0x63: {  	_ =	shalt  }
0x64: {  	_ =	shalt  }
0x65: {  	_ =	shalt  }
0x66: {  	_ =	shalt  }
0x67: {  	_ =	shalt  }
0x68: {  	_ =	shalt  }
0x69: {  	_ =	shalt  }
0x6a: {  	_ =	shalt  }
0x6b: {  	_ =	shalt  }
0x6c: {  	_ =	shalt  }
0x6d: {  	_ =	shalt  }
0x6e: {  	_ =	shalt  }
0x6f: {  	_ =	shalt  }
0x70: {  	_ =	shalt  }
0x71: {  	_ =	shalt  }
0x72: {  	_ =	shalt  }
0x73: {  	_ =	shalt  }
0x74: {  	_ =	shalt  }
0x75: {  	_ =	shalt  }
0x76: {  	_ =	shalt  }
0x77: {  	_ =	shalt  }
0x78: {  	_ =	shalt  }
0x79: {  	_ =	shalt  }
0x7a: {  	_ =	shalt  }
0x7b: {  	_ =	shalt  }
0x7c: {  	_ =	shalt  }
0x7d: {  	_ =	shalt  }
0x7e: {  	_ =	shalt  }
0x7f: {  	_ =	shalt  }
0x80: {  	_ =	shalt  }
0x81: {  	_ =	shalt  }
0x82: {  	_ =	shalt  }
0x83: {  	_ =	shalt  }
0x84: {  	_ =	shalt  }
0x85: {  	_ =	shalt  }
0x86: {  	_ =	shalt  }
0x87: {  	_ =	shalt  }
.Lfunc_end0:
.L_simem_size_0:
called_computation_lowered:
.L_overlay_start_0:
0x88: {  	s2 =	sld [smem:$0x3FD9]  }
0x89: {  	s3 =	sld [smem:$0x3FFE];
	_ =	sdelay $0x1  }
0x8a: {  	s1 =	srdreg.scid  }
0x8b: {  	s0 =	sand.u32 $0x1, s1  }
0x8c: {  	s17 =	sshll.u32 s0, $0xA;
	s2 =	sadd.s32 s3, s2  }
0x8d: {  	s2 =	sadd.s32 s2, s17  }
0x8e: {  	[smem:$0x3FC0] =	sst s2  }
0x8f: {  	_ = 	snop  }
0x90: {  	s2 =	sld [smem:$0x3FC8];
	(tm) =	ssettm $0x1  }
0x91: {  	s18 =	sld [smem:$0x3FFB];
	_ =	sdelay $0x3  }
0x92: {  	_ =	strace s18  }
0x93: {  	s3 =	sld [smem:$0x3FFC];
	_ =	sdelay $0x3  }
0x94: {  	_ =	strace s3  }
0x95: {  	s3 =	sld [smem:$0x3FFD];
	_ =	sdelay $0x3  }
0x96: {  	_ =	strace s3  }
0x97: {  	_ =	strace $0x8FFFFFFF  }
0x98: {  	s19 =	sld [smem:$0x3FDB];
	_ =	sdelay $0x1  }
0x99: {  	s4 =	simm.s32 $_scs_section_size  }
0x9a: {  	s5 =	simm.s32 $_size__tile_overlayer_lowered;
	s6 =	simm.s32 $_tile_overlayer_lowered  }
0x9b: {  	s22 =	simm.s32 $0x1BFF;
	s21 =	sshll.u32 s6, $0x1;
	s3 =	sadd.s32 s4, s19  }
0x9c: {  	s7 =	simm.s32 $0x0;
	s20 =	sshll.u32 s5, $0x1;
	s5 =	sadd.s32 s21, s3  }
0x9d: {  	[timem:s7], [sflag:s22] =	dma.local [hbm:s5], s20  }
0x9e: {  	_ =	swait.ge [sflag:s22], s20  }
0x9f: {  	s4 =	ssub.s32 $0x0, s20;
	[sflag:s22] =	ssyncset.done $0x0  }
0xa0: {  	[sflag:s22] =	ssyncadd.s32 s4;
	_ =	sdelay $0x1  }
0xa1: {  	s23 =	simm.s32 $0x1B8B  }
0xa2: {  	_ =	swait.ge [sflag:s23], $0x1  }
0xa3: {  	[sflag:s23] =	ssyncset.done $0x0  }
0xa4: {  	s25 =	simm.s32 $0x1B8E;
	s24 =	sld [smem:$0x3FFE];
	[sflag:s23] =	ssyncadd.s32 $0xFFFFFFFF  }
0xa5: {  	s26 =	simm.s32 $execute0_lowered;
	[smem:$0x3FD2] =	sst s25  }
0xa6: {  	s5 =	sshll.u32 s26, $0x1;
	_ =	strace $0x80000046;
	[dreg:$0x1] =	wrdreg $0xFFFFFFFF  }
0xa7: {  	s28 =	simm.s32 $_size_execute0_lowered;
	s3 =	sadd.s32 s3, s5;
	[dreg:$0x0] =	wrdreg $0x0  }
0xa8: {  	s5 =	sshll.u32 s28, $0x1;
	[dreg:$0x2] =	wrdreg s3  }
0xa9: {  	[dreg:$0x3] =	wrdreg s5  }
0xaa: {  	[dreg:$0x4] =	wrdreg $0xC0  }
0xab: {  	_ =	task [dreg:s7], $0x5FFFF  }
0xac: {  	[dreg:$0x1] =	wrdreg $0xFFFFFFFF  }
0xad: {  	[dreg:$0x0] =	wrdreg $0x60  }
0xae: {  	[dreg:$0x2] =	wrdreg s2  }
0xaf: {  	[dreg:$0x3] =	wrdreg s24  }
0xb0: {  	[dreg:$0x4] =	wrdreg $0x9  }
0xb1: {  	_ =	task.clear_ibuf [dreg:s7], $0x5FFFF;
	_ =	strace $0x90000046  }
0xb2: {  	s29 =	simm.s32 $0x9;
	_ =	strace $0x80000048  }
0xb3: {  	_ =	swait.ge [sflag:s29], $0x1  }
0xb4: {  	[sflag:s29] =	ssyncadd.s32 $0xFFFFFFFF  }
0xb5: {  	_ =	strace $0x90000048  }
0xb6: {  	_ =	sfence  }
0xb7: {  	s30 =	sld [smem:$0x0];
	_ =	sdelay $0x2  }
0xb8: {  	s31 =	sshll.u32 s1, $0xD;
	s1 =	sshrl.u32 s1, $0x2  }
0xb9: {  	s3 =	sand.u32 $0x4000, s31;
	s1 =	sadd.s32 s1, s30  }
0xba: {  	s0 =	sor.u32 s3, s0;
	s1 =	sshll.u32 s1, $0x11  }
0xbb: {  	s0 =	sor.u32 s1, s0  }
0xbc: {  	s0 =	sadd.s32 $0x8F2B, s0  }
0xbd: {  	[sflag:s0] =	ssyncadd.remote.s32 $0x1  }
0xbe: {  	_ =	sfence.sel $0xFFFF  }
0xbf: {  	[dreg:$0x0] =	wrdreg $0xFFFFFFFF;
	(pc) =	sbr.abs _section_cstart, $3  }
0xc0: {  	[dreg:$0x1] =	wrdreg $0xFFFFFFFF  }
0xc1: {  	_ =	task.clear_ibuf [dreg:s7], $0x2FFFF;
	_ =	strace $0x9FFFFFFF  }
0xc2: {  	(tm) =	ssettm $0x7FFFFFFF  }
0xc3: {  	_ =	shalt  }
tec
execute0_lowered:
.L_overlay_start_1:
0x0: {  	(tag) =	ssettag $0x1  }
0x1: {  	v0 =	vimm.s32 $0xF80;
	vm14 =	vcmask $0x300;
	vm13 =	vcmask $0x704  }
0x2: {  	vm12 =	vcmask $0xB08;
	vm11 =	vcmask $0xF0C;
	vm10 =	vcmask $0x1310  }
0x3: {  	vm9 =	vcmask $0x1714;
	vm8 =	vcmask $0x1B18;
	vm7 =	vcmask $0x1F1C  }
0x4: {  	vm6 =	vcmask $0x2320;
	vm5 =	vcmask $0x2724;
	vm3 =	vcmask $0x2B28  }
0x5: {  	vm4 =	vcmask $0x2F2C;
	vm2 =	vcmask $0x3330;
	vm1 =	vcmask $0x3734  }
0x6: {  	vm0 =	vcmask $0x3B38;
	v1 =	vimm.s32 $0x2780;
	v2 =	vimm.s32 $0x3F80  }
0x7: {  	v3 =	vimm.s32 $0x5780;
	v4 =	vlaneseq.u32;
	v0 =	vsel vm14, $0x0, v0  }
0x8: {  	v1 =	vsel vm14, $0x1800, v1;
	v2 =	vsel vm14, $0x3000, v2;
	v3 =	vsel vm14, $0x4800, v3  }
0x9: {  	v4 =	vmul.u32 $0x80, v4;
	v0 =	vsel vm13, $0x80, v0;
	v1 =	vsel vm13, $0x1880, v1  }
0xa: {  	v2 =	vsel vm13, $0x3080, v2;
	v3 =	vsel vm13, $0x4880, v3;
	v0 =	vsel vm12, $0x100, v0  }
0xb: {  	s1 =	rddreg [dreg:$0x0];
	v1 =	vsel vm12, $0x1900, v1;
	v2 =	vsel vm12, $0x3100, v2;
	v3 =	vsel vm12, $0x4900, v3  }
0xc: {  	s4 =	rddreg [dreg:$0x1];
	v0 =	vsel vm11, $0x180, v0;
	v1 =	vsel vm11, $0x1980, v1;
	v2 =	vsel vm11, $0x3180, v2  }
0xd: {  	s0 =	srdreg.scid;
	s3 =	stileid.u32;
	v3 =	vsel vm11, $0x4980, v3;
	v0 =	vsel vm10, $0x200, v0;
	v1 =	vsel vm10, $0x1A00, v1  }
0xe: {  	s2 =	simm.s32 $0x0;
	s28 =	simm.s32 $0xE000;
	s29 =	simm.s32 $0x3;
	v2 =	vsel vm10, $0x3200, v2;
	v3 =	vsel vm10, $0x4A00, v3;
	v0 =	vsel vm9, $0x280, v0  }
0xf: {  	s30 =	simm.s32 $0x4;
	s31 =	simm.s32 $0x5;
	s6 =	sand.u32 $0x1, s0;
	v1 =	vsel vm9, $0x1A80, v1;
	v2 =	vsel vm9, $0x3280, v2;
	v3 =	vsel vm9, $0x4A80, v3  }
0x10: {  	s22 =	sshll.u32 s3, $0x1;
	[smem:$0x7FF] =	sst s2;
	s5 =	sadd.s32 $0x3D1C00, s4;
	v0 =	vsel vm8, $0x300, v0;
	v1 =	vsel vm8, $0x1B00, v1;
	v2 =	vsel vm8, $0x3300, v2  }
0x11: {  	s0 =	sor.u32 s6, s22;
	_ =	strace $0x80000047;
	[dreg:$0x3] =	wrdreg s5;
	v3 =	vsel vm8, $0x4B00, v3;
	v0 =	vsel vm7, $0x380, v0;
	v1 =	vsel vm7, $0x1B80, v1  }
0x12: {  	s8 =	ssub.s32 $0x2, s6;
	s23 =	sshll.u32 s0, $0x8;
	s7 =	sshll.u32 s0, $0xA;
	v2 =	vsel vm7, $0x3380, v2;
	v3 =	vsel vm7, $0x4B80, v3;
	v0 =	vsel vm6, $0xC00, v0  }
0x13: {  	s9 =	sshrl.u32 s8, $0x1;
	s26 =	ssub.s32 $0xF61, s0;
	s3 =	sadd.s32 s1, s23;
	v1 =	vsel vm6, $0x2400, v1;
	v2 =	vsel vm6, $0x3C00, v2;
	v3 =	vsel vm6, $0x5400, v3  }
0x14: {  	p0 =	sne.s32 s0, $0x2;
	s4 =	sadd.s32 s7, s4;
	s24 =	sadd.s32 $0x1E8500, s3;
	v0 =	vsel vm5, $0xC80, v0;
	v1 =	vsel vm5, $0x2480, v1;
	v2 =	vsel vm5, $0x3C80, v2  }
0x15: {  	s12 =	ssub.s32 s8, s9;
	s1 =	sadd.s32 $0xF4200, s1;
	s25 =	sadd.s32 $0x2DC780, s3;
	v3 =	vsel vm5, $0x5480, v3;
	v0 =	vsel vm3, $0xD00, v0;
	v1 =	vsel vm3, $0x2500, v1  }
0x16: {  	s9 =	sshrl.u32 s26, $0x5;
	s26 =	simm.s32 $0x6000;
	s7 =	sadd.s32 $0x3D0A00, s3;
	v2 =	vsel vm3, $0x3D00, v2;
	v3 =	vsel vm3, $0x5500, v3;
	v0 =	vsel vm4, $0xD80, v0  }
.Ltmp0:
0x17: {  	s0 =	simm.s32 $0x0;
	s8 =	sadd.s32 $0x4C4C80, s3;
	v1 =	vsel vm4, $0x2580, v1;
	v2 =	vsel vm4, $0x3D80, v2;
	v3 =	vsel vm4, $0x5580, v3;
	(pc) =	sbr.rel .LBB2_1-.Ltmp0, $4  }
0x18: {  	s23 =	simm.s32 $0x1;
	s10 =	sadd.s32 $0x1400, s4;
	s11 =	sadd.s32 $0x5B8F00, s3;
	v0 =	vsel vm2, $0xE00, v0;
	v1 =	vsel vm2, $0x2600, v1;
	v2 =	vsel vm2, $0x3E00, v2  }
0x19: {  	[dreg:$0x6] =	wrdreg s1;
	s13 =	smax.u32 s12, $0x1;
	s14 =	sadd.s32 $0x6AD180, s3;
	v3 =	vsel vm2, $0x5600, v3;
	v0 =	vsel vm1, $0xE80, v0;
	v1 =	vsel vm1, $0x2680, v1  }
0x1a: {  	s15 =	sadd.s32 $0xF4280, s3;
	s1 =	simm.s32 $0x10000;
	[dreg:$0x4] =	wrdreg s24;
	v2 =	vsel vm1, $0x3E80, v2;
	v3 =	vsel vm1, $0x5680, v3;
	v0 =	vsel vm0, $0xF00, v0  }
0x1b: {  	[dreg:$0x5] =	wrdreg s25;
	s24 =	simm.s32 $0xC000;
	s25 =	simm.s32 $0x2;
	v1 =	vsel vm0, $0x2700, v1;
	v2 =	vsel vm0, $0x3F00, v2;
	v3 =	vsel vm0, $0x5700, v3  }
.LBB2_15:
0x1c: {  	s0 =	sadd.s32 $0x1, s0  }
0x1d: {  	p1 =	sne.s32 s0, s13  }
.Ltmp1:
0x1e: {  	_ = 	snop;
	(pc) =	sbr.rel @!p1 .LBB2_16-.Ltmp1, $1  }
0x1f: {  	_ =	sdelay $0x3  }
.LBB2_1:
0x20: {  	[tilespmem:s2], [sflag:$0x1] =	stream.linear.gather [hbm4b:s3+s2], $0x800, $0x38;
	[tilespmem:$0x12000] =	vst v63  }
0x21: {  	s4 =	simm.s32 $0xC00  }
0x22: {  	[tilespmem:s4], [sflag:$0x1] =	stream.linear.gather [hbm4b:s15+s2], $0x800, $0x38;
	[tilespmem:$0x12000] =	vst v63  }
0x23: {  	s16 =	rddreg [dreg:$0x4];
	s5 =	simm.s32 $0x1800  }
0x24: {  	[tilespmem:s5], [sflag:$0x1] =	stream.linear.gather [hbm4b:s16+s2], $0x800, $0x38;
	[tilespmem:$0x12000] =	vst v63  }
0x25: {  	s17 =	rddreg [dreg:$0x5];
	s18 =	simm.s32 $0x2400  }
0x26: {  	[tilespmem:s18], [sflag:$0x1] =	stream.linear.gather [hbm4b:s17+s2], $0x800, $0x38;
	[tilespmem:$0x12000] =	vst v63  }
0x27: {  	s19 =	simm.s32 $0x3000  }
0x28: {  	[tilespmem:s19], [sflag:$0x1] =	stream.linear.gather [hbm4b:s7+s2], $0x800, $0x38;
	[tilespmem:$0x12000] =	vst v63  }
0x29: {  	s20 =	simm.s32 $0x3C00  }
0x2a: {  	[tilespmem:s20], [sflag:$0x1] =	stream.linear.gather [hbm4b:s8+s2], $0x800, $0x38;
	[tilespmem:$0x12000] =	vst v63  }
.Ltmp2:
0x2b: {  	_ = 	snop;
	(pc) =	sbr.rel .LBB2_2-.Ltmp2, $4  }
0x2c: {  	s21 =	simm.s32 $0x4800  }
0x2d: {  	[tilespmem:s21], [sflag:$0x1] =	stream.linear.gather [hbm4b:s11+s2], $0x800, $0x38;
	[tilespmem:$0x12000] =	vst v63  }
0x2e: {  	s22 =	simm.s32 $0x5400;
	s16 =	simm.s32 $0x0  }
0x2f: {  	[tilespmem:s22], [sflag:$0x1] =	stream.linear.gather [hbm4b:s14+s2], $0x800, $0x38;
	[tilespmem:$0x12000] =	vst v63  }
.LBB2_10:
0x30: {  	s16 =	sadd.s32 $0x1, s16  }
0x31: {  	p1 =	sne.s32 s16, $0x3E  }
.Ltmp3:
0x32: {  	_ = 	snop;
	(pc) =	sbr.rel @!p1 .LBB2_11-.Ltmp3, $1  }
0x33: {  	_ =	sdelay $0x3  }
.LBB2_2:
0x34: {  	s18 =	sshll.u32 s16, $0x1  }
0x35: {  	p1 =	slt.u32 s18, s9  }
.Ltmp4:
0x36: {  	_ = 	snop;
	(pc) =	sbr.rel @!p1 .LBB2_6-.Ltmp4, $2  }
0x37: {  	_ =	sdelay $0x2  }
0x38: {  	s17 =	sor.u32 $0x1, s18  }
0x39: {  	_ =	swait.ge [sflag:s23], $0x4000;
	s17 =	sor.u32 $0x1, s18  }
0x3a: {  	[sflag:s23] =	ssyncset.done $0x0;
	p1 =	sge.u32 s17, s9  }
0x3b: {  	s5 =	simm.s32 $0x1;
	[sflag:s23] =	ssyncadd.s32 $0xFFFFC000;
	s4 =	sshll.u32 @!p1 s17, $0xD  }
0x3c: {  	s12 =	simm.s32 @!p1 $0x0;
	s19 =	simm.s32 @!p1 $0x6000;
	s4 =	sadd.s32 @!p1 s4, s3  }
0x3d: {  	[tilespmem:s19], [sflag:$0x2] =	stream.linear.gather @!p1 [hbm4b:s4+s12], $0x800, $0x38;
	[tilespmem:$0x12000] =	vst v63  }
0x3e: {  	s6 =	simm.s32 $0x5;
	s20 =	simm.s32 @!p1 $0x6C00;
	s19 =	sadd.s32 @!p1 $0xF4280, s4  }
0x3f: {  	[tilespmem:s20], [sflag:$0x2] =	stream.linear.gather @!p1 [hbm4b:s19+s12], $0x800, $0x38;
	[tilespmem:$0x12000] =	vst v63  }
0x40: {  	s21 =	simm.s32 $0x6;
	s19 =	sadd.s32 @!p1 $0x1E8500, s4;
	s20 =	simm.s32 @!p1 $0x7800  }
0x41: {  	[tilespmem:s20], [sflag:$0x2] =	stream.linear.gather @!p1 [hbm4b:s19+s12], $0x800, $0x38;
	[tilespmem:$0x12000] =	vst v63  }
0x42: {  	v5 =	vmov s5;
	s5 =	simm.s32 @!p1 $0x8400;
	s22 =	sadd.s32 @!p1 $0x2DC780, s4;
	s20 =	simm.s32 $0x2  }
0x43: {  	v7 =	vmov s6;
	v8 =	vmov s21;
	v6 =	vmov s20;
	[tilespmem:s5], [sflag:$0x2] =	stream.linear.gather @!p1 [hbm4b:s22+s12], $0x800, $0x38;
	[tilespmem:$0x12000] =	vst v63  }
0x44: {  	v9 =	vshll.u32 v5, $0x3;
	v11 =	vshll.u32 v7, $0x3;
	s19 =	sadd.s32 @!p1 $0x3D0A00, s4;
	s20 =	simm.s32 @!p1 $0x9000;
	v10 =	vshll.u32 v6, $0x3  }
0x45: {  	v12 =	vshll.u32 v8, $0x3;
	v6 =	vand.u32 $0x7A, v6;
	v10 =	vand.u32 $0x400, v10;
	[tilespmem:s20], [sflag:$0x2] =	stream.linear.gather @!p1 [hbm4b:s19+s12], $0x800, $0x38;
	[tilespmem:$0x12000] =	vst v63  }
0x46: {  	s6 =	simm.s32 $0x7;
	v5 =	vand.u32 $0x79, v5;
	v9 =	vand.u32 $0x400, v9;
	s5 =	sadd.s32 @!p1 $0x4C4C80, s4;
	s19 =	simm.s32 @!p1 $0x9C00;
	v6 =	vor.u32 v6, v10  }
0x47: {  	v13 =	vmov s6;
	v5 =	vor.u32 v5, v9;
	v16 =	vadd.s32 v0, v6;
	[tilespmem:s19], [sflag:$0x2] =	stream.linear.gather @!p1 [hbm4b:s5+s12], $0x800, $0x38;
	[tilespmem:$0x12000] =	vst v63  }
0x48: {  	v14 =	vand.u32 $0x7D, v7;
	v8 =	vand.u32 $0x7E, v8;
	v17 =	vadd.s32 v3, v5;
	s5 =	sadd.s32 @!p1 $0x5B8F00, s4;
	s19 =	simm.s32 @!p1 $0xA800  }
0x49: {  	v7 =	vshll.u32 v13, $0x3;
	v12 =	vand.u32 $0x400, v12;
	v10 =	vadd.s32 v1, v5;
	[tilespmem:s19], [sflag:$0x2] =	stream.linear.gather @!p1 [hbm4b:s5+s12], $0x800, $0x38;
	[tilespmem:$0x12000] =	vst v63  }
0x4a: {  	v15 =	vand.u32 $0x400, v7;
	v9 =	vadd.s32 v0, v5;
	v5 =	vadd.s32 v2, v5;
	s4 =	sadd.s32 @!p1 $0x6AD180, s4;
	s5 =	simm.s32 @!p1 $0xB400  }
0x4b: {  	v7 =	vadd.s32 v1, v6;
	v22 =	vadd.s32 v2, v6;
	v6 =	vadd.s32 v3, v6;
	[tilespmem:s5], [sflag:$0x2] =	stream.linear.gather @!p1 [hbm4b:s4+s12], $0x800, $0x38;
	[tilespmem:$0x12000] =	vst v63  }
0x4c: {  	v8 =	vor.u32 v8, v12;
	v16 =	vld.idx.msk [tilespmem:v16+s2+$0x0], $0xffff  }
0x4d: {  	v11 =	vand.u32 $0x400, v11;
	v58 =	vadd.s32 v1, v8;
	v17 =	vld.idx.msk [tilespmem:v17+s2+$0x0], $0xffff  }
0x4e: {  	v11 =	vor.u32 v14, v11;
	v10 =	vld.idx.msk [tilespmem:v10+s2+$0x0], $0xffff  }
0x4f: {  	v20 =	vadd.s32 v1, v11;
	v27 =	vld.idx.msk [tilespmem:v5+s2+$0x0], $0xffff  }
0x50: {  	v19 =	vadd.s32 v0, v11;
	v6 =	vld.idx.msk [tilespmem:v6+s2+$0x0], $0xffff  }
0x51: {  	v13 =	vand.u32 $0x7F, v13;
	v21 =	vadd.s32 v2, v11;
	v22 =	vld.idx.msk [tilespmem:v22+s2+$0x0], $0xffff  }
0x52: {  	v18 =	vadd.s32 v2, v8;
	v13 =	vor.u32 v13, v15;
	v14 =	vld.idx.msk [tilespmem:v58+s2+$0x0], $0xffff  }
0x53: {  	v12 =	vadd.s32 v0, v8;
	v33 =	vadd.s32 v2, v13;
	s20 =	simm.s32 $0x4;
	s19 =	simm.s32 $0x3;
	v43 =	vld.idx.msk [tilespmem:v9+s2+$0x0], $0xffff  }
0x54: {  	v8 =	vadd.s32 v3, v8;
	v25 =	vmov s20;
	v23 =	vmov s19;
	v20 =	vld.idx.msk [tilespmem:v20+s2+$0x0], $0xffff  }
0x55: {  	v11 =	vadd.s32 v3, v11;
	v61 =	vshll.u32 v25, $0x3;
	v24 =	vshll.u32 v23, $0x3;
	v19 =	vld.idx.msk [tilespmem:v19+s2+$0x0], $0xffff  }
0x56: {  	v62 =	vand.u32 $0x7C, v25;
	v59 =	vand.u32 $0x7B, v23;
	v60 =	vand.u32 $0x400, v24;
	v21 =	vld.idx.msk [tilespmem:v21+s2+$0x0], $0xffff  }
0x57: {  	v24 =	vand.u32 $0x400, v61;
	v5 =	vadd.s32 v0, v13;
	v18 =	vld.idx.msk [tilespmem:v18+s2+$0x0], $0xffff;
	v15 =	vor.u32 v59, v60  }
0x58: {  	v48 =	vld.idx.msk [tilespmem:v33+s2+$0x0], $0xffff;
	v23 =	vor.u32 v62, v24;
	v63 =	vadd.s32 v0, v15;
	v26 =	vadd.s32 v1, v15  }
0x59: {  	v50 =	vld.idx.msk [tilespmem:v8+s2+$0x0], $0xffff;
	v28 =	vadd.s32 v3, v15;
	v15 =	vadd.s32 v2, v15;
	v30 =	vadd.s32 v0, v23  }
0x5a: {  	v7 =	vld.idx.msk [tilespmem:v7+s2+$0x0], $0xffff;
	v31 =	vadd.s32 v1, v23;
	v42 =	vshrl.u32 v17, $0x10;
	v29 =	vshrl.u32 v16, $0x10  }
0x5b: {  	v32 =	vshrl.u32 v10, $0x10;
	v44 =	vshrl.u32 v6, $0x10;
	v46 =	vshrl.u32 v22, $0x10  }
0x5c: {  	v35 =	vshrl.u32 v14, $0x10;
	v36 =	vshrl.u32 v43, $0x10;
	v38 =	vshrl.u32 v27, $0x10  }
0x5d: {  	v39 =	vshrl.u32 v20, $0x10;
	v52 =	vshrl.u32 v19, $0x10;
	v53 =	vshrl.u32 v21, $0x10  }
0x5e: {  	v55 =	vshrl.u32 v18, $0x10;
	v56 =	vshrl.u32 v48, $0x10;
	v57 =	vshrl.u32 v50, $0x10  }
0x5f: {  	v40 =	vshrl.u32 v7, $0x10;
	v24 =	vand.u32 $0x1, v42;
	v29 =	vand.u32 $0x1, v29  }
0x60: {  	v32 =	vand.u32 $0x1, v32;
	v36 =	vand.u32 $0x1, v36;
	v38 =	vand.u32 $0x1, v38  }
0x61: {  	v35 =	vand.u32 $0x1, v35;
	v54 =	vand.u32 $0x1, v53;
	v60 =	vand.u32 $0x1, v57  }
0x62: {  	v61 =	vand.u32 $0x1, v56;
	v17 =	vadd.s32 v24, v17;
	v24 =	vadd.s32 v2, v23  }
0x63: {  	v16 =	vadd.s32 v29, v16;
	v10 =	vadd.s32 v32, v10;
	v23 =	vadd.s32 v3, v23  }
0x64: {  	v29 =	vadd.s32 v36, v43;
	v47 =	vadd.s32 v35, v14;
	v27 =	vadd.s32 v38, v27  }
0x65: {  	v12 =	vld.idx.msk [tilespmem:v12+s2+$0x0], $0xffff;
	v36 =	vand.u32 $0x1, v55;
	v14 =	vadd.s32 v61, v48;
	v17 =	vadd.s32 $0x7FFF, v17  }
0x66: {  	v5 =	vld.idx.msk [tilespmem:v5+s2+$0x0], $0xffff;
	v9 =	vadd.s32 $0x7FFF, v16;
	v10 =	vadd.s32 $0x7FFF, v10;
	v16 =	vadd.s32 v1, v13  }
0x67: {  	v28 =	vld.idx.msk [tilespmem:v28+s2+$0x0], $0xffff;
	v8 =	vadd.s32 $0x7FFF, v29;
	v29 =	vand.u32 $0x1, v52;
	v18 =	vadd.s32 v36, v18  }
0x68: {  	v30 =	vld.idx.msk [tilespmem:v30+s2+$0x0], $0xffff;
	v14 =	vadd.s32 $0x7FFF, v14;
	v17 =	vand.u32 $0xFFFF0000, v17;
	v45 =	vshrl.u32 v9, $0x10  }
0x69: {  	v15 =	vld.idx.msk [tilespmem:v15+s2+$0x0], $0xffff;
	v9 =	vand.u32 $0x1, v44;
	v19 =	vadd.s32 v29, v19;
	v10 =	vand.u32 $0xFFFF0000, v10  }
0x6a: {  	v25 =	vld.idx.msk [tilespmem:v63+s2+$0x0], $0xffff;
	v18 =	vadd.s32 $0x7FFF, v18;
	v14 =	vshrl.u32 v14, $0x10;
	v6 =	vadd.s32 v9, v6  }
0x6b: {  	s21 =	simm.s32 $0x0;
	v26 =	vld.idx.msk [tilespmem:v26+s2+$0x0], $0xffff;
	v9 =	vadd.s32 v3, v13;
	v19 =	vadd.s32 $0x7FFF, v19;
	v18 =	vshrl.u32 v18, $0x10  }
0x6c: {  	v13 =	vand.u32 $0x1, v46;
	v46 =	vmov s21;
	v55 =	vshrl.u32 v5, $0x10  }
0x6d: {  	v36 =	vld.idx.msk [tilespmem:v31+s2+$0x0], $0xffff;
	v6 =	vadd.s32 $0x7FFF, v6;
	v19 =	vshrl.u32 v19, $0x10;
	v13 =	vadd.s32 v13, v22  }
0x6e: {  	v56 =	vand.u32 $0x1, v55;
	v34 =	vand.u32 $0xFFFF0000, v6;
	v6 =	vshrl.u32 v12, $0x10  }
0x6f: {  	v37 =	vshrl.u32 v28, $0x10;
	v49 =	vshrl.u32 v30, $0x10;
	v62 =	vshrl.u32 v15, $0x10  }
0x70: {  	v63 =	vshrl.u32 v25, $0x10;
	v43 =	vshrl.u32 v26, $0x10;
	v13 =	vadd.s32 $0x7FFF, v13  }
0x71: {  	v5 =	vadd.s32 v56, v5;
	v6 =	vand.u32 $0x1, v6;
	v37 =	vand.u32 $0x1, v37  }
0x72: {  	v35 =	vand.u32 $0x1, v62;
	v38 =	vand.u32 $0x1, v49;
	v41 =	vshrl.u32 v36, $0x10  }
0x73: {  	v44 =	vand.u32 $0x1, v43;
	v13 =	vshrl.u32 v13, $0x10;
	v49 =	vshll.u32 v46, $0x3  }
0x74: {  	v5 =	vadd.s32 $0x7FFF, v5;
	v6 =	vadd.s32 v6, v12;
	v12 =	vadd.s32 $0x7FFF, v47  }
0x75: {  	v15 =	vadd.s32 v35, v15;
	v37 =	vadd.s32 v37, v28;
	v28 =	vand.u32 $0x1, v40  }
0x76: {  	v23 =	vld.idx.msk [tilespmem:v23+s2+$0x0], $0xffff;
	v42 =	vand.u32 $0x1, v41;
	v13 =	vor.u32 v13, v34;
	v5 =	vshrl.u32 v5, $0x10  }
0x77: {  	v24 =	vld.idx.msk [tilespmem:v24+s2+$0x0], $0xffff;
	v6 =	vadd.s32 $0x7FFF, v6;
	v12 =	vand.u32 $0xFFFF0000, v12;
	v15 =	vadd.s32 $0x7FFF, v15  }
0x78: {  	v7 =	vadd.s32 v28, v7;
	v51 =	vshrl.u32 v6, $0x10;
	v6 =	vld.idx.msk [tilespmem:v11+s2+$0x0], $0xffff;
	v11 =	vshrl.u32 v8, $0x10  }
0x79: {  	v8 =	vand.u32 $0x1, v39;
	v15 =	vshrl.u32 v15, $0x10;
	v7 =	vadd.s32 $0x7FFF, v7  }
0x7a: {  	v16 =	vld.idx.msk [tilespmem:v16+s2+$0x0], $0xffff;
	v12 =	vor.u32 v51, v12;
	v8 =	vadd.s32 v8, v20;
	v20 =	vadd.s32 v54, v21  }
0x7b: {  	v10 =	vor.u32 v11, v10;
	v11 =	vadd.s32 $0x7FFF, v27;
	v27 =	vadd.s32 $0x7FFF, v37  }
0x7c: {  	v7 =	vand.u32 $0xFFFF0000, v7;
	v21 =	vadd.s32 v42, v36;
	v47 =	vshrl.u32 v23, $0x10  }
0x7d: {  	v48 =	vshrl.u32 v24, $0x10;
	v8 =	vadd.s32 $0x7FFF, v8;
	v20 =	vadd.s32 $0x7FFF, v20  }
0x7e: {  	v11 =	vshrl.u32 v11, $0x10;
	v27 =	vand.u32 $0xFFFF0000, v27;
	v7 =	vor.u32 v45, v7  }
0x7f: {  	v21 =	vadd.s32 $0x7FFF, v21;
	v57 =	vshrl.u32 v16, $0x10;
	v59 =	vand.u32 $0xFFFF0000, v8  }
0x80: {  	v8 =	vshrl.u32 v20, $0x10;
	v20 =	vadd.s32 v60, v50;
	v11 =	vor.u32 v11, v17  }
0x81: {  	s19 =	simm.s32 $0xC080;
	v17 =	vadd.s32 v38, v30;
	v15 =	vor.u32 v15, v27;
	v21 =	vand.u32 $0xFFFF0000, v21  }
0x82: {  	[tilespmem:s19+$0xFFFFFFA0] =	vst v10;
	v27 =	vand.u32 $0x400, v49;
	v10 =	vand.u32 $0x1, v57;
	v17 =	vadd.s32 $0x7FFF, v17  }
0x83: {  	v9 =	vld.idx.msk [tilespmem:v9+s2+$0x0], $0xffff;
	v20 =	vadd.s32 $0x7FFF, v20;
	v19 =	vor.u32 v19, v59;
	v17 =	vshrl.u32 v17, $0x10  }
0x84: {  	v10 =	vadd.s32 v10, v16;
	v17 =	vor.u32 v17, v21;
	v21 =	vand.u32 $0x78, v46  }
0x85: {  	v58 =	vshrl.u32 v6, $0x10;
	v20 =	vand.u32 $0xFFFF0000, v20;
	v21 =	vor.u32 v21, v27  }
0x86: {  	[tilespmem:s19+$0xFFFFFFC0] =	vst v7;
	v7 =	vadd.s32 $0x7FFF, v10;
	v18 =	vor.u32 v18, v20;
	v50 =	vadd.s32 v2, v21  }
0x87: {  	v39 =	vand.u32 $0x1, v58;
	v20 =	vand.u32 $0x1, v63;
	v51 =	vadd.s32 v3, v21  }
0x88: {  	v58 =	vshrl.u32 v9, $0x10;
	v7 =	vand.u32 $0xFFFF0000, v7;
	v53 =	vadd.s32 v0, v21  }
0x89: {  	s22 =	simm.s32 $0xC0;
	v20 =	vadd.s32 v20, v25;
	v25 =	vadd.s32 v44, v26;
	v54 =	vadd.s32 v1, v21  }
0x8a: {  	s4 =	sor.u32 $0x50, s22;
	s5 =	simm.s32 $0x20;
	[tilespmem:s19+$0x40] =	vst v12;
	v26 =	vand.u32 $0x1, v48;
	v59 =	vand.u32 $0x1, v58;
	v6 =	vadd.s32 v39, v6  }
0x8b: {  	[tilespmem:s4+$0xC000] =	vst v18;
	s4 =	sor.u32 $0x30, s5;
	v7 =	vor.u32 v5, v7;
	v20 =	vadd.s32 $0x7FFF, v20;
	v25 =	vadd.s32 $0x7FFF, v25;
	v60 =	vld.idx.msk [tilespmem:v50+s2+$0x0], $0xffff  }
0x8c: {  	v24 =	vadd.s32 v26, v24;
	[tilespmem:s4+$0xC000] =	vst v11;
	v9 =	vadd.s32 v59, v9;
	v6 =	vadd.s32 $0x7FFF, v6;
	v11 =	vld.idx.msk [tilespmem:v51+s2+$0x0], $0xffff  }
0x8d: {  	s12 =	simm.s32 $0x40;
	v20 =	vshrl.u32 v20, $0x10;
	v45 =	vand.u32 $0xFFFF0000, v25;
	v25 =	vand.u32 $0x1, v47;
	v10 =	vld.idx.msk [tilespmem:v53+s2+$0x0], $0xffff  }
0x8e: {  	[tilespmem:s19+$0x20] =	vst v19;
	s5 =	sor.u32 $0x50, s12;
	v24 =	vadd.s32 $0x7FFF, v24;
	v9 =	vadd.s32 $0x7FFF, v9;
	v23 =	vadd.s32 v25, v23;
	v5 =	vld.idx.msk [tilespmem:v54+s2+$0x0], $0xffff  }
0x8f: {  	[tilespmem:s5+$0xC000] =	vst v13;
	v6 =	vand.u32 $0xFFFF0000, v6;
	v20 =	vor.u32 v20, v45;
	v23 =	vadd.s32 $0x7FFF, v23  }
0x90: {  	s6 =	simm.s32 $0x60;
	[tilespmem:s19+$0x60] =	vst v7;
	v52 =	vshrl.u32 v24, $0x10;
	v9 =	vand.u32 $0xFFFF0000, v9;
	v23 =	vand.u32 $0xFFFF0000, v23  }
0x91: {  	s20 =	simm.s32 $0xE0;
	s4 =	sor.u32 $0x70, s6;
	v8 =	vor.u32 v8, v6;
	[tilespmem:s19+$0xFFFFFFE0] =	vst v20;
	v9 =	vor.u32 v14, v9;
	v12 =	vor.u32 v52, v23  }
0x92: {  	[tilespmem:s4+$0xC000] =	vst v15;
	s4 =	sor.u32 $0x70, s20;
	v61 =	vshrl.u32 v60, $0x10;
	v62 =	vshrl.u32 v11, $0x10;
	v63 =	vshrl.u32 v10, $0x10  }
0x93: {  	s21 =	simm.s32 $0xA0;
	[tilespmem:s4+$0xC000] =	vst v9;
	v9 =	vshrl.u32 v5, $0x10;
	v6 =	vand.u32 $0x1, v61;
	v13 =	vand.u32 $0x1, v62  }
0x94: {  	s22 =	sor.u32 $0x30, s21;
	[tilespmem:s19+$0x0] =	vst v17;
	v7 =	vand.u32 $0x1, v63;
	v6 =	vadd.s32 v6, v60;
	v11 =	vadd.s32 v13, v11  }
0x95: {  	[tilespmem:s22+$0xC000] =	vst v8;
	v7 =	vadd.s32 v7, v10;
	v6 =	vadd.s32 $0x7FFF, v6;
	v10 =	vadd.s32 $0x7FFF, v11  }
0x96: {  	s21 =	simm.s32 $0x1E0;
	s22 =	simm.s32 $0xC180;
	s20 =	simm.s32 $0x8;
	[tilespmem:s19+$0x10] =	vst v12;
	v7 =	vadd.s32 $0x7FFF, v7;
	v6 =	vshrl.u32 v6, $0x10;
	v8 =	vand.u32 $0xFFFF0000, v10  }
.LBB2_4:
0x97: {  	s4 =	sadd.s32 $0x1, s20;
	s5 =	sadd.s32 $0x2, s20;
	s12 =	sadd.s32 $0x3, s20;
	v7 =	vshrl.u32 v7, $0x10;
	v9 =	vand.u32 $0x1, v9;
	v6 =	vor.u32 v6, v8  }
0x98: {  	s6 =	sadd.s32 $0x7, s20;
	v8 =	vmov s4;
	v10 =	vmov s5;
	s4 =	sadd.s32 $0x5, s20;
	s5 =	sadd.s32 $0x6, s20;
	v5 =	vadd.s32 v9, v5;
	[tilespmem:s19+$0xFFFFFF90] =	vst v6  }
0x99: {  	p1 =	slt.u32 s20, $0xF8;
	v6 =	vmov s4;
	v9 =	vmov s5;
	v5 =	vadd.s32 $0x7FFF, v5;
	s4 =	smov.u32 s20;
	s20 =	sadd.s32 $0x8, s20  }
0x9a: {  	v11 =	vshll.u32 v8, $0x3;
	v12 =	vshll.u32 v10, $0x3;
	v5 =	vand.u32 $0xFFFF0000, v5  }
0x9b: {  	v13 =	vshll.u32 v6, $0x3;
	v14 =	vshll.u32 v9, $0x3;
	v5 =	vor.u32 v7, v5  }
0x9c: {  	v7 =	vand.u32 $0x400, v11;
	v11 =	vand.u32 $0x400, v13;
	v13 =	vmov s6;
	[tilespmem:s19+$0xFFFFFF80] =	vst v5;
	s19 =	smov.u32 s22  }
0x9d: {  	v6 =	vand.u32 $0x7D, v6;
	v5 =	vand.u32 $0x7A, v10;
	v10 =	vshll.u32 v13, $0x3  }
0x9e: {  	v8 =	vand.u32 $0x79, v8;
	v12 =	vand.u32 $0x400, v12;
	v10 =	vand.u32 $0x400, v10  }
0x9f: {  	v7 =	vor.u32 v8, v7;
	v8 =	vand.u32 $0x7E, v9;
	v5 =	vor.u32 v5, v12  }
0xa0: {  	v9 =	vadd.s32 v0, v7;
	v12 =	vadd.s32 v1, v7;
	v15 =	vadd.s32 v0, v5  }
0xa1: {  	v14 =	vand.u32 $0x400, v14;
	v16 =	vadd.s32 v3, v7;
	v17 =	vadd.s32 v1, v5  }
0xa2: {  	v6 =	vor.u32 v6, v11;
	v7 =	vadd.s32 v2, v7;
	v8 =	vor.u32 v8, v14  }
0xa3: {  	v14 =	vadd.s32 v0, v8;
	v18 =	vadd.s32 v1, v8;
	v19 =	vadd.s32 v2, v8  }
0xa4: {  	v20 =	vadd.s32 v0, v6;
	v11 =	vadd.s32 v1, v6;
	v21 =	vadd.s32 v3, v8  }
0xa5: {  	v22 =	vadd.s32 v2, v6;
	v23 =	vadd.s32 v3, v6;
	v6 =	vand.u32 $0x7F, v13;
	v8 =	vld.idx.msk [tilespmem:v15+s2+$0x0], $0xffff  }
0xa6: {  	s5 =	sadd.s32 $0x4, s4;
	v15 =	vadd.s32 v2, v5;
	v5 =	vadd.s32 v3, v5;
	v13 =	vld.idx.msk [tilespmem:v16+s2+$0x0], $0xffff;
	v16 =	vmov s12  }
0xa7: {  	v25 =	vmov s5;
	v26 =	vor.u32 v6, v10;
	v24 =	vld.idx.msk [tilespmem:v7+s2+$0x0], $0xffff;
	v7 =	vshll.u32 v16, $0x3  }
0xa8: {  	v10 =	vshll.u32 v25, $0x3;
	v6 =	vand.u32 $0x7B, v16;
	v12 =	vld.idx.msk [tilespmem:v12+s2+$0x0], $0xffff;
	v7 =	vand.u32 $0x400, v7  }
0xa9: {  	v10 =	vand.u32 $0x400, v10;
	v6 =	vor.u32 v6, v7;
	v7 =	vand.u32 $0x7C, v25;
	v16 =	vld.idx.msk [tilespmem:v11+s2+$0x0], $0xffff  }
0xaa: {  	v25 =	vadd.s32 v0, v6;
	v11 =	vadd.s32 v1, v6;
	v27 =	vadd.s32 v3, v6;
	v28 =	vld.idx.msk [tilespmem:v14+s2+$0x0], $0xffff  }
0xab: {  	v29 =	vadd.s32 v2, v6;
	v7 =	vor.u32 v7, v10;
	v6 =	vadd.s32 v0, v26;
	v5 =	vld.idx.msk [tilespmem:v5+s2+$0x0], $0xffff  }
0xac: {  	v14 =	vshrl.u32 v8, $0x10;
	v10 =	vshrl.u32 v13, $0x10;
	v30 =	vadd.s32 v0, v7  }
0xad: {  	v14 =	vand.u32 $0x1, v14;
	v31 =	vadd.s32 v1, v7;
	v10 =	vand.u32 $0x1, v10;
	v15 =	vld.idx.msk [tilespmem:v15+s2+$0x0], $0xffff  }
0xae: {  	v32 =	vshrl.u32 v12, $0x10;
	v13 =	vadd.s32 v10, v13;
	v10 =	vadd.s32 v2, v7;
	v18 =	vld.idx.msk [tilespmem:v18+s2+$0x0], $0xffff  }
0xaf: {  	v8 =	vadd.s32 v14, v8;
	v32 =	vand.u32 $0x1, v32;
	v13 =	vadd.s32 $0x7FFF, v13;
	v27 =	vld.idx.msk [tilespmem:v27+s2+$0x0], $0xffff  }
0xb0: {  	v12 =	vadd.s32 v32, v12;
	v32 =	vand.u32 $0xFFFF0000, v13;
	v13 =	vadd.s32 v3, v7;
	v9 =	vld.idx.msk [tilespmem:v9+s2+$0x0], $0xffff  }
0xb1: {  	v7 =	vadd.s32 $0x7FFF, v8;
	v33 =	vadd.s32 $0x7FFF, v12;
	v8 =	vshrl.u32 v5, $0x10;
	v30 =	vld.idx.msk [tilespmem:v30+s2+$0x0], $0xffff  }
0xb2: {  	v14 =	vshrl.u32 v7, $0x10;
	v7 =	vand.u32 $0x1, v8;
	v8 =	vadd.s32 v1, v26;
	v19 =	vld.idx.msk [tilespmem:v19+s2+$0x0], $0xffff  }
0xb3: {  	v34 =	vadd.s32 v2, v26;
	v5 =	vadd.s32 v7, v5;
	v7 =	vadd.s32 v3, v26;
	v17 =	vld.idx.msk [tilespmem:v17+s2+$0x0], $0xffff  }
0xb4: {  	v26 =	vshrl.u32 v15, $0x10;
	v5 =	vadd.s32 $0x7FFF, v5  }
0xb5: {  	v35 =	vshrl.u32 v28, $0x10;
	v36 =	vshrl.u32 v18, $0x10;
	v12 =	vand.u32 $0xFFFF0000, v5;
	v20 =	vld.idx.msk [tilespmem:v20+s2+$0x0], $0xffff  }
0xb6: {  	v38 =	vshrl.u32 v27, $0x10;
	v37 =	vshrl.u32 v9, $0x10;
	v5 =	vld.idx.msk [tilespmem:v23+s2+$0x0], $0xffff;
	v23 =	vand.u32 $0x1, v35  }
0xb7: {  	v39 =	vshrl.u32 v16, $0x10;
	v38 =	vand.u32 $0x1, v38;
	v35 =	vshrl.u32 v24, $0x10;
	v22 =	vld.idx.msk [tilespmem:v22+s2+$0x0], $0xffff  }
0xb8: {  	v36 =	vand.u32 $0x1, v36;
	v37 =	vand.u32 $0x1, v37;
	v35 =	vand.u32 $0x1, v35;
	v34 =	vld.idx.msk [tilespmem:v34+s2+$0x0], $0xffff  }
0xb9: {  	v18 =	vadd.s32 v36, v18;
	v9 =	vadd.s32 v37, v9;
	v23 =	vadd.s32 v23, v28  }
0xba: {  	v18 =	vadd.s32 $0x7FFF, v18;
	v28 =	vshrl.u32 v30, $0x10;
	v23 =	vadd.s32 $0x7FFF, v23;
	v21 =	vld.idx.msk [tilespmem:v21+s2+$0x0], $0xffff  }
0xbb: {  	v18 =	vand.u32 $0xFFFF0000, v18;
	v9 =	vadd.s32 $0x7FFF, v9;
	v23 =	vshrl.u32 v23, $0x10  }
0xbc: {  	v36 =	vshrl.u32 v9, $0x10;
	v9 =	vand.u32 $0x1, v39;
	v18 =	vor.u32 v23, v18  }
0xbd: {  	v23 =	vadd.s32 v35, v24;
	v24 =	vshrl.u32 v20, $0x10;
	v35 =	vshrl.u32 v22, $0x10;
	[tilespmem:s22+$0x40] =	vst v18  }
0xbe: {  	v9 =	vadd.s32 v9, v16;
	v18 =	vand.u32 $0x1, v24;
	v16 =	vand.u32 $0x1, v35  }
0xbf: {  	v9 =	vadd.s32 $0x7FFF, v9;
	v35 =	vshrl.u32 v34, $0x10;
	v24 =	vld.idx.msk [tilespmem:v29+s2+$0x0], $0xffff;
	v29 =	vshrl.u32 v19, $0x10  }
0xc0: {  	v18 =	vadd.s32 v18, v20;
	v16 =	vadd.s32 v16, v22;
	v20 =	vshrl.u32 v21, $0x10  }
0xc1: {  	v22 =	vshrl.u32 v5, $0x10;
	v16 =	vadd.s32 $0x7FFF, v16;
	v29 =	vand.u32 $0x1, v29  }
0xc2: {  	v33 =	vand.u32 $0xFFFF0000, v33;
	v37 =	vand.u32 $0xFFFF0000, v9;
	v18 =	vadd.s32 $0x7FFF, v18;
	v25 =	vld.idx.msk [tilespmem:v25+s2+$0x0], $0xffff  }
0xc3: {  	v9 =	vshrl.u32 v16, $0x10;
	v16 =	vand.u32 $0x1, v20;
	v20 =	vand.u32 $0x1, v35  }
0xc4: {  	v18 =	vshrl.u32 v18, $0x10;
	v19 =	vadd.s32 v29, v19;
	v16 =	vadd.s32 v16, v21  }
0xc5: {  	v19 =	vadd.s32 $0x7FFF, v19;
	v16 =	vadd.s32 $0x7FFF, v16;
	v21 =	vshrl.u32 v24, $0x10  }
0xc6: {  	s5 =	sadd.s32 $0xFFFFFFE0, s21;
	v18 =	vor.u32 v18, v37;
	v19 =	vshrl.u32 v19, $0x10;
	v16 =	vand.u32 $0xFFFF0000, v16  }
0xc7: {  	s5 =	sor.u32 $0x50, s5;
	v16 =	vor.u32 v19, v16;
	v21 =	vand.u32 $0x1, v21;
	[tilespmem:s22+$0x20] =	vst v18;
	v18 =	vadd.s32 v20, v34  }
0xc8: {  	v19 =	vand.u32 $0x1, v26;
	v21 =	vadd.s32 v21, v24;
	v20 =	vshrl.u32 v25, $0x10;
	v24 =	vld.idx.msk [tilespmem:v31+s2+$0x0], $0xffff;
	[tilespmem:s5+$0xC000] =	vst v16  }
0xc9: {  	v23 =	vadd.s32 $0x7FFF, v23;
	v26 =	vadd.s32 v38, v27;
	v16 =	vor.u32 v36, v33  }
0xca: {  	v15 =	vadd.s32 v19, v15;
	v19 =	vadd.s32 $0x7FFF, v21;
	s5 =	sadd.s32 $0xFFFFFF40, s21;
	[tilespmem:s22+$0xFFFFFFA0] =	vst v16;
	v16 =	vshrl.u32 v23, $0x10  }
0xcb: {  	v22 =	vand.u32 $0x1, v22;
	v21 =	vand.u32 $0x1, v28;
	s5 =	sor.u32 $0x30, s5;
	v16 =	vor.u32 v16, v32;
	v11 =	vld.idx.msk [tilespmem:v11+s2+$0x0], $0xffff  }
0xcc: {  	v19 =	vshrl.u32 v19, $0x10;
	v21 =	vadd.s32 v21, v30;
	[tilespmem:s5+$0xC000] =	vst v16;
	v16 =	vshrl.u32 v17, $0x10  }
0xcd: {  	v20 =	vand.u32 $0x1, v20;
	v23 =	vadd.s32 $0x7FFF, v26;
	v16 =	vand.u32 $0x1, v16  }
0xce: {  	v16 =	vadd.s32 v16, v17;
	v17 =	vand.u32 $0xFFFF0000, v23;
	v23 =	vshrl.u32 v24, $0x10  }
0xcf: {  	v16 =	vadd.s32 $0x7FFF, v16;
	v17 =	vor.u32 v19, v17;
	v19 =	vand.u32 $0x1, v23  }
0xd0: {  	v21 =	vadd.s32 $0x7FFF, v21;
	v16 =	vand.u32 $0xFFFF0000, v16;
	v13 =	vld.idx.msk [tilespmem:v13+s2+$0x0], $0xffff;
	v19 =	vadd.s32 v19, v24  }
0xd1: {  	v21 =	vshrl.u32 v21, $0x10;
	v14 =	vor.u32 v14, v16;
	v16 =	vshrl.u32 v11, $0x10;
	v10 =	vld.idx.msk [tilespmem:v10+s2+$0x0], $0xffff  }
0xd2: {  	v19 =	vadd.s32 $0x7FFF, v19;
	[tilespmem:s22+$0xFFFFFFC0] =	vst v14;
	v14 =	vadd.s32 v20, v25;
	v16 =	vand.u32 $0x1, v16  }
0xd3: {  	v14 =	vadd.s32 $0x7FFF, v14;
	v11 =	vadd.s32 v16, v11;
	v16 =	vand.u32 $0xFFFF0000, v19  }
0xd4: {  	v15 =	vadd.s32 $0x7FFF, v15;
	v11 =	vadd.s32 $0x7FFF, v11;
	v16 =	vor.u32 v21, v16  }
0xd5: {  	v15 =	vshrl.u32 v15, $0x10;
	v14 =	vshrl.u32 v14, $0x10;
	v11 =	vand.u32 $0xFFFF0000, v11;
	[tilespmem:s22+$0x0] =	vst v16  }
0xd6: {  	v12 =	vor.u32 v15, v12;
	s5 =	sadd.s32 $0xFFFFFF80, s21;
	v11 =	vor.u32 v14, v11;
	v14 =	vshrl.u32 v13, $0x10;
	v6 =	vld.idx.msk [tilespmem:v6+s2+$0x0], $0xffff  }
0xd7: {  	s6 =	sadd.s32 $0xFFFFFF60, s21;
	v15 =	vadd.s32 $0x7FFF, v18;
	s5 =	sor.u32 $0x70, s5;
	[tilespmem:s22+$0xFFFFFFE0] =	vst v11;
	v11 =	vshrl.u32 v10, $0x10;
	v14 =	vand.u32 $0x1, v14;
	v8 =	vld.idx.msk [tilespmem:v8+s2+$0x0], $0xffff  }
0xd8: {  	v16 =	vmov s4;
	s4 =	sor.u32 $0x50, s6;
	[tilespmem:s5+$0xC000] =	vst v17;
	v11 =	vand.u32 $0x1, v11;
	v13 =	vadd.s32 v14, v13;
	v7 =	vld.idx.msk [tilespmem:v7+s2+$0x0], $0xffff  }
0xd9: {  	v14 =	vshll.u32 v16, $0x3;
	[tilespmem:s4+$0xC000] =	vst v12;
	v10 =	vadd.s32 v11, v10;
	v11 =	vadd.s32 $0x7FFF, v13  }
0xda: {  	v12 =	vand.u32 $0x78, v16;
	v13 =	vand.u32 $0x400, v14;
	v10 =	vadd.s32 $0x7FFF, v10  }
0xdb: {  	v12 =	vor.u32 v12, v13;
	v11 =	vand.u32 $0xFFFF0000, v11;
	v10 =	vshrl.u32 v10, $0x10  }
0xdc: {  	v13 =	vadd.s32 v0, v12;
	v14 =	vadd.s32 v1, v12;
	v16 =	vadd.s32 v2, v12  }
0xdd: {  	v12 =	vadd.s32 v3, v12;
	v10 =	vor.u32 v10, v11;
	v11 =	vshrl.u32 v6, $0x10  }
0xde: {  	v17 =	vshrl.u32 v7, $0x10;
	[tilespmem:s22+$0x10] =	vst v10;
	v10 =	vand.u32 $0x1, v11;
	v11 =	vshrl.u32 v8, $0x10  }
0xdf: {  	v6 =	vadd.s32 v10, v6;
	v10 =	vand.u32 $0x1, v11;
	v11 =	vand.u32 $0x1, v17  }
0xe0: {  	v6 =	vadd.s32 $0x7FFF, v6;
	v8 =	vadd.s32 v10, v8;
	v7 =	vadd.s32 v11, v7  }
0xe1: {  	v10 =	vld.idx.msk [tilespmem:v16+s2+$0x0], $0xffff;
	v6 =	vshrl.u32 v6, $0x10;
	v8 =	vadd.s32 $0x7FFF, v8;
	v7 =	vadd.s32 $0x7FFF, v7  }
0xe2: {  	v11 =	vld.idx.msk [tilespmem:v12+s2+$0x0], $0xffff;
	v8 =	vand.u32 $0xFFFF0000, v8;
	v12 =	vshrl.u32 v15, $0x10;
	v7 =	vand.u32 $0xFFFF0000, v7  }
0xe3: {  	v15 =	vadd.s32 v22, v5;
	v13 =	vld.idx.msk [tilespmem:v13+s2+$0x0], $0xffff;
	v6 =	vor.u32 v6, v8;
	v7 =	vor.u32 v12, v7  }
0xe4: {  	s4 =	sor.u32 $0x70, s21;
	v8 =	vadd.s32 $0x7FFF, v15;
	v5 =	vld.idx.msk [tilespmem:v14+s2+$0x0], $0xffff;
	[tilespmem:s22+$0x60] =	vst v6  }
0xe5: {  	s5 =	sadd.s32 $0xFFFFFFC0, s21;
	v6 =	vand.u32 $0xFFFF0000, v8;
	[tilespmem:s4+$0xC000] =	vst v7  }
0xe6: {  	v6 =	vor.u32 v9, v6;
	s4 =	sor.u32 $0x30, s5  }
0xe7: {  	v7 =	vshrl.u32 v10, $0x10;
	[tilespmem:s4+$0xC000] =	vst v6  }
.Ltmp5:
0xe8: {  	v6 =	vand.u32 $0x1, v7;
	v7 =	vshrl.u32 v11, $0x10;
	(pc) =	sbr.rel @p1 .LBB2_4-.Ltmp5, $4  }
0xe9: {  	v8 =	vshrl.u32 v13, $0x10;
	v6 =	vadd.s32 v6, v10;
	v7 =	vand.u32 $0x1, v7  }
0xea: {  	v8 =	vand.u32 $0x1, v8;
	v6 =	vadd.s32 $0x7FFF, v6;
	v7 =	vadd.s32 v7, v11  }
0xeb: {  	v8 =	vadd.s32 v8, v13;
	v6 =	vshrl.u32 v6, $0x10;
	v10 =	vadd.s32 $0x7FFF, v7  }
0xec: {  	s21 =	sadd.s32 $0x100, s21;
	s22 =	sadd.s32 $0x100, s22;
	v9 =	vshrl.u32 v5, $0x10;
	v7 =	vadd.s32 $0x7FFF, v8;
	v8 =	vand.u32 $0xFFFF0000, v10  }
0xed: {  	v9 =	vand.u32 $0x1, v9  }
0xee: {  	v5 =	vadd.s32 v9, v5  }
0xef: {  	v5 =	vadd.s32 $0x7FFF, v5  }
0xf0: {  	v7 =	vshrl.u32 v7, $0x10;
	v6 =	vor.u32 v6, v8;
	v5 =	vand.u32 $0xFFFF0000, v5  }
0xf1: {  	p1 =	seq.s32 s16, $0x0;
	[tilespmem:s19+$0xFFFFFF90] =	vst v6;
	v5 =	vor.u32 v7, v5  }
0xf2: {  	s4 =	simm.s32 @!p1 $0x3;
	[tilespmem:s19+$0xFFFFFF80] =	vst v5  }
0xf3: {  	_ =	swait.ge @!p1 [sflag:s4], $0x2000  }
0xf4: {  	s5 =	sshll.u32 s16, $0x10;
	[sflag:s4] =	ssyncset.done @!p1 $0x0  }
0xf5: {  	s22 =	sadd.s32 s5, s10;
	[sflag:s4] =	ssyncadd.s32 @!p1 $0xFFFFE000  }
0xf6: {  	[hbm4b:s22+s2] =	stream.linear.scatter [tilespmem:s24], [sflag:$0x3], $0x2000, $0x38;
	[tilespmem:$0x12000] =	vst v63  }
.LBB2_6:
0xf7: {  	p1 =	sge.u32 s17, s9  }
.Ltmp6:
0xf8: {  	_ = 	snop;
	(pc) =	sbr.rel @p1 .LBB2_10-.Ltmp6, $1  }
0xf9: {  	_ =	sdelay $0x3  }
0xfa: {  	s4 =	sadd.s32 $0x2, s18  }
0xfb: {  	_ =	swait.ge [sflag:s25], $0x4000;
	p1 =	sge.u32 s4, s9  }
0xfc: {  	s18 =	simm.s32 $0x2;
	[sflag:s25] =	ssyncset.done $0x0;
	s4 =	sshll.u32 @!p1 s4, $0xD  }
0xfd: {  	[sflag:s25] =	ssyncadd.s32 $0xFFFFC000;
	s5 =	simm.s32 @!p1 $0x0;
	s4 =	sadd.s32 @!p1 s4, s3  }
0xfe: {  	[tilespmem:s5], [sflag:$0x1] =	stream.linear.gather @!p1 [hbm4b:s4+s5], $0x800, $0x38;
	[tilespmem:$0x12000] =	vst v63  }
0xff: {  	s21 =	simm.s32 $0x5;
	s12 =	simm.s32 @!p1 $0xC00;
	s6 =	sadd.s32 @!p1 $0xF4280, s4  }
0x100: {  	[tilespmem:s12], [sflag:$0x1] =	stream.linear.gather @!p1 [hbm4b:s6+s5], $0x800, $0x38;
	[tilespmem:$0x12000] =	vst v63  }
0x101: {  	s22 =	simm.s32 $0x6;
	s6 =	sadd.s32 @!p1 $0x1E8500, s4;
	s12 =	simm.s32 @!p1 $0x1800  }
0x102: {  	[tilespmem:s12], [sflag:$0x1] =	stream.linear.gather @!p1 [hbm4b:s6+s5], $0x800, $0x38;
	[tilespmem:$0x12000] =	vst v63  }
0x103: {  	v6 =	vmov s18;
	s20 =	simm.s32 @!p1 $0x2400;
	s19 =	sadd.s32 @!p1 $0x2DC780, s4;
	s12 =	simm.s32 $0x1  }
0x104: {  	v7 =	vmov s21;
	v8 =	vmov s22;
	v10 =	vshll.u32 v6, $0x3;
	[tilespmem:s20], [sflag:$0x1] =	stream.linear.gather @!p1 [hbm4b:s19+s5], $0x800, $0x38;
	[tilespmem:$0x12000] =	vst v63  }
0x105: {  	v11 =	vshll.u32 v7, $0x3;
	v12 =	vshll.u32 v8, $0x3;
	s18 =	simm.s32 @!p1 $0x3000;
	v5 =	vmov s12;
	s12 =	sadd.s32 @!p1 $0x3D0A00, s4  }
0x106: {  	v6 =	vand.u32 $0x7A, v6;
	v10 =	vand.u32 $0x400, v10;
	v9 =	vshll.u32 v5, $0x3;
	[tilespmem:s18], [sflag:$0x1] =	stream.linear.gather @!p1 [hbm4b:s12+s5], $0x800, $0x38;
	[tilespmem:$0x12000] =	vst v63  }
0x107: {  	v6 =	vor.u32 v6, v10;
	s6 =	sadd.s32 @!p1 $0x4C4C80, s4;
	v5 =	vand.u32 $0x79, v5;
	v9 =	vand.u32 $0x400, v9;
	s12 =	simm.s32 @!p1 $0x3C00  }
0x108: {  	v14 =	vand.u32 $0x7D, v7;
	v16 =	vadd.s32 v0, v6;
	v5 =	vor.u32 v5, v9;
	[tilespmem:s12], [sflag:$0x1] =	stream.linear.gather @!p1 [hbm4b:s6+s5], $0x800, $0x38;
	[tilespmem:$0x12000] =	vst v63  }
0x109: {  	v8 =	vand.u32 $0x7E, v8;
	v12 =	vand.u32 $0x400, v12;
	s19 =	simm.s32 $0x7;
	v17 =	vadd.s32 v3, v5;
	s6 =	sadd.s32 @!p1 $0x5B8F00, s4;
	s12 =	simm.s32 @!p1 $0x4800  }
0x10a: {  	v22 =	vadd.s32 v2, v6;
	v13 =	vmov s19;
	v10 =	vadd.s32 v1, v5;
	[tilespmem:s12], [sflag:$0x1] =	stream.linear.gather @!p1 [hbm4b:s6+s5], $0x800, $0x38;
	[tilespmem:$0x12000] =	vst v63  }
0x10b: {  	v7 =	vshll.u32 v13, $0x3;
	v9 =	vadd.s32 v0, v5;
	v5 =	vadd.s32 v2, v5;
	s4 =	sadd.s32 @!p1 $0x6AD180, s4;
	s6 =	simm.s32 @!p1 $0x5400  }
0x10c: {  	v15 =	vand.u32 $0x400, v7;
	v7 =	vadd.s32 v1, v6;
	v6 =	vadd.s32 v3, v6;
	[tilespmem:s6], [sflag:$0x1] =	stream.linear.gather @!p1 [hbm4b:s4+s5], $0x800, $0x38;
	[tilespmem:$0x12000] =	vst v63  }
0x10d: {  	v8 =	vor.u32 v8, v12;
	v16 =	vld.idx.msk [tilespmem:v16+s26+$0x0], $0xffff  }
0x10e: {  	v11 =	vand.u32 $0x400, v11;
	v58 =	vadd.s32 v1, v8;
	v17 =	vld.idx.msk [tilespmem:v17+s26+$0x0], $0xffff  }
0x10f: {  	s21 =	simm.s32 $0x4;
	v11 =	vor.u32 v14, v11;
	v10 =	vld.idx.msk [tilespmem:v10+s26+$0x0], $0xffff  }
0x110: {  	v25 =	vmov s21;
	v20 =	vadd.s32 v1, v11;
	v27 =	vld.idx.msk [tilespmem:v5+s26+$0x0], $0xffff  }
0x111: {  	v61 =	vshll.u32 v25, $0x3;
	v62 =	vand.u32 $0x7C, v25;
	v19 =	vadd.s32 v0, v11;
	s20 =	simm.s32 $0x3;
	v6 =	vld.idx.msk [tilespmem:v6+s26+$0x0], $0xffff  }
0x112: {  	v12 =	vadd.s32 v0, v8;
	v21 =	vadd.s32 v2, v11;
	v23 =	vmov s20;
	v22 =	vld.idx.msk [tilespmem:v22+s26+$0x0], $0xffff  }
0x113: {  	v18 =	vadd.s32 v2, v8;
	v8 =	vadd.s32 v3, v8;
	v24 =	vshll.u32 v23, $0x3;
	v14 =	vld.idx.msk [tilespmem:v58+s26+$0x0], $0xffff  }
0x114: {  	v13 =	vand.u32 $0x7F, v13;
	v59 =	vand.u32 $0x7B, v23;
	v60 =	vand.u32 $0x400, v24;
	v43 =	vld.idx.msk [tilespmem:v9+s26+$0x0], $0xffff  }
0x115: {  	v24 =	vand.u32 $0x400, v61;
	v13 =	vor.u32 v13, v15;
	v15 =	vor.u32 v59, v60;
	v20 =	vld.idx.msk [tilespmem:v20+s26+$0x0], $0xffff  }
0x116: {  	v23 =	vor.u32 v62, v24;
	v28 =	vadd.s32 v3, v15;
	v19 =	vld.idx.msk [tilespmem:v19+s26+$0x0], $0xffff  }
0x117: {  	v30 =	vadd.s32 v0, v23;
	v21 =	vld.idx.msk [tilespmem:v21+s26+$0x0], $0xffff  }
0x118: {  	v33 =	vadd.s32 v2, v13;
	v18 =	vld.idx.msk [tilespmem:v18+s26+$0x0], $0xffff  }
0x119: {  	v63 =	vadd.s32 v0, v15;
	v26 =	vadd.s32 v1, v15;
	v15 =	vadd.s32 v2, v15;
	v50 =	vld.idx.msk [tilespmem:v8+s26+$0x0], $0xffff  }
0x11a: {  	v11 =	vadd.s32 v3, v11;
	v31 =	vadd.s32 v1, v23;
	v7 =	vld.idx.msk [tilespmem:v7+s26+$0x0], $0xffff  }
0x11b: {  	v5 =	vadd.s32 v0, v13;
	v28 =	vld.idx.msk [tilespmem:v28+s26+$0x0], $0xffff;
	v42 =	vshrl.u32 v17, $0x10;
	v29 =	vshrl.u32 v16, $0x10  }
0x11c: {  	v30 =	vld.idx.msk [tilespmem:v30+s26+$0x0], $0xffff;
	v32 =	vshrl.u32 v10, $0x10;
	v44 =	vshrl.u32 v6, $0x10;
	v46 =	vshrl.u32 v22, $0x10  }
0x11d: {  	v48 =	vld.idx.msk [tilespmem:v33+s26+$0x0], $0xffff;
	v35 =	vshrl.u32 v14, $0x10;
	v36 =	vshrl.u32 v43, $0x10;
	v38 =	vshrl.u32 v27, $0x10  }
0x11e: {  	v15 =	vld.idx.msk [tilespmem:v15+s26+$0x0], $0xffff;
	v39 =	vshrl.u32 v20, $0x10;
	v52 =	vshrl.u32 v19, $0x10;
	v53 =	vshrl.u32 v21, $0x10  }
0x11f: {  	v25 =	vld.idx.msk [tilespmem:v63+s26+$0x0], $0xffff;
	v55 =	vshrl.u32 v18, $0x10;
	v57 =	vshrl.u32 v50, $0x10;
	v40 =	vshrl.u32 v7, $0x10  }
0x120: {  	v24 =	vand.u32 $0x1, v42;
	v29 =	vand.u32 $0x1, v29;
	v32 =	vand.u32 $0x1, v32  }
0x121: {  	v37 =	vshrl.u32 v28, $0x10;
	v36 =	vand.u32 $0x1, v36;
	v38 =	vand.u32 $0x1, v38  }
0x122: {  	v35 =	vand.u32 $0x1, v35;
	v49 =	vshrl.u32 v30, $0x10;
	v54 =	vand.u32 $0x1, v53  }
0x123: {  	v26 =	vld.idx.msk [tilespmem:v26+s26+$0x0], $0xffff;
	v56 =	vshrl.u32 v48, $0x10;
	v60 =	vand.u32 $0x1, v57;
	v62 =	vshrl.u32 v15, $0x10  }
0x124: {  	v63 =	vshrl.u32 v25, $0x10;
	v17 =	vadd.s32 v24, v17;
	v24 =	vadd.s32 v2, v23  }
0x125: {  	v16 =	vadd.s32 v29, v16;
	v10 =	vadd.s32 v32, v10;
	v23 =	vadd.s32 v3, v23  }
0x126: {  	v37 =	vand.u32 $0x1, v37;
	v29 =	vadd.s32 v36, v43;
	v47 =	vadd.s32 v35, v14  }
0x127: {  	v27 =	vadd.s32 v38, v27;
	v36 =	vand.u32 $0x1, v55;
	v61 =	vand.u32 $0x1, v56  }
0x128: {  	v35 =	vand.u32 $0x1, v62;
	v38 =	vand.u32 $0x1, v49;
	v43 =	vshrl.u32 v26, $0x10  }
0x129: {  	v17 =	vadd.s32 $0x7FFF, v17;
	v9 =	vadd.s32 $0x7FFF, v16;
	v10 =	vadd.s32 $0x7FFF, v10  }
0x12a: {  	v16 =	vadd.s32 v1, v13;
	v8 =	vadd.s32 $0x7FFF, v29;
	v29 =	vand.u32 $0x1, v52  }
0x12b: {  	v18 =	vadd.s32 v36, v18;
	v14 =	vadd.s32 v61, v48;
	v15 =	vadd.s32 v35, v15  }
0x12c: {  	v37 =	vadd.s32 v37, v28;
	v28 =	vand.u32 $0x1, v40;
	v17 =	vand.u32 $0xFFFF0000, v17  }
0x12d: {  	v5 =	vld.idx.msk [tilespmem:v5+s26+$0x0], $0xffff;
	v45 =	vshrl.u32 v9, $0x10;
	v9 =	vand.u32 $0x1, v44;
	v19 =	vadd.s32 v29, v19  }
0x12e: {  	v10 =	vand.u32 $0xFFFF0000, v10;
	v18 =	vadd.s32 $0x7FFF, v18;
	v15 =	vadd.s32 $0x7FFF, v15  }
0x12f: {  	v7 =	vadd.s32 v28, v7;
	v44 =	vand.u32 $0x1, v43;
	v14 =	vadd.s32 $0x7FFF, v14  }
0x130: {  	v12 =	vld.idx.msk [tilespmem:v12+s26+$0x0], $0xffff;
	v6 =	vadd.s32 v9, v6;
	v9 =	vadd.s32 v3, v13;
	v19 =	vadd.s32 $0x7FFF, v19  }
0x131: {  	s22 =	simm.s32 $0x0;
	v18 =	vshrl.u32 v18, $0x10;
	v13 =	vand.u32 $0x1, v46;
	v15 =	vshrl.u32 v15, $0x10  }
0x132: {  	v36 =	vld.idx.msk [tilespmem:v31+s26+$0x0], $0xffff;
	v7 =	vadd.s32 $0x7FFF, v7;
	v46 =	vmov s22;
	v55 =	vshrl.u32 v5, $0x10  }
0x133: {  	v14 =	vshrl.u32 v14, $0x10;
	v6 =	vadd.s32 $0x7FFF, v6;
	v19 =	vshrl.u32 v19, $0x10  }
0x134: {  	v13 =	vadd.s32 v13, v22;
	v7 =	vand.u32 $0xFFFF0000, v7;
	v49 =	vshll.u32 v46, $0x3  }
0x135: {  	v56 =	vand.u32 $0x1, v55;
	v34 =	vand.u32 $0xFFFF0000, v6;
	v6 =	vshrl.u32 v12, $0x10  }
0x136: {  	v7 =	vor.u32 v45, v7;
	v13 =	vadd.s32 $0x7FFF, v13;
	v5 =	vadd.s32 v56, v5  }
0x137: {  	v6 =	vand.u32 $0x1, v6;
	v41 =	vshrl.u32 v36, $0x10;
	v13 =	vshrl.u32 v13, $0x10  }
0x138: {  	v23 =	vld.idx.msk [tilespmem:v23+s26+$0x0], $0xffff;
	v5 =	vadd.s32 $0x7FFF, v5;
	v6 =	vadd.s32 v6, v12;
	v12 =	vadd.s32 $0x7FFF, v47  }
0x139: {  	v24 =	vld.idx.msk [tilespmem:v24+s26+$0x0], $0xffff;
	v42 =	vand.u32 $0x1, v41;
	v13 =	vor.u32 v13, v34;
	v6 =	vadd.s32 $0x7FFF, v6  }
0x13a: {  	v16 =	vld.idx.msk [tilespmem:v16+s26+$0x0], $0xffff;
	v5 =	vshrl.u32 v5, $0x10;
	v12 =	vand.u32 $0xFFFF0000, v12;
	v51 =	vshrl.u32 v6, $0x10  }
0x13b: {  	v6 =	vld.idx.msk [tilespmem:v11+s26+$0x0], $0xffff;
	v11 =	vshrl.u32 v8, $0x10;
	v8 =	vand.u32 $0x1, v39;
	v12 =	vor.u32 v51, v12  }
0x13c: {  	v8 =	vadd.s32 v8, v20;
	v20 =	vadd.s32 v54, v21;
	v10 =	vor.u32 v11, v10  }
0x13d: {  	v11 =	vadd.s32 $0x7FFF, v27;
	v27 =	vadd.s32 $0x7FFF, v37;
	v21 =	vadd.s32 v42, v36  }
0x13e: {  	v47 =	vshrl.u32 v23, $0x10;
	v48 =	vshrl.u32 v24, $0x10;
	v8 =	vadd.s32 $0x7FFF, v8  }
0x13f: {  	v20 =	vadd.s32 $0x7FFF, v20;
	v11 =	vshrl.u32 v11, $0x10;
	v27 =	vand.u32 $0xFFFF0000, v27  }
0x140: {  	v21 =	vadd.s32 $0x7FFF, v21;
	v57 =	vshrl.u32 v16, $0x10;
	v59 =	vand.u32 $0xFFFF0000, v8  }
0x141: {  	v8 =	vshrl.u32 v20, $0x10;
	v20 =	vadd.s32 v60, v50;
	v11 =	vor.u32 v11, v17  }
0x142: {  	s18 =	simm.s32 $0xE080;
	v17 =	vadd.s32 v38, v30;
	v15 =	vor.u32 v15, v27;
	v21 =	vand.u32 $0xFFFF0000, v21  }
0x143: {  	[tilespmem:s18+$0xFFFFFFA0] =	vst v10;
	v27 =	vand.u32 $0x400, v49;
	v10 =	vand.u32 $0x1, v57;
	v17 =	vadd.s32 $0x7FFF, v17  }
0x144: {  	v9 =	vld.idx.msk [tilespmem:v9+s26+$0x0], $0xffff;
	v20 =	vadd.s32 $0x7FFF, v20;
	v19 =	vor.u32 v19, v59;
	v17 =	vshrl.u32 v17, $0x10  }
0x145: {  	v10 =	vadd.s32 v10, v16;
	v17 =	vor.u32 v17, v21;
	v21 =	vand.u32 $0x78, v46  }
0x146: {  	v58 =	vshrl.u32 v6, $0x10;
	v20 =	vand.u32 $0xFFFF0000, v20;
	v21 =	vor.u32 v21, v27  }
0x147: {  	[tilespmem:s18+$0xFFFFFFC0] =	vst v7;
	v7 =	vadd.s32 $0x7FFF, v10;
	v18 =	vor.u32 v18, v20;
	v50 =	vadd.s32 v2, v21  }
0x148: {  	v39 =	vand.u32 $0x1, v58;
	v20 =	vand.u32 $0x1, v63;
	v51 =	vadd.s32 v3, v21  }
0x149: {  	v58 =	vshrl.u32 v9, $0x10;
	v7 =	vand.u32 $0xFFFF0000, v7;
	v53 =	vadd.s32 v0, v21  }
0x14a: {  	s5 =	simm.s32 $0xC0;
	v20 =	vadd.s32 v20, v25;
	v25 =	vadd.s32 v44, v26;
	v54 =	vadd.s32 v1, v21  }
0x14b: {  	s6 =	simm.s32 $0x20;
	s4 =	sor.u32 $0x50, s5;
	[tilespmem:s18+$0x40] =	vst v12;
	v26 =	vand.u32 $0x1, v48;
	v59 =	vand.u32 $0x1, v58;
	v6 =	vadd.s32 v39, v6  }
0x14c: {  	[tilespmem:s4+$0xE000] =	vst v18;
	s4 =	sor.u32 $0x30, s6;
	v7 =	vor.u32 v5, v7;
	v20 =	vadd.s32 $0x7FFF, v20;
	v25 =	vadd.s32 $0x7FFF, v25;
	v60 =	vld.idx.msk [tilespmem:v50+s26+$0x0], $0xffff  }
0x14d: {  	s19 =	simm.s32 $0x40;
	v24 =	vadd.s32 v26, v24;
	[tilespmem:s4+$0xE000] =	vst v11;
	v9 =	vadd.s32 v59, v9;
	v6 =	vadd.s32 $0x7FFF, v6;
	v11 =	vld.idx.msk [tilespmem:v51+s26+$0x0], $0xffff  }
0x14e: {  	s5 =	sor.u32 $0x50, s19;
	v20 =	vshrl.u32 v20, $0x10;
	v45 =	vand.u32 $0xFFFF0000, v25;
	v25 =	vand.u32 $0x1, v47;
	v10 =	vld.idx.msk [tilespmem:v53+s26+$0x0], $0xffff  }
0x14f: {  	[tilespmem:s5+$0xE000] =	vst v13;
	v24 =	vadd.s32 $0x7FFF, v24;
	v9 =	vadd.s32 $0x7FFF, v9;
	v23 =	vadd.s32 v25, v23;
	v5 =	vld.idx.msk [tilespmem:v54+s26+$0x0], $0xffff  }
0x150: {  	[tilespmem:s18+$0x20] =	vst v19;
	v6 =	vand.u32 $0xFFFF0000, v6;
	v20 =	vor.u32 v20, v45;
	v23 =	vadd.s32 $0x7FFF, v23  }
0x151: {  	s12 =	simm.s32 $0x60;
	[tilespmem:s18+$0x60] =	vst v7;
	v52 =	vshrl.u32 v24, $0x10;
	v9 =	vand.u32 $0xFFFF0000, v9;
	v23 =	vand.u32 $0xFFFF0000, v23  }
0x152: {  	s20 =	simm.s32 $0xE0;
	s4 =	sor.u32 $0x70, s12;
	v8 =	vor.u32 v8, v6;
	[tilespmem:s18+$0xFFFFFFE0] =	vst v20;
	v9 =	vor.u32 v14, v9;
	v12 =	vor.u32 v52, v23  }
0x153: {  	[tilespmem:s4+$0xE000] =	vst v15;
	s4 =	sor.u32 $0x70, s20;
	v61 =	vshrl.u32 v60, $0x10;
	v62 =	vshrl.u32 v11, $0x10;
	v63 =	vshrl.u32 v10, $0x10  }
0x154: {  	s21 =	simm.s32 $0xA0;
	[tilespmem:s4+$0xE000] =	vst v9;
	v9 =	vshrl.u32 v5, $0x10;
	v6 =	vand.u32 $0x1, v61;
	v13 =	vand.u32 $0x1, v62  }
0x155: {  	s22 =	sor.u32 $0x30, s21;
	[tilespmem:s18+$0x0] =	vst v17;
	v7 =	vand.u32 $0x1, v63;
	v6 =	vadd.s32 v6, v60;
	v11 =	vadd.s32 v13, v11  }
0x156: {  	[tilespmem:s22+$0xE000] =	vst v8;
	v7 =	vadd.s32 v7, v10;
	v6 =	vadd.s32 $0x7FFF, v6;
	v10 =	vadd.s32 $0x7FFF, v11  }
0x157: {  	s19 =	simm.s32 $0x8;
	s21 =	simm.s32 $0xE180;
	s20 =	simm.s32 $0x1E0;
	[tilespmem:s18+$0x10] =	vst v12;
	v7 =	vadd.s32 $0x7FFF, v7;
	v6 =	vshrl.u32 v6, $0x10;
	v8 =	vand.u32 $0xFFFF0000, v10  }
.LBB2_8:
0x158: {  	s4 =	sadd.s32 $0x1, s19;
	s5 =	sadd.s32 $0x2, s19;
	s12 =	sadd.s32 $0x3, s19;
	v7 =	vshrl.u32 v7, $0x10;
	v9 =	vand.u32 $0x1, v9;
	v6 =	vor.u32 v6, v8  }
0x159: {  	s6 =	sadd.s32 $0x7, s19;
	v8 =	vmov s4;
	v10 =	vmov s5;
	s4 =	sadd.s32 $0x5, s19;
	s5 =	sadd.s32 $0x6, s19;
	v5 =	vadd.s32 v9, v5;
	[tilespmem:s18+$0xFFFFFF90] =	vst v6  }
0x15a: {  	p1 =	slt.u32 s19, $0xF8;
	v6 =	vmov s4;
	v9 =	vmov s5;
	v5 =	vadd.s32 $0x7FFF, v5;
	s4 =	smov.u32 s19;
	s19 =	sadd.s32 $0x8, s19  }
0x15b: {  	v11 =	vshll.u32 v8, $0x3;
	v12 =	vshll.u32 v10, $0x3;
	v5 =	vand.u32 $0xFFFF0000, v5  }
0x15c: {  	v13 =	vshll.u32 v6, $0x3;
	v14 =	vshll.u32 v9, $0x3;
	v5 =	vor.u32 v7, v5  }
0x15d: {  	v7 =	vand.u32 $0x400, v11;
	v11 =	vand.u32 $0x400, v13;
	v13 =	vmov s6;
	[tilespmem:s18+$0xFFFFFF80] =	vst v5;
	s18 =	smov.u32 s21  }
0x15e: {  	v6 =	vand.u32 $0x7D, v6;
	v5 =	vand.u32 $0x7A, v10;
	v10 =	vshll.u32 v13, $0x3  }
0x15f: {  	v8 =	vand.u32 $0x79, v8;
	v12 =	vand.u32 $0x400, v12;
	v10 =	vand.u32 $0x400, v10  }
0x160: {  	v7 =	vor.u32 v8, v7;
	v8 =	vand.u32 $0x7E, v9;
	v5 =	vor.u32 v5, v12  }
0x161: {  	v9 =	vadd.s32 v0, v7;
	v12 =	vadd.s32 v1, v7;
	v15 =	vadd.s32 v0, v5  }
0x162: {  	v14 =	vand.u32 $0x400, v14;
	v16 =	vadd.s32 v3, v7;
	v17 =	vadd.s32 v1, v5  }
0x163: {  	v6 =	vor.u32 v6, v11;
	v7 =	vadd.s32 v2, v7;
	v8 =	vor.u32 v8, v14  }
0x164: {  	v14 =	vadd.s32 v0, v8;
	v18 =	vadd.s32 v1, v8;
	v19 =	vadd.s32 v2, v8  }
0x165: {  	v20 =	vadd.s32 v0, v6;
	v11 =	vadd.s32 v1, v6;
	v21 =	vadd.s32 v3, v8  }
0x166: {  	v22 =	vadd.s32 v2, v6;
	v23 =	vadd.s32 v3, v6;
	v6 =	vand.u32 $0x7F, v13;
	v8 =	vld.idx.msk [tilespmem:v15+s26+$0x0], $0xffff  }
0x167: {  	s5 =	sadd.s32 $0x4, s4;
	v15 =	vadd.s32 v2, v5;
	v5 =	vadd.s32 v3, v5;
	v13 =	vld.idx.msk [tilespmem:v16+s26+$0x0], $0xffff;
	v16 =	vmov s12  }
0x168: {  	v25 =	vmov s5;
	v26 =	vor.u32 v6, v10;
	v24 =	vld.idx.msk [tilespmem:v7+s26+$0x0], $0xffff;
	v7 =	vshll.u32 v16, $0x3  }
0x169: {  	v10 =	vshll.u32 v25, $0x3;
	v6 =	vand.u32 $0x7B, v16;
	v12 =	vld.idx.msk [tilespmem:v12+s26+$0x0], $0xffff;
	v7 =	vand.u32 $0x400, v7  }
0x16a: {  	v10 =	vand.u32 $0x400, v10;
	v6 =	vor.u32 v6, v7;
	v7 =	vand.u32 $0x7C, v25;
	v16 =	vld.idx.msk [tilespmem:v11+s26+$0x0], $0xffff  }
0x16b: {  	v25 =	vadd.s32 v0, v6;
	v11 =	vadd.s32 v1, v6;
	v27 =	vadd.s32 v3, v6;
	v28 =	vld.idx.msk [tilespmem:v14+s26+$0x0], $0xffff  }
0x16c: {  	v29 =	vadd.s32 v2, v6;
	v7 =	vor.u32 v7, v10;
	v6 =	vadd.s32 v0, v26;
	v5 =	vld.idx.msk [tilespmem:v5+s26+$0x0], $0xffff  }
0x16d: {  	v14 =	vshrl.u32 v8, $0x10;
	v10 =	vshrl.u32 v13, $0x10;
	v30 =	vadd.s32 v0, v7  }
0x16e: {  	v14 =	vand.u32 $0x1, v14;
	v31 =	vadd.s32 v1, v7;
	v10 =	vand.u32 $0x1, v10;
	v15 =	vld.idx.msk [tilespmem:v15+s26+$0x0], $0xffff  }
0x16f: {  	v32 =	vshrl.u32 v12, $0x10;
	v13 =	vadd.s32 v10, v13;
	v10 =	vadd.s32 v2, v7;
	v18 =	vld.idx.msk [tilespmem:v18+s26+$0x0], $0xffff  }
0x170: {  	v8 =	vadd.s32 v14, v8;
	v32 =	vand.u32 $0x1, v32;
	v13 =	vadd.s32 $0x7FFF, v13;
	v27 =	vld.idx.msk [tilespmem:v27+s26+$0x0], $0xffff  }
0x171: {  	v12 =	vadd.s32 v32, v12;
	v32 =	vand.u32 $0xFFFF0000, v13;
	v13 =	vadd.s32 v3, v7;
	v9 =	vld.idx.msk [tilespmem:v9+s26+$0x0], $0xffff  }
0x172: {  	v7 =	vadd.s32 $0x7FFF, v8;
	v33 =	vadd.s32 $0x7FFF, v12;
	v8 =	vshrl.u32 v5, $0x10;
	v30 =	vld.idx.msk [tilespmem:v30+s26+$0x0], $0xffff  }
0x173: {  	v14 =	vshrl.u32 v7, $0x10;
	v7 =	vand.u32 $0x1, v8;
	v8 =	vadd.s32 v1, v26;
	v19 =	vld.idx.msk [tilespmem:v19+s26+$0x0], $0xffff  }
0x174: {  	v34 =	vadd.s32 v2, v26;
	v5 =	vadd.s32 v7, v5;
	v7 =	vadd.s32 v3, v26;
	v17 =	vld.idx.msk [tilespmem:v17+s26+$0x0], $0xffff  }
0x175: {  	v26 =	vshrl.u32 v15, $0x10;
	v5 =	vadd.s32 $0x7FFF, v5  }
0x176: {  	v35 =	vshrl.u32 v28, $0x10;
	v36 =	vshrl.u32 v18, $0x10;
	v12 =	vand.u32 $0xFFFF0000, v5;
	v20 =	vld.idx.msk [tilespmem:v20+s26+$0x0], $0xffff  }
0x177: {  	v38 =	vshrl.u32 v27, $0x10;
	v37 =	vshrl.u32 v9, $0x10;
	v5 =	vld.idx.msk [tilespmem:v23+s26+$0x0], $0xffff;
	v23 =	vand.u32 $0x1, v35  }
0x178: {  	v39 =	vshrl.u32 v16, $0x10;
	v38 =	vand.u32 $0x1, v38;
	v35 =	vshrl.u32 v24, $0x10;
	v22 =	vld.idx.msk [tilespmem:v22+s26+$0x0], $0xffff  }
0x179: {  	v36 =	vand.u32 $0x1, v36;
	v37 =	vand.u32 $0x1, v37;
	v35 =	vand.u32 $0x1, v35;
	v34 =	vld.idx.msk [tilespmem:v34+s26+$0x0], $0xffff  }
0x17a: {  	v18 =	vadd.s32 v36, v18;
	v9 =	vadd.s32 v37, v9;
	v23 =	vadd.s32 v23, v28  }
0x17b: {  	v18 =	vadd.s32 $0x7FFF, v18;
	v28 =	vshrl.u32 v30, $0x10;
	v23 =	vadd.s32 $0x7FFF, v23;
	v21 =	vld.idx.msk [tilespmem:v21+s26+$0x0], $0xffff  }
0x17c: {  	v18 =	vand.u32 $0xFFFF0000, v18;
	v9 =	vadd.s32 $0x7FFF, v9;
	v23 =	vshrl.u32 v23, $0x10  }
0x17d: {  	v36 =	vshrl.u32 v9, $0x10;
	v9 =	vand.u32 $0x1, v39;
	v18 =	vor.u32 v23, v18  }
0x17e: {  	v23 =	vadd.s32 v35, v24;
	v24 =	vshrl.u32 v20, $0x10;
	v35 =	vshrl.u32 v22, $0x10;
	[tilespmem:s21+$0x40] =	vst v18  }
0x17f: {  	v9 =	vadd.s32 v9, v16;
	v18 =	vand.u32 $0x1, v24;
	v16 =	vand.u32 $0x1, v35  }
0x180: {  	v9 =	vadd.s32 $0x7FFF, v9;
	v35 =	vshrl.u32 v34, $0x10;
	v24 =	vld.idx.msk [tilespmem:v29+s26+$0x0], $0xffff;
	v29 =	vshrl.u32 v19, $0x10  }
0x181: {  	v18 =	vadd.s32 v18, v20;
	v16 =	vadd.s32 v16, v22;
	v20 =	vshrl.u32 v21, $0x10  }
0x182: {  	v22 =	vshrl.u32 v5, $0x10;
	v16 =	vadd.s32 $0x7FFF, v16;
	v29 =	vand.u32 $0x1, v29  }
0x183: {  	v33 =	vand.u32 $0xFFFF0000, v33;
	v37 =	vand.u32 $0xFFFF0000, v9;
	v18 =	vadd.s32 $0x7FFF, v18;
	v25 =	vld.idx.msk [tilespmem:v25+s26+$0x0], $0xffff  }
0x184: {  	v9 =	vshrl.u32 v16, $0x10;
	v16 =	vand.u32 $0x1, v20;
	v20 =	vand.u32 $0x1, v35  }
0x185: {  	v18 =	vshrl.u32 v18, $0x10;
	v19 =	vadd.s32 v29, v19;
	v16 =	vadd.s32 v16, v21  }
0x186: {  	v19 =	vadd.s32 $0x7FFF, v19;
	v16 =	vadd.s32 $0x7FFF, v16;
	v21 =	vshrl.u32 v24, $0x10  }
0x187: {  	s5 =	sadd.s32 $0xFFFFFFE0, s20;
	v18 =	vor.u32 v18, v37;
	v19 =	vshrl.u32 v19, $0x10;
	v16 =	vand.u32 $0xFFFF0000, v16  }
0x188: {  	s5 =	sor.u32 $0x50, s5;
	v16 =	vor.u32 v19, v16;
	v21 =	vand.u32 $0x1, v21;
	[tilespmem:s21+$0x20] =	vst v18;
	v18 =	vadd.s32 v20, v34  }
0x189: {  	v19 =	vand.u32 $0x1, v26;
	v21 =	vadd.s32 v21, v24;
	v20 =	vshrl.u32 v25, $0x10;
	v24 =	vld.idx.msk [tilespmem:v31+s26+$0x0], $0xffff;
	[tilespmem:s5+$0xE000] =	vst v16  }
0x18a: {  	v23 =	vadd.s32 $0x7FFF, v23;
	v26 =	vadd.s32 v38, v27;
	v16 =	vor.u32 v36, v33  }
0x18b: {  	v15 =	vadd.s32 v19, v15;
	v19 =	vadd.s32 $0x7FFF, v21;
	s5 =	sadd.s32 $0xFFFFFF40, s20;
	[tilespmem:s21+$0xFFFFFFA0] =	vst v16;
	v16 =	vshrl.u32 v23, $0x10  }
0x18c: {  	v22 =	vand.u32 $0x1, v22;
	v21 =	vand.u32 $0x1, v28;
	s5 =	sor.u32 $0x30, s5;
	v16 =	vor.u32 v16, v32;
	v11 =	vld.idx.msk [tilespmem:v11+s26+$0x0], $0xffff  }
0x18d: {  	v19 =	vshrl.u32 v19, $0x10;
	v21 =	vadd.s32 v21, v30;
	[tilespmem:s5+$0xE000] =	vst v16;
	v16 =	vshrl.u32 v17, $0x10  }
0x18e: {  	v20 =	vand.u32 $0x1, v20;
	v23 =	vadd.s32 $0x7FFF, v26;
	v16 =	vand.u32 $0x1, v16  }
0x18f: {  	v16 =	vadd.s32 v16, v17;
	v17 =	vand.u32 $0xFFFF0000, v23;
	v23 =	vshrl.u32 v24, $0x10  }
0x190: {  	v16 =	vadd.s32 $0x7FFF, v16;
	v17 =	vor.u32 v19, v17;
	v19 =	vand.u32 $0x1, v23  }
0x191: {  	v21 =	vadd.s32 $0x7FFF, v21;
	v16 =	vand.u32 $0xFFFF0000, v16;
	v13 =	vld.idx.msk [tilespmem:v13+s26+$0x0], $0xffff;
	v19 =	vadd.s32 v19, v24  }
0x192: {  	v21 =	vshrl.u32 v21, $0x10;
	v14 =	vor.u32 v14, v16;
	v16 =	vshrl.u32 v11, $0x10;
	v10 =	vld.idx.msk [tilespmem:v10+s26+$0x0], $0xffff  }
0x193: {  	v19 =	vadd.s32 $0x7FFF, v19;
	[tilespmem:s21+$0xFFFFFFC0] =	vst v14;
	v14 =	vadd.s32 v20, v25;
	v16 =	vand.u32 $0x1, v16  }
0x194: {  	v14 =	vadd.s32 $0x7FFF, v14;
	v11 =	vadd.s32 v16, v11;
	v16 =	vand.u32 $0xFFFF0000, v19  }
0x195: {  	v15 =	vadd.s32 $0x7FFF, v15;
	v11 =	vadd.s32 $0x7FFF, v11;
	v16 =	vor.u32 v21, v16  }
0x196: {  	v15 =	vshrl.u32 v15, $0x10;
	v14 =	vshrl.u32 v14, $0x10;
	v11 =	vand.u32 $0xFFFF0000, v11;
	[tilespmem:s21+$0x0] =	vst v16  }
0x197: {  	v12 =	vor.u32 v15, v12;
	s5 =	sadd.s32 $0xFFFFFF80, s20;
	v11 =	vor.u32 v14, v11;
	v14 =	vshrl.u32 v13, $0x10;
	v6 =	vld.idx.msk [tilespmem:v6+s26+$0x0], $0xffff  }
0x198: {  	s6 =	sadd.s32 $0xFFFFFF60, s20;
	v15 =	vadd.s32 $0x7FFF, v18;
	s5 =	sor.u32 $0x70, s5;
	[tilespmem:s21+$0xFFFFFFE0] =	vst v11;
	v11 =	vshrl.u32 v10, $0x10;
	v14 =	vand.u32 $0x1, v14;
	v8 =	vld.idx.msk [tilespmem:v8+s26+$0x0], $0xffff  }
0x199: {  	v16 =	vmov s4;
	s4 =	sor.u32 $0x50, s6;
	[tilespmem:s5+$0xE000] =	vst v17;
	v11 =	vand.u32 $0x1, v11;
	v13 =	vadd.s32 v14, v13;
	v7 =	vld.idx.msk [tilespmem:v7+s26+$0x0], $0xffff  }
0x19a: {  	v14 =	vshll.u32 v16, $0x3;
	[tilespmem:s4+$0xE000] =	vst v12;
	v10 =	vadd.s32 v11, v10;
	v11 =	vadd.s32 $0x7FFF, v13  }
0x19b: {  	v12 =	vand.u32 $0x78, v16;
	v13 =	vand.u32 $0x400, v14;
	v10 =	vadd.s32 $0x7FFF, v10  }
0x19c: {  	v12 =	vor.u32 v12, v13;
	v11 =	vand.u32 $0xFFFF0000, v11;
	v10 =	vshrl.u32 v10, $0x10  }
0x19d: {  	v13 =	vadd.s32 v0, v12;
	v14 =	vadd.s32 v1, v12;
	v16 =	vadd.s32 v2, v12  }
0x19e: {  	v12 =	vadd.s32 v3, v12;
	v10 =	vor.u32 v10, v11;
	v11 =	vshrl.u32 v6, $0x10  }
0x19f: {  	v17 =	vshrl.u32 v7, $0x10;
	[tilespmem:s21+$0x10] =	vst v10;
	v10 =	vand.u32 $0x1, v11;
	v11 =	vshrl.u32 v8, $0x10  }
0x1a0: {  	v6 =	vadd.s32 v10, v6;
	v10 =	vand.u32 $0x1, v11;
	v11 =	vand.u32 $0x1, v17  }
0x1a1: {  	v6 =	vadd.s32 $0x7FFF, v6;
	v8 =	vadd.s32 v10, v8;
	v7 =	vadd.s32 v11, v7  }
0x1a2: {  	v10 =	vld.idx.msk [tilespmem:v16+s26+$0x0], $0xffff;
	v6 =	vshrl.u32 v6, $0x10;
	v8 =	vadd.s32 $0x7FFF, v8;
	v7 =	vadd.s32 $0x7FFF, v7  }
0x1a3: {  	v11 =	vld.idx.msk [tilespmem:v12+s26+$0x0], $0xffff;
	v8 =	vand.u32 $0xFFFF0000, v8;
	v12 =	vshrl.u32 v15, $0x10;
	v7 =	vand.u32 $0xFFFF0000, v7  }
0x1a4: {  	v15 =	vadd.s32 v22, v5;
	v13 =	vld.idx.msk [tilespmem:v13+s26+$0x0], $0xffff;
	v6 =	vor.u32 v6, v8;
	v7 =	vor.u32 v12, v7  }
0x1a5: {  	s4 =	sor.u32 $0x70, s20;
	v8 =	vadd.s32 $0x7FFF, v15;
	v5 =	vld.idx.msk [tilespmem:v14+s26+$0x0], $0xffff;
	[tilespmem:s21+$0x60] =	vst v6  }
0x1a6: {  	s5 =	sadd.s32 $0xFFFFFFC0, s20;
	v6 =	vand.u32 $0xFFFF0000, v8;
	[tilespmem:s4+$0xE000] =	vst v7  }
0x1a7: {  	v6 =	vor.u32 v9, v6;
	s4 =	sor.u32 $0x30, s5  }
0x1a8: {  	v7 =	vshrl.u32 v10, $0x10;
	[tilespmem:s4+$0xE000] =	vst v6  }
.Ltmp7:
0x1a9: {  	v6 =	vand.u32 $0x1, v7;
	v7 =	vshrl.u32 v11, $0x10;
	(pc) =	sbr.rel @p1 .LBB2_8-.Ltmp7, $4  }
0x1aa: {  	v8 =	vshrl.u32 v13, $0x10;
	v6 =	vadd.s32 v6, v10;
	v7 =	vand.u32 $0x1, v7  }
0x1ab: {  	v8 =	vand.u32 $0x1, v8;
	v6 =	vadd.s32 $0x7FFF, v6;
	v7 =	vadd.s32 v7, v11  }
0x1ac: {  	v8 =	vadd.s32 v8, v13;
	v6 =	vshrl.u32 v6, $0x10;
	v10 =	vadd.s32 $0x7FFF, v7  }
0x1ad: {  	s20 =	sadd.s32 $0x100, s20;
	s21 =	sadd.s32 $0x100, s21;
	v9 =	vshrl.u32 v5, $0x10;
	v7 =	vadd.s32 $0x7FFF, v8;
	v8 =	vand.u32 $0xFFFF0000, v10  }
0x1ae: {  	v9 =	vand.u32 $0x1, v9  }
0x1af: {  	v5 =	vadd.s32 v9, v5  }
0x1b0: {  	v5 =	vadd.s32 $0x7FFF, v5  }
0x1b1: {  	v7 =	vshrl.u32 v7, $0x10;
	v6 =	vor.u32 v6, v8;
	v5 =	vand.u32 $0xFFFF0000, v5  }
0x1b2: {  	p1 =	seq.s32 s16, $0x0;
	[tilespmem:s18+$0xFFFFFF90] =	vst v6;
	v5 =	vor.u32 v7, v5  }
.Ltmp8:
0x1b3: {  	s4 =	simm.s32 @!p1 $0x4;
	[tilespmem:s18+$0xFFFFFF80] =	vst v5;
	(pc) =	sbr.rel .LBB2_10-.Ltmp8, $4  }
0x1b4: {  	_ =	swait.ge @!p1 [sflag:s4], $0x2000  }
0x1b5: {  	s5 =	sshll.u32 s17, $0xF;
	[sflag:s4] =	ssyncset.done @!p1 $0x0  }
0x1b6: {  	s22 =	sadd.s32 s5, s10;
	[sflag:s4] =	ssyncadd.s32 @!p1 $0xFFFFE000  }
0x1b7: {  	[hbm4b:s22+s2] =	stream.linear.scatter [tilespmem:s28], [sflag:$0x4], $0x2000, $0x38;
	[tilespmem:$0x12000] =	vst v63  }
.LBB2_11:
0x1b8: {  	_ =	swait.ge [sflag:s29], $0x2000  }
.Ltmp9:
0x1b9: {  	[sflag:s29] =	ssyncset.done $0x0;
	(pc) =	sbr.rel @p0 .LBB2_15-.Ltmp9, $4  }
0x1ba: {  	[sflag:s29] =	ssyncadd.s32 $0xFFFFE000  }
0x1bb: {  	_ =	swait.ge [sflag:s30], $0x2000  }
0x1bc: {  	[sflag:s30] =	ssyncset.done $0x0  }
0x1bd: {  	[sflag:s30] =	ssyncadd.s32 $0xFFFFE000  }
0x1be: {  	s4 =	simm.s32 $0x1  }
0x1bf: {  	v5 =	vmov s4  }
0x1c0: {  	s21 =	simm.s32 $0x3;
	v5 =	vand.u32 $0x7D, v5  }
0x1c1: {  	s19 =	simm.s32 $0x2;
	v7 =	vmov s21;
	v8 =	vbroadcast v5, $0x0  }
0x1c2: {  	v14 =	vand.u32 $0x7F, v7;
	v5 =	vmov s19  }
0x1c3: {  	s20 =	rddreg [dreg:$0x6];
	s5 =	simm.s32 $0x400;
	s6 =	simm.s32 $0x7A1400;
	v6 =	vand.u32 $0x7E, v5;
	v5 =	vor.u32 $0x800, v4;
	v9 =	vor.u32 v4, v8  }
0x1c4: {  	[tilespmem:s1], [sflag:$0x5] =	stream.strided.gather [hbm4b:s20+s5], $0x2000, s6, s5, $0x38;
	v7 =	vor.u32 $0x1800, v4;
	v14 =	vbroadcast v14, $0x0;
	v11 =	vor.u32 v5, v8;
	[tilespmem:$0x12000] =	vst v63  }
0x1c5: {  	_ =	swait.ge [sflag:s31], $0x2000;
	v16 =	vor.u32 v7, v8  }
0x1c6: {  	[sflag:s31] =	ssyncset.done $0x0;
	v10 =	vbroadcast v6, $0x0;
	v6 =	vor.u32 $0x1000, v4;
	v18 =	vor.u32 v5, v14  }
0x1c7: {  	[sflag:s31] =	ssyncadd.s32 $0xFFFFE000;
	v12 =	vor.u32 v6, v8  }
0x1c8: {  	v13 =	vor.u32 v4, v10;
	v17 =	vld.idx.msk [tilespmem:v9+s1+$0x0], $0xffff  }
0x1c9: {  	v15 =	vor.u32 v5, v10;
	v11 =	vld.idx.msk [tilespmem:v11+s1+$0x0], $0xffff  }
0x1ca: {  	v19 =	vor.u32 v6, v10;
	v16 =	vld.idx.msk [tilespmem:v16+s1+$0x0], $0xffff  }
0x1cb: {  	v9 =	vor.u32 v6, v14;
	v22 =	vld.idx.msk [tilespmem:v18+s1+$0x0], $0xffff  }
0x1cc: {  	v12 =	vld.idx.msk [tilespmem:v12+s1+$0x0], $0xffff  }
0x1cd: {  	v8 =	vld.idx.msk [tilespmem:v13+s1+$0x0], $0xffff  }
0x1ce: {  	v13 =	vor.u32 v4, v14;
	v15 =	vld.idx.msk [tilespmem:v15+s1+$0x0], $0xffff  }
0x1cf: {  	s22 =	simm.s32 $0x0;
	v21 =	vor.u32 v7, v10;
	v14 =	vor.u32 v7, v14;
	v10 =	vld.idx.msk [tilespmem:v19+s1+$0x0], $0xffff  }
0x1d0: {  	v20 =	vld.idx.msk [tilespmem:v9+s1+$0x0], $0xffff;
	v9 =	vmov s22;
	v19 =	vshrl.u32 v11, $0x10  }
0x1d1: {  	v26 =	vshrl.u32 v17, $0x10;
	v28 =	vshrl.u32 v22, $0x10;
	v18 =	vshrl.u32 v12, $0x10  }
0x1d2: {  	v9 =	vand.u32 $0x7C, v9;
	v26 =	vand.u32 $0x1, v26;
	v18 =	vand.u32 $0x1, v18  }
0x1d3: {  	v23 =	vld.idx.msk [tilespmem:v13+s1+$0x0], $0xffff;
	v24 =	vbroadcast v9, $0x0;
	v13 =	vshrl.u32 v16, $0x10;
	v29 =	vshrl.u32 v15, $0x10  }
0x1d4: {  	v30 =	vld.idx.msk [tilespmem:v14+s1+$0x0], $0xffff;
	v14 =	vadd.s32 v26, v17;
	v9 =	vadd.s32 v18, v12;
	v12 =	vshrl.u32 v8, $0x10  }
0x1d5: {  	v21 =	vld.idx.msk [tilespmem:v21+s1+$0x0], $0xffff;
	v18 =	vand.u32 $0x1, v19;
	v27 =	vand.u32 $0x1, v13;
	v13 =	vshrl.u32 v10, $0x10  }
0x1d6: {  	v14 =	vadd.s32 $0x7FFF, v14;
	v9 =	vadd.s32 $0x7FFF, v9;
	v25 =	vor.u32 v7, v24  }
0x1d7: {  	v19 =	vor.u32 v5, v24;
	v11 =	vadd.s32 v18, v11;
	v16 =	vadd.s32 v27, v16  }
0x1d8: {  	v27 =	vand.u32 $0x1, v29;
	v61 =	vor.u32 v4, v24;
	v18 =	vshrl.u32 v14, $0x10  }
0x1d9: {  	v14 =	vor.u32 v6, v24;
	v9 =	vshrl.u32 v9, $0x10;
	v26 =	vshrl.u32 v20, $0x10  }
0x1da: {  	v27 =	vadd.s32 v27, v15;
	v15 =	vand.u32 $0x1, v12;
	v12 =	vshrl.u32 v21, $0x10  }
0x1db: {  	v26 =	vand.u32 $0x1, v26;
	v12 =	vand.u32 $0x1, v12;
	v17 =	vshrl.u32 v23, $0x10;
	v25 =	vld.idx.msk [tilespmem:v25+s1+$0x0], $0xffff  }
0x1dc: {  	v26 =	vadd.s32 v26, v20;
	v20 =	vadd.s32 $0x7FFF, v11;
	v11 =	vadd.s32 $0x7FFF, v27;
	v19 =	vld.idx.msk [tilespmem:v19+s1+$0x0], $0xffff  }
0x1dd: {  	v24 =	vshrl.u32 v30, $0x10;
	v27 =	vand.u32 $0x1, v28;
	v12 =	vadd.s32 v12, v21  }
0x1de: {  	v11 =	vand.u32 $0xFFFF0000, v11;
	v21 =	vand.u32 $0x1, v17;
	v17 =	vand.u32 $0x1, v24  }
0x1df: {  	v62 =	vadd.s32 $0x7FFF, v12;
	v22 =	vadd.s32 v27, v22;
	v21 =	vadd.s32 v21, v23  }
0x1e0: {  	v17 =	vadd.s32 v17, v30;
	v23 =	vadd.s32 $0x7FFF, v21;
	v24 =	vshrl.u32 v25, $0x10  }
0x1e1: {  	v21 =	vadd.s32 $0x7FFF, v22;
	v12 =	vshrl.u32 v19, $0x10;
	v24 =	vand.u32 $0x1, v24  }
0x1e2: {  	v63 =	vand.u32 $0x1, v12;
	v12 =	vadd.s32 v24, v25;
	v24 =	vand.u32 $0xFFFF0000, v20  }
0x1e3: {  	s16 =	simm.s32 $0x60;
	s17 =	simm.s32 $0x4;
	v20 =	vadd.s32 $0x7FFF, v16;
	v25 =	vadd.s32 v63, v19;
	v12 =	vadd.s32 $0x7FFF, v12  }
0x1e4: {  	s18 =	simm.s32 $0xE0;
	s4 =	simm.s32 $0xC040;
	s19 =	simm.s32 $0xC0C0;
	v22 =	vld.idx.msk [tilespmem:v61+s1+$0x0], $0xffff;
	v16 =	vand.u32 $0xFFFF0000, v62;
	v19 =	vadd.s32 $0x7FFF, v26;
	v12 =	vand.u32 $0xFFFF0000, v12  }
.LBB2_13:
0x1e5: {  	s5 =	sadd.s32 $0x1, s17;
	s6 =	sadd.s32 $0x2, s17;
	s12 =	sadd.s32 $0x3, s17;
	v25 =	vadd.s32 $0x7FFF, v25;
	v13 =	vand.u32 $0x1, v13;
	v23 =	vshrl.u32 v23, $0x10  }
0x1e6: {  	p1 =	slt.u32 s17, $0x3C;
	v18 =	vor.u32 v18, v24;
	s20 =	smov.u32 s17;
	s17 =	sadd.s32 $0x4, s17;
	v26 =	vmov s5;
	v27 =	vmov s6  }
0x1e7: {  	v10 =	vadd.s32 v13, v10;
	v24 =	vand.u32 $0x7D, v26;
	v26 =	vand.u32 $0x7E, v27;
	[tilespmem:s4+$0xFFFFFFE0] =	vst v18  }
0x1e8: {  	v17 =	vadd.s32 $0x7FFF, v17;
	v13 =	vbroadcast v24, $0x0;
	v18 =	vbroadcast v26, $0x0  }
0x1e9: {  	v8 =	vadd.s32 v15, v8  }
0x1ea: {  	v26 =	vadd.s32 $0x7FFF, v8;
	v15 =	vor.u32 v4, v13;
	v24 =	vor.u32 v5, v13  }
0x1eb: {  	v21 =	vand.u32 $0xFFFF0000, v21;
	v27 =	vor.u32 v5, v18  }
0x1ec: {  	v28 =	vmov s12;
	v29 =	vshrl.u32 v22, $0x10;
	v8 =	vor.u32 v4, v18  }
0x1ed: {  	v28 =	vand.u32 $0x7F, v28;
	v30 =	vor.u32 v6, v13;
	v13 =	vor.u32 v7, v13;
	v14 =	vld.idx.msk [tilespmem:v14+s1+$0x0], $0xffff  }
0x1ee: {  	v25 =	vand.u32 $0xFFFF0000, v25;
	v28 =	vbroadcast v28, $0x0;
	v29 =	vand.u32 $0x1, v29  }
0x1ef: {  	v19 =	vshrl.u32 v19, $0x10;
	v17 =	vand.u32 $0xFFFF0000, v17;
	v22 =	vadd.s32 v29, v22;
	v15 =	vld.idx.msk [tilespmem:v15+s1+$0x0], $0xffff  }
0x1f0: {  	v17 =	vor.u32 v19, v17;
	v31 =	vor.u32 v5, v28;
	v29 =	vor.u32 v4, v28  }
0x1f1: {  	v10 =	vadd.s32 $0x7FFF, v10;
	v19 =	vld.idx.msk [tilespmem:v24+s1+$0x0], $0xffff;
	v24 =	vor.u32 v6, v28;
	v28 =	vor.u32 v7, v28  }
0x1f2: {  	v20 =	vand.u32 $0xFFFF0000, v20;
	v10 =	vshrl.u32 v10, $0x10;
	v32 =	vor.u32 v6, v18;
	v30 =	vld.idx.msk [tilespmem:v30+s1+$0x0], $0xffff  }
0x1f3: {  	v16 =	vor.u32 v10, v16;
	v22 =	vadd.s32 $0x7FFF, v22;
	v33 =	vshrl.u32 v14, $0x10;
	v8 =	vld.idx.msk [tilespmem:v8+s1+$0x0], $0xffff  }
0x1f4: {  	v9 =	vor.u32 v9, v20;
	v20 =	vshrl.u32 v26, $0x10;
	v10 =	vand.u32 $0x1, v33;
	v27 =	vld.idx.msk [tilespmem:v27+s1+$0x0], $0xffff  }
0x1f5: {  	s5 =	sadd.s32 $0xFFFFFFC0, s16;
	v11 =	vor.u32 v20, v11;
	v10 =	vadd.s32 v10, v14;
	v26 =	vld.idx.msk [tilespmem:v13+s1+$0x0], $0xffff;
	v13 =	vor.u32 v7, v18  }
0x1f6: {  	s5 =	sor.u32 $0x30, s5;
	v18 =	vshrl.u32 v22, $0x10;
	v10 =	vadd.s32 $0x7FFF, v10;
	v14 =	vld.idx.msk [tilespmem:v24+s1+$0x0], $0xffff;
	[tilespmem:s4+$0x0] =	vst v11;
	v11 =	vor.u32 v23, v21  }
0x1f7: {  	v20 =	vmov s20;
	v18 =	vor.u32 v18, v25;
	v22 =	vshrl.u32 v10, $0x10;
	v21 =	vld.idx.msk [tilespmem:v31+s1+$0x0], $0xffff;
	[tilespmem:s5+$0xC000] =	vst v9;
	s5 =	sadd.s32 $0xFFFFFFE0, s16  }
0x1f8: {  	v9 =	vand.u32 $0x7C, v20;
	v20 =	vshrl.u32 v30, $0x10;
	v12 =	vor.u32 v22, v12;
	v10 =	vld.idx.msk [tilespmem:v32+s1+$0x0], $0xffff;
	[tilespmem:s4+$0xFFFFFFC0] =	vst v18;
	s5 =	sor.u32 $0x50, s5  }
0x1f9: {  	v18 =	vshrl.u32 v19, $0x10;
	v20 =	vand.u32 $0x1, v20;
	v22 =	vld.idx.msk [tilespmem:v29+s1+$0x0], $0xffff;
	[tilespmem:s5+$0xC000] =	vst v16  }
0x1fa: {  	v23 =	vshrl.u32 v8, $0x10;
	v16 =	vbroadcast v9, $0x0;
	v9 =	vadd.s32 v20, v30;
	s5 =	sor.u32 $0x70, s16;
	s16 =	smov.u32 s18;
	v20 =	vld.idx.msk [tilespmem:v13+s1+$0x0], $0xffff;
	[tilespmem:s4+$0x20] =	vst v11  }
0x1fb: {  	v11 =	vand.u32 $0x1, v18;
	v9 =	vadd.s32 $0x7FFF, v9;
	v13 =	vshrl.u32 v26, $0x10;
	[tilespmem:s4+$0xFFFFFFD0] =	vst v12;
	s4 =	smov.u32 s19  }
0x1fc: {  	v12 =	vor.u32 v5, v16;
	v18 =	vor.u32 v7, v16;
	v9 =	vshrl.u32 v9, $0x10;
	[tilespmem:s5+$0xC000] =	vst v17  }
0x1fd: {  	v24 =	vand.u32 $0x1, v13;
	v17 =	vshrl.u32 v15, $0x10;
	v25 =	vshrl.u32 v21, $0x10  }
0x1fe: {  	v29 =	vshrl.u32 v27, $0x10;
	v17 =	vand.u32 $0x1, v17;
	v13 =	vshrl.u32 v10, $0x10;
	v28 =	vld.idx.msk [tilespmem:v28+s1+$0x0], $0xffff  }
0x1ff: {  	v30 =	vshrl.u32 v14, $0x10;
	v15 =	vadd.s32 v17, v15;
	v17 =	vshrl.u32 v22, $0x10  }
0x200: {  	v11 =	vadd.s32 v11, v19;
	v19 =	vadd.s32 v24, v26;
	v24 =	vand.u32 $0x1, v29  }
0x201: {  	v26 =	vor.u32 v4, v16;
	v30 =	vand.u32 $0x1, v30;
	v15 =	vadd.s32 $0x7FFF, v15;
	v29 =	vld.idx.msk [tilespmem:v18+s1+$0x0], $0xffff  }
0x202: {  	v18 =	vshrl.u32 v15, $0x10;
	v31 =	vld.idx.msk [tilespmem:v12+s1+$0x0], $0xffff;
	v12 =	vadd.s32 v24, v27;
	v27 =	vadd.s32 v30, v14  }
0x203: {  	v15 =	vand.u32 $0x1, v23;
	v23 =	vshrl.u32 v20, $0x10;
	v24 =	vadd.s32 $0x7FFF, v11  }
0x204: {  	v14 =	vor.u32 v6, v16;
	v11 =	vadd.s32 $0x7FFF, v12;
	v12 =	vshrl.u32 v28, $0x10  }
0x205: {  	v16 =	vand.u32 $0x1, v23;
	v23 =	vand.u32 $0x1, v25;
	v11 =	vand.u32 $0xFFFF0000, v11  }
0x206: {  	v16 =	vadd.s32 v16, v20;
	v20 =	vand.u32 $0x1, v17;
	v12 =	vand.u32 $0x1, v12  }
0x207: {  	v16 =	vadd.s32 $0x7FFF, v16;
	v17 =	vadd.s32 v12, v28;
	v25 =	vshrl.u32 v29, $0x10  }
.Ltmp10:
0x208: {  	v20 =	vadd.s32 v20, v22;
	v12 =	vshrl.u32 v31, $0x10;
	v25 =	vand.u32 $0x1, v25;
	(pc) =	sbr.rel @p1 .LBB2_13-.Ltmp10, $4  }
0x209: {  	v21 =	vadd.s32 v23, v21;
	v28 =	vand.u32 $0x1, v12;
	v12 =	vadd.s32 v25, v29  }
0x20a: {  	v21 =	vadd.s32 $0x7FFF, v21;
	v23 =	vadd.s32 $0x7FFF, v20;
	v12 =	vadd.s32 $0x7FFF, v12  }
0x20b: {  	v24 =	vand.u32 $0xFFFF0000, v24;
	v20 =	vadd.s32 $0x7FFF, v19;
	v12 =	vand.u32 $0xFFFF0000, v12  }
0x20c: {  	s18 =	sadd.s32 $0x80, s18;
	s19 =	sadd.s32 $0x80, s19;
	v16 =	vand.u32 $0xFFFF0000, v16;
	v19 =	vadd.s32 $0x7FFF, v27;
	v25 =	vadd.s32 v28, v31;
	v22 =	vld.idx.msk [tilespmem:v26+s1+$0x0], $0xffff  }
0x20d: {  	_ =	sdelay $0x3  }
0x20e: {  	v5 =	vadd.s32 $0x7FFF, v25;
	v6 =	vand.u32 $0x1, v13;
	v7 =	vld.idx.msk [tilespmem:v14+s1+$0x0], $0xffff  }
0x20f: {  	v56 =	vshrl.u32 v23, $0x10;
	v57 =	vor.u32 v18, v24;
	v8 =	vadd.s32 v15, v8  }
0x210: {  	v60 =	vand.u32 $0xFFFF0000, v20;
	v6 =	vadd.s32 v6, v10;
	v8 =	vadd.s32 $0x7FFF, v8  }
0x211: {  	v5 =	vand.u32 $0xFFFF0000, v5;
	v9 =	vor.u32 v9, v60;
	v58 =	vshrl.u32 v22, $0x10  }
0x212: {  	s5 =	sadd.s32 $0xFFFFFFC0, s16;
	v6 =	vadd.s32 $0x7FFF, v6;
	v8 =	vshrl.u32 v8, $0x10;
	v59 =	vand.u32 $0x1, v58  }
0x213: {  	[tilespmem:s4+$0xFFFFFFE0] =	vst v57;
	s5 =	sor.u32 $0x30, s5;
	v8 =	vor.u32 v8, v11;
	v61 =	vshrl.u32 v7, $0x10;
	v10 =	vadd.s32 v59, v22  }
0x214: {  	s21 =	sadd.s32 $0xFFFFFFE0, s16;
	[tilespmem:s5+$0xC000] =	vst v9;
	v6 =	vshrl.u32 v6, $0x10;
	v62 =	vand.u32 $0x1, v61;
	v10 =	vadd.s32 $0x7FFF, v10  }
0x215: {  	s5 =	sor.u32 $0x50, s21;
	[tilespmem:s4+$0x0] =	vst v8;
	v6 =	vor.u32 v6, v16;
	v7 =	vadd.s32 v62, v7;
	v10 =	vshrl.u32 v10, $0x10  }
0x216: {  	v63 =	vand.u32 $0xFFFF0000, v21;
	[tilespmem:s5+$0xC000] =	vst v6;
	v7 =	vadd.s32 $0x7FFF, v7;
	v5 =	vor.u32 v10, v5  }
0x217: {  	v8 =	vor.u32 v56, v63;
	v7 =	vshrl.u32 v7, $0x10;
	[tilespmem:s4+$0xFFFFFFC0] =	vst v5;
	v5 =	vadd.s32 $0x7FFF, v17  }
0x218: {  	v6 =	vshrl.u32 v19, $0x10;
	[tilespmem:s4+$0x20] =	vst v8;
	v7 =	vor.u32 v7, v12;
	v5 =	vand.u32 $0xFFFF0000, v5  }
0x219: {  	s22 =	sor.u32 $0x70, s16;
	[tilespmem:s4+$0xFFFFFFD0] =	vst v7;
	v5 =	vor.u32 v6, v5  }
0x21a: {  	[tilespmem:s22+$0xC000] =	vst v5  }
.Ltmp11:
0x21b: {  	s4 =	rddreg [dreg:$0x3];
	(pc) =	sbr.rel .LBB2_15-.Ltmp11, $4  }
0x21c: {  	[hbm4b:s4+s2] =	stream.linear.scatter [tilespmem:s24], [sflag:$0x5], $0x800, $0x38;
	[tilespmem:$0x12000] =	vst v63  }
0x21d: {  	_ =	swait.ge [sflag:s31], $0x800  }
0x21e: {  	[sflag:s31] =	ssyncset.done $0x0  }
0x21f: {  	[sflag:s31] =	ssyncadd.s32 $0xFFFFF800  }
.LBB2_16:
0x220: {  	_ =	sfence.sel $0x180000  }
0x221: {  	[bflag:$0x0] =	sbarrier.arrive $0xFFFF  }
0x222: {  	_ =	strace $0x90000047  }
0x223: {  	s0 =	stileid.u32;
	[bflag:$0x2] =	sbarrier.arrive $0xFFFF  }
0x224: {  	p0 =	sne.s32 s0, $0x0;
	s0 =	rddreg [dreg:$0x2]  }
0x225: {  	s0 =	sadd.s32 @!p0 $0x100000, s0  }
0x226: {  	[sflag:s0] =	ssyncadd.tile.s32 @!p0 $0x1;
	_ =	shalt  }
.Lfunc_end2:
_tile_overlayer_lowered:
.L_overlay_start_2:
0x227: {  	(tag) =	ssettag $0x2  }
0x228: {  	s0 =	rddreg [dreg:$0x0];
	s2 =	stileid.u32  }
0x229: {  	s1 =	rddreg [dreg:$0x1];
	p0 =	sne.s32 s2, $0x0  }
0x22a: {  	s3 =	rddreg [dreg:$0x2];
	[bflag:$0x3] =	sbarrier.arrive $0xFFFF;
	s2 =	simm.s32 @!p0 $0x1C05  }
0x22b: {  	[timem:s3], [sflag:s2] =	dma.local @!p0 [hbm:s0], s1  }
0x22c: {  	s0 =	simm.s32 @!p0 $0x5  }
0x22d: {  	_ =	swait.ge @!p0 [sflag:s0], s1  }
0x22e: {  	s1 =	ssub.s32 @!p0 $0x0, s1;
	[sflag:s0] =	ssyncset.done @!p0 $0x0  }
0x22f: {  	[sflag:s0] =	ssyncadd.s32 @!p0 s1  }
0x230: {  	[bflag:$0x3] =	sbarrier.arrive $0xFFFF  }
0x231: {  	_ =	shalt  }

// kernel: kernel.8.cloned.1.call-start
scs
__scs_entry_jumppad:
0x0: {  	(pc) =	sbr.rel $0x88, $3  }
0x1: {  	(tag) =	ssettag $0x0;
	lr =	simm.s32 $0x1  }
0x2: {  	[smem:$0x3F99] =	sst lr;
	_ =	strace $0xD0000000  }
0x3: {  	_ = 	snop  }
0x4: {  	_ = 	snop  }
0x5: {  	_ = 	snop  }
0x6: {  	_ = 	snop  }
0x7: {  	_ = 	snop  }
__scs_overlays_trampoline_lowered:
0x8: {  	[smem:$0x3FA8] =	sst s0  }
0x9: {  	[smem:$0x3FA9] =	sst s1  }
0xa: {  	[smem:$0x3FAA] =	sst s2  }
0xb: {  	[smem:$0x3FAB] =	sst s3  }
0xc: {  	[smem:$0x3FAC] =	sst s4  }
0xd: {  	[smem:$0x3FAD] =	sst s5  }
0xe: {  	[smem:$0x3FAE] =	sst s6  }
0xf: {  	[smem:$0x3FAF] =	sst s7  }
0x10: {  	[smem:$0x3FB0] =	sst s8  }
0x11: {  	[smem:$0x3FB1] =	sst s9;
	s0 =	simm.s32 @!p0 $0x0  }
0x12: {  	s1 =	sld [smem:$0x3F97];
	s0 =	simm.s32 @p0 $0x1  }
0x13: {  	[smem:$0x3FB2] =	sst s0;
	s0 =	simm.s32 @!p1 $0x0  }
0x14: {  	s2 =	sld [smem:$0x3F96];
	s0 =	simm.s32 @p1 $0x1  }
0x15: {  	[smem:$0x3FB3] =	sst s0;
	s0 =	simm.s32 @!p2 $0x0  }
0x16: {  	s3 =	sld [smem:$0x3FDB];
	s0 =	simm.s32 @p2 $0x1  }
0x17: {  	s4 =	simm.s32 $0x1BF5;
	[smem:$0x3FB5] =	sst s0  }
0x18: {  	s0 =	sld [smem:$0x3F98];
	_ =	swait.ge [sflag:s4], $0x0  }
0x19: {  	s7 =	sld [smem:$0x3F99]  }
0x1a: {  	s8 =	sadd.s32 $0xFFFFE003, lr  }
0x1b: {  	s9 =	sadd.s32 $0xFFFFFEF7, lr;
	s5 =	simm.s32 $0xFFFFFFFF;
	p2 =	slt.u32 s8, $0xFFFFF086  }
0x1c: {  	p1 =	slt.u32 s9, $0xF7A;
	s5 =	simm.s32 @!p2 $0x0  }
0x1d: {  	s5 =	simm.s32 @p1 $0x1;
	p0 =	seq.s32 s7, s2  }
0x1e: {  	s7 =	smul.u32 @!p0 $0xF7A, s2;
	p2 =	seq.s32 @!p0 s5, $0x0  }
0x1f: {  	s9 =	smul.u32 $0xF7A, s1;
	s8 =	simm.s32 @!p0 $0x1BF5;
	p2 =	por !p2, p0  }
0x20: {  	[sflag:s8] =	ssyncset.s32 @!p0 $0xFFFFF086;
	s6 =	sadd.s32 @!p0 s3, s7;
	s7 =	simm.s32 @!p0 $0x108  }
0x21: {  	s3 =	sadd.s32 s3, s9;
	s6 =	sadd.s32 @!p0 $0x88, s6;
	s7 =	simm.s32 @p2 $0x1082  }
0x22: {  	[simem:s7], [sflag:s8] =	dma.local @!p0 [hbm:s6], $0xF7A  }
0x23: {  	s9 =	sor.u32 $0xD0000000, s2;
	s6 =	simm.s32 $0x108;
	_ =	swait.ge @!p0 [sflag:s8], $0x0  }
0x24: {  	s3 =	sadd.s32 $0x88, s3;
	s6 =	simm.s32 @!p1 $0x1082;
	[sflag:s4] =	ssyncset.s32 $0xFFFFF086  }
0x25: {  	[simem:s6], [sflag:s4] =	dma.local [hbm:s3], $0xF7A  }
0x26: {  	[smem:$0x3F99] =	sst s1;
	(tag) =	ssettag s2;
	_ =	strace s9  }
0x27: {  	s1 =	sld [smem:$0x3FA9]  }
0x28: {  	s2 =	sld [smem:$0x3FAA]  }
0x29: {  	s4 =	sld [smem:$0x3FAC]  }
0x2a: {  	p0 =	seq.s32 s5, $0x0;
	s5 =	sld [smem:$0x3FAD]  }
0x2b: {  	s6 =	sld [smem:$0x3FAE]  }
0x2c: {  	s7 =	sld [smem:$0x3FAF]  }
0x2d: {  	s3 =	simm.s32 $0x108;
	s8 =	sld [smem:$0x3FB0]  }
0x2e: {  	s3 =	simm.s32 @!p0 $0x1082;
	s9 =	sld [smem:$0x3FB1]  }
0x2f: {  	lr =	sadd.s32 s0, s3;
	s0 =	sld [smem:$0x3FA8]  }
0x30: {  	s3 =	sld [smem:$0x3FAB]  }
0x31: {  	[smem:$0x3FB4] =	sst s10  }
0x32: {  	s10 =	sld [smem:$0x3FB2];
	_ =	sdelay $0x3  }
0x33: {  	p0 =	seq.s32 s10, $0x1;
	s10 =	sld [smem:$0x3FB4];
	_ =	sdelay $0x3  }
0x34: {  	[smem:$0x3FB4] =	sst s10  }
0x35: {  	s10 =	sld [smem:$0x3FB3];
	_ =	sdelay $0x3  }
0x36: {  	p1 =	seq.s32 s10, $0x1;
	s10 =	sld [smem:$0x3FB4];
	_ =	sdelay $0x3  }
0x37: {  	[smem:$0x3FB4] =	sst s10  }
0x38: {  	s10 =	sld [smem:$0x3FB5]  }
0x39: {  	_ = 	snop;
	(pc) =	sbr.ind lr, $3  }
0x3a: {  	_ = 	snop  }
0x3b: {  	_ = 	snop  }
0x3c: {  	p2 =	seq.s32 s10, $0x1;
	s10 =	sld [smem:$0x3FB4]  }
0x3d: {  	_ =	shalt  }
0x3e: {  	_ =	shalt  }
0x3f: {  	_ =	shalt  }
0x40: {  	_ =	shalt  }
0x41: {  	_ =	shalt  }
0x42: {  	_ =	shalt  }
0x43: {  	_ =	shalt  }
0x44: {  	_ =	shalt  }
0x45: {  	_ =	shalt  }
0x46: {  	_ =	shalt  }
0x47: {  	_ =	shalt  }
0x48: {  	_ =	shalt  }
0x49: {  	_ =	shalt  }
0x4a: {  	_ =	shalt  }
0x4b: {  	_ =	shalt  }
0x4c: {  	_ =	shalt  }
0x4d: {  	_ =	shalt  }
0x4e: {  	_ =	shalt  }
0x4f: {  	_ =	shalt  }
0x50: {  	_ =	shalt  }
0x51: {  	_ =	shalt  }
0x52: {  	_ =	shalt  }
0x53: {  	_ =	shalt  }
0x54: {  	_ =	shalt  }
0x55: {  	_ =	shalt  }
0x56: {  	_ =	shalt  }
0x57: {  	_ =	shalt  }
0x58: {  	_ =	shalt  }
0x59: {  	_ =	shalt  }
0x5a: {  	_ =	shalt  }
0x5b: {  	_ =	shalt  }
0x5c: {  	_ =	shalt  }
0x5d: {  	_ =	shalt  }
0x5e: {  	_ =	shalt  }
0x5f: {  	_ =	shalt  }
0x60: {  	_ =	shalt  }
0x61: {  	_ =	shalt  }
0x62: {  	_ =	shalt  }
0x63: {  	_ =	shalt  }
0x64: {  	_ =	shalt  }
0x65: {  	_ =	shalt  }
0x66: {  	_ =	shalt  }
0x67: {  	_ =	shalt  }
0x68: {  	_ =	shalt  }
0x69: {  	_ =	shalt  }
0x6a: {  	_ =	shalt  }
0x6b: {  	_ =	shalt  }
0x6c: {  	_ =	shalt  }
0x6d: {  	_ =	shalt  }
0x6e: {  	_ =	shalt  }
0x6f: {  	_ =	shalt  }
0x70: {  	_ =	shalt  }
0x71: {  	_ =	shalt  }
0x72: {  	_ =	shalt  }
0x73: {  	_ =	shalt  }
0x74: {  	_ =	shalt  }
0x75: {  	_ =	shalt  }
0x76: {  	_ =	shalt  }
0x77: {  	_ =	shalt  }
0x78: {  	_ =	shalt  }
0x79: {  	_ =	shalt  }
0x7a: {  	_ =	shalt  }
0x7b: {  	_ =	shalt  }
0x7c: {  	_ =	shalt  }
0x7d: {  	_ =	shalt  }
0x7e: {  	_ =	shalt  }
0x7f: {  	_ =	shalt  }
0x80: {  	_ =	shalt  }
0x81: {  	_ =	shalt  }
0x82: {  	_ =	shalt  }
0x83: {  	_ =	shalt  }
0x84: {  	_ =	shalt  }
0x85: {  	_ =	shalt  }
0x86: {  	_ =	shalt  }
0x87: {  	_ =	shalt  }
.Lfunc_end0:
.L_simem_size_0:
called_computation.1_lowered:
.L_overlay_start_0:
0x88: {  	s2 =	sld [smem:$0x3FD9]  }
0x89: {  	s3 =	sld [smem:$0x3FFE];
	_ =	sdelay $0x1  }
0x8a: {  	s1 =	srdreg.scid  }
0x8b: {  	s0 =	sand.u32 $0x1, s1  }
0x8c: {  	s16 =	sshll.u32 s0, $0xA;
	s2 =	sadd.s32 s3, s2  }
0x8d: {  	s2 =	sadd.s32 s2, s16  }
0x8e: {  	[smem:$0x3FC0] =	sst s2  }
0x8f: {  	_ = 	snop  }
0x90: {  	(tm) =	ssettm $0x1  }
0x91: {  	s17 =	sld [smem:$0x3FFB];
	_ =	sdelay $0x3  }
0x92: {  	_ =	strace s17  }
0x93: {  	s2 =	sld [smem:$0x3FFC];
	_ =	sdelay $0x3  }
0x94: {  	_ =	strace s2  }
0x95: {  	s2 =	sld [smem:$0x3FFD];
	_ =	sdelay $0x3  }
0x96: {  	_ =	strace s2  }
0x97: {  	_ =	strace $0x8FFFFFFF  }
0x98: {  	s18 =	sld [smem:$0x3FDB];
	_ =	sdelay $0x1  }
0x99: {  	s19 =	simm.s32 $_scs_section_size  }
0x9a: {  	s4 =	simm.s32 $_size__tile_overlayer_lowered;
	s5 =	simm.s32 $_tile_overlayer_lowered  }
0x9b: {  	s22 =	simm.s32 $0x1BFF;
	s21 =	sshll.u32 s5, $0x1;
	s2 =	sadd.s32 s19, s18  }
0x9c: {  	s6 =	simm.s32 $0x0;
	s20 =	sshll.u32 s4, $0x1;
	s4 =	sadd.s32 s21, s2  }
0x9d: {  	[timem:s6], [sflag:s22] =	dma.local [hbm:s4], s20  }
0x9e: {  	_ =	swait.ge [sflag:s22], s20  }
0x9f: {  	s3 =	ssub.s32 $0x0, s20;
	[sflag:s22] =	ssyncset.done $0x0  }
0xa0: {  	[sflag:s22] =	ssyncadd.s32 s3;
	_ =	sdelay $0x1  }
0xa1: {  	s23 =	simm.s32 $0x1B8B  }
0xa2: {  	_ =	swait.ge [sflag:s23], $0x1  }
0xa3: {  	[sflag:s23] =	ssyncset.done $0x0  }
0xa4: {  	s25 =	simm.s32 $0x1B8E;
	s24 =	sld [smem:$0x3FFE];
	[sflag:s23] =	ssyncadd.s32 $0xFFFFFFFF  }
0xa5: {  	s26 =	simm.s32 $execute0_lowered;
	[smem:$0x3FD2] =	sst s25  }
0xa6: {  	s4 =	sshll.u32 s26, $0x1;
	_ =	strace $0x80000049;
	[dreg:$0x1] =	wrdreg $0xFFFFFFFF  }
0xa7: {  	s28 =	simm.s32 $_size_execute0_lowered;
	s2 =	sadd.s32 s2, s4;
	[dreg:$0x0] =	wrdreg $0x0  }
0xa8: {  	s4 =	sshll.u32 s28, $0x1;
	[dreg:$0x2] =	wrdreg s2  }
0xa9: {  	[dreg:$0x3] =	wrdreg s4  }
0xaa: {  	[dreg:$0x4] =	wrdreg $0xC0  }
0xab: {  	_ =	task [dreg:s6], $0x5FFFF  }
0xac: {  	[dreg:$0x1] =	wrdreg $0xFFFFFFFF  }
0xad: {  	[dreg:$0x0] =	wrdreg $0x60  }
0xae: {  	[dreg:$0x2] =	wrdreg s24  }
0xaf: {  	[dreg:$0x3] =	wrdreg $0x9  }
0xb0: {  	_ =	task.clear_ibuf [dreg:s6], $0x4FFFF;
	_ =	strace $0x90000049  }
0xb1: {  	s29 =	simm.s32 $0x9;
	_ =	strace $0x8000004B  }
0xb2: {  	_ =	swait.ge [sflag:s29], $0x1  }
0xb3: {  	[sflag:s29] =	ssyncadd.s32 $0xFFFFFFFF  }
0xb4: {  	_ =	strace $0x9000004B  }
0xb5: {  	_ =	sfence  }
0xb6: {  	s30 =	sld [smem:$0x0];
	_ =	sdelay $0x2  }
0xb7: {  	s31 =	sshll.u32 s1, $0xD;
	s1 =	sshrl.u32 s1, $0x2  }
0xb8: {  	s3 =	sand.u32 $0x4000, s31;
	s1 =	sadd.s32 s1, s30  }
0xb9: {  	s0 =	sor.u32 s3, s0;
	s1 =	sshll.u32 s1, $0x11  }
0xba: {  	s0 =	sor.u32 s1, s0  }
0xbb: {  	s0 =	sadd.s32 $0x8F2B, s0  }
0xbc: {  	[sflag:s0] =	ssyncadd.remote.s32 $0x1  }
0xbd: {  	_ =	sfence.sel $0xFFFF  }
0xbe: {  	[dreg:$0x0] =	wrdreg $0xFFFFFFFF;
	(pc) =	sbr.abs _section_cstart, $3  }
0xbf: {  	[dreg:$0x1] =	wrdreg $0xFFFFFFFF  }
0xc0: {  	_ =	task.clear_ibuf [dreg:s6], $0x2FFFF;
	_ =	strace $0x9FFFFFFF  }
0xc1: {  	(tm) =	ssettm $0x7FFFFFFF  }
tec
execute0_lowered:
.L_overlay_start_1:
0x0: {  	(tag) =	ssettag $0x1  }
0x1: {  	s0 =	rddreg [dreg:$0x0]  }
0x2: {  	s1 =	srdreg.scid;
	s3 =	stileid.u32;
	s2 =	simm.s32 $0x0  }
0x3: {  	s13 =	simm.s32 $0x1;
	s14 =	simm.s32 $0x64;
	s31 =	simm.s32 $0x340  }
0x4: {  	s16 =	simm.s32 $0x478;
	s17 =	simm.s32 $0x9000;
	s18 =	simm.s32 $0x4E0  }
0x5: {  	s19 =	simm.s32 $0x9C80;
	s20 =	simm.s32 $0x548;
	s21 =	simm.s32 $0xA900  }
0x6: {  	s22 =	simm.s32 $0x5B0;
	s23 =	simm.s32 $0xB580;
	s24 =	simm.s32 $0x618  }
0x7: {  	s25 =	simm.s32 $0xC200;
	s28 =	simm.s32 $0xCE80;
	s29 =	simm.s32 $0x4  }
0x8: {  	s30 =	simm.s32 $0x6;
	s10 =	simm.s32 $0xD080;
	s1 =	sand.u32 $0x1, s1  }
0x9: {  	s3 =	sshll.u32 s3, $0xA;
	[smem:$0x7FF] =	sst s2;
	s5 =	sadd.s32 $0x405E00, s0  }
0xa: {  	s11 =	sadd.s32 $0x405E40, s0;
	s4 =	sshll.u32 s1, $0x9;
	s1 =	ssub.s32 $0x2, s1  }
0xb: {  	_ =	strace $0x8000004A;
	s6 =	sor.u32 s4, s3;
	s8 =	sshrl.u32 s1, $0x1  }
0xc: {  	s3 =	sadd.s32 $0x3D1E00, s0;
	s7 =	smul.u32 $0xD, s6;
	s1 =	ssub.s32 s1, s8  }
0xd: {  	s8 =	sor.u32 $0x10, s6;
	s9 =	sshll.u32 s6, $0x3;
	s6 =	sor.u32 $0x18, s6  }
0xe: {  	s4 =	sadd.s32 $0x1400, s0;
	[dreg:$0x4] =	wrdreg s6;
	s26 =	smax.u32 s1, $0x1  }
0xf: {  	s0 =	simm.s32 $0x2;
	s7 =	sadd.s32 s3, s7;
	[dreg:$0x5] =	wrdreg s26  }
0x10: {  	s1 =	simm.s32 $0x5;
	[dreg:$0x2] =	wrdreg s7;
	s7 =	sadd.s32 $0x68, s7  }
0x11: {  	s26 =	simm.s32 $0x3;
	[dreg:$0x3] =	wrdreg s7;
	s7 =	simm.s32 $0x0  }
.LBB2_1:
0x12: {  	[dreg:$0x6] =	wrdreg s7  }
0x13: {  	s6 =	rddreg [dreg:$0x2]  }
0x14: {  	[tilespmem:s2], [sflag:$0x1] =	stream.linear.gather [hbm4b:s6+s2], $0x340, $0x38;
	[tilespmem:$0xD280] =	vst v63  }
0x15: {  	_ =	swait.ge [sflag:s13], $0x340  }
0x16: {  	[sflag:s13] =	ssyncset.done $0x0  }
0x17: {  	s7 =	simm.s32 $0x680;
	[sflag:s13] =	ssyncadd.s32 $0xFFFFFCC0  }
0x18: {  	[tilespmem:s7], [sflag:$0x3] =	stream.indirect.gather [hbm4b:s4+s14], $0x20, s2, s14, $0xb8;
	[tilespmem:$0xD280] =	vst v63  }
0x19: {  	s12 =	simm.s32 $0x68;
	s15 =	simm.s32 $0x1300  }
0x1a: {  	[tilespmem:s15], [sflag:$0x3] =	stream.indirect.gather [hbm4b:s4+s14], $0x20, s12, s14, $0xb8;
	[tilespmem:$0xD280] =	vst v63  }
0x1b: {  	s12 =	simm.s32 $0xD0;
	s15 =	simm.s32 $0x1F80  }
0x1c: {  	[tilespmem:s15], [sflag:$0x3] =	stream.indirect.gather [hbm4b:s4+s14], $0x20, s12, s14, $0xb8;
	[tilespmem:$0xD280] =	vst v63  }
0x1d: {  	s12 =	simm.s32 $0x138;
	s15 =	simm.s32 $0x2C00  }
0x1e: {  	[tilespmem:s15], [sflag:$0x3] =	stream.indirect.gather [hbm4b:s4+s14], $0x20, s12, s14, $0xb8;
	[tilespmem:$0xD280] =	vst v63  }
0x1f: {  	s12 =	simm.s32 $0x1A0;
	s15 =	simm.s32 $0x3880  }
0x20: {  	[tilespmem:s15], [sflag:$0x3] =	stream.indirect.gather [hbm4b:s4+s14], $0x20, s12, s14, $0xb8;
	[tilespmem:$0xD280] =	vst v63  }
0x21: {  	s12 =	simm.s32 $0x208;
	s15 =	simm.s32 $0x4500  }
0x22: {  	[tilespmem:s15], [sflag:$0x3] =	stream.indirect.gather [hbm4b:s4+s14], $0x20, s12, s14, $0xb8;
	[tilespmem:$0xD280] =	vst v63  }
0x23: {  	s12 =	simm.s32 $0x270;
	s15 =	simm.s32 $0x5180  }
0x24: {  	[tilespmem:s15], [sflag:$0x3] =	stream.indirect.gather [hbm4b:s4+s14], $0x20, s12, s14, $0xb8;
	[tilespmem:$0xD280] =	vst v63  }
0x25: {  	s7 =	simm.s32 $0x2D8;
	s12 =	simm.s32 $0x5E00  }
0x26: {  	[tilespmem:s12], [sflag:$0x3] =	stream.indirect.gather [hbm4b:s4+s14], $0x20, s7, s14, $0xb8;
	[tilespmem:$0xD280] =	vst v63  }
0x27: {  	s15 =	rddreg [dreg:$0x3];
	s7 =	simm.s32 $0x0  }
0x28: {  	[tilespmem:s31], [sflag:$0x2] =	stream.linear.gather [hbm4b:s15+s2], $0x340, $0x38;
	[tilespmem:$0xD280] =	vst v63  }
.LBB2_2:
0x29: {  	_ =	swait.ge [sflag:s0], $0x340  }
0x2a: {  	[sflag:s0] =	ssyncset.done $0x0  }
0x2b: {  	s6 =	simm.s32 $0x6A80;
	[sflag:s0] =	ssyncadd.s32 $0xFFFFFCC0  }
0x2c: {  	[tilespmem:s6], [sflag:$0x4] =	stream.indirect.gather [hbm4b:s4+s14], $0x20, s31, s14, $0xb8;
	[tilespmem:$0xD280] =	vst v63  }
0x2d: {  	s15 =	simm.s32 $0x3A8;
	s12 =	simm.s32 $0x7700  }
0x2e: {  	[tilespmem:s12], [sflag:$0x4] =	stream.indirect.gather [hbm4b:s4+s14], $0x20, s15, s14, $0xb8;
	[tilespmem:$0xD280] =	vst v63  }
0x2f: {  	s12 =	simm.s32 $0x410;
	s15 =	simm.s32 $0x8380  }
0x30: {  	[tilespmem:s15], [sflag:$0x4] =	stream.indirect.gather [hbm4b:s4+s14], $0x20, s12, s14, $0xb8;
	[tilespmem:$0xD280] =	vst v63  }
0x31: {  	_ = 	snop  }
0x32: {  	[tilespmem:s17], [sflag:$0x4] =	stream.indirect.gather [hbm4b:s4+s14], $0x20, s16, s14, $0xb8;
	[tilespmem:$0xD280] =	vst v63  }
0x33: {  	_ = 	snop  }
0x34: {  	[tilespmem:s19], [sflag:$0x4] =	stream.indirect.gather [hbm4b:s4+s14], $0x20, s18, s14, $0xb8;
	[tilespmem:$0xD280] =	vst v63  }
0x35: {  	p0 =	seq.s32 s7, $0x1F  }
0x36: {  	[tilespmem:s21], [sflag:$0x4] =	stream.indirect.gather [hbm4b:s4+s14], $0x20, s20, s14, $0xb8;
	[tilespmem:$0xD280] =	vst v63  }
0x37: {  	p1 =	seq.s32 @!p0 s7, $0x0  }
0x38: {  	[tilespmem:s23], [sflag:$0x4] =	stream.indirect.gather [hbm4b:s4+s14], $0x20, s22, s14, $0xb8;
	[tilespmem:$0xD280] =	vst v63  }
0x39: {  	p1 =	por p0, !p1;
	s6 =	sshll.u32 @!p0 s7, $0x4  }
0x3a: {  	[tilespmem:s25], [sflag:$0x4] =	stream.indirect.gather [hbm4b:s4+s14], $0x20, s24, s14, $0xb8;
	[tilespmem:$0xD280] =	vst v63  }
.Ltmp0:
0x3b: {  	s6 =	sadd.s32 @!p0 s6, s8;
	(pc) =	sbr.rel @!p1 .LBB2_3-.Ltmp0, $4  }
0x3c: {  	s6 =	smul.u32 @!p0 $0xD, s6;
	_ =	swait.ge [sflag:s26], $0x6400  }
0x3d: {  	[sflag:s26] =	ssyncset.done $0x0  }
0x3e: {  	s6 =	sadd.s32 @!p0 s3, s6;
	s12 =	simm.s32 @!p0 $0x0;
	[sflag:s26] =	ssyncadd.s32 $0xFFFF9C00  }
0x3f: {  	[tilespmem:s12], [sflag:$0x1] =	stream.linear.gather @!p0 [hbm4b:s6+s12], $0x340, $0x38;
	[tilespmem:$0xD280] =	vst v63  }
.Ltmp1:
0x40: {  	(pc) =	sbr.rel .LBB2_5-.Ltmp1, $4  }
0x41: {  	_ = 	snop  }
0x42: {  	_ =	swait.ge [sflag:s1], $0x200  }
0x43: {  	[sflag:s1] =	ssyncset.done $0x0  }
0x44: {  	p0 =	por $0x0, $0x0;
	[sflag:s1] =	ssyncadd.s32 $0xFFFFFE00  }
.LBB2_3:
0x45: {  	p0 =	por @!p0 $0x1, $0x1  }
.LBB2_5:
0x46: {  	s6 =	simm.s32 $0x0  }
0x47: {  	v9 =	vld [tilespmem:s6+$0x6B0]  }
0x48: {  	v0 =	vld [tilespmem:s6+$0x680]  }
0x49: {  	v2 =	vld [tilespmem:s6+$0x690]  }
0x4a: {  	v7 =	vld [tilespmem:s6+$0x6A0];
	_ =	sdelay $0x1  }
0x4b: {  	v1 =	vimm.f32 $0.0e+00;
	s15 =	simm.s32 $0x40  }
0x4c: {  	v3 =	vand.u32 $0xFFFF0000, v9;
	v5 =	vshll.u32 v0, $0x10;
	v6 =	vand.u32 $0xFFFF0000, v0;
	v0 =	vld [tilespmem:s15+$0x6B0]  }
0x4d: {  	v8 =	vld [tilespmem:s15+$0x680];
	v10 =	vshll.u32 v2, $0x10;
	v2 =	vand.u32 $0xFFFF0000, v2;
	v4 =	vadd.f32 v3, v1  }
0x4e: {  	v13 =	vshll.u32 v7, $0x10;
	v5 =	vadd.f32 v5, v1;
	v6 =	vadd.f32 v6, v1;
	v3 =	vld [tilespmem:s15+$0x690]  }
0x4f: {  	v11 =	vld [tilespmem:s15+$0x6A0];
	v14 =	vand.u32 $0xFFFF0000, v7;
	v7 =	vadd.f32 v10, v1;
	v2 =	vadd.f32 v2, v1  }
0x50: {  	s12 =	sshll.u32 s7, $0x7;
	s6 =	simm.s32 $0x200;
	v12 =	vshll.u32 v9, $0x10;
	v10 =	vadd.f32 v13, v1;
	v9 =	vadd.f32 v14, v1  }
.LBB2_6:
0x51: {  	s15 =	sshra.s32 s6, $0x2;
	p1 =	sne.s32 s6, $0x3100;
	s6 =	sadd.s32 $0x100, s6;
	v13 =	vand.u32 $0xFFFF0000, v0;
	v1 =	vadd.f32 v12, v1;
	v12 =	vshll.u32 v0, $0x10  }
.Ltmp2:
0x52: {  	v0 =	vld [tilespmem:s15+$0x6B0];
	v14 =	vshll.u32 v8, $0x10;
	v15 =	vand.u32 $0xFFFF0000, v8;
	v4 =	vadd.f32 v13, v4;
	(pc) =	sbr.rel @p1 .LBB2_6-.Ltmp2, $4  }
0x53: {  	v8 =	vld [tilespmem:s15+$0x680];
	v5 =	vadd.f32 v14, v5;
	v13 =	vshll.u32 v3, $0x10;
	v14 =	vand.u32 $0xFFFF0000, v3  }
0x54: {  	v6 =	vadd.f32 v15, v6;
	v3 =	vld [tilespmem:s15+$0x690];
	v15 =	vshll.u32 v11, $0x10;
	v16 =	vand.u32 $0xFFFF0000, v11  }
0x55: {  	v7 =	vadd.f32 v13, v7;
	v2 =	vadd.f32 v14, v2;
	v11 =	vld [tilespmem:s15+$0x6A0]  }
0x56: {  	v10 =	vadd.f32 v15, v10;
	v9 =	vadd.f32 v16, v9  }
0x57: {  	v13 =	vand.u32 $0xFFFF0000, v0;
	v1 =	vadd.f32 v12, v1  }
0x58: {  	v0 =	vshll.u32 v0, $0x10;
	v12 =	vshll.u32 v8, $0x10;
	v8 =	vand.u32 $0xFFFF0000, v8  }
0x59: {  	v4 =	vadd.f32 v13, v4;
	v5 =	vadd.f32 v12, v5;
	v12 =	vshll.u32 v3, $0x10  }
0x5a: {  	v0 =	vadd.f32 v0, v1;
	v13 =	vshll.u32 v11, $0x10;
	v7 =	vadd.f32 v12, v7  }
0x5b: {  	v6 =	vadd.f32 v8, v6;
	v8 =	vand.u32 $0xFFFF0000, v11;
	v10 =	vadd.f32 v13, v10  }
0x5c: {  	v3 =	vand.u32 $0xFFFF0000, v3;
	v8 =	vadd.f32 v8, v9;
	v0 =	vadd.f32 v0, v7  }
0x5d: {  	v2 =	vadd.f32 v3, v2;
	v1 =	vadd.f32 v10, v5  }
0x5e: {  	v3 =	vadd.f32 v8, v6;
	[tilespmem:$0xCEA0] =	vst v0  }
0x5f: {  	[tilespmem:$0xCE80] =	vst v1;
	v1 =	vadd.f32 v4, v2  }
0x60: {  	[tilespmem:$0xCE90] =	vst v3  }
0x61: {  	s6 =	simm.s32 $0x0;
	[tilespmem:$0xCEB0] =	vst v1  }
0x62: {  	v8 =	vld [tilespmem:s6+$0x1330]  }
0x63: {  	v0 =	vld [tilespmem:s6+$0x1300]  }
0x64: {  	v2 =	vld [tilespmem:s6+$0x1310]  }
0x65: {  	v7 =	vld [tilespmem:s6+$0x1320];
	_ =	sdelay $0x1  }
0x66: {  	s15 =	simm.s32 $0x40;
	v1 =	vimm.f32 $0.0e+00  }
0x67: {  	v3 =	vand.u32 $0xFFFF0000, v8;
	v5 =	vshll.u32 v0, $0x10;
	v6 =	vand.u32 $0xFFFF0000, v0;
	v0 =	vld [tilespmem:s15+$0x1330]  }
0x68: {  	v9 =	vld [tilespmem:s15+$0x1300];
	v10 =	vshll.u32 v2, $0x10;
	v2 =	vand.u32 $0xFFFF0000, v2;
	v4 =	vadd.f32 v3, v1  }
0x69: {  	v13 =	vshll.u32 v7, $0x10;
	v5 =	vadd.f32 v5, v1;
	v6 =	vadd.f32 v6, v1;
	v3 =	vld [tilespmem:s15+$0x1310]  }
0x6a: {  	v11 =	vld [tilespmem:s15+$0x1320];
	v14 =	vand.u32 $0xFFFF0000, v7;
	v7 =	vadd.f32 v10, v1;
	v2 =	vadd.f32 v2, v1  }
0x6b: {  	s6 =	simm.s32 $0x200;
	v12 =	vshll.u32 v8, $0x10;
	v10 =	vadd.f32 v13, v1;
	v8 =	vadd.f32 v14, v1  }
.LBB2_8:
0x6c: {  	s15 =	sshra.s32 s6, $0x2;
	p1 =	sne.s32 s6, $0x3100;
	s6 =	sadd.s32 $0x100, s6;
	v13 =	vand.u32 $0xFFFF0000, v0;
	v1 =	vadd.f32 v12, v1;
	v12 =	vshll.u32 v0, $0x10  }
.Ltmp3:
0x6d: {  	v0 =	vld [tilespmem:s15+$0x1330];
	v14 =	vshll.u32 v9, $0x10;
	v15 =	vand.u32 $0xFFFF0000, v9;
	v4 =	vadd.f32 v13, v4;
	(pc) =	sbr.rel @p1 .LBB2_8-.Ltmp3, $4  }
0x6e: {  	v9 =	vld [tilespmem:s15+$0x1300];
	v5 =	vadd.f32 v14, v5;
	v13 =	vshll.u32 v3, $0x10;
	v14 =	vand.u32 $0xFFFF0000, v3  }
0x6f: {  	v6 =	vadd.f32 v15, v6;
	v3 =	vld [tilespmem:s15+$0x1310];
	v15 =	vshll.u32 v11, $0x10;
	v16 =	vand.u32 $0xFFFF0000, v11  }
0x70: {  	v7 =	vadd.f32 v13, v7;
	v2 =	vadd.f32 v14, v2;
	v11 =	vld [tilespmem:s15+$0x1320]  }
0x71: {  	v10 =	vadd.f32 v15, v10;
	v8 =	vadd.f32 v16, v8  }
0x72: {  	v13 =	vand.u32 $0xFFFF0000, v0;
	v1 =	vadd.f32 v12, v1  }
0x73: {  	v0 =	vshll.u32 v0, $0x10;
	v12 =	vshll.u32 v9, $0x10;
	v9 =	vand.u32 $0xFFFF0000, v9  }
0x74: {  	v4 =	vadd.f32 v13, v4;
	v5 =	vadd.f32 v12, v5;
	v12 =	vshll.u32 v3, $0x10  }
0x75: {  	v0 =	vadd.f32 v0, v1;
	v13 =	vshll.u32 v11, $0x10;
	v7 =	vadd.f32 v12, v7  }
0x76: {  	v6 =	vadd.f32 v9, v6;
	v9 =	vand.u32 $0xFFFF0000, v11;
	v10 =	vadd.f32 v13, v10  }
0x77: {  	v3 =	vand.u32 $0xFFFF0000, v3;
	v8 =	vadd.f32 v9, v8;
	v0 =	vadd.f32 v0, v7  }
0x78: {  	v2 =	vadd.f32 v3, v2;
	v1 =	vadd.f32 v10, v5  }
0x79: {  	v3 =	vadd.f32 v8, v6;
	[tilespmem:$0xCEE0] =	vst v0  }
0x7a: {  	[tilespmem:$0xCEC0] =	vst v1;
	v1 =	vadd.f32 v4, v2  }
0x7b: {  	[tilespmem:$0xCED0] =	vst v3  }
0x7c: {  	s6 =	simm.s32 $0x0;
	[tilespmem:$0xCEF0] =	vst v1  }
0x7d: {  	v8 =	vld [tilespmem:s6+$0x1FB0]  }
0x7e: {  	v0 =	vld [tilespmem:s6+$0x1F80]  }
0x7f: {  	v2 =	vld [tilespmem:s6+$0x1F90]  }
0x80: {  	v7 =	vld [tilespmem:s6+$0x1FA0];
	_ =	sdelay $0x1  }
0x81: {  	s15 =	simm.s32 $0x40;
	v1 =	vimm.f32 $0.0e+00  }
0x82: {  	v3 =	vand.u32 $0xFFFF0000, v8;
	v5 =	vshll.u32 v0, $0x10;
	v6 =	vand.u32 $0xFFFF0000, v0;
	v0 =	vld [tilespmem:s15+$0x1FB0]  }
0x83: {  	v9 =	vld [tilespmem:s15+$0x1F80];
	v10 =	vshll.u32 v2, $0x10;
	v2 =	vand.u32 $0xFFFF0000, v2;
	v4 =	vadd.f32 v3, v1  }
0x84: {  	v13 =	vshll.u32 v7, $0x10;
	v5 =	vadd.f32 v5, v1;
	v6 =	vadd.f32 v6, v1;
	v3 =	vld [tilespmem:s15+$0x1F90]  }
0x85: {  	v11 =	vld [tilespmem:s15+$0x1FA0];
	v14 =	vand.u32 $0xFFFF0000, v7;
	v7 =	vadd.f32 v10, v1;
	v2 =	vadd.f32 v2, v1  }
0x86: {  	s6 =	simm.s32 $0x200;
	v12 =	vshll.u32 v8, $0x10;
	v10 =	vadd.f32 v13, v1;
	v8 =	vadd.f32 v14, v1  }
.LBB2_10:
0x87: {  	s15 =	sshra.s32 s6, $0x2;
	p1 =	sne.s32 s6, $0x3100;
	s6 =	sadd.s32 $0x100, s6;
	v13 =	vand.u32 $0xFFFF0000, v0;
	v1 =	vadd.f32 v12, v1;
	v12 =	vshll.u32 v0, $0x10  }
.Ltmp4:
0x88: {  	v0 =	vld [tilespmem:s15+$0x1FB0];
	v14 =	vshll.u32 v9, $0x10;
	v15 =	vand.u32 $0xFFFF0000, v9;
	v4 =	vadd.f32 v13, v4;
	(pc) =	sbr.rel @p1 .LBB2_10-.Ltmp4, $4  }
0x89: {  	v9 =	vld [tilespmem:s15+$0x1F80];
	v5 =	vadd.f32 v14, v5;
	v13 =	vshll.u32 v3, $0x10;
	v14 =	vand.u32 $0xFFFF0000, v3  }
0x8a: {  	v6 =	vadd.f32 v15, v6;
	v3 =	vld [tilespmem:s15+$0x1F90];
	v15 =	vshll.u32 v11, $0x10;
	v16 =	vand.u32 $0xFFFF0000, v11  }
0x8b: {  	v7 =	vadd.f32 v13, v7;
	v2 =	vadd.f32 v14, v2;
	v11 =	vld [tilespmem:s15+$0x1FA0]  }
0x8c: {  	v10 =	vadd.f32 v15, v10;
	v8 =	vadd.f32 v16, v8  }
0x8d: {  	v13 =	vand.u32 $0xFFFF0000, v0;
	v1 =	vadd.f32 v12, v1  }
0x8e: {  	v0 =	vshll.u32 v0, $0x10;
	v12 =	vshll.u32 v9, $0x10;
	v9 =	vand.u32 $0xFFFF0000, v9  }
0x8f: {  	v4 =	vadd.f32 v13, v4;
	v5 =	vadd.f32 v12, v5;
	v12 =	vshll.u32 v3, $0x10  }
0x90: {  	v0 =	vadd.f32 v0, v1;
	v13 =	vshll.u32 v11, $0x10;
	v7 =	vadd.f32 v12, v7  }
0x91: {  	v6 =	vadd.f32 v9, v6;
	v9 =	vand.u32 $0xFFFF0000, v11;
	v10 =	vadd.f32 v13, v10  }
0x92: {  	v3 =	vand.u32 $0xFFFF0000, v3;
	v8 =	vadd.f32 v9, v8;
	v0 =	vadd.f32 v0, v7  }
0x93: {  	v2 =	vadd.f32 v3, v2;
	v1 =	vadd.f32 v10, v5  }
0x94: {  	v3 =	vadd.f32 v8, v6;
	[tilespmem:$0xCF20] =	vst v0  }
0x95: {  	[tilespmem:$0xCF00] =	vst v1;
	v1 =	vadd.f32 v4, v2  }
0x96: {  	[tilespmem:$0xCF10] =	vst v3  }
0x97: {  	s6 =	simm.s32 $0x0;
	[tilespmem:$0xCF30] =	vst v1  }
0x98: {  	v8 =	vld [tilespmem:s6+$0x2C30]  }
0x99: {  	v0 =	vld [tilespmem:s6+$0x2C00]  }
0x9a: {  	v2 =	vld [tilespmem:s6+$0x2C10]  }
0x9b: {  	v7 =	vld [tilespmem:s6+$0x2C20];
	_ =	sdelay $0x1  }
0x9c: {  	s15 =	simm.s32 $0x40;
	v1 =	vimm.f32 $0.0e+00  }
0x9d: {  	v3 =	vand.u32 $0xFFFF0000, v8;
	v5 =	vshll.u32 v0, $0x10;
	v6 =	vand.u32 $0xFFFF0000, v0;
	v0 =	vld [tilespmem:s15+$0x2C30]  }
0x9e: {  	v9 =	vld [tilespmem:s15+$0x2C00];
	v10 =	vshll.u32 v2, $0x10;
	v2 =	vand.u32 $0xFFFF0000, v2;
	v4 =	vadd.f32 v3, v1  }
0x9f: {  	v13 =	vshll.u32 v7, $0x10;
	v5 =	vadd.f32 v5, v1;
	v6 =	vadd.f32 v6, v1;
	v3 =	vld [tilespmem:s15+$0x2C10]  }
0xa0: {  	v11 =	vld [tilespmem:s15+$0x2C20];
	v14 =	vand.u32 $0xFFFF0000, v7;
	v7 =	vadd.f32 v10, v1;
	v2 =	vadd.f32 v2, v1  }
0xa1: {  	s6 =	simm.s32 $0x200;
	v12 =	vshll.u32 v8, $0x10;
	v10 =	vadd.f32 v13, v1;
	v8 =	vadd.f32 v14, v1  }
.LBB2_12:
0xa2: {  	s15 =	sshra.s32 s6, $0x2;
	p1 =	sne.s32 s6, $0x3100;
	s6 =	sadd.s32 $0x100, s6;
	v13 =	vand.u32 $0xFFFF0000, v0;
	v1 =	vadd.f32 v12, v1;
	v12 =	vshll.u32 v0, $0x10  }
.Ltmp5:
0xa3: {  	v0 =	vld [tilespmem:s15+$0x2C30];
	v14 =	vshll.u32 v9, $0x10;
	v15 =	vand.u32 $0xFFFF0000, v9;
	v4 =	vadd.f32 v13, v4;
	(pc) =	sbr.rel @p1 .LBB2_12-.Ltmp5, $4  }
0xa4: {  	v9 =	vld [tilespmem:s15+$0x2C00];
	v5 =	vadd.f32 v14, v5;
	v13 =	vshll.u32 v3, $0x10;
	v14 =	vand.u32 $0xFFFF0000, v3  }
0xa5: {  	v6 =	vadd.f32 v15, v6;
	v3 =	vld [tilespmem:s15+$0x2C10];
	v15 =	vshll.u32 v11, $0x10;
	v16 =	vand.u32 $0xFFFF0000, v11  }
0xa6: {  	v7 =	vadd.f32 v13, v7;
	v2 =	vadd.f32 v14, v2;
	v11 =	vld [tilespmem:s15+$0x2C20]  }
0xa7: {  	v10 =	vadd.f32 v15, v10;
	v8 =	vadd.f32 v16, v8  }
0xa8: {  	v13 =	vand.u32 $0xFFFF0000, v0;
	v1 =	vadd.f32 v12, v1  }
0xa9: {  	v0 =	vshll.u32 v0, $0x10;
	v12 =	vshll.u32 v9, $0x10;
	v9 =	vand.u32 $0xFFFF0000, v9  }
0xaa: {  	v4 =	vadd.f32 v13, v4;
	v5 =	vadd.f32 v12, v5;
	v12 =	vshll.u32 v3, $0x10  }
0xab: {  	v0 =	vadd.f32 v0, v1;
	v13 =	vshll.u32 v11, $0x10;
	v7 =	vadd.f32 v12, v7  }
0xac: {  	v6 =	vadd.f32 v9, v6;
	v9 =	vand.u32 $0xFFFF0000, v11;
	v10 =	vadd.f32 v13, v10  }
0xad: {  	v3 =	vand.u32 $0xFFFF0000, v3;
	v8 =	vadd.f32 v9, v8;
	v0 =	vadd.f32 v0, v7  }
0xae: {  	v2 =	vadd.f32 v3, v2;
	v1 =	vadd.f32 v10, v5  }
0xaf: {  	v3 =	vadd.f32 v8, v6;
	[tilespmem:$0xCF60] =	vst v0  }
0xb0: {  	[tilespmem:$0xCF40] =	vst v1;
	v1 =	vadd.f32 v4, v2  }
0xb1: {  	[tilespmem:$0xCF50] =	vst v3  }
0xb2: {  	s6 =	simm.s32 $0x0;
	[tilespmem:$0xCF70] =	vst v1  }
0xb3: {  	v8 =	vld [tilespmem:s6+$0x38B0]  }
0xb4: {  	v0 =	vld [tilespmem:s6+$0x3880]  }
0xb5: {  	v2 =	vld [tilespmem:s6+$0x3890]  }
0xb6: {  	v7 =	vld [tilespmem:s6+$0x38A0];
	_ =	sdelay $0x1  }
0xb7: {  	s15 =	simm.s32 $0x40;
	v1 =	vimm.f32 $0.0e+00  }
0xb8: {  	v3 =	vand.u32 $0xFFFF0000, v8;
	v5 =	vshll.u32 v0, $0x10;
	v6 =	vand.u32 $0xFFFF0000, v0;
	v0 =	vld [tilespmem:s15+$0x38B0]  }
0xb9: {  	v9 =	vld [tilespmem:s15+$0x3880];
	v10 =	vshll.u32 v2, $0x10;
	v2 =	vand.u32 $0xFFFF0000, v2;
	v4 =	vadd.f32 v3, v1  }
0xba: {  	v13 =	vshll.u32 v7, $0x10;
	v5 =	vadd.f32 v5, v1;
	v6 =	vadd.f32 v6, v1;
	v3 =	vld [tilespmem:s15+$0x3890]  }
0xbb: {  	v11 =	vld [tilespmem:s15+$0x38A0];
	v14 =	vand.u32 $0xFFFF0000, v7;
	v7 =	vadd.f32 v10, v1;
	v2 =	vadd.f32 v2, v1  }
0xbc: {  	s6 =	simm.s32 $0x200;
	v12 =	vshll.u32 v8, $0x10;
	v10 =	vadd.f32 v13, v1;
	v8 =	vadd.f32 v14, v1  }
.LBB2_14:
0xbd: {  	s15 =	sshra.s32 s6, $0x2;
	p1 =	sne.s32 s6, $0x3100;
	s6 =	sadd.s32 $0x100, s6;
	v13 =	vand.u32 $0xFFFF0000, v0;
	v1 =	vadd.f32 v12, v1;
	v12 =	vshll.u32 v0, $0x10  }
.Ltmp6:
0xbe: {  	v0 =	vld [tilespmem:s15+$0x38B0];
	v14 =	vshll.u32 v9, $0x10;
	v15 =	vand.u32 $0xFFFF0000, v9;
	v4 =	vadd.f32 v13, v4;
	(pc) =	sbr.rel @p1 .LBB2_14-.Ltmp6, $4  }
0xbf: {  	v9 =	vld [tilespmem:s15+$0x3880];
	v5 =	vadd.f32 v14, v5;
	v13 =	vshll.u32 v3, $0x10;
	v14 =	vand.u32 $0xFFFF0000, v3  }
0xc0: {  	v6 =	vadd.f32 v15, v6;
	v3 =	vld [tilespmem:s15+$0x3890];
	v15 =	vshll.u32 v11, $0x10;
	v16 =	vand.u32 $0xFFFF0000, v11  }
0xc1: {  	v7 =	vadd.f32 v13, v7;
	v2 =	vadd.f32 v14, v2;
	v11 =	vld [tilespmem:s15+$0x38A0]  }
0xc2: {  	v10 =	vadd.f32 v15, v10;
	v8 =	vadd.f32 v16, v8  }
0xc3: {  	v13 =	vand.u32 $0xFFFF0000, v0;
	v1 =	vadd.f32 v12, v1  }
0xc4: {  	v0 =	vshll.u32 v0, $0x10;
	v12 =	vshll.u32 v9, $0x10;
	v9 =	vand.u32 $0xFFFF0000, v9  }
0xc5: {  	v4 =	vadd.f32 v13, v4;
	v5 =	vadd.f32 v12, v5;
	v12 =	vshll.u32 v3, $0x10  }
0xc6: {  	v0 =	vadd.f32 v0, v1;
	v13 =	vshll.u32 v11, $0x10;
	v7 =	vadd.f32 v12, v7  }
0xc7: {  	v6 =	vadd.f32 v9, v6;
	v9 =	vand.u32 $0xFFFF0000, v11;
	v10 =	vadd.f32 v13, v10  }
0xc8: {  	v3 =	vand.u32 $0xFFFF0000, v3;
	v8 =	vadd.f32 v9, v8;
	v0 =	vadd.f32 v0, v7  }
0xc9: {  	v2 =	vadd.f32 v3, v2;
	v1 =	vadd.f32 v10, v5  }
0xca: {  	v3 =	vadd.f32 v8, v6;
	[tilespmem:$0xCFA0] =	vst v0  }
0xcb: {  	[tilespmem:$0xCF80] =	vst v1;
	v1 =	vadd.f32 v4, v2  }
0xcc: {  	[tilespmem:$0xCF90] =	vst v3  }
0xcd: {  	s6 =	simm.s32 $0x0;
	[tilespmem:$0xCFB0] =	vst v1  }
0xce: {  	v8 =	vld [tilespmem:s6+$0x4530]  }
0xcf: {  	v0 =	vld [tilespmem:s6+$0x4500]  }
0xd0: {  	v2 =	vld [tilespmem:s6+$0x4510]  }
0xd1: {  	v7 =	vld [tilespmem:s6+$0x4520];
	_ =	sdelay $0x1  }
0xd2: {  	s15 =	simm.s32 $0x40;
	v1 =	vimm.f32 $0.0e+00  }
0xd3: {  	v3 =	vand.u32 $0xFFFF0000, v8;
	v5 =	vshll.u32 v0, $0x10;
	v6 =	vand.u32 $0xFFFF0000, v0;
	v0 =	vld [tilespmem:s15+$0x4530]  }
0xd4: {  	v9 =	vld [tilespmem:s15+$0x4500];
	v10 =	vshll.u32 v2, $0x10;
	v2 =	vand.u32 $0xFFFF0000, v2;
	v4 =	vadd.f32 v3, v1  }
0xd5: {  	v13 =	vshll.u32 v7, $0x10;
	v5 =	vadd.f32 v5, v1;
	v6 =	vadd.f32 v6, v1;
	v3 =	vld [tilespmem:s15+$0x4510]  }
0xd6: {  	v11 =	vld [tilespmem:s15+$0x4520];
	v14 =	vand.u32 $0xFFFF0000, v7;
	v7 =	vadd.f32 v10, v1;
	v2 =	vadd.f32 v2, v1  }
0xd7: {  	s6 =	simm.s32 $0x200;
	v12 =	vshll.u32 v8, $0x10;
	v10 =	vadd.f32 v13, v1;
	v8 =	vadd.f32 v14, v1  }
.LBB2_16:
0xd8: {  	s15 =	sshra.s32 s6, $0x2;
	p1 =	sne.s32 s6, $0x3100;
	s6 =	sadd.s32 $0x100, s6;
	v13 =	vand.u32 $0xFFFF0000, v0;
	v1 =	vadd.f32 v12, v1;
	v12 =	vshll.u32 v0, $0x10  }
.Ltmp7:
0xd9: {  	v0 =	vld [tilespmem:s15+$0x4530];
	v14 =	vshll.u32 v9, $0x10;
	v15 =	vand.u32 $0xFFFF0000, v9;
	v4 =	vadd.f32 v13, v4;
	(pc) =	sbr.rel @p1 .LBB2_16-.Ltmp7, $4  }
0xda: {  	v9 =	vld [tilespmem:s15+$0x4500];
	v5 =	vadd.f32 v14, v5;
	v13 =	vshll.u32 v3, $0x10;
	v14 =	vand.u32 $0xFFFF0000, v3  }
0xdb: {  	v6 =	vadd.f32 v15, v6;
	v3 =	vld [tilespmem:s15+$0x4510];
	v15 =	vshll.u32 v11, $0x10;
	v16 =	vand.u32 $0xFFFF0000, v11  }
0xdc: {  	v7 =	vadd.f32 v13, v7;
	v2 =	vadd.f32 v14, v2;
	v11 =	vld [tilespmem:s15+$0x4520]  }
0xdd: {  	v10 =	vadd.f32 v15, v10;
	v8 =	vadd.f32 v16, v8  }
0xde: {  	v13 =	vand.u32 $0xFFFF0000, v0;
	v1 =	vadd.f32 v12, v1  }
0xdf: {  	v0 =	vshll.u32 v0, $0x10;
	v12 =	vshll.u32 v9, $0x10;
	v9 =	vand.u32 $0xFFFF0000, v9  }
0xe0: {  	v4 =	vadd.f32 v13, v4;
	v5 =	vadd.f32 v12, v5;
	v12 =	vshll.u32 v3, $0x10  }
0xe1: {  	v0 =	vadd.f32 v0, v1;
	v13 =	vshll.u32 v11, $0x10;
	v7 =	vadd.f32 v12, v7  }
0xe2: {  	v6 =	vadd.f32 v9, v6;
	v9 =	vand.u32 $0xFFFF0000, v11;
	v10 =	vadd.f32 v13, v10  }
0xe3: {  	v3 =	vand.u32 $0xFFFF0000, v3;
	v8 =	vadd.f32 v9, v8;
	v0 =	vadd.f32 v0, v7  }
0xe4: {  	v2 =	vadd.f32 v3, v2;
	v1 =	vadd.f32 v10, v5  }
0xe5: {  	v3 =	vadd.f32 v8, v6;
	[tilespmem:$0xCFE0] =	vst v0  }
0xe6: {  	[tilespmem:$0xCFC0] =	vst v1;
	v1 =	vadd.f32 v4, v2  }
0xe7: {  	[tilespmem:$0xCFD0] =	vst v3  }
0xe8: {  	s6 =	simm.s32 $0x0;
	[tilespmem:$0xCFF0] =	vst v1  }
0xe9: {  	v8 =	vld [tilespmem:s6+$0x51B0]  }
0xea: {  	v0 =	vld [tilespmem:s6+$0x5180]  }
0xeb: {  	v2 =	vld [tilespmem:s6+$0x5190]  }
0xec: {  	v7 =	vld [tilespmem:s6+$0x51A0];
	_ =	sdelay $0x1  }
0xed: {  	s15 =	simm.s32 $0x40;
	v1 =	vimm.f32 $0.0e+00  }
0xee: {  	v3 =	vand.u32 $0xFFFF0000, v8;
	v5 =	vshll.u32 v0, $0x10;
	v6 =	vand.u32 $0xFFFF0000, v0;
	v0 =	vld [tilespmem:s15+$0x51B0]  }
0xef: {  	v9 =	vld [tilespmem:s15+$0x5180];
	v10 =	vshll.u32 v2, $0x10;
	v2 =	vand.u32 $0xFFFF0000, v2;
	v4 =	vadd.f32 v3, v1  }
0xf0: {  	v13 =	vshll.u32 v7, $0x10;
	v5 =	vadd.f32 v5, v1;
	v6 =	vadd.f32 v6, v1;
	v3 =	vld [tilespmem:s15+$0x5190]  }
0xf1: {  	v11 =	vld [tilespmem:s15+$0x51A0];
	v14 =	vand.u32 $0xFFFF0000, v7;
	v7 =	vadd.f32 v10, v1;
	v2 =	vadd.f32 v2, v1  }
0xf2: {  	s6 =	simm.s32 $0x200;
	v12 =	vshll.u32 v8, $0x10;
	v10 =	vadd.f32 v13, v1;
	v8 =	vadd.f32 v14, v1  }
.LBB2_18:
0xf3: {  	s15 =	sshra.s32 s6, $0x2;
	p1 =	sne.s32 s6, $0x3100;
	s6 =	sadd.s32 $0x100, s6;
	v13 =	vand.u32 $0xFFFF0000, v0;
	v1 =	vadd.f32 v12, v1;
	v12 =	vshll.u32 v0, $0x10  }
.Ltmp8:
0xf4: {  	v0 =	vld [tilespmem:s15+$0x51B0];
	v14 =	vshll.u32 v9, $0x10;
	v15 =	vand.u32 $0xFFFF0000, v9;
	v4 =	vadd.f32 v13, v4;
	(pc) =	sbr.rel @p1 .LBB2_18-.Ltmp8, $4  }
0xf5: {  	v9 =	vld [tilespmem:s15+$0x5180];
	v5 =	vadd.f32 v14, v5;
	v13 =	vshll.u32 v3, $0x10;
	v14 =	vand.u32 $0xFFFF0000, v3  }
0xf6: {  	v6 =	vadd.f32 v15, v6;
	v3 =	vld [tilespmem:s15+$0x5190];
	v15 =	vshll.u32 v11, $0x10;
	v16 =	vand.u32 $0xFFFF0000, v11  }
0xf7: {  	v7 =	vadd.f32 v13, v7;
	v2 =	vadd.f32 v14, v2;
	v11 =	vld [tilespmem:s15+$0x51A0]  }
0xf8: {  	v10 =	vadd.f32 v15, v10;
	v8 =	vadd.f32 v16, v8  }
0xf9: {  	v13 =	vand.u32 $0xFFFF0000, v0;
	v1 =	vadd.f32 v12, v1  }
0xfa: {  	v0 =	vshll.u32 v0, $0x10;
	v12 =	vshll.u32 v9, $0x10;
	v9 =	vand.u32 $0xFFFF0000, v9  }
0xfb: {  	v4 =	vadd.f32 v13, v4;
	v5 =	vadd.f32 v12, v5;
	v12 =	vshll.u32 v3, $0x10  }
0xfc: {  	v0 =	vadd.f32 v0, v1;
	v13 =	vshll.u32 v11, $0x10;
	v7 =	vadd.f32 v12, v7  }
0xfd: {  	v6 =	vadd.f32 v9, v6;
	v9 =	vand.u32 $0xFFFF0000, v11;
	v10 =	vadd.f32 v13, v10  }
0xfe: {  	v3 =	vand.u32 $0xFFFF0000, v3;
	v8 =	vadd.f32 v9, v8;
	v0 =	vadd.f32 v0, v7  }
0xff: {  	v2 =	vadd.f32 v3, v2;
	v1 =	vadd.f32 v10, v5  }
0x100: {  	v3 =	vadd.f32 v8, v6;
	[tilespmem:$0xD020] =	vst v0  }
0x101: {  	[tilespmem:$0xD000] =	vst v1;
	v1 =	vadd.f32 v4, v2  }
0x102: {  	[tilespmem:$0xD010] =	vst v3  }
0x103: {  	s6 =	simm.s32 $0x0;
	[tilespmem:$0xD030] =	vst v1  }
0x104: {  	v8 =	vld [tilespmem:s6+$0x5E30]  }
0x105: {  	v0 =	vld [tilespmem:s6+$0x5E00]  }
0x106: {  	v2 =	vld [tilespmem:s6+$0x5E10]  }
0x107: {  	v7 =	vld [tilespmem:s6+$0x5E20];
	_ =	sdelay $0x1  }
0x108: {  	s15 =	simm.s32 $0x40;
	v1 =	vimm.f32 $0.0e+00  }
0x109: {  	v3 =	vand.u32 $0xFFFF0000, v8;
	v5 =	vshll.u32 v0, $0x10;
	v6 =	vand.u32 $0xFFFF0000, v0;
	v0 =	vld [tilespmem:s15+$0x5E30]  }
0x10a: {  	v9 =	vld [tilespmem:s15+$0x5E00];
	v10 =	vshll.u32 v2, $0x10;
	v2 =	vand.u32 $0xFFFF0000, v2;
	v4 =	vadd.f32 v3, v1  }
0x10b: {  	v13 =	vshll.u32 v7, $0x10;
	v5 =	vadd.f32 v5, v1;
	v6 =	vadd.f32 v6, v1;
	v3 =	vld [tilespmem:s15+$0x5E10]  }
0x10c: {  	v11 =	vld [tilespmem:s15+$0x5E20];
	v14 =	vand.u32 $0xFFFF0000, v7;
	v7 =	vadd.f32 v10, v1;
	v2 =	vadd.f32 v2, v1  }
0x10d: {  	s6 =	simm.s32 $0x200;
	v12 =	vshll.u32 v8, $0x10;
	v10 =	vadd.f32 v13, v1;
	v8 =	vadd.f32 v14, v1  }
.LBB2_20:
0x10e: {  	s15 =	sshra.s32 s6, $0x2;
	p1 =	sne.s32 s6, $0x3100;
	s6 =	sadd.s32 $0x100, s6;
	v13 =	vand.u32 $0xFFFF0000, v0;
	v1 =	vadd.f32 v12, v1;
	v12 =	vshll.u32 v0, $0x10  }
.Ltmp9:
0x10f: {  	v0 =	vld [tilespmem:s15+$0x5E30];
	v14 =	vshll.u32 v9, $0x10;
	v15 =	vand.u32 $0xFFFF0000, v9;
	v4 =	vadd.f32 v13, v4;
	(pc) =	sbr.rel @p1 .LBB2_20-.Ltmp9, $4  }
0x110: {  	v9 =	vld [tilespmem:s15+$0x5E00];
	v5 =	vadd.f32 v14, v5;
	v13 =	vshll.u32 v3, $0x10;
	v14 =	vand.u32 $0xFFFF0000, v3  }
0x111: {  	v6 =	vadd.f32 v15, v6;
	v3 =	vld [tilespmem:s15+$0x5E10];
	v15 =	vshll.u32 v11, $0x10;
	v16 =	vand.u32 $0xFFFF0000, v11  }
0x112: {  	v7 =	vadd.f32 v13, v7;
	v2 =	vadd.f32 v14, v2;
	v11 =	vld [tilespmem:s15+$0x5E20]  }
0x113: {  	v10 =	vadd.f32 v15, v10;
	v8 =	vadd.f32 v16, v8  }
0x114: {  	v13 =	vand.u32 $0xFFFF0000, v0;
	v1 =	vadd.f32 v12, v1  }
0x115: {  	v59 =	vshll.u32 v0, $0x10;
	v54 =	vshll.u32 v9, $0x10;
	v55 =	vand.u32 $0xFFFF0000, v9  }
0x116: {  	v4 =	vadd.f32 v13, v4;
	v5 =	vadd.f32 v54, v5;
	v56 =	vshll.u32 v3, $0x10  }
0x117: {  	v60 =	vand.u32 $0xFFFF0000, v3;
	v0 =	vadd.f32 v59, v1;
	v7 =	vadd.f32 v56, v7  }
0x118: {  	v6 =	vadd.f32 v55, v6;
	v57 =	vshll.u32 v11, $0x10;
	v2 =	vadd.f32 v60, v2  }
0x119: {  	v58 =	vand.u32 $0xFFFF0000, v11;
	v10 =	vadd.f32 v57, v10;
	v0 =	vadd.f32 v0, v7  }
0x11a: {  	p1 =	sne.s32 s7, $0x1F;
	v8 =	vadd.f32 v58, v8;
	v63 =	vadd.f32 v4, v2  }
.Ltmp10:
0x11b: {  	v61 =	vadd.f32 v10, v5;
	[tilespmem:$0xD060] =	vst v0;
	(pc) =	sbr.rel @p1 .LBB2_23-.Ltmp10, $4  }
0x11c: {  	v62 =	vadd.f32 v8, v6;
	[tilespmem:$0xD070] =	vst v63  }
0x11d: {  	s12 =	sadd.s32 s9, s12;
	[tilespmem:$0xD040] =	vst v61  }
0x11e: {  	s6 =	sadd.s32 s5, s12;
	[tilespmem:$0xD050] =	vst v62  }
0x11f: {  	[hbm4b:s6+s2] =	stream.linear.scatter [tilespmem:s28], [sflag:$0x5], $0x200, $0x38;
	[tilespmem:$0xD280] =	vst v63  }
.Ltmp11:
0x120: {  	(pc) =	sbr.rel .LBB2_24-.Ltmp11, $4  }
0x121: {  	_ = 	snop  }
0x122: {  	_ =	swait.ge [sflag:s29], $0x6400  }
0x123: {  	[sflag:s29] =	ssyncset.done $0x0  }
0x124: {  	[sflag:s29] =	ssyncadd.s32 $0xFFFF9C00  }
.LBB2_23:
0x125: {  	_ =	swait.ge [sflag:s13], $0x340  }
0x126: {  	[sflag:s13] =	ssyncset.done $0x0  }
0x127: {  	s6 =	simm.s32 $0x680;
	[sflag:s13] =	ssyncadd.s32 $0xFFFFFCC0  }
0x128: {  	[tilespmem:s6], [sflag:$0x3] =	stream.indirect.gather [hbm4b:s4+s14], $0x20, s2, s14, $0xb8;
	[tilespmem:$0xD280] =	vst v63  }
0x129: {  	s15 =	simm.s32 $0x1300;
	s6 =	simm.s32 $0x68  }
0x12a: {  	[tilespmem:s15], [sflag:$0x3] =	stream.indirect.gather [hbm4b:s4+s14], $0x20, s6, s14, $0xb8;
	[tilespmem:$0xD280] =	vst v63  }
0x12b: {  	s6 =	simm.s32 $0xD0;
	s15 =	simm.s32 $0x1F80  }
0x12c: {  	[tilespmem:s15], [sflag:$0x3] =	stream.indirect.gather [hbm4b:s4+s14], $0x20, s6, s14, $0xb8;
	[tilespmem:$0xD280] =	vst v63  }
0x12d: {  	s6 =	simm.s32 $0x138;
	s15 =	simm.s32 $0x2C00  }
0x12e: {  	[tilespmem:s15], [sflag:$0x3] =	stream.indirect.gather [hbm4b:s4+s14], $0x20, s6, s14, $0xb8;
	[tilespmem:$0xD280] =	vst v63  }
0x12f: {  	s6 =	simm.s32 $0x1A0;
	s15 =	simm.s32 $0x3880  }
0x130: {  	[tilespmem:s15], [sflag:$0x3] =	stream.indirect.gather [hbm4b:s4+s14], $0x20, s6, s14, $0xb8;
	[tilespmem:$0xD280] =	vst v63  }
0x131: {  	s6 =	simm.s32 $0x208;
	s15 =	simm.s32 $0x4500  }
0x132: {  	[tilespmem:s15], [sflag:$0x3] =	stream.indirect.gather [hbm4b:s4+s14], $0x20, s6, s14, $0xb8;
	[tilespmem:$0xD280] =	vst v63  }
0x133: {  	s6 =	simm.s32 $0x270;
	s15 =	simm.s32 $0x5180  }
0x134: {  	[tilespmem:s15], [sflag:$0x3] =	stream.indirect.gather [hbm4b:s4+s14], $0x20, s6, s14, $0xb8;
	[tilespmem:$0xD280] =	vst v63  }
0x135: {  	s6 =	simm.s32 $0x2D8;
	s15 =	simm.s32 $0x5E00  }
0x136: {  	[tilespmem:s15], [sflag:$0x3] =	stream.indirect.gather [hbm4b:s4+s14], $0x20, s6, s14, $0xb8;
	[tilespmem:$0xD280] =	vst v63  }
0x137: {  	s6 =	sshll.u32 s7, $0x4;
	s15 =	rddreg [dreg:$0x4]  }
.Ltmp12:
0x138: {  	s6 =	sadd.s32 s6, s15;
	(pc) =	sbr.rel @p0 .LBB2_25-.Ltmp12, $4  }
0x139: {  	_ =	swait.ge [sflag:s29], $0x6400;
	s6 =	smul.u32 $0xD, s6  }
0x13a: {  	[sflag:s29] =	ssyncset.done $0x0  }
0x13b: {  	[sflag:s29] =	ssyncadd.s32 $0xFFFF9C00;
	s6 =	sadd.s32 s3, s6  }
0x13c: {  	[tilespmem:s31], [sflag:$0x2] =	stream.linear.gather [hbm4b:s6+s2], $0x340, $0x38;
	[tilespmem:$0xD280] =	vst v63  }
.LBB2_24:
0x13d: {  	_ =	swait.ge [sflag:s30], $0x200  }
0x13e: {  	[sflag:s30] =	ssyncset.done $0x0  }
0x13f: {  	[sflag:s30] =	ssyncadd.s32 $0xFFFFFE00  }
.LBB2_25:
0x140: {  	s6 =	simm.s32 $0x0  }
0x141: {  	v8 =	vld [tilespmem:s6+$0x6AB0]  }
0x142: {  	v0 =	vld [tilespmem:s6+$0x6A80]  }
0x143: {  	v2 =	vld [tilespmem:s6+$0x6A90]  }
0x144: {  	v7 =	vld [tilespmem:s6+$0x6AA0];
	_ =	sdelay $0x1  }
0x145: {  	v1 =	vimm.f32 $0.0e+00;
	s15 =	simm.s32 $0x40  }
0x146: {  	v3 =	vand.u32 $0xFFFF0000, v8;
	v5 =	vshll.u32 v0, $0x10;
	v6 =	vand.u32 $0xFFFF0000, v0;
	v0 =	vld [tilespmem:s15+$0x6AB0]  }
0x147: {  	v9 =	vld [tilespmem:s15+$0x6A80];
	v10 =	vshll.u32 v2, $0x10;
	v2 =	vand.u32 $0xFFFF0000, v2;
	v4 =	vadd.f32 v3, v1  }
0x148: {  	v13 =	vshll.u32 v7, $0x10;
	v5 =	vadd.f32 v5, v1;
	v6 =	vadd.f32 v6, v1;
	v3 =	vld [tilespmem:s15+$0x6A90]  }
0x149: {  	v11 =	vld [tilespmem:s15+$0x6AA0];
	v14 =	vand.u32 $0xFFFF0000, v7;
	v7 =	vadd.f32 v10, v1;
	v2 =	vadd.f32 v2, v1  }
0x14a: {  	s6 =	simm.s32 $0x200;
	v12 =	vshll.u32 v8, $0x10;
	v10 =	vadd.f32 v13, v1;
	v8 =	vadd.f32 v14, v1  }
.LBB2_26:
0x14b: {  	s15 =	sshra.s32 s6, $0x2;
	p0 =	sne.s32 s6, $0x3100;
	s6 =	sadd.s32 $0x100, s6;
	v13 =	vand.u32 $0xFFFF0000, v0;
	v1 =	vadd.f32 v12, v1;
	v12 =	vshll.u32 v0, $0x10  }
.Ltmp13:
0x14c: {  	v0 =	vld [tilespmem:s15+$0x6AB0];
	v14 =	vshll.u32 v9, $0x10;
	v15 =	vand.u32 $0xFFFF0000, v9;
	v4 =	vadd.f32 v13, v4;
	(pc) =	sbr.rel @p0 .LBB2_26-.Ltmp13, $4  }
0x14d: {  	v9 =	vld [tilespmem:s15+$0x6A80];
	v5 =	vadd.f32 v14, v5;
	v13 =	vshll.u32 v3, $0x10;
	v14 =	vand.u32 $0xFFFF0000, v3  }
0x14e: {  	v6 =	vadd.f32 v15, v6;
	v3 =	vld [tilespmem:s15+$0x6A90];
	v15 =	vshll.u32 v11, $0x10;
	v16 =	vand.u32 $0xFFFF0000, v11  }
0x14f: {  	v7 =	vadd.f32 v13, v7;
	v2 =	vadd.f32 v14, v2;
	v11 =	vld [tilespmem:s15+$0x6AA0]  }
0x150: {  	v10 =	vadd.f32 v15, v10;
	v8 =	vadd.f32 v16, v8  }
0x151: {  	v13 =	vand.u32 $0xFFFF0000, v0;
	v1 =	vadd.f32 v12, v1  }
0x152: {  	v0 =	vshll.u32 v0, $0x10;
	v12 =	vshll.u32 v9, $0x10;
	v9 =	vand.u32 $0xFFFF0000, v9  }
0x153: {  	v4 =	vadd.f32 v13, v4;
	v5 =	vadd.f32 v12, v5;
	v12 =	vshll.u32 v3, $0x10  }
0x154: {  	v0 =	vadd.f32 v0, v1;
	v13 =	vshll.u32 v11, $0x10;
	v7 =	vadd.f32 v12, v7  }
0x155: {  	v6 =	vadd.f32 v9, v6;
	v9 =	vand.u32 $0xFFFF0000, v11;
	v10 =	vadd.f32 v13, v10  }
0x156: {  	v3 =	vand.u32 $0xFFFF0000, v3;
	v8 =	vadd.f32 v9, v8;
	v0 =	vadd.f32 v0, v7  }
0x157: {  	v2 =	vadd.f32 v3, v2;
	v1 =	vadd.f32 v10, v5  }
0x158: {  	v3 =	vadd.f32 v8, v6;
	[tilespmem:$0xD0A0] =	vst v0  }
0x159: {  	[tilespmem:$0xD080] =	vst v1;
	v1 =	vadd.f32 v4, v2  }
0x15a: {  	[tilespmem:$0xD090] =	vst v3  }
0x15b: {  	s6 =	simm.s32 $0x0;
	[tilespmem:$0xD0B0] =	vst v1  }
0x15c: {  	v8 =	vld [tilespmem:s6+$0x7730]  }
0x15d: {  	v0 =	vld [tilespmem:s6+$0x7700]  }
0x15e: {  	v2 =	vld [tilespmem:s6+$0x7710]  }
0x15f: {  	v7 =	vld [tilespmem:s6+$0x7720];
	_ =	sdelay $0x1  }
0x160: {  	s15 =	simm.s32 $0x40;
	v1 =	vimm.f32 $0.0e+00  }
0x161: {  	v3 =	vand.u32 $0xFFFF0000, v8;
	v5 =	vshll.u32 v0, $0x10;
	v6 =	vand.u32 $0xFFFF0000, v0;
	v0 =	vld [tilespmem:s15+$0x7730]  }
0x162: {  	v9 =	vld [tilespmem:s15+$0x7700];
	v10 =	vshll.u32 v2, $0x10;
	v2 =	vand.u32 $0xFFFF0000, v2;
	v4 =	vadd.f32 v3, v1  }
0x163: {  	v13 =	vshll.u32 v7, $0x10;
	v5 =	vadd.f32 v5, v1;
	v6 =	vadd.f32 v6, v1;
	v3 =	vld [tilespmem:s15+$0x7710]  }
0x164: {  	v11 =	vld [tilespmem:s15+$0x7720];
	v14 =	vand.u32 $0xFFFF0000, v7;
	v7 =	vadd.f32 v10, v1;
	v2 =	vadd.f32 v2, v1  }
0x165: {  	s6 =	simm.s32 $0x200;
	v12 =	vshll.u32 v8, $0x10;
	v10 =	vadd.f32 v13, v1;
	v8 =	vadd.f32 v14, v1  }
.LBB2_28:
0x166: {  	s15 =	sshra.s32 s6, $0x2;
	p0 =	sne.s32 s6, $0x3100;
	s6 =	sadd.s32 $0x100, s6;
	v13 =	vand.u32 $0xFFFF0000, v0;
	v1 =	vadd.f32 v12, v1;
	v12 =	vshll.u32 v0, $0x10  }
.Ltmp14:
0x167: {  	v0 =	vld [tilespmem:s15+$0x7730];
	v14 =	vshll.u32 v9, $0x10;
	v15 =	vand.u32 $0xFFFF0000, v9;
	v4 =	vadd.f32 v13, v4;
	(pc) =	sbr.rel @p0 .LBB2_28-.Ltmp14, $4  }
0x168: {  	v9 =	vld [tilespmem:s15+$0x7700];
	v5 =	vadd.f32 v14, v5;
	v13 =	vshll.u32 v3, $0x10;
	v14 =	vand.u32 $0xFFFF0000, v3  }
0x169: {  	v6 =	vadd.f32 v15, v6;
	v3 =	vld [tilespmem:s15+$0x7710];
	v15 =	vshll.u32 v11, $0x10;
	v16 =	vand.u32 $0xFFFF0000, v11  }
0x16a: {  	v7 =	vadd.f32 v13, v7;
	v2 =	vadd.f32 v14, v2;
	v11 =	vld [tilespmem:s15+$0x7720]  }
0x16b: {  	v10 =	vadd.f32 v15, v10;
	v8 =	vadd.f32 v16, v8  }
0x16c: {  	v13 =	vand.u32 $0xFFFF0000, v0;
	v1 =	vadd.f32 v12, v1  }
0x16d: {  	v0 =	vshll.u32 v0, $0x10;
	v12 =	vshll.u32 v9, $0x10;
	v9 =	vand.u32 $0xFFFF0000, v9  }
0x16e: {  	v4 =	vadd.f32 v13, v4;
	v5 =	vadd.f32 v12, v5;
	v12 =	vshll.u32 v3, $0x10  }
0x16f: {  	v0 =	vadd.f32 v0, v1;
	v13 =	vshll.u32 v11, $0x10;
	v7 =	vadd.f32 v12, v7  }
0x170: {  	v6 =	vadd.f32 v9, v6;
	v9 =	vand.u32 $0xFFFF0000, v11;
	v10 =	vadd.f32 v13, v10  }
0x171: {  	v3 =	vand.u32 $0xFFFF0000, v3;
	v8 =	vadd.f32 v9, v8;
	v0 =	vadd.f32 v0, v7  }
0x172: {  	v2 =	vadd.f32 v3, v2;
	v1 =	vadd.f32 v10, v5  }
0x173: {  	v3 =	vadd.f32 v8, v6;
	[tilespmem:$0xD0E0] =	vst v0  }
0x174: {  	[tilespmem:$0xD0C0] =	vst v1;
	v1 =	vadd.f32 v4, v2  }
0x175: {  	[tilespmem:$0xD0D0] =	vst v3  }
0x176: {  	s6 =	simm.s32 $0x0;
	[tilespmem:$0xD0F0] =	vst v1  }
0x177: {  	v8 =	vld [tilespmem:s6+$0x83B0]  }
0x178: {  	v0 =	vld [tilespmem:s6+$0x8380]  }
0x179: {  	v2 =	vld [tilespmem:s6+$0x8390]  }
0x17a: {  	v7 =	vld [tilespmem:s6+$0x83A0];
	_ =	sdelay $0x1  }
0x17b: {  	s15 =	simm.s32 $0x40;
	v1 =	vimm.f32 $0.0e+00  }
0x17c: {  	v3 =	vand.u32 $0xFFFF0000, v8;
	v5 =	vshll.u32 v0, $0x10;
	v6 =	vand.u32 $0xFFFF0000, v0;
	v0 =	vld [tilespmem:s15+$0x83B0]  }
0x17d: {  	v9 =	vld [tilespmem:s15+$0x8380];
	v10 =	vshll.u32 v2, $0x10;
	v2 =	vand.u32 $0xFFFF0000, v2;
	v4 =	vadd.f32 v3, v1  }
0x17e: {  	v13 =	vshll.u32 v7, $0x10;
	v5 =	vadd.f32 v5, v1;
	v6 =	vadd.f32 v6, v1;
	v3 =	vld [tilespmem:s15+$0x8390]  }
0x17f: {  	v11 =	vld [tilespmem:s15+$0x83A0];
	v14 =	vand.u32 $0xFFFF0000, v7;
	v7 =	vadd.f32 v10, v1;
	v2 =	vadd.f32 v2, v1  }
0x180: {  	s6 =	simm.s32 $0x200;
	v12 =	vshll.u32 v8, $0x10;
	v10 =	vadd.f32 v13, v1;
	v8 =	vadd.f32 v14, v1  }
.LBB2_30:
0x181: {  	s15 =	sshra.s32 s6, $0x2;
	p0 =	sne.s32 s6, $0x3100;
	s6 =	sadd.s32 $0x100, s6;
	v13 =	vand.u32 $0xFFFF0000, v0;
	v1 =	vadd.f32 v12, v1;
	v12 =	vshll.u32 v0, $0x10  }
.Ltmp15:
0x182: {  	v0 =	vld [tilespmem:s15+$0x83B0];
	v14 =	vshll.u32 v9, $0x10;
	v15 =	vand.u32 $0xFFFF0000, v9;
	v4 =	vadd.f32 v13, v4;
	(pc) =	sbr.rel @p0 .LBB2_30-.Ltmp15, $4  }
0x183: {  	v9 =	vld [tilespmem:s15+$0x8380];
	v5 =	vadd.f32 v14, v5;
	v13 =	vshll.u32 v3, $0x10;
	v14 =	vand.u32 $0xFFFF0000, v3  }
0x184: {  	v6 =	vadd.f32 v15, v6;
	v3 =	vld [tilespmem:s15+$0x8390];
	v15 =	vshll.u32 v11, $0x10;
	v16 =	vand.u32 $0xFFFF0000, v11  }
0x185: {  	v7 =	vadd.f32 v13, v7;
	v2 =	vadd.f32 v14, v2;
	v11 =	vld [tilespmem:s15+$0x83A0]  }
0x186: {  	v10 =	vadd.f32 v15, v10;
	v8 =	vadd.f32 v16, v8  }
0x187: {  	v13 =	vand.u32 $0xFFFF0000, v0;
	v1 =	vadd.f32 v12, v1  }
0x188: {  	v0 =	vshll.u32 v0, $0x10;
	v12 =	vshll.u32 v9, $0x10;
	v9 =	vand.u32 $0xFFFF0000, v9  }
0x189: {  	v4 =	vadd.f32 v13, v4;
	v5 =	vadd.f32 v12, v5;
	v12 =	vshll.u32 v3, $0x10  }
0x18a: {  	v0 =	vadd.f32 v0, v1;
	v13 =	vshll.u32 v11, $0x10;
	v7 =	vadd.f32 v12, v7  }
0x18b: {  	v6 =	vadd.f32 v9, v6;
	v9 =	vand.u32 $0xFFFF0000, v11;
	v10 =	vadd.f32 v13, v10  }
0x18c: {  	v3 =	vand.u32 $0xFFFF0000, v3;
	v8 =	vadd.f32 v9, v8;
	v0 =	vadd.f32 v0, v7  }
0x18d: {  	v2 =	vadd.f32 v3, v2;
	v1 =	vadd.f32 v10, v5  }
0x18e: {  	v3 =	vadd.f32 v8, v6;
	[tilespmem:$0xD120] =	vst v0  }
0x18f: {  	[tilespmem:$0xD100] =	vst v1;
	v1 =	vadd.f32 v4, v2  }
0x190: {  	[tilespmem:$0xD110] =	vst v3  }
0x191: {  	s6 =	simm.s32 $0x0;
	[tilespmem:$0xD130] =	vst v1  }
0x192: {  	v8 =	vld [tilespmem:s6+$0x9030]  }
0x193: {  	v0 =	vld [tilespmem:s6+$0x9000]  }
0x194: {  	v2 =	vld [tilespmem:s6+$0x9010]  }
0x195: {  	v7 =	vld [tilespmem:s6+$0x9020];
	_ =	sdelay $0x1  }
0x196: {  	s15 =	simm.s32 $0x40;
	v1 =	vimm.f32 $0.0e+00  }
0x197: {  	v3 =	vand.u32 $0xFFFF0000, v8;
	v5 =	vshll.u32 v0, $0x10;
	v6 =	vand.u32 $0xFFFF0000, v0;
	v0 =	vld [tilespmem:s15+$0x9030]  }
0x198: {  	v9 =	vld [tilespmem:s15+$0x9000];
	v10 =	vshll.u32 v2, $0x10;
	v2 =	vand.u32 $0xFFFF0000, v2;
	v4 =	vadd.f32 v3, v1  }
0x199: {  	v13 =	vshll.u32 v7, $0x10;
	v5 =	vadd.f32 v5, v1;
	v6 =	vadd.f32 v6, v1;
	v3 =	vld [tilespmem:s15+$0x9010]  }
0x19a: {  	v11 =	vld [tilespmem:s15+$0x9020];
	v14 =	vand.u32 $0xFFFF0000, v7;
	v7 =	vadd.f32 v10, v1;
	v2 =	vadd.f32 v2, v1  }
0x19b: {  	s6 =	simm.s32 $0x200;
	v12 =	vshll.u32 v8, $0x10;
	v10 =	vadd.f32 v13, v1;
	v8 =	vadd.f32 v14, v1  }
.LBB2_32:
0x19c: {  	s15 =	sshra.s32 s6, $0x2;
	p0 =	sne.s32 s6, $0x3100;
	s6 =	sadd.s32 $0x100, s6;
	v13 =	vand.u32 $0xFFFF0000, v0;
	v1 =	vadd.f32 v12, v1;
	v12 =	vshll.u32 v0, $0x10  }
.Ltmp16:
0x19d: {  	v0 =	vld [tilespmem:s15+$0x9030];
	v14 =	vshll.u32 v9, $0x10;
	v15 =	vand.u32 $0xFFFF0000, v9;
	v4 =	vadd.f32 v13, v4;
	(pc) =	sbr.rel @p0 .LBB2_32-.Ltmp16, $4  }
0x19e: {  	v9 =	vld [tilespmem:s15+$0x9000];
	v5 =	vadd.f32 v14, v5;
	v13 =	vshll.u32 v3, $0x10;
	v14 =	vand.u32 $0xFFFF0000, v3  }
0x19f: {  	v6 =	vadd.f32 v15, v6;
	v3 =	vld [tilespmem:s15+$0x9010];
	v15 =	vshll.u32 v11, $0x10;
	v16 =	vand.u32 $0xFFFF0000, v11  }
0x1a0: {  	v7 =	vadd.f32 v13, v7;
	v2 =	vadd.f32 v14, v2;
	v11 =	vld [tilespmem:s15+$0x9020]  }
0x1a1: {  	v10 =	vadd.f32 v15, v10;
	v8 =	vadd.f32 v16, v8  }
0x1a2: {  	v13 =	vand.u32 $0xFFFF0000, v0;
	v1 =	vadd.f32 v12, v1  }
0x1a3: {  	v0 =	vshll.u32 v0, $0x10;
	v12 =	vshll.u32 v9, $0x10;
	v9 =	vand.u32 $0xFFFF0000, v9  }
0x1a4: {  	v4 =	vadd.f32 v13, v4;
	v5 =	vadd.f32 v12, v5;
	v12 =	vshll.u32 v3, $0x10  }
0x1a5: {  	v0 =	vadd.f32 v0, v1;
	v13 =	vshll.u32 v11, $0x10;
	v7 =	vadd.f32 v12, v7  }
0x1a6: {  	v6 =	vadd.f32 v9, v6;
	v9 =	vand.u32 $0xFFFF0000, v11;
	v10 =	vadd.f32 v13, v10  }
0x1a7: {  	v3 =	vand.u32 $0xFFFF0000, v3;
	v8 =	vadd.f32 v9, v8;
	v0 =	vadd.f32 v0, v7  }
0x1a8: {  	v2 =	vadd.f32 v3, v2;
	v1 =	vadd.f32 v10, v5  }
0x1a9: {  	v3 =	vadd.f32 v8, v6;
	[tilespmem:$0xD160] =	vst v0  }
0x1aa: {  	[tilespmem:$0xD140] =	vst v1;
	v1 =	vadd.f32 v4, v2  }
0x1ab: {  	[tilespmem:$0xD150] =	vst v3  }
0x1ac: {  	s6 =	simm.s32 $0x0;
	[tilespmem:$0xD170] =	vst v1  }
0x1ad: {  	v8 =	vld [tilespmem:s6+$0x9CB0]  }
0x1ae: {  	v0 =	vld [tilespmem:s6+$0x9C80]  }
0x1af: {  	v2 =	vld [tilespmem:s6+$0x9C90]  }
0x1b0: {  	v7 =	vld [tilespmem:s6+$0x9CA0];
	_ =	sdelay $0x1  }
0x1b1: {  	s15 =	simm.s32 $0x40;
	v1 =	vimm.f32 $0.0e+00  }
0x1b2: {  	v3 =	vand.u32 $0xFFFF0000, v8;
	v5 =	vshll.u32 v0, $0x10;
	v6 =	vand.u32 $0xFFFF0000, v0;
	v0 =	vld [tilespmem:s15+$0x9CB0]  }
0x1b3: {  	v9 =	vld [tilespmem:s15+$0x9C80];
	v10 =	vshll.u32 v2, $0x10;
	v2 =	vand.u32 $0xFFFF0000, v2;
	v4 =	vadd.f32 v3, v1  }
0x1b4: {  	v13 =	vshll.u32 v7, $0x10;
	v5 =	vadd.f32 v5, v1;
	v6 =	vadd.f32 v6, v1;
	v3 =	vld [tilespmem:s15+$0x9C90]  }
0x1b5: {  	v11 =	vld [tilespmem:s15+$0x9CA0];
	v14 =	vand.u32 $0xFFFF0000, v7;
	v7 =	vadd.f32 v10, v1;
	v2 =	vadd.f32 v2, v1  }
0x1b6: {  	s6 =	simm.s32 $0x200;
	v12 =	vshll.u32 v8, $0x10;
	v10 =	vadd.f32 v13, v1;
	v8 =	vadd.f32 v14, v1  }
.LBB2_34:
0x1b7: {  	s15 =	sshra.s32 s6, $0x2;
	p0 =	sne.s32 s6, $0x3100;
	s6 =	sadd.s32 $0x100, s6;
	v13 =	vand.u32 $0xFFFF0000, v0;
	v1 =	vadd.f32 v12, v1;
	v12 =	vshll.u32 v0, $0x10  }
.Ltmp17:
0x1b8: {  	v0 =	vld [tilespmem:s15+$0x9CB0];
	v14 =	vshll.u32 v9, $0x10;
	v15 =	vand.u32 $0xFFFF0000, v9;
	v4 =	vadd.f32 v13, v4;
	(pc) =	sbr.rel @p0 .LBB2_34-.Ltmp17, $4  }
0x1b9: {  	v9 =	vld [tilespmem:s15+$0x9C80];
	v5 =	vadd.f32 v14, v5;
	v13 =	vshll.u32 v3, $0x10;
	v14 =	vand.u32 $0xFFFF0000, v3  }
0x1ba: {  	v6 =	vadd.f32 v15, v6;
	v3 =	vld [tilespmem:s15+$0x9C90];
	v15 =	vshll.u32 v11, $0x10;
	v16 =	vand.u32 $0xFFFF0000, v11  }
0x1bb: {  	v7 =	vadd.f32 v13, v7;
	v2 =	vadd.f32 v14, v2;
	v11 =	vld [tilespmem:s15+$0x9CA0]  }
0x1bc: {  	v10 =	vadd.f32 v15, v10;
	v8 =	vadd.f32 v16, v8  }
0x1bd: {  	v13 =	vand.u32 $0xFFFF0000, v0;
	v1 =	vadd.f32 v12, v1  }
0x1be: {  	v0 =	vshll.u32 v0, $0x10;
	v12 =	vshll.u32 v9, $0x10;
	v9 =	vand.u32 $0xFFFF0000, v9  }
0x1bf: {  	v4 =	vadd.f32 v13, v4;
	v5 =	vadd.f32 v12, v5;
	v12 =	vshll.u32 v3, $0x10  }
0x1c0: {  	v0 =	vadd.f32 v0, v1;
	v13 =	vshll.u32 v11, $0x10;
	v7 =	vadd.f32 v12, v7  }
0x1c1: {  	v6 =	vadd.f32 v9, v6;
	v9 =	vand.u32 $0xFFFF0000, v11;
	v10 =	vadd.f32 v13, v10  }
0x1c2: {  	v3 =	vand.u32 $0xFFFF0000, v3;
	v8 =	vadd.f32 v9, v8;
	v0 =	vadd.f32 v0, v7  }
0x1c3: {  	v2 =	vadd.f32 v3, v2;
	v1 =	vadd.f32 v10, v5  }
0x1c4: {  	v3 =	vadd.f32 v8, v6;
	[tilespmem:$0xD1A0] =	vst v0  }
0x1c5: {  	[tilespmem:$0xD180] =	vst v1;
	v1 =	vadd.f32 v4, v2  }
0x1c6: {  	[tilespmem:$0xD190] =	vst v3  }
0x1c7: {  	s6 =	simm.s32 $0x0;
	[tilespmem:$0xD1B0] =	vst v1  }
0x1c8: {  	v8 =	vld [tilespmem:s6+$0xA930]  }
0x1c9: {  	v0 =	vld [tilespmem:s6+$0xA900]  }
0x1ca: {  	v2 =	vld [tilespmem:s6+$0xA910]  }
0x1cb: {  	v7 =	vld [tilespmem:s6+$0xA920];
	_ =	sdelay $0x1  }
0x1cc: {  	s15 =	simm.s32 $0x40;
	v1 =	vimm.f32 $0.0e+00  }
0x1cd: {  	v3 =	vand.u32 $0xFFFF0000, v8;
	v5 =	vshll.u32 v0, $0x10;
	v6 =	vand.u32 $0xFFFF0000, v0;
	v0 =	vld [tilespmem:s15+$0xA930]  }
0x1ce: {  	v9 =	vld [tilespmem:s15+$0xA900];
	v10 =	vshll.u32 v2, $0x10;
	v2 =	vand.u32 $0xFFFF0000, v2;
	v4 =	vadd.f32 v3, v1  }
0x1cf: {  	v13 =	vshll.u32 v7, $0x10;
	v5 =	vadd.f32 v5, v1;
	v6 =	vadd.f32 v6, v1;
	v3 =	vld [tilespmem:s15+$0xA910]  }
0x1d0: {  	v11 =	vld [tilespmem:s15+$0xA920];
	v14 =	vand.u32 $0xFFFF0000, v7;
	v7 =	vadd.f32 v10, v1;
	v2 =	vadd.f32 v2, v1  }
0x1d1: {  	s6 =	simm.s32 $0x200;
	v12 =	vshll.u32 v8, $0x10;
	v10 =	vadd.f32 v13, v1;
	v8 =	vadd.f32 v14, v1  }
.LBB2_36:
0x1d2: {  	s15 =	sshra.s32 s6, $0x2;
	p0 =	sne.s32 s6, $0x3100;
	s6 =	sadd.s32 $0x100, s6;
	v13 =	vand.u32 $0xFFFF0000, v0;
	v1 =	vadd.f32 v12, v1;
	v12 =	vshll.u32 v0, $0x10  }
.Ltmp18:
0x1d3: {  	v0 =	vld [tilespmem:s15+$0xA930];
	v14 =	vshll.u32 v9, $0x10;
	v15 =	vand.u32 $0xFFFF0000, v9;
	v4 =	vadd.f32 v13, v4;
	(pc) =	sbr.rel @p0 .LBB2_36-.Ltmp18, $4  }
0x1d4: {  	v9 =	vld [tilespmem:s15+$0xA900];
	v5 =	vadd.f32 v14, v5;
	v13 =	vshll.u32 v3, $0x10;
	v14 =	vand.u32 $0xFFFF0000, v3  }
0x1d5: {  	v6 =	vadd.f32 v15, v6;
	v3 =	vld [tilespmem:s15+$0xA910];
	v15 =	vshll.u32 v11, $0x10;
	v16 =	vand.u32 $0xFFFF0000, v11  }
0x1d6: {  	v7 =	vadd.f32 v13, v7;
	v2 =	vadd.f32 v14, v2;
	v11 =	vld [tilespmem:s15+$0xA920]  }
0x1d7: {  	v10 =	vadd.f32 v15, v10;
	v8 =	vadd.f32 v16, v8  }
0x1d8: {  	v13 =	vand.u32 $0xFFFF0000, v0;
	v1 =	vadd.f32 v12, v1  }
0x1d9: {  	v0 =	vshll.u32 v0, $0x10;
	v12 =	vshll.u32 v9, $0x10;
	v9 =	vand.u32 $0xFFFF0000, v9  }
0x1da: {  	v4 =	vadd.f32 v13, v4;
	v5 =	vadd.f32 v12, v5;
	v12 =	vshll.u32 v3, $0x10  }
0x1db: {  	v0 =	vadd.f32 v0, v1;
	v13 =	vshll.u32 v11, $0x10;
	v7 =	vadd.f32 v12, v7  }
0x1dc: {  	v6 =	vadd.f32 v9, v6;
	v9 =	vand.u32 $0xFFFF0000, v11;
	v10 =	vadd.f32 v13, v10  }
0x1dd: {  	v3 =	vand.u32 $0xFFFF0000, v3;
	v8 =	vadd.f32 v9, v8;
	v0 =	vadd.f32 v0, v7  }
0x1de: {  	v2 =	vadd.f32 v3, v2;
	v1 =	vadd.f32 v10, v5  }
0x1df: {  	v3 =	vadd.f32 v8, v6;
	[tilespmem:$0xD1E0] =	vst v0  }
0x1e0: {  	[tilespmem:$0xD1C0] =	vst v1;
	v1 =	vadd.f32 v4, v2  }
0x1e1: {  	[tilespmem:$0xD1D0] =	vst v3  }
0x1e2: {  	s6 =	simm.s32 $0x0;
	[tilespmem:$0xD1F0] =	vst v1  }
0x1e3: {  	v8 =	vld [tilespmem:s6+$0xB5B0]  }
0x1e4: {  	v0 =	vld [tilespmem:s6+$0xB580]  }
0x1e5: {  	v2 =	vld [tilespmem:s6+$0xB590]  }
0x1e6: {  	v7 =	vld [tilespmem:s6+$0xB5A0];
	_ =	sdelay $0x1  }
0x1e7: {  	s15 =	simm.s32 $0x40;
	v1 =	vimm.f32 $0.0e+00  }
0x1e8: {  	v3 =	vand.u32 $0xFFFF0000, v8;
	v5 =	vshll.u32 v0, $0x10;
	v6 =	vand.u32 $0xFFFF0000, v0;
	v0 =	vld [tilespmem:s15+$0xB5B0]  }
0x1e9: {  	v9 =	vld [tilespmem:s15+$0xB580];
	v10 =	vshll.u32 v2, $0x10;
	v2 =	vand.u32 $0xFFFF0000, v2;
	v4 =	vadd.f32 v3, v1  }
0x1ea: {  	v13 =	vshll.u32 v7, $0x10;
	v5 =	vadd.f32 v5, v1;
	v6 =	vadd.f32 v6, v1;
	v3 =	vld [tilespmem:s15+$0xB590]  }
0x1eb: {  	v11 =	vld [tilespmem:s15+$0xB5A0];
	v14 =	vand.u32 $0xFFFF0000, v7;
	v7 =	vadd.f32 v10, v1;
	v2 =	vadd.f32 v2, v1  }
0x1ec: {  	s6 =	simm.s32 $0x200;
	v12 =	vshll.u32 v8, $0x10;
	v10 =	vadd.f32 v13, v1;
	v8 =	vadd.f32 v14, v1  }
.LBB2_38:
0x1ed: {  	s15 =	sshra.s32 s6, $0x2;
	p0 =	sne.s32 s6, $0x3100;
	s6 =	sadd.s32 $0x100, s6;
	v13 =	vand.u32 $0xFFFF0000, v0;
	v1 =	vadd.f32 v12, v1;
	v12 =	vshll.u32 v0, $0x10  }
.Ltmp19:
0x1ee: {  	v0 =	vld [tilespmem:s15+$0xB5B0];
	v14 =	vshll.u32 v9, $0x10;
	v15 =	vand.u32 $0xFFFF0000, v9;
	v4 =	vadd.f32 v13, v4;
	(pc) =	sbr.rel @p0 .LBB2_38-.Ltmp19, $4  }
0x1ef: {  	v9 =	vld [tilespmem:s15+$0xB580];
	v5 =	vadd.f32 v14, v5;
	v13 =	vshll.u32 v3, $0x10;
	v14 =	vand.u32 $0xFFFF0000, v3  }
0x1f0: {  	v6 =	vadd.f32 v15, v6;
	v3 =	vld [tilespmem:s15+$0xB590];
	v15 =	vshll.u32 v11, $0x10;
	v16 =	vand.u32 $0xFFFF0000, v11  }
0x1f1: {  	v7 =	vadd.f32 v13, v7;
	v2 =	vadd.f32 v14, v2;
	v11 =	vld [tilespmem:s15+$0xB5A0]  }
0x1f2: {  	v10 =	vadd.f32 v15, v10;
	v8 =	vadd.f32 v16, v8  }
0x1f3: {  	v13 =	vand.u32 $0xFFFF0000, v0;
	v1 =	vadd.f32 v12, v1  }
0x1f4: {  	v0 =	vshll.u32 v0, $0x10;
	v12 =	vshll.u32 v9, $0x10;
	v9 =	vand.u32 $0xFFFF0000, v9  }
0x1f5: {  	v4 =	vadd.f32 v13, v4;
	v5 =	vadd.f32 v12, v5;
	v12 =	vshll.u32 v3, $0x10  }
0x1f6: {  	v0 =	vadd.f32 v0, v1;
	v13 =	vshll.u32 v11, $0x10;
	v7 =	vadd.f32 v12, v7  }
0x1f7: {  	v6 =	vadd.f32 v9, v6;
	v9 =	vand.u32 $0xFFFF0000, v11;
	v10 =	vadd.f32 v13, v10  }
0x1f8: {  	v3 =	vand.u32 $0xFFFF0000, v3;
	v8 =	vadd.f32 v9, v8;
	v0 =	vadd.f32 v0, v7  }
0x1f9: {  	v2 =	vadd.f32 v3, v2;
	v1 =	vadd.f32 v10, v5  }
0x1fa: {  	v3 =	vadd.f32 v8, v6;
	[tilespmem:$0xD220] =	vst v0  }
0x1fb: {  	[tilespmem:$0xD200] =	vst v1;
	v1 =	vadd.f32 v4, v2  }
0x1fc: {  	[tilespmem:$0xD210] =	vst v3  }
0x1fd: {  	s6 =	simm.s32 $0x0;
	[tilespmem:$0xD230] =	vst v1  }
0x1fe: {  	v8 =	vld [tilespmem:s6+$0xC230]  }
0x1ff: {  	v0 =	vld [tilespmem:s6+$0xC200]  }
0x200: {  	v2 =	vld [tilespmem:s6+$0xC210]  }
0x201: {  	v7 =	vld [tilespmem:s6+$0xC220];
	_ =	sdelay $0x1  }
0x202: {  	s15 =	simm.s32 $0x40;
	v1 =	vimm.f32 $0.0e+00  }
0x203: {  	v3 =	vand.u32 $0xFFFF0000, v8;
	v5 =	vshll.u32 v0, $0x10;
	v6 =	vand.u32 $0xFFFF0000, v0;
	v0 =	vld [tilespmem:s15+$0xC230]  }
0x204: {  	v9 =	vld [tilespmem:s15+$0xC200];
	v10 =	vshll.u32 v2, $0x10;
	v2 =	vand.u32 $0xFFFF0000, v2;
	v4 =	vadd.f32 v3, v1  }
0x205: {  	v13 =	vshll.u32 v7, $0x10;
	v5 =	vadd.f32 v5, v1;
	v6 =	vadd.f32 v6, v1;
	v3 =	vld [tilespmem:s15+$0xC210]  }
0x206: {  	v11 =	vld [tilespmem:s15+$0xC220];
	v14 =	vand.u32 $0xFFFF0000, v7;
	v7 =	vadd.f32 v10, v1;
	v2 =	vadd.f32 v2, v1  }
0x207: {  	s6 =	simm.s32 $0x200;
	v12 =	vshll.u32 v8, $0x10;
	v10 =	vadd.f32 v13, v1;
	v8 =	vadd.f32 v14, v1  }
.LBB2_40:
0x208: {  	s15 =	sshra.s32 s6, $0x2;
	p0 =	sne.s32 s6, $0x3100;
	s6 =	sadd.s32 $0x100, s6;
	v13 =	vand.u32 $0xFFFF0000, v0;
	v1 =	vadd.f32 v12, v1;
	v12 =	vshll.u32 v0, $0x10  }
.Ltmp20:
0x209: {  	v0 =	vld [tilespmem:s15+$0xC230];
	v14 =	vshll.u32 v9, $0x10;
	v15 =	vand.u32 $0xFFFF0000, v9;
	v4 =	vadd.f32 v13, v4;
	(pc) =	sbr.rel @p0 .LBB2_40-.Ltmp20, $4  }
0x20a: {  	v9 =	vld [tilespmem:s15+$0xC200];
	v5 =	vadd.f32 v14, v5;
	v13 =	vshll.u32 v3, $0x10;
	v14 =	vand.u32 $0xFFFF0000, v3  }
0x20b: {  	v6 =	vadd.f32 v15, v6;
	v3 =	vld [tilespmem:s15+$0xC210];
	v15 =	vshll.u32 v11, $0x10;
	v16 =	vand.u32 $0xFFFF0000, v11  }
0x20c: {  	v7 =	vadd.f32 v13, v7;
	v2 =	vadd.f32 v14, v2;
	v11 =	vld [tilespmem:s15+$0xC220]  }
0x20d: {  	v10 =	vadd.f32 v15, v10;
	v8 =	vadd.f32 v16, v8  }
0x20e: {  	v13 =	vand.u32 $0xFFFF0000, v0;
	v1 =	vadd.f32 v12, v1  }
0x20f: {  	v59 =	vshll.u32 v0, $0x10;
	v54 =	vshll.u32 v9, $0x10;
	v55 =	vand.u32 $0xFFFF0000, v9  }
0x210: {  	v4 =	vadd.f32 v13, v4;
	v5 =	vadd.f32 v54, v5;
	v56 =	vshll.u32 v3, $0x10  }
0x211: {  	v60 =	vand.u32 $0xFFFF0000, v3;
	v0 =	vadd.f32 v59, v1;
	v7 =	vadd.f32 v56, v7  }
0x212: {  	v6 =	vadd.f32 v55, v6;
	v57 =	vshll.u32 v11, $0x10;
	v2 =	vadd.f32 v60, v2  }
0x213: {  	s7 =	sadd.s32 $0x1, s7;
	v58 =	vand.u32 $0xFFFF0000, v11;
	v10 =	vadd.f32 v57, v10;
	v0 =	vadd.f32 v0, v7  }
0x214: {  	p0 =	sne.s32 s7, $0x20;
	v8 =	vadd.f32 v58, v8;
	v63 =	vadd.f32 v4, v2  }
.Ltmp21:
0x215: {  	v61 =	vadd.f32 v10, v5;
	[tilespmem:$0xD260] =	vst v0;
	(pc) =	sbr.rel @p0 .LBB2_2-.Ltmp21, $4  }
0x216: {  	v62 =	vadd.f32 v8, v6;
	[tilespmem:$0xD270] =	vst v63  }
0x217: {  	[tilespmem:$0xD240] =	vst v61  }
0x218: {  	s6 =	sadd.s32 s12, s11;
	[tilespmem:$0xD250] =	vst v62  }
0x219: {  	[hbm4b:s6+s2] =	stream.linear.scatter [tilespmem:s10], [sflag:$0x6], $0x200, $0x38;
	[tilespmem:$0xD280] =	vst v63  }
0x21a: {  	_ =	swait.ge [sflag:s1], $0x200  }
0x21b: {  	[sflag:s1] =	ssyncset.done $0x0  }
0x21c: {  	[sflag:s1] =	ssyncadd.s32 $0xFFFFFE00  }
0x21d: {  	_ =	swait.ge [sflag:s30], $0x200  }
0x21e: {  	s7 =	rddreg [dreg:$0x6]  }
0x21f: {  	s6 =	rddreg [dreg:$0x5];
	s7 =	sadd.s32 $0x1, s7  }
0x220: {  	p0 =	sne.s32 s7, s6  }
.Ltmp22:
0x221: {  	_ = 	snop;
	(pc) =	sbr.rel @p0 .LBB2_1-.Ltmp22, $3  }
0x222: {  	_ =	sdelay $0x1  }
0x223: {  	[sflag:s30] =	ssyncset.done $0x0  }
0x224: {  	[sflag:s30] =	ssyncadd.s32 $0xFFFFFE00  }
0x225: {  	_ =	sfence.sel $0x180000  }
0x226: {  	[bflag:$0x0] =	sbarrier.arrive $0xFFFF  }
0x227: {  	_ =	strace $0x9000004A  }
0x228: {  	s0 =	stileid.u32;
	[bflag:$0x2] =	sbarrier.arrive $0xFFFF  }
0x229: {  	p0 =	sne.s32 s0, $0x0;
	s0 =	rddreg [dreg:$0x1]  }
0x22a: {  	s0 =	sadd.s32 @!p0 $0x100000, s0  }
0x22b: {  	[sflag:s0] =	ssyncadd.tile.s32 @!p0 $0x1;
	_ =	shalt  }
.Lfunc_end2:
_tile_overlayer_lowered:
.L_overlay_start_2:
0x22c: {  	(tag) =	ssettag $0x2  }
0x22d: {  	s0 =	rddreg [dreg:$0x0];
	s2 =	stileid.u32  }
0x22e: {  	s1 =	rddreg [dreg:$0x1];
	p0 =	sne.s32 s2, $0x0  }
0x22f: {  	s3 =	rddreg [dreg:$0x2];
	[bflag:$0x3] =	sbarrier.arrive $0xFFFF;
	s2 =	simm.s32 @!p0 $0x1C07  }
0x230: {  	[timem:s3], [sflag:s2] =	dma.local @!p0 [hbm:s0], s1  }
0x231: {  	s0 =	simm.s32 @!p0 $0x7  }
0x232: {  	_ =	swait.ge @!p0 [sflag:s0], s1  }
0x233: {  	s1 =	ssub.s32 @!p0 $0x0, s1;
	[sflag:s0] =	ssyncset.done @!p0 $0x0  }
0x234: {  	[sflag:s0] =	ssyncadd.s32 @!p0 s1  }
0x235: {  	[bflag:$0x3] =	sbarrier.arrive $0xFFFF  }
0x236: {  	_ =	shalt  }

</sc_bundles>
